<compile_context>
chip_gen: v7x
topology: tpu7x:2x2x1
jax: 0.10.2.dev20260603
libtpu: 0.0.44.dev20260713+nightly
codegen_flags: <defaults>
</compile_context>

<pallas_src>
import jax
import jax.numpy as jnp
from jax import lax
from jax.experimental import pallas as pl
from jax.experimental.pallas import tpu as pltpu
from jax.experimental.pallas import tpu_sc as plsc

EMB = 64
B, LSEQ, T = 1024, 50, 20
NC, NS, LANES = 2, 16, 16
NW = NC * NS
NE = EMB // LANES
ROWS = B * LSEQ
G = 40
BLKS = ROWS // G
BPW = BLKS // NW
NPAIR = BPW // 2
IDX_PER_BLK = G * T
IDX_CHUNK = 80
NSUB = IDX_PER_BLK // IDX_CHUNK


def _sc_body(seq_hbm, w_hbm, out_hbm,
             idx0, idx1, rows0, rows1, out0, out1,
             isem0, isem1, gsem0, gsem1, osem0, osem1):
    wid = lax.axis_index("s") * NC + lax.axis_index("c")

    bufs = ((idx0, rows0, out0, isem0, gsem0, osem0),
            (idx1, rows1, out1, isem1, gsem1, osem1))

    def stage_idx(blk, buf):
        idx_v, _, _, isem, _, _ = bufs[buf]
        pltpu.async_copy(seq_hbm.at[blk], idx_v, isem)

    def fire(blk, buf):
        idx_v, rows_v, _, isem, gsem, _ = bufs[buf]
        pltpu.make_async_copy(seq_hbm.at[blk], idx_v, isem).wait()
        for j in range(NSUB):
            pltpu.async_copy(
                w_hbm.at[idx_v.at[j]],
                rows_v.at[pl.ds(j * IDX_CHUNK, IDX_CHUNK)],
                gsem,
            )

    def drain_rows(buf):
        _, rows_v, _, _, gsem, _ = bufs[buf]
        pltpu.make_async_copy(
            w_hbm.at[pl.ds(0, IDX_PER_BLK)], rows_v, gsem).wait()

    def compute(blk, buf, first):
        _, rows_v, out_v, _, _, osem = bufs[buf]

        @pl.when(jnp.logical_not(first))
        def _():
            pltpu.make_async_copy(
                out_v, out_hbm.at[pl.ds((blk - 2) * G, G)], osem).wait()

        @plsc.parallel_loop(0, G, 1, unroll=2)
        def group(g):
            base = g * T
            s = [jnp.zeros((LANES,), jnp.float32) for _ in range(NE)]
            c = [jnp.zeros((LANES,), jnp.int32) for _ in range(NE)]
            for t in range(T):
                for e in range(NE):
                    r = rows_v[base + t, pl.ds(e * LANES, LANES)]
                    s[e] = s[e] + r
                    bb = lax.bitcast_convert_type(r, jnp.int32)
                    c[e] = c[e] + jnp.where(bb != 0, 1, 0)
            for e in range(NE):
                cf = c[e].astype(jnp.float32)
                out_v[g, pl.ds(e * LANES, LANES)] = jnp.where(
                    c[e] == 0, 0.0, s[e] / cf)

        pltpu.async_copy(out_v, out_hbm.at[pl.ds(blk * G, G)], osem)

    base_blk = wid * BPW
    stage_idx(base_blk, 0)
    stage_idx(base_blk + 1, 1)
    fire(base_blk, 0)

    def outer(io, carry):
        blk = base_blk + 2 * io

        drain_rows(0)

        @pl.when(io < NPAIR - 1)
        def _():
            stage_idx(blk + 2, 0)

        fire(blk + 1, 1)
        compute(blk, 0, first=io == 0)

        drain_rows(1)

        @pl.when(io < NPAIR - 1)
        def _():
            stage_idx(blk + 3, 1)
            fire(blk + 2, 0)

        compute(blk + 1, 1, first=io == 0)
        return carry

    lax.fori_loop(0, NPAIR, outer, 0)
    for buf in range(2):
        _, _, out_v, _, _, osem = bufs[buf]
        last = base_blk + BPW - 2 + buf
        pltpu.make_async_copy(
            out_v, out_hbm.at[pl.ds(last * G, G)], osem).wait()


def kernel(seq, W):
    w_full = jnp.concatenate([jnp.zeros((1, EMB), W.dtype), W], axis=0)
    seq3 = seq.reshape(BLKS, NSUB, IDX_CHUNK)
    mesh = plsc.VectorSubcoreMesh(core_axis_name="c", subcore_axis_name="s")
    out = pl.kernel(
        _sc_body,
        mesh=mesh,
        compiler_params=pltpu.CompilerParams(use_tc_tiling_on_sc=False),
        out_type=jax.ShapeDtypeStruct((ROWS, EMB), jnp.float32),
        scratch_types=[
            pltpu.VMEM((NSUB, IDX_CHUNK), jnp.int32),
            pltpu.VMEM((NSUB, IDX_CHUNK), jnp.int32),
            pltpu.VMEM((IDX_PER_BLK, EMB), jnp.float32),
            pltpu.VMEM((IDX_PER_BLK, EMB), jnp.float32),
            pltpu.VMEM((G, EMB), jnp.float32),
            pltpu.VMEM((G, EMB), jnp.float32),
            pltpu.SemaphoreType.DMA,
            pltpu.SemaphoreType.DMA,
            pltpu.SemaphoreType.DMA,
            pltpu.SemaphoreType.DMA,
            pltpu.SemaphoreType.DMA,
            pltpu.SemaphoreType.DMA,
        ],
    )(seq3, w_full)
    return out.reshape(B, LSEQ, EMB)

# --- scband reference (transcript-rebuilt; emitter-appended) ---
"""Pipeline reference for scband-trigram-embedding-layer-54022098649943 (READ-ONLY COPY).

The authoritative reference and input builder live on the scoring server;
editing this copy changes nothing except your own understanding.
"""

import jax, jax.numpy as jnp
import numpy as np

TRIGRAM_SIZE = 100000
EMB_SIZE = 64
B, L, T = 1024, 50, 20


def setup_inputs(seed: int = 0) -> dict:
    key = jax.random.key(seed)
    k_seq, k_w = jax.random.split(key)
    seq = jax.random.randint(k_seq, (B, L, T), 0, TRIGRAM_SIZE, dtype=jnp.int32)
    # glorot uniform init for W of shape [trigram_size - 1, emb_size]
    fan_in, fan_out = TRIGRAM_SIZE - 1, EMB_SIZE
    limit = np.sqrt(6.0 / (fan_in + fan_out))
    W = jax.random.uniform(k_w, (TRIGRAM_SIZE - 1, EMB_SIZE), minval=-limit, maxval=limit, dtype=jnp.float32)
    return {"seq": seq, "W": W}


def reference(seq, W):
    # Prepend a zero row (index 0 acts as padding with all-zero embedding)
    W_full = jnp.concatenate([jnp.zeros((1, EMB_SIZE), dtype=W.dtype), W], axis=0)
    # embedding lookup: [B, L, T, E]
    trigram_emb = jnp.take(W_full, seq, axis=0)
    # sum over trigram axis
    s = jnp.sum(trigram_emb, axis=2)
    # count nonzero elements along trigram axis, per embedding dim
    cnt = jnp.sum((trigram_emb != 0).astype(jnp.float32), axis=2)
    # tf.math.divide_no_nan semantics: 0 where denominator is 0
    safe_cnt = jnp.where(cnt == 0, 1.0, cnt)
    emb = jnp.where(cnt == 0, 0.0, s / safe_cnt)
    return emb

if __name__ == "__main__":
    import jax
    _d = setup_inputs()
    print(jax.jit(kernel)(*tuple(_d.values())))

</pallas_src>

<mosaic_0001>
#map = affine_map<(d0, d1) -> (0, 0, 0)>
#map1 = affine_map<(d0, d1) -> (0, 0)>
module attributes {stable_mosaic.version = 14 : i64} {
  func.func @_sc_body(%arg0: i32, %arg1: i32, %arg2: memref<1280x10x80xi32, #tpu.memory_space<hbm>>, %arg3: memref<100000x64xf32, #tpu.memory_space<hbm>>, %arg4: memref<51200x64xf32, #tpu.memory_space<hbm>>, %arg5: memref<10x80xi32, #tpu.memory_space<vmem>>, %arg6: memref<10x80xi32, #tpu.memory_space<vmem>>, %arg7: memref<800x64xf32, #tpu.memory_space<vmem>>, %arg8: memref<800x64xf32, #tpu.memory_space<vmem>>, %arg9: memref<40x64xf32, #tpu.memory_space<vmem>>, %arg10: memref<40x64xf32, #tpu.memory_space<vmem>>, %arg11: memref<!tpu.dma_semaphore, #tpu.memory_space<semaphore_mem>>, %arg12: memref<!tpu.dma_semaphore, #tpu.memory_space<semaphore_mem>>, %arg13: memref<!tpu.dma_semaphore, #tpu.memory_space<semaphore_mem>>, %arg14: memref<!tpu.dma_semaphore, #tpu.memory_space<semaphore_mem>>, %arg15: memref<!tpu.dma_semaphore, #tpu.memory_space<semaphore_mem>>, %arg16: memref<!tpu.dma_semaphore, #tpu.memory_space<semaphore_mem>>) attributes {dimension_semantics = [#tpu.dimension_semantics<core_parallel>, #tpu.dimension_semantics<subcore_parallel>], iteration_bounds = array<i64: 2, 16>, scalar_prefetch = 0 : i64, scratch_operands = 12 : i64, tpu.core_type = #tpu.core_type<sc_vector_subcore>, window_params = [{transform_indices = #map}, {transform_indices = #map1}, {transform_indices = #map1}]} {
    %mul3A = arith.constant 2 : i32
    %mul3A_0 = arith.muli %arg1, %mul3A : i32
    %add3A = arith.addi %mul3A_0, %arg0 : i32
    %mul3A_1 = arith.constant 40 : i32
    %mul3A_2 = arith.muli %add3A, %mul3A_1 : i32
    %dma_start3A = arith.constant 0 : i32
    %dma_start3A_3 = arith.constant 0 : i32
    %dma_start3A_4 = tpu.memref_slice %arg2[%mul3A_2, %dma_start3A, %dma_start3A_3] : memref<1280x10x80xi32, #tpu.memory_space<hbm>> -> memref<1x10x80xi32, #tpu.memory_space<hbm>>
    %dma_start3A_5 = tpu.memref_squeeze %dma_start3A_4 : memref<1x10x80xi32, #tpu.memory_space<hbm>> -> memref<10x80xi32, #tpu.memory_space<hbm>>
    %dma_start3A_6 = arith.constant 0 : i32
    %dma_start3A_7 = arith.constant 0 : i32
    %dma_start3A_8 = tpu.memref_slice %arg2[%mul3A_2, %dma_start3A_6, %dma_start3A_7] : memref<1280x10x80xi32, #tpu.memory_space<hbm>> -> memref<1x10x80xi32, #tpu.memory_space<hbm>>
    %dma_start3A_9 = tpu.memref_squeeze %dma_start3A_8 : memref<1x10x80xi32, #tpu.memory_space<hbm>> -> memref<10x80xi32, #tpu.memory_space<hbm>>
    tpu.enqueue_dma source(%dma_start3A_9 : memref<10x80xi32, #tpu.memory_space<hbm>>) target(%arg5 : memref<10x80xi32, #tpu.memory_space<vmem>>) target_semaphore(%arg11 : memref<!tpu.dma_semaphore, #tpu.memory_space<semaphore_mem>>)
    %add3A_10 = arith.constant 1 : i32
    %add3A_11 = arith.addi %mul3A_2, %add3A_10 : i32
    %dma_start3A_12 = arith.constant 0 : i32
    %dma_start3A_13 = arith.constant 0 : i32
    %dma_start3A_14 = tpu.memref_slice %arg2[%add3A_11, %dma_start3A_12, %dma_start3A_13] : memref<1280x10x80xi32, #tpu.memory_space<hbm>> -> memref<1x10x80xi32, #tpu.memory_space<hbm>>
    %dma_start3A_15 = tpu.memref_squeeze %dma_start3A_14 : memref<1x10x80xi32, #tpu.memory_space<hbm>> -> memref<10x80xi32, #tpu.memory_space<hbm>>
    %dma_start3A_16 = arith.constant 0 : i32
    %dma_start3A_17 = arith.constant 0 : i32
    %dma_start3A_18 = tpu.memref_slice %arg2[%add3A_11, %dma_start3A_16, %dma_start3A_17] : memref<1280x10x80xi32, #tpu.memory_space<hbm>> -> memref<1x10x80xi32, #tpu.memory_space<hbm>>
    %dma_start3A_19 = tpu.memref_squeeze %dma_start3A_18 : memref<1x10x80xi32, #tpu.memory_space<hbm>> -> memref<10x80xi32, #tpu.memory_space<hbm>>
    tpu.enqueue_dma source(%dma_start3A_19 : memref<10x80xi32, #tpu.memory_space<hbm>>) target(%arg6 : memref<10x80xi32, #tpu.memory_space<vmem>>) target_semaphore(%arg12 : memref<!tpu.dma_semaphore, #tpu.memory_space<semaphore_mem>>)
    %dma_wait3A = arith.constant 0 : i32
    %dma_wait3A_20 = arith.constant 0 : i32
    %dma_wait3A_21 = tpu.memref_slice %arg2[%mul3A_2, %dma_wait3A, %dma_wait3A_20] : memref<1280x10x80xi32, #tpu.memory_space<hbm>> -> memref<1x10x80xi32, #tpu.memory_space<hbm>>
    %dma_wait3A_22 = tpu.memref_squeeze %dma_wait3A_21 : memref<1x10x80xi32, #tpu.memory_space<hbm>> -> memref<10x80xi32, #tpu.memory_space<hbm>>
    %dma_wait3A_23 = arith.constant 0 : i32
    %dma_wait3A_24 = arith.constant 0 : i32
    %dma_wait3A_25 = tpu.memref_slice %arg2[%mul3A_2, %dma_wait3A_23, %dma_wait3A_24] : memref<1280x10x80xi32, #tpu.memory_space<hbm>> -> memref<1x10x80xi32, #tpu.memory_space<hbm>>
    %dma_wait3A_26 = tpu.memref_squeeze %dma_wait3A_25 : memref<1x10x80xi32, #tpu.memory_space<hbm>> -> memref<10x80xi32, #tpu.memory_space<hbm>>
    tpu.wait_dma2 semaphore(%arg11 : memref<!tpu.dma_semaphore, #tpu.memory_space<semaphore_mem>>) src(%dma_wait3A_26 : memref<10x80xi32, #tpu.memory_space<hbm>>) dst(%arg5 : memref<10x80xi32, #tpu.memory_space<vmem>>)
    %dma_start3A_27 = arith.constant 0 : i32
    %dma_start3A_28 = arith.constant 0 : i32
    %dma_start3A_29 = arith.constant 0 : i32
    %dma_start3A_30 = tpu.memref_slice %arg7[%dma_start3A_28, %dma_start3A_29] : memref<800x64xf32, #tpu.memory_space<vmem>> -> memref<80x64xf32, #tpu.memory_space<vmem>>
    %dma_start3A_31 = arith.constant 0 : i32
    %dma_start3A_32 = tpu.memref_slice %arg5[%dma_start3A_27, %dma_start3A_31] : memref<10x80xi32, #tpu.memory_space<vmem>> -> memref<1x80xi32, #tpu.memory_space<vmem>>
    %dma_start3A_33 = tpu.memref_squeeze %dma_start3A_32 : memref<1x80xi32, #tpu.memory_space<vmem>> -> memref<80xi32, #tpu.memory_space<vmem>>
    %dma_start3A_34 = arith.constant 0 : i32
    %dma_start3A_35 = arith.constant 0 : i32
    %dma_start3A_36 = tpu.memref_slice %arg3[%dma_start3A_34, %dma_start3A_35] : memref<100000x64xf32, #tpu.memory_space<hbm>> -> memref<100000x64xf32, #tpu.memory_space<hbm>>
    tpu.enqueue_indirect_dma source(%dma_start3A_36 : memref<100000x64xf32, #tpu.memory_space<hbm>>) target(%dma_start3A_30 : memref<80x64xf32, #tpu.memory_space<vmem>>) offsets(%dma_start3A_33 : memref<80xi32, #tpu.memory_space<vmem>>) semaphore(%arg13 : memref<!tpu.dma_semaphore, #tpu.memory_space<semaphore_mem>>)
    %dma_start3A_37 = arith.constant 1 : i32
    %dma_start3A_38 = arith.constant 80 : i32
    %dma_start3A_39 = arith.constant 0 : i32
    %dma_start3A_40 = tpu.memref_slice %arg7[%dma_start3A_38, %dma_start3A_39] : memref<800x64xf32, #tpu.memory_space<vmem>> -> memref<80x64xf32, #tpu.memory_space<vmem>>
    %dma_start3A_41 = arith.constant 0 : i32
    %dma_start3A_42 = tpu.memref_slice %arg5[%dma_start3A_37, %dma_start3A_41] : memref<10x80xi32, #tpu.memory_space<vmem>> -> memref<1x80xi32, #tpu.memory_space<vmem>>
    %dma_start3A_43 = tpu.memref_squeeze %dma_start3A_42 : memref<1x80xi32, #tpu.memory_space<vmem>> -> memref<80xi32, #tpu.memory_space<vmem>>
    %dma_start3A_44 = arith.constant 0 : i32
    %dma_start3A_45 = arith.constant 0 : i32
    %dma_start3A_46 = tpu.memref_slice %arg3[%dma_start3A_44, %dma_start3A_45] : memref<100000x64xf32, #tpu.memory_space<hbm>> -> memref<100000x64xf32, #tpu.memory_space<hbm>>
    tpu.enqueue_indirect_dma source(%dma_start3A_46 : memref<100000x64xf32, #tpu.memory_space<hbm>>) target(%dma_start3A_40 : memref<80x64xf32, #tpu.memory_space<vmem>>) offsets(%dma_start3A_43 : memref<80xi32, #tpu.memory_space<vmem>>) semaphore(%arg13 : memref<!tpu.dma_semaphore, #tpu.memory_space<semaphore_mem>>)
    %dma_start3A_47 = arith.constant 2 : i32
    %dma_start3A_48 = arith.constant 160 : i32
    %dma_start3A_49 = arith.constant 0 : i32
    %dma_start3A_50 = tpu.memref_slice %arg7[%dma_start3A_48, %dma_start3A_49] : memref<800x64xf32, #tpu.memory_space<vmem>> -> memref<80x64xf32, #tpu.memory_space<vmem>>
    %dma_start3A_51 = arith.constant 0 : i32
    %dma_start3A_52 = tpu.memref_slice %arg5[%dma_start3A_47, %dma_start3A_51] : memref<10x80xi32, #tpu.memory_space<vmem>> -> memref<1x80xi32, #tpu.memory_space<vmem>>
    %dma_start3A_53 = tpu.memref_squeeze %dma_start3A_52 : memref<1x80xi32, #tpu.memory_space<vmem>> -> memref<80xi32, #tpu.memory_space<vmem>>
    %dma_start3A_54 = arith.constant 0 : i32
    %dma_start3A_55 = arith.constant 0 : i32
    %dma_start3A_56 = tpu.memref_slice %arg3[%dma_start3A_54, %dma_start3A_55] : memref<100000x64xf32, #tpu.memory_space<hbm>> -> memref<100000x64xf32, #tpu.memory_space<hbm>>
    tpu.enqueue_indirect_dma source(%dma_start3A_56 : memref<100000x64xf32, #tpu.memory_space<hbm>>) target(%dma_start3A_50 : memref<80x64xf32, #tpu.memory_space<vmem>>) offsets(%dma_start3A_53 : memref<80xi32, #tpu.memory_space<vmem>>) semaphore(%arg13 : memref<!tpu.dma_semaphore, #tpu.memory_space<semaphore_mem>>)
    %dma_start3A_57 = arith.constant 3 : i32
    %dma_start3A_58 = arith.constant 240 : i32
    %dma_start3A_59 = arith.constant 0 : i32
    %dma_start3A_60 = tpu.memref_slice %arg7[%dma_start3A_58, %dma_start3A_59] : memref<800x64xf32, #tpu.memory_space<vmem>> -> memref<80x64xf32, #tpu.memory_space<vmem>>
    %dma_start3A_61 = arith.constant 0 : i32
    %dma_start3A_62 = tpu.memref_slice %arg5[%dma_start3A_57, %dma_start3A_61] : memref<10x80xi32, #tpu.memory_space<vmem>> -> memref<1x80xi32, #tpu.memory_space<vmem>>
    %dma_start3A_63 = tpu.memref_squeeze %dma_start3A_62 : memref<1x80xi32, #tpu.memory_space<vmem>> -> memref<80xi32, #tpu.memory_space<vmem>>
    %dma_start3A_64 = arith.constant 0 : i32
    %dma_start3A_65 = arith.constant 0 : i32
    %dma_start3A_66 = tpu.memref_slice %arg3[%dma_start3A_64, %dma_start3A_65] : memref<100000x64xf32, #tpu.memory_space<hbm>> -> memref<100000x64xf32, #tpu.memory_space<hbm>>
    tpu.enqueue_indirect_dma source(%dma_start3A_66 : memref<100000x64xf32, #tpu.memory_space<hbm>>) target(%dma_start3A_60 : memref<80x64xf32, #tpu.memory_space<vmem>>) offsets(%dma_start3A_63 : memref<80xi32, #tpu.memory_space<vmem>>) semaphore(%arg13 : memref<!tpu.dma_semaphore, #tpu.memory_space<semaphore_mem>>)
    %dma_start3A_67 = arith.constant 4 : i32
    %dma_start3A_68 = arith.constant 320 : i32
    %dma_start3A_69 = arith.constant 0 : i32
    %dma_start3A_70 = tpu.memref_slice %arg7[%dma_start3A_68, %dma_start3A_69] : memref<800x64xf32, #tpu.memory_space<vmem>> -> memref<80x64xf32, #tpu.memory_space<vmem>>
    %dma_start3A_71 = arith.constant 0 : i32
    %dma_start3A_72 = tpu.memref_slice %arg5[%dma_start3A_67, %dma_start3A_71] : memref<10x80xi32, #tpu.memory_space<vmem>> -> memref<1x80xi32, #tpu.memory_space<vmem>>
    %dma_start3A_73 = tpu.memref_squeeze %dma_start3A_72 : memref<1x80xi32, #tpu.memory_space<vmem>> -> memref<80xi32, #tpu.memory_space<vmem>>
    %dma_start3A_74 = arith.constant 0 : i32
    %dma_start3A_75 = arith.constant 0 : i32
    %dma_start3A_76 = tpu.memref_slice %arg3[%dma_start3A_74, %dma_start3A_75] : memref<100000x64xf32, #tpu.memory_space<hbm>> -> memref<100000x64xf32, #tpu.memory_space<hbm>>
    tpu.enqueue_indirect_dma source(%dma_start3A_76 : memref<100000x64xf32, #tpu.memory_space<hbm>>) target(%dma_start3A_70 : memref<80x64xf32, #tpu.memory_space<vmem>>) offsets(%dma_start3A_73 : memref<80xi32, #tpu.memory_space<vmem>>) semaphore(%arg13 : memref<!tpu.dma_semaphore, #tpu.memory_space<semaphore_mem>>)
    %dma_start3A_77 = arith.constant 5 : i32
    %dma_start3A_78 = arith.constant 400 : i32
    %dma_start3A_79 = arith.constant 0 : i32
    %dma_start3A_80 = tpu.memref_slice %arg7[%dma_start3A_78, %dma_start3A_79] : memref<800x64xf32, #tpu.memory_space<vmem>> -> memref<80x64xf32, #tpu.memory_space<vmem>>
    %dma_start3A_81 = arith.constant 0 : i32
    %dma_start3A_82 = tpu.memref_slice %arg5[%dma_start3A_77, %dma_start3A_81] : memref<10x80xi32, #tpu.memory_space<vmem>> -> memref<1x80xi32, #tpu.memory_space<vmem>>
    %dma_start3A_83 = tpu.memref_squeeze %dma_start3A_82 : memref<1x80xi32, #tpu.memory_space<vmem>> -> memref<80xi32, #tpu.memory_space<vmem>>
    %dma_start3A_84 = arith.constant 0 : i32
    %dma_start3A_85 = arith.constant 0 : i32
    %dma_start3A_86 = tpu.memref_slice %arg3[%dma_start3A_84, %dma_start3A_85] : memref<100000x64xf32, #tpu.memory_space<hbm>> -> memref<100000x64xf32, #tpu.memory_space<hbm>>
    tpu.enqueue_indirect_dma source(%dma_start3A_86 : memref<100000x64xf32, #tpu.memory_space<hbm>>) target(%dma_start3A_80 : memref<80x64xf32, #tpu.memory_space<vmem>>) offsets(%dma_start3A_83 : memref<80xi32, #tpu.memory_space<vmem>>) semaphore(%arg13 : memref<!tpu.dma_semaphore, #tpu.memory_space<semaphore_mem>>)
    %dma_start3A_87 = arith.constant 6 : i32
    %dma_start3A_88 = arith.constant 480 : i32
    %dma_start3A_89 = arith.constant 0 : i32
    %dma_start3A_90 = tpu.memref_slice %arg7[%dma_start3A_88, %dma_start3A_89] : memref<800x64xf32, #tpu.memory_space<vmem>> -> memref<80x64xf32, #tpu.memory_space<vmem>>
    %dma_start3A_91 = arith.constant 0 : i32
    %dma_start3A_92 = tpu.memref_slice %arg5[%dma_start3A_87, %dma_start3A_91] : memref<10x80xi32, #tpu.memory_space<vmem>> -> memref<1x80xi32, #tpu.memory_space<vmem>>
    %dma_start3A_93 = tpu.memref_squeeze %dma_start3A_92 : memref<1x80xi32, #tpu.memory_space<vmem>> -> memref<80xi32, #tpu.memory_space<vmem>>
    %dma_start3A_94 = arith.constant 0 : i32
    %dma_start3A_95 = arith.constant 0 : i32
    %dma_start3A_96 = tpu.memref_slice %arg3[%dma_start3A_94, %dma_start3A_95] : memref<100000x64xf32, #tpu.memory_space<hbm>> -> memref<100000x64xf32, #tpu.memory_space<hbm>>
    tpu.enqueue_indirect_dma source(%dma_start3A_96 : memref<100000x64xf32, #tpu.memory_space<hbm>>) target(%dma_start3A_90 : memref<80x64xf32, #tpu.memory_space<vmem>>) offsets(%dma_start3A_93 : memref<80xi32, #tpu.memory_space<vmem>>) semaphore(%arg13 : memref<!tpu.dma_semaphore, #tpu.memory_space<semaphore_mem>>)
    %dma_start3A_97 = arith.constant 7 : i32
    %dma_start3A_98 = arith.constant 560 : i32
    %dma_start3A_99 = arith.constant 0 : i32
    %dma_start3A_100 = tpu.memref_slice %arg7[%dma_start3A_98, %dma_start3A_99] : memref<800x64xf32, #tpu.memory_space<vmem>> -> memref<80x64xf32, #tpu.memory_space<vmem>>
    %dma_start3A_101 = arith.constant 0 : i32
    %dma_start3A_102 = tpu.memref_slice %arg5[%dma_start3A_97, %dma_start3A_101] : memref<10x80xi32, #tpu.memory_space<vmem>> -> memref<1x80xi32, #tpu.memory_space<vmem>>
    %dma_start3A_103 = tpu.memref_squeeze %dma_start3A_102 : memref<1x80xi32, #tpu.memory_space<vmem>> -> memref<80xi32, #tpu.memory_space<vmem>>
    %dma_start3A_104 = arith.constant 0 : i32
    %dma_start3A_105 = arith.constant 0 : i32
    %dma_start3A_106 = tpu.memref_slice %arg3[%dma_start3A_104, %dma_start3A_105] : memref<100000x64xf32, #tpu.memory_space<hbm>> -> memref<100000x64xf32, #tpu.memory_space<hbm>>
    tpu.enqueue_indirect_dma source(%dma_start3A_106 : memref<100000x64xf32, #tpu.memory_space<hbm>>) target(%dma_start3A_100 : memref<80x64xf32, #tpu.memory_space<vmem>>) offsets(%dma_start3A_103 : memref<80xi32, #tpu.memory_space<vmem>>) semaphore(%arg13 : memref<!tpu.dma_semaphore, #tpu.memory_space<semaphore_mem>>)
    %dma_start3A_107 = arith.constant 8 : i32
    %dma_start3A_108 = arith.constant 640 : i32
    %dma_start3A_109 = arith.constant 0 : i32
    %dma_start3A_110 = tpu.memref_slice %arg7[%dma_start3A_108, %dma_start3A_109] : memref<800x64xf32, #tpu.memory_space<vmem>> -> memref<80x64xf32, #tpu.memory_space<vmem>>
    %dma_start3A_111 = arith.constant 0 : i32
    %dma_start3A_112 = tpu.memref_slice %arg5[%dma_start3A_107, %dma_start3A_111] : memref<10x80xi32, #tpu.memory_space<vmem>> -> memref<1x80xi32, #tpu.memory_space<vmem>>
    %dma_start3A_113 = tpu.memref_squeeze %dma_start3A_112 : memref<1x80xi32, #tpu.memory_space<vmem>> -> memref<80xi32, #tpu.memory_space<vmem>>
    %dma_start3A_114 = arith.constant 0 : i32
    %dma_start3A_115 = arith.constant 0 : i32
    %dma_start3A_116 = tpu.memref_slice %arg3[%dma_start3A_114, %dma_start3A_115] : memref<100000x64xf32, #tpu.memory_space<hbm>> -> memref<100000x64xf32, #tpu.memory_space<hbm>>
    tpu.enqueue_indirect_dma source(%dma_start3A_116 : memref<100000x64xf32, #tpu.memory_space<hbm>>) target(%dma_start3A_110 : memref<80x64xf32, #tpu.memory_space<vmem>>) offsets(%dma_start3A_113 : memref<80xi32, #tpu.memory_space<vmem>>) semaphore(%arg13 : memref<!tpu.dma_semaphore, #tpu.memory_space<semaphore_mem>>)
    %dma_start3A_117 = arith.constant 9 : i32
    %dma_start3A_118 = arith.constant 720 : i32
    %dma_start3A_119 = arith.constant 0 : i32
    %dma_start3A_120 = tpu.memref_slice %arg7[%dma_start3A_118, %dma_start3A_119] : memref<800x64xf32, #tpu.memory_space<vmem>> -> memref<80x64xf32, #tpu.memory_space<vmem>>
    %dma_start3A_121 = arith.constant 0 : i32
    %dma_start3A_122 = tpu.memref_slice %arg5[%dma_start3A_117, %dma_start3A_121] : memref<10x80xi32, #tpu.memory_space<vmem>> -> memref<1x80xi32, #tpu.memory_space<vmem>>
    %dma_start3A_123 = tpu.memref_squeeze %dma_start3A_122 : memref<1x80xi32, #tpu.memory_space<vmem>> -> memref<80xi32, #tpu.memory_space<vmem>>
    %dma_start3A_124 = arith.constant 0 : i32
    %dma_start3A_125 = arith.constant 0 : i32
    %dma_start3A_126 = tpu.memref_slice %arg3[%dma_start3A_124, %dma_start3A_125] : memref<100000x64xf32, #tpu.memory_space<hbm>> -> memref<100000x64xf32, #tpu.memory_space<hbm>>
    tpu.enqueue_indirect_dma source(%dma_start3A_126 : memref<100000x64xf32, #tpu.memory_space<hbm>>) target(%dma_start3A_120 : memref<80x64xf32, #tpu.memory_space<vmem>>) offsets(%dma_start3A_123 : memref<80xi32, #tpu.memory_space<vmem>>) semaphore(%arg13 : memref<!tpu.dma_semaphore, #tpu.memory_space<semaphore_mem>>)
    %scan3A = arith.constant 0 : i32
    %scan3A_127 = arith.constant 0 : i32
    %scan3A_128 = arith.constant 20 : i32
    %scan3A_129 = arith.addi %scan3A_127, %scan3A_128 : i32
    %scan3A_130 = arith.constant 1 : i32
    scf.for %scan3A_155 = %scan3A_127 to %scan3A_129 step %scan3A_130  : i32 {
      %mul3A_156 = arith.constant 2 : i32
      %mul3A_157 = arith.muli %mul3A_156, %scan3A_155 : i32
      %add3A_158 = arith.addi %mul3A_2, %mul3A_157 : i32
      %dma_wait3A_159 = arith.constant 0 : i32
      %dma_wait3A_160 = arith.constant 0 : i32
      %dma_wait3A_161 = tpu.memref_slice %arg3[%dma_wait3A_159, %dma_wait3A_160] : memref<100000x64xf32, #tpu.memory_space<hbm>> -> memref<800x64xf32, #tpu.memory_space<hbm>>
      %dma_wait3A_162 = arith.constant 0 : i32
      %dma_wait3A_163 = arith.constant 0 : i32
      %dma_wait3A_164 = tpu.memref_slice %arg3[%dma_wait3A_162, %dma_wait3A_163] : memref<100000x64xf32, #tpu.memory_space<hbm>> -> memref<800x64xf32, #tpu.memory_space<hbm>>
      tpu.wait_dma2 semaphore(%arg13 : memref<!tpu.dma_semaphore, #tpu.memory_space<semaphore_mem>>) src(%dma_wait3A_164 : memref<800x64xf32, #tpu.memory_space<hbm>>) dst(%arg7 : memref<800x64xf32, #tpu.memory_space<vmem>>)
      %lt3A = arith.constant 19 : i32
      %lt3A_165 = arith.cmpi slt, %scan3A_155, %lt3A : i32
      %convert_element_type3A = arith.extui %lt3A_165 : i1 to i32
      %cond3A = arith.constant 0 : i32
      %cond3A_166 = arith.cmpi ne, %convert_element_type3A, %cond3A : i32
      scf.if %cond3A_166 {
        %add3A_319 = arith.constant 2 : i32
        %add3A_320 = arith.addi %add3A_158, %add3A_319 : i32
        %dma_start3A_321 = arith.constant 0 : i32
        %dma_start3A_322 = arith.constant 0 : i32
        %dma_start3A_323 = tpu.memref_slice %arg2[%add3A_320, %dma_start3A_321, %dma_start3A_322] : memref<1280x10x80xi32, #tpu.memory_space<hbm>> -> memref<1x10x80xi32, #tpu.memory_space<hbm>>
        %dma_start3A_324 = tpu.memref_squeeze %dma_start3A_323 : memref<1x10x80xi32, #tpu.memory_space<hbm>> -> memref<10x80xi32, #tpu.memory_space<hbm>>
        %dma_start3A_325 = arith.constant 0 : i32
        %dma_start3A_326 = arith.constant 0 : i32
        %dma_start3A_327 = tpu.memref_slice %arg2[%add3A_320, %dma_start3A_325, %dma_start3A_326] : memref<1280x10x80xi32, #tpu.memory_space<hbm>> -> memref<1x10x80xi32, #tpu.memory_space<hbm>>
        %dma_start3A_328 = tpu.memref_squeeze %dma_start3A_327 : memref<1x10x80xi32, #tpu.memory_space<hbm>> -> memref<10x80xi32, #tpu.memory_space<hbm>>
        tpu.enqueue_dma source(%dma_start3A_328 : memref<10x80xi32, #tpu.memory_space<hbm>>) target(%arg5 : memref<10x80xi32, #tpu.memory_space<vmem>>) target_semaphore(%arg11 : memref<!tpu.dma_semaphore, #tpu.memory_space<semaphore_mem>>)
      } else {
      }
      %add3A_167 = arith.constant 1 : i32
      %add3A_168 = arith.addi %add3A_158, %add3A_167 : i32
      %dma_wait3A_169 = arith.constant 0 : i32
      %dma_wait3A_170 = arith.constant 0 : i32
      %dma_wait3A_171 = tpu.memref_slice %arg2[%add3A_168, %dma_wait3A_169, %dma_wait3A_170] : memref<1280x10x80xi32, #tpu.memory_space<hbm>> -> memref<1x10x80xi32, #tpu.memory_space<hbm>>
      %dma_wait3A_172 = tpu.memref_squeeze %dma_wait3A_171 : memref<1x10x80xi32, #tpu.memory_space<hbm>> -> memref<10x80xi32, #tpu.memory_space<hbm>>
      %dma_wait3A_173 = arith.constant 0 : i32
      %dma_wait3A_174 = arith.constant 0 : i32
      %dma_wait3A_175 = tpu.memref_slice %arg2[%add3A_168, %dma_wait3A_173, %dma_wait3A_174] : memref<1280x10x80xi32, #tpu.memory_space<hbm>> -> memref<1x10x80xi32, #tpu.memory_space<hbm>>
      %dma_wait3A_176 = tpu.memref_squeeze %dma_wait3A_175 : memref<1x10x80xi32, #tpu.memory_space<hbm>> -> memref<10x80xi32, #tpu.memory_space<hbm>>
      tpu.wait_dma2 semaphore(%arg12 : memref<!tpu.dma_semaphore, #tpu.memory_space<semaphore_mem>>) src(%dma_wait3A_176 : memref<10x80xi32, #tpu.memory_space<hbm>>) dst(%arg6 : memref<10x80xi32, #tpu.memory_space<vmem>>)
      %dma_start3A_177 = arith.constant 0 : i32
      %dma_start3A_178 = arith.constant 0 : i32
      %dma_start3A_179 = arith.constant 0 : i32
      %dma_start3A_180 = tpu.memref_slice %arg8[%dma_start3A_178, %dma_start3A_179] : memref<800x64xf32, #tpu.memory_space<vmem>> -> memref<80x64xf32, #tpu.memory_space<vmem>>
      %dma_start3A_181 = arith.constant 0 : i32
      %dma_start3A_182 = tpu.memref_slice %arg6[%dma_start3A_177, %dma_start3A_181] : memref<10x80xi32, #tpu.memory_space<vmem>> -> memref<1x80xi32, #tpu.memory_space<vmem>>
      %dma_start3A_183 = tpu.memref_squeeze %dma_start3A_182 : memref<1x80xi32, #tpu.memory_space<vmem>> -> memref<80xi32, #tpu.memory_space<vmem>>
      %dma_start3A_184 = arith.constant 0 : i32
      %dma_start3A_185 = arith.constant 0 : i32
      %dma_start3A_186 = tpu.memref_slice %arg3[%dma_start3A_184, %dma_start3A_185] : memref<100000x64xf32, #tpu.memory_space<hbm>> -> memref<100000x64xf32, #tpu.memory_space<hbm>>
      tpu.enqueue_indirect_dma source(%dma_start3A_186 : memref<100000x64xf32, #tpu.memory_space<hbm>>) target(%dma_start3A_180 : memref<80x64xf32, #tpu.memory_space<vmem>>) offsets(%dma_start3A_183 : memref<80xi32, #tpu.memory_space<vmem>>) semaphore(%arg14 : memref<!tpu.dma_semaphore, #tpu.memory_space<semaphore_mem>>)
      %dma_start3A_187 = arith.constant 1 : i32
      %dma_start3A_188 = arith.constant 80 : i32
      %dma_start3A_189 = arith.constant 0 : i32
      %dma_start3A_190 = tpu.memref_slice %arg8[%dma_start3A_188, %dma_start3A_189] : memref<800x64xf32, #tpu.memory_space<vmem>> -> memref<80x64xf32, #tpu.memory_space<vmem>>
      %dma_start3A_191 = arith.constant 0 : i32
      %dma_start3A_192 = tpu.memref_slice %arg6[%dma_start3A_187, %dma_start3A_191] : memref<10x80xi32, #tpu.memory_space<vmem>> -> memref<1x80xi32, #tpu.memory_space<vmem>>
      %dma_start3A_193 = tpu.memref_squeeze %dma_start3A_192 : memref<1x80xi32, #tpu.memory_space<vmem>> -> memref<80xi32, #tpu.memory_space<vmem>>
      %dma_start3A_194 = arith.constant 0 : i32
      %dma_start3A_195 = arith.constant 0 : i32
      %dma_start3A_196 = tpu.memref_slice %arg3[%dma_start3A_194, %dma_start3A_195] : memref<100000x64xf32, #tpu.memory_space<hbm>> -> memref<100000x64xf32, #tpu.memory_space<hbm>>
      tpu.enqueue_indirect_dma source(%dma_start3A_196 : memref<100000x64xf32, #tpu.memory_space<hbm>>) target(%dma_start3A_190 : memref<80x64xf32, #tpu.memory_space<vmem>>) offsets(%dma_start3A_193 : memref<80xi32, #tpu.memory_space<vmem>>) semaphore(%arg14 : memref<!tpu.dma_semaphore, #tpu.memory_space<semaphore_mem>>)
      %dma_start3A_197 = arith.constant 2 : i32
      %dma_start3A_198 = arith.constant 160 : i32
      %dma_start3A_199 = arith.constant 0 : i32
      %dma_start3A_200 = tpu.memref_slice %arg8[%dma_start3A_198, %dma_start3A_199] : memref<800x64xf32, #tpu.memory_space<vmem>> -> memref<80x64xf32, #tpu.memory_space<vmem>>
      %dma_start3A_201 = arith.constant 0 : i32
      %dma_start3A_202 = tpu.memref_slice %arg6[%dma_start3A_197, %dma_start3A_201] : memref<10x80xi32, #tpu.memory_space<vmem>> -> memref<1x80xi32, #tpu.memory_space<vmem>>
      %dma_start3A_203 = tpu.memref_squeeze %dma_start3A_202 : memref<1x80xi32, #tpu.memory_space<vmem>> -> memref<80xi32, #tpu.memory_space<vmem>>
      %dma_start3A_204 = arith.constant 0 : i32
      %dma_start3A_205 = arith.constant 0 : i32
      %dma_start3A_206 = tpu.memref_slice %arg3[%dma_start3A_204, %dma_start3A_205] : memref<100000x64xf32, #tpu.memory_space<hbm>> -> memref<100000x64xf32, #tpu.memory_space<hbm>>
      tpu.enqueue_indirect_dma source(%dma_start3A_206 : memref<100000x64xf32, #tpu.memory_space<hbm>>) target(%dma_start3A_200 : memref<80x64xf32, #tpu.memory_space<vmem>>) offsets(%dma_start3A_203 : memref<80xi32, #tpu.memory_space<vmem>>) semaphore(%arg14 : memref<!tpu.dma_semaphore, #tpu.memory_space<semaphore_mem>>)
      %dma_start3A_207 = arith.constant 3 : i32
      %dma_start3A_208 = arith.constant 240 : i32
      %dma_start3A_209 = arith.constant 0 : i32
      %dma_start3A_210 = tpu.memref_slice %arg8[%dma_start3A_208, %dma_start3A_209] : memref<800x64xf32, #tpu.memory_space<vmem>> -> memref<80x64xf32, #tpu.memory_space<vmem>>
      %dma_start3A_211 = arith.constant 0 : i32
      %dma_start3A_212 = tpu.memref_slice %arg6[%dma_start3A_207, %dma_start3A_211] : memref<10x80xi32, #tpu.memory_space<vmem>> -> memref<1x80xi32, #tpu.memory_space<vmem>>
      %dma_start3A_213 = tpu.memref_squeeze %dma_start3A_212 : memref<1x80xi32, #tpu.memory_space<vmem>> -> memref<80xi32, #tpu.memory_space<vmem>>
      %dma_start3A_214 = arith.constant 0 : i32
      %dma_start3A_215 = arith.constant 0 : i32
      %dma_start3A_216 = tpu.memref_slice %arg3[%dma_start3A_214, %dma_start3A_215] : memref<100000x64xf32, #tpu.memory_space<hbm>> -> memref<100000x64xf32, #tpu.memory_space<hbm>>
      tpu.enqueue_indirect_dma source(%dma_start3A_216 : memref<100000x64xf32, #tpu.memory_space<hbm>>) target(%dma_start3A_210 : memref<80x64xf32, #tpu.memory_space<vmem>>) offsets(%dma_start3A_213 : memref<80xi32, #tpu.memory_space<vmem>>) semaphore(%arg14 : memref<!tpu.dma_semaphore, #tpu.memory_space<semaphore_mem>>)
      %dma_start3A_217 = arith.constant 4 : i32
      %dma_start3A_218 = arith.constant 320 : i32
      %dma_start3A_219 = arith.constant 0 : i32
      %dma_start3A_220 = tpu.memref_slice %arg8[%dma_start3A_218, %dma_start3A_219] : memref<800x64xf32, #tpu.memory_space<vmem>> -> memref<80x64xf32, #tpu.memory_space<vmem>>
      %dma_start3A_221 = arith.constant 0 : i32
      %dma_start3A_222 = tpu.memref_slice %arg6[%dma_start3A_217, %dma_start3A_221] : memref<10x80xi32, #tpu.memory_space<vmem>> -> memref<1x80xi32, #tpu.memory_space<vmem>>
      %dma_start3A_223 = tpu.memref_squeeze %dma_start3A_222 : memref<1x80xi32, #tpu.memory_space<vmem>> -> memref<80xi32, #tpu.memory_space<vmem>>
      %dma_start3A_224 = arith.constant 0 : i32
      %dma_start3A_225 = arith.constant 0 : i32
      %dma_start3A_226 = tpu.memref_slice %arg3[%dma_start3A_224, %dma_start3A_225] : memref<100000x64xf32, #tpu.memory_space<hbm>> -> memref<100000x64xf32, #tpu.memory_space<hbm>>
      tpu.enqueue_indirect_dma source(%dma_start3A_226 : memref<100000x64xf32, #tpu.memory_space<hbm>>) target(%dma_start3A_220 : memref<80x64xf32, #tpu.memory_space<vmem>>) offsets(%dma_start3A_223 : memref<80xi32, #tpu.memory_space<vmem>>) semaphore(%arg14 : memref<!tpu.dma_semaphore, #tpu.memory_space<semaphore_mem>>)
      %dma_start3A_227 = arith.constant 5 : i32
      %dma_start3A_228 = arith.constant 400 : i32
      %dma_start3A_229 = arith.constant 0 : i32
      %dma_start3A_230 = tpu.memref_slice %arg8[%dma_start3A_228, %dma_start3A_229] : memref<800x64xf32, #tpu.memory_space<vmem>> -> memref<80x64xf32, #tpu.memory_space<vmem>>
      %dma_start3A_231 = arith.constant 0 : i32
      %dma_start3A_232 = tpu.memref_slice %arg6[%dma_start3A_227, %dma_start3A_231] : memref<10x80xi32, #tpu.memory_space<vmem>> -> memref<1x80xi32, #tpu.memory_space<vmem>>
      %dma_start3A_233 = tpu.memref_squeeze %dma_start3A_232 : memref<1x80xi32, #tpu.memory_space<vmem>> -> memref<80xi32, #tpu.memory_space<vmem>>
      %dma_start3A_234 = arith.constant 0 : i32
      %dma_start3A_235 = arith.constant 0 : i32
      %dma_start3A_236 = tpu.memref_slice %arg3[%dma_start3A_234, %dma_start3A_235] : memref<100000x64xf32, #tpu.memory_space<hbm>> -> memref<100000x64xf32, #tpu.memory_space<hbm>>
      tpu.enqueue_indirect_dma source(%dma_start3A_236 : memref<100000x64xf32, #tpu.memory_space<hbm>>) target(%dma_start3A_230 : memref<80x64xf32, #tpu.memory_space<vmem>>) offsets(%dma_start3A_233 : memref<80xi32, #tpu.memory_space<vmem>>) semaphore(%arg14 : memref<!tpu.dma_semaphore, #tpu.memory_space<semaphore_mem>>)
      %dma_start3A_237 = arith.constant 6 : i32
      %dma_start3A_238 = arith.constant 480 : i32
      %dma_start3A_239 = arith.constant 0 : i32
      %dma_start3A_240 = tpu.memref_slice %arg8[%dma_start3A_238, %dma_start3A_239] : memref<800x64xf32, #tpu.memory_space<vmem>> -> memref<80x64xf32, #tpu.memory_space<vmem>>
      %dma_start3A_241 = arith.constant 0 : i32
      %dma_start3A_242 = tpu.memref_slice %arg6[%dma_start3A_237, %dma_start3A_241] : memref<10x80xi32, #tpu.memory_space<vmem>> -> memref<1x80xi32, #tpu.memory_space<vmem>>
      %dma_start3A_243 = tpu.memref_squeeze %dma_start3A_242 : memref<1x80xi32, #tpu.memory_space<vmem>> -> memref<80xi32, #tpu.memory_space<vmem>>
      %dma_start3A_244 = arith.constant 0 : i32
      %dma_start3A_245 = arith.constant 0 : i32
      %dma_start3A_246 = tpu.memref_slice %arg3[%dma_start3A_244, %dma_start3A_245] : memref<100000x64xf32, #tpu.memory_space<hbm>> -> memref<100000x64xf32, #tpu.memory_space<hbm>>
      tpu.enqueue_indirect_dma source(%dma_start3A_246 : memref<100000x64xf32, #tpu.memory_space<hbm>>) target(%dma_start3A_240 : memref<80x64xf32, #tpu.memory_space<vmem>>) offsets(%dma_start3A_243 : memref<80xi32, #tpu.memory_space<vmem>>) semaphore(%arg14 : memref<!tpu.dma_semaphore, #tpu.memory_space<semaphore_mem>>)
      %dma_start3A_247 = arith.constant 7 : i32
      %dma_start3A_248 = arith.constant 560 : i32
      %dma_start3A_249 = arith.constant 0 : i32
      %dma_start3A_250 = tpu.memref_slice %arg8[%dma_start3A_248, %dma_start3A_249] : memref<800x64xf32, #tpu.memory_space<vmem>> -> memref<80x64xf32, #tpu.memory_space<vmem>>
      %dma_start3A_251 = arith.constant 0 : i32
      %dma_start3A_252 = tpu.memref_slice %arg6[%dma_start3A_247, %dma_start3A_251] : memref<10x80xi32, #tpu.memory_space<vmem>> -> memref<1x80xi32, #tpu.memory_space<vmem>>
      %dma_start3A_253 = tpu.memref_squeeze %dma_start3A_252 : memref<1x80xi32, #tpu.memory_space<vmem>> -> memref<80xi32, #tpu.memory_space<vmem>>
      %dma_start3A_254 = arith.constant 0 : i32
      %dma_start3A_255 = arith.constant 0 : i32
      %dma_start3A_256 = tpu.memref_slice %arg3[%dma_start3A_254, %dma_start3A_255] : memref<100000x64xf32, #tpu.memory_space<hbm>> -> memref<100000x64xf32, #tpu.memory_space<hbm>>
      tpu.enqueue_indirect_dma source(%dma_start3A_256 : memref<100000x64xf32, #tpu.memory_space<hbm>>) target(%dma_start3A_250 : memref<80x64xf32, #tpu.memory_space<vmem>>) offsets(%dma_start3A_253 : memref<80xi32, #tpu.memory_space<vmem>>) semaphore(%arg14 : memref<!tpu.dma_semaphore, #tpu.memory_space<semaphore_mem>>)
      %dma_start3A_257 = arith.constant 8 : i32
      %dma_start3A_258 = arith.constant 640 : i32
      %dma_start3A_259 = arith.constant 0 : i32
      %dma_start3A_260 = tpu.memref_slice %arg8[%dma_start3A_258, %dma_start3A_259] : memref<800x64xf32, #tpu.memory_space<vmem>> -> memref<80x64xf32, #tpu.memory_space<vmem>>
      %dma_start3A_261 = arith.constant 0 : i32
      %dma_start3A_262 = tpu.memref_slice %arg6[%dma_start3A_257, %dma_start3A_261] : memref<10x80xi32, #tpu.memory_space<vmem>> -> memref<1x80xi32, #tpu.memory_space<vmem>>
      %dma_start3A_263 = tpu.memref_squeeze %dma_start3A_262 : memref<1x80xi32, #tpu.memory_space<vmem>> -> memref<80xi32, #tpu.memory_space<vmem>>
      %dma_start3A_264 = arith.constant 0 : i32
      %dma_start3A_265 = arith.constant 0 : i32
      %dma_start3A_266 = tpu.memref_slice %arg3[%dma_start3A_264, %dma_start3A_265] : memref<100000x64xf32, #tpu.memory_space<hbm>> -> memref<100000x64xf32, #tpu.memory_space<hbm>>
      tpu.enqueue_indirect_dma source(%dma_start3A_266 : memref<100000x64xf32, #tpu.memory_space<hbm>>) target(%dma_start3A_260 : memref<80x64xf32, #tpu.memory_space<vmem>>) offsets(%dma_start3A_263 : memref<80xi32, #tpu.memory_space<vmem>>) semaphore(%arg14 : memref<!tpu.dma_semaphore, #tpu.memory_space<semaphore_mem>>)
      %dma_start3A_267 = arith.constant 9 : i32
      %dma_start3A_268 = arith.constant 720 : i32
      %dma_start3A_269 = arith.constant 0 : i32
      %dma_start3A_270 = tpu.memref_slice %arg8[%dma_start3A_268, %dma_start3A_269] : memref<800x64xf32, #tpu.memory_space<vmem>> -> memref<80x64xf32, #tpu.memory_space<vmem>>
      %dma_start3A_271 = arith.constant 0 : i32
      %dma_start3A_272 = tpu.memref_slice %arg6[%dma_start3A_267, %dma_start3A_271] : memref<10x80xi32, #tpu.memory_space<vmem>> -> memref<1x80xi32, #tpu.memory_space<vmem>>
      %dma_start3A_273 = tpu.memref_squeeze %dma_start3A_272 : memref<1x80xi32, #tpu.memory_space<vmem>> -> memref<80xi32, #tpu.memory_space<vmem>>
      %dma_start3A_274 = arith.constant 0 : i32
      %dma_start3A_275 = arith.constant 0 : i32
      %dma_start3A_276 = tpu.memref_slice %arg3[%dma_start3A_274, %dma_start3A_275] : memref<100000x64xf32, #tpu.memory_space<hbm>> -> memref<100000x64xf32, #tpu.memory_space<hbm>>
      tpu.enqueue_indirect_dma source(%dma_start3A_276 : memref<100000x64xf32, #tpu.memory_space<hbm>>) target(%dma_start3A_270 : memref<80x64xf32, #tpu.memory_space<vmem>>) offsets(%dma_start3A_273 : memref<80xi32, #tpu.memory_space<vmem>>) semaphore(%arg14 : memref<!tpu.dma_semaphore, #tpu.memory_space<semaphore_mem>>)
      %eq3A = arith.constant 0 : i32
      %eq3A_277 = arith.cmpi eq, %scan3A_155, %eq3A : i32
      %not3A = arith.constant true
      %not3A_278 = arith.xori %eq3A_277, %not3A : i1
      %convert_element_type3A_279 = arith.extui %not3A_278 : i1 to i32
      %cond3A_280 = arith.constant 0 : i32
      %cond3A_281 = arith.cmpi ne, %convert_element_type3A_279, %cond3A_280 : i32
      scf.if %cond3A_281 {
        %sub3A_319 = arith.constant 2 : i32
        %sub3A_320 = arith.subi %add3A_158, %sub3A_319 : i32
        %mul3A_321 = arith.constant 40 : i32
        %mul3A_322 = arith.muli %sub3A_320, %mul3A_321 : i32
        %dma_wait3A_323 = arith.constant 0 : i32
        %dma_wait3A_324 = tpu.memref_slice %arg4[%mul3A_322, %dma_wait3A_323] : memref<51200x64xf32, #tpu.memory_space<hbm>> -> memref<40x64xf32, #tpu.memory_space<hbm>>
        %dma_wait3A_325 = arith.constant 0 : i32
        %dma_wait3A_326 = tpu.memref_slice %arg4[%mul3A_322, %dma_wait3A_325] : memref<51200x64xf32, #tpu.memory_space<hbm>> -> memref<40x64xf32, #tpu.memory_space<hbm>>
        tpu.wait_dma2 semaphore(%arg15 : memref<!tpu.dma_semaphore, #tpu.memory_space<semaphore_mem>>) src(%arg9 : memref<40x64xf32, #tpu.memory_space<vmem>>) dst(%dma_wait3A_326 : memref<40x64xf32, #tpu.memory_space<hbm>>)
      } else {
      }
      %parallel_loop3A = arith.constant 0 : i32
      %parallel_loop3A_282 = arith.constant 40 : i32
      %parallel_loop3A_283 = arith.constant 1 : i32
      scf.for %parallel_loop3A_319 = %parallel_loop3A to %parallel_loop3A_282 step %parallel_loop3A_283  : i32 {
        %parallel_loop3A_320 = arith.constant 20 : i32
        %parallel_loop3A_321 = arith.muli %parallel_loop3A_319, %parallel_loop3A_320 : i32
        %parallel_loop3A_322 = arith.constant 0.000000e+00 : f32
        %parallel_loop3A_323 = vector.broadcast %parallel_loop3A_322 : f32 to vector<16xf32>
        %parallel_loop3A_324 = arith.constant 0.000000e+00 : f32
        %parallel_loop3A_325 = vector.broadcast %parallel_loop3A_324 : f32 to vector<16xf32>
        %parallel_loop3A_326 = arith.constant 0.000000e+00 : f32
        %parallel_loop3A_327 = vector.broadcast %parallel_loop3A_326 : f32 to vector<16xf32>
        %parallel_loop3A_328 = arith.constant 0.000000e+00 : f32
        %parallel_loop3A_329 = vector.broadcast %parallel_loop3A_328 : f32 to vector<16xf32>
        %parallel_loop3A_330 = arith.constant 0 : i32
        %parallel_loop3A_331 = vector.broadcast %parallel_loop3A_330 : i32 to vector<16xi32>
        %parallel_loop3A_332 = arith.constant 0 : i32
        %parallel_loop3A_333 = vector.broadcast %parallel_loop3A_332 : i32 to vector<16xi32>
        %parallel_loop3A_334 = arith.constant 0 : i32
        %parallel_loop3A_335 = vector.broadcast %parallel_loop3A_334 : i32 to vector<16xi32>
        %parallel_loop3A_336 = arith.constant 0 : i32
        %parallel_loop3A_337 = vector.broadcast %parallel_loop3A_336 : i32 to vector<16xi32>
        %parallel_loop3A_338 = arith.constant 0 : i32
        %parallel_loop3A_339 = arith.addi %parallel_loop3A_321, %parallel_loop3A_338 : i32
        %parallel_loop3A_340 = arith.index_cast %parallel_loop3A_339 : i32 to index
        %parallel_loop3A_341 = arith.constant 0 : index
        %parallel_loop3A_342 = tpu.vector_load %arg7[%parallel_loop3A_340, %parallel_loop3A_341] {strides = array<i32>} : memref<800x64xf32, #tpu.memory_space<vmem>>, vector<1x16xf32>,
        %parallel_loop3A_343 = vector.shape_cast %parallel_loop3A_342 : vector<1x16xf32> to vector<16xf32>
        %parallel_loop3A_344 = arith.addf %parallel_loop3A_323, %parallel_loop3A_343 : vector<16xf32>
        %parallel_loop3A_345 = tpu.bitcast %parallel_loop3A_343 : vector<16xf32> -> vector<16xi32>
        %parallel_loop3A_346 = arith.constant 0 : i32
        %parallel_loop3A_347 = vector.broadcast %parallel_loop3A_346 : i32 to vector<16xi32>
        %parallel_loop3A_348 = arith.cmpi ne, %parallel_loop3A_345, %parallel_loop3A_347 : vector<16xi32>
        %parallel_loop3A_349 = arith.constant 1 : i32
        %parallel_loop3A_350 = arith.constant 0 : i32
        %parallel_loop3A_351 = vector.broadcast %parallel_loop3A_349 : i32 to vector<16xi32>
        %parallel_loop3A_352 = vector.broadcast %parallel_loop3A_350 : i32 to vector<16xi32>
        %parallel_loop3A_353 = arith.select %parallel_loop3A_348, %parallel_loop3A_351, %parallel_loop3A_352 : vector<16xi1>, vector<16xi32>
        %parallel_loop3A_354 = arith.addi %parallel_loop3A_331, %parallel_loop3A_353 : vector<16xi32>
        %parallel_loop3A_355 = arith.constant 0 : i32
        %parallel_loop3A_356 = arith.addi %parallel_loop3A_321, %parallel_loop3A_355 : i32
        %parallel_loop3A_357 = arith.index_cast %parallel_loop3A_356 : i32 to index
        %parallel_loop3A_358 = arith.constant 16 : index
        %parallel_loop3A_359 = tpu.vector_load %arg7[%parallel_loop3A_357, %parallel_loop3A_358] {strides = array<i32>} : memref<800x64xf32, #tpu.memory_space<vmem>>, vector<1x16xf32>,
        %parallel_loop3A_360 = vector.shape_cast %parallel_loop3A_359 : vector<1x16xf32> to vector<16xf32>
        %parallel_loop3A_361 = arith.addf %parallel_loop3A_325, %parallel_loop3A_360 : vector<16xf32>
        %parallel_loop3A_362 = tpu.bitcast %parallel_loop3A_360 : vector<16xf32> -> vector<16xi32>
        %parallel_loop3A_363 = arith.constant 0 : i32
        %parallel_loop3A_364 = vector.broadcast %parallel_loop3A_363 : i32 to vector<16xi32>
        %parallel_loop3A_365 = arith.cmpi ne, %parallel_loop3A_362, %parallel_loop3A_364 : vector<16xi32>
        %parallel_loop3A_366 = arith.constant 1 : i32
        %parallel_loop3A_367 = arith.constant 0 : i32
        %parallel_loop3A_368 = vector.broadcast %parallel_loop3A_366 : i32 to vector<16xi32>
        %parallel_loop3A_369 = vector.broadcast %parallel_loop3A_367 : i32 to vector<16xi32>
        %parallel_loop3A_370 = arith.select %parallel_loop3A_365, %parallel_loop3A_368, %parallel_loop3A_369 : vector<16xi1>, vector<16xi32>
        %parallel_loop3A_371 = arith.addi %parallel_loop3A_333, %parallel_loop3A_370 : vector<16xi32>
        %parallel_loop3A_372 = arith.constant 0 : i32
        %parallel_loop3A_373 = arith.addi %parallel_loop3A_321, %parallel_loop3A_372 : i32
        %parallel_loop3A_374 = arith.index_cast %parallel_loop3A_373 : i32 to index
        %parallel_loop3A_375 = arith.constant 32 : index
        %parallel_loop3A_376 = tpu.vector_load %arg7[%parallel_loop3A_374, %parallel_loop3A_375] {strides = array<i32>} : memref<800x64xf32, #tpu.memory_space<vmem>>, vector<1x16xf32>,
        %parallel_loop3A_377 = vector.shape_cast %parallel_loop3A_376 : vector<1x16xf32> to vector<16xf32>
        %parallel_loop3A_378 = arith.addf %parallel_loop3A_327, %parallel_loop3A_377 : vector<16xf32>
        %parallel_loop3A_379 = tpu.bitcast %parallel_loop3A_377 : vector<16xf32> -> vector<16xi32>
        %parallel_loop3A_380 = arith.constant 0 : i32
        %parallel_loop3A_381 = vector.broadcast %parallel_loop3A_380 : i32 to vector<16xi32>
        %parallel_loop3A_382 = arith.cmpi ne, %parallel_loop3A_379, %parallel_loop3A_381 : vector<16xi32>
        %parallel_loop3A_383 = arith.constant 1 : i32
        %parallel_loop3A_384 = arith.constant 0 : i32
        %parallel_loop3A_385 = vector.broadcast %parallel_loop3A_383 : i32 to vector<16xi32>
        %parallel_loop3A_386 = vector.broadcast %parallel_loop3A_384 : i32 to vector<16xi32>
        %parallel_loop3A_387 = arith.select %parallel_loop3A_382, %parallel_loop3A_385, %parallel_loop3A_386 : vector<16xi1>, vector<16xi32>
        %parallel_loop3A_388 = arith.addi %parallel_loop3A_335, %parallel_loop3A_387 : vector<16xi32>
        %parallel_loop3A_389 = arith.constant 0 : i32
        %parallel_loop3A_390 = arith.addi %parallel_loop3A_321, %parallel_loop3A_389 : i32
        %parallel_loop3A_391 = arith.index_cast %parallel_loop3A_390 : i32 to index
        %parallel_loop3A_392 = arith.constant 48 : index
        %parallel_loop3A_393 = tpu.vector_load %arg7[%parallel_loop3A_391, %parallel_loop3A_392] {strides = array<i32>} : memref<800x64xf32, #tpu.memory_space<vmem>>, vector<1x16xf32>,
        %parallel_loop3A_394 = vector.shape_cast %parallel_loop3A_393 : vector<1x16xf32> to vector<16xf32>
        %parallel_loop3A_395 = arith.addf %parallel_loop3A_329, %parallel_loop3A_394 : vector<16xf32>
        %parallel_loop3A_396 = tpu.bitcast %parallel_loop3A_394 : vector<16xf32> -> vector<16xi32>
        %parallel_loop3A_397 = arith.constant 0 : i32
        %parallel_loop3A_398 = vector.broadcast %parallel_loop3A_397 : i32 to vector<16xi32>
        %parallel_loop3A_399 = arith.cmpi ne, %parallel_loop3A_396, %parallel_loop3A_398 : vector<16xi32>
        %parallel_loop3A_400 = arith.constant 1 : i32
        %parallel_loop3A_401 = arith.constant 0 : i32
        %parallel_loop3A_402 = vector.broadcast %parallel_loop3A_400 : i32 to vector<16xi32>
        %parallel_loop3A_403 = vector.broadcast %parallel_loop3A_401 : i32 to vector<16xi32>
        %parallel_loop3A_404 = arith.select %parallel_loop3A_399, %parallel_loop3A_402, %parallel_loop3A_403 : vector<16xi1>, vector<16xi32>
        %parallel_loop3A_405 = arith.addi %parallel_loop3A_337, %parallel_loop3A_404 : vector<16xi32>
        %parallel_loop3A_406 = arith.constant 1 : i32
        %parallel_loop3A_407 = arith.addi %parallel_loop3A_321, %parallel_loop3A_406 : i32
        %parallel_loop3A_408 = arith.index_cast %parallel_loop3A_407 : i32 to index
        %parallel_loop3A_409 = arith.constant 0 : index
        %parallel_loop3A_410 = tpu.vector_load %arg7[%parallel_loop3A_408, %parallel_loop3A_409] {strides = array<i32>} : memref<800x64xf32, #tpu.memory_space<vmem>>, vector<1x16xf32>,
        %parallel_loop3A_411 = vector.shape_cast %parallel_loop3A_410 : vector<1x16xf32> to vector<16xf32>
        %parallel_loop3A_412 = arith.addf %parallel_loop3A_344, %parallel_loop3A_411 : vector<16xf32>
        %parallel_loop3A_413 = tpu.bitcast %parallel_loop3A_411 : vector<16xf32> -> vector<16xi32>
        %parallel_loop3A_414 = arith.constant 0 : i32
        %parallel_loop3A_415 = vector.broadcast %parallel_loop3A_414 : i32 to vector<16xi32>
        %parallel_loop3A_416 = arith.cmpi ne, %parallel_loop3A_413, %parallel_loop3A_415 : vector<16xi32>
        %parallel_loop3A_417 = arith.constant 1 : i32
        %parallel_loop3A_418 = arith.constant 0 : i32
        %parallel_loop3A_419 = vector.broadcast %parallel_loop3A_417 : i32 to vector<16xi32>
        %parallel_loop3A_420 = vector.broadcast %parallel_loop3A_418 : i32 to vector<16xi32>
        %parallel_loop3A_421 = arith.select %parallel_loop3A_416, %parallel_loop3A_419, %parallel_loop3A_420 : vector<16xi1>, vector<16xi32>
        %parallel_loop3A_422 = arith.addi %parallel_loop3A_354, %parallel_loop3A_421 : vector<16xi32>
        %parallel_loop3A_423 = arith.constant 1 : i32
        %parallel_loop3A_424 = arith.addi %parallel_loop3A_321, %parallel_loop3A_423 : i32
        %parallel_loop3A_425 = arith.index_cast %parallel_loop3A_424 : i32 to index
        %parallel_loop3A_426 = arith.constant 16 : index
        %parallel_loop3A_427 = tpu.vector_load %arg7[%parallel_loop3A_425, %parallel_loop3A_426] {strides = array<i32>} : memref<800x64xf32, #tpu.memory_space<vmem>>, vector<1x16xf32>,
        %parallel_loop3A_428 = vector.shape_cast %parallel_loop3A_427 : vector<1x16xf32> to vector<16xf32>
        %parallel_loop3A_429 = arith.addf %parallel_loop3A_361, %parallel_loop3A_428 : vector<16xf32>
        %parallel_loop3A_430 = tpu.bitcast %parallel_loop3A_428 : vector<16xf32> -> vector<16xi32>
        %parallel_loop3A_431 = arith.constant 0 : i32
        %parallel_loop3A_432 = vector.broadcast %parallel_loop3A_431 : i32 to vector<16xi32>
        %parallel_loop3A_433 = arith.cmpi ne, %parallel_loop3A_430, %parallel_loop3A_432 : vector<16xi32>
        %parallel_loop3A_434 = arith.constant 1 : i32
        %parallel_loop3A_435 = arith.constant 0 : i32
        %parallel_loop3A_436 = vector.broadcast %parallel_loop3A_434 : i32 to vector<16xi32>
        %parallel_loop3A_437 = vector.broadcast %parallel_loop3A_435 : i32 to vector<16xi32>
        %parallel_loop3A_438 = arith.select %parallel_loop3A_433, %parallel_loop3A_436, %parallel_loop3A_437 : vector<16xi1>, vector<16xi32>
        %parallel_loop3A_439 = arith.addi %parallel_loop3A_371, %parallel_loop3A_438 : vector<16xi32>
        %parallel_loop3A_440 = arith.constant 1 : i32
        %parallel_loop3A_441 = arith.addi %parallel_loop3A_321, %parallel_loop3A_440 : i32
        %parallel_loop3A_442 = arith.index_cast %parallel_loop3A_441 : i32 to index
        %parallel_loop3A_443 = arith.constant 32 : index
        %parallel_loop3A_444 = tpu.vector_load %arg7[%parallel_loop3A_442, %parallel_loop3A_443] {strides = array<i32>} : memref<800x64xf32, #tpu.memory_space<vmem>>, vector<1x16xf32>,
        %parallel_loop3A_445 = vector.shape_cast %parallel_loop3A_444 : vector<1x16xf32> to vector<16xf32>
        %parallel_loop3A_446 = arith.addf %parallel_loop3A_378, %parallel_loop3A_445 : vector<16xf32>
        %parallel_loop3A_447 = tpu.bitcast %parallel_loop3A_445 : vector<16xf32> -> vector<16xi32>
        %parallel_loop3A_448 = arith.constant 0 : i32
        %parallel_loop3A_449 = vector.broadcast %parallel_loop3A_448 : i32 to vector<16xi32>
        %parallel_loop3A_450 = arith.cmpi ne, %parallel_loop3A_447, %parallel_loop3A_449 : vector<16xi32>
        %parallel_loop3A_451 = arith.constant 1 : i32
        %parallel_loop3A_452 = arith.constant 0 : i32
        %parallel_loop3A_453 = vector.broadcast %parallel_loop3A_451 : i32 to vector<16xi32>
        %parallel_loop3A_454 = vector.broadcast %parallel_loop3A_452 : i32 to vector<16xi32>
        %parallel_loop3A_455 = arith.select %parallel_loop3A_450, %parallel_loop3A_453, %parallel_loop3A_454 : vector<16xi1>, vector<16xi32>
        %parallel_loop3A_456 = arith.addi %parallel_loop3A_388, %parallel_loop3A_455 : vector<16xi32>
        %parallel_loop3A_457 = arith.constant 1 : i32
        %parallel_loop3A_458 = arith.addi %parallel_loop3A_321, %parallel_loop3A_457 : i32
        %parallel_loop3A_459 = arith.index_cast %parallel_loop3A_458 : i32 to index
        %parallel_loop3A_460 = arith.constant 48 : index
        %parallel_loop3A_461 = tpu.vector_load %arg7[%parallel_loop3A_459, %parallel_loop3A_460] {strides = array<i32>} : memref<800x64xf32, #tpu.memory_space<vmem>>, vector<1x16xf32>,
        %parallel_loop3A_462 = vector.shape_cast %parallel_loop3A_461 : vector<1x16xf32> to vector<16xf32>
        %parallel_loop3A_463 = arith.addf %parallel_loop3A_395, %parallel_loop3A_462 : vector<16xf32>
        %parallel_loop3A_464 = tpu.bitcast %parallel_loop3A_462 : vector<16xf32> -> vector<16xi32>
        %parallel_loop3A_465 = arith.constant 0 : i32
        %parallel_loop3A_466 = vector.broadcast %parallel_loop3A_465 : i32 to vector<16xi32>
        %parallel_loop3A_467 = arith.cmpi ne, %parallel_loop3A_464, %parallel_loop3A_466 : vector<16xi32>
        %parallel_loop3A_468 = arith.constant 1 : i32
        %parallel_loop3A_469 = arith.constant 0 : i32
        %parallel_loop3A_470 = vector.broadcast %parallel_loop3A_468 : i32 to vector<16xi32>
        %parallel_loop3A_471 = vector.broadcast %parallel_loop3A_469 : i32 to vector<16xi32>
        %parallel_loop3A_472 = arith.select %parallel_loop3A_467, %parallel_loop3A_470, %parallel_loop3A_471 : vector<16xi1>, vector<16xi32>
        %parallel_loop3A_473 = arith.addi %parallel_loop3A_405, %parallel_loop3A_472 : vector<16xi32>
        %parallel_loop3A_474 = arith.constant 2 : i32
        %parallel_loop3A_475 = arith.addi %parallel_loop3A_321, %parallel_loop3A_474 : i32
        %parallel_loop3A_476 = arith.index_cast %parallel_loop3A_475 : i32 to index
        %parallel_loop3A_477 = arith.constant 0 : index
        %parallel_loop3A_478 = tpu.vector_load %arg7[%parallel_loop3A_476, %parallel_loop3A_477] {strides = array<i32>} : memref<800x64xf32, #tpu.memory_space<vmem>>, vector<1x16xf32>,
        %parallel_loop3A_479 = vector.shape_cast %parallel_loop3A_478 : vector<1x16xf32> to vector<16xf32>
        %parallel_loop3A_480 = arith.addf %parallel_loop3A_412, %parallel_loop3A_479 : vector<16xf32>
        %parallel_loop3A_481 = tpu.bitcast %parallel_loop3A_479 : vector<16xf32> -> vector<16xi32>
        %parallel_loop3A_482 = arith.constant 0 : i32
        %parallel_loop3A_483 = vector.broadcast %parallel_loop3A_482 : i32 to vector<16xi32>
        %parallel_loop3A_484 = arith.cmpi ne, %parallel_loop3A_481, %parallel_loop3A_483 : vector<16xi32>
        %parallel_loop3A_485 = arith.constant 1 : i32
        %parallel_loop3A_486 = arith.constant 0 : i32
        %parallel_loop3A_487 = vector.broadcast %parallel_loop3A_485 : i32 to vector<16xi32>
        %parallel_loop3A_488 = vector.broadcast %parallel_loop3A_486 : i32 to vector<16xi32>
        %parallel_loop3A_489 = arith.select %parallel_loop3A_484, %parallel_loop3A_487, %parallel_loop3A_488 : vector<16xi1>, vector<16xi32>
        %parallel_loop3A_490 = arith.addi %parallel_loop3A_422, %parallel_loop3A_489 : vector<16xi32>
        %parallel_loop3A_491 = arith.constant 2 : i32
        %parallel_loop3A_492 = arith.addi %parallel_loop3A_321, %parallel_loop3A_491 : i32
        %parallel_loop3A_493 = arith.index_cast %parallel_loop3A_492 : i32 to index
        %parallel_loop3A_494 = arith.constant 16 : index
        %parallel_loop3A_495 = tpu.vector_load %arg7[%parallel_loop3A_493, %parallel_loop3A_494] {strides = array<i32>} : memref<800x64xf32, #tpu.memory_space<vmem>>, vector<1x16xf32>,
        %parallel_loop3A_496 = vector.shape_cast %parallel_loop3A_495 : vector<1x16xf32> to vector<16xf32>
        %parallel_loop3A_497 = arith.addf %parallel_loop3A_429, %parallel_loop3A_496 : vector<16xf32>
        %parallel_loop3A_498 = tpu.bitcast %parallel_loop3A_496 : vector<16xf32> -> vector<16xi32>
        %parallel_loop3A_499 = arith.constant 0 : i32
        %parallel_loop3A_500 = vector.broadcast %parallel_loop3A_499 : i32 to vector<16xi32>
        %parallel_loop3A_501 = arith.cmpi ne, %parallel_loop3A_498, %parallel_loop3A_500 : vector<16xi32>
        %parallel_loop3A_502 = arith.constant 1 : i32
        %parallel_loop3A_503 = arith.constant 0 : i32
        %parallel_loop3A_504 = vector.broadcast %parallel_loop3A_502 : i32 to vector<16xi32>
        %parallel_loop3A_505 = vector.broadcast %parallel_loop3A_503 : i32 to vector<16xi32>
        %parallel_loop3A_506 = arith.select %parallel_loop3A_501, %parallel_loop3A_504, %parallel_loop3A_505 : vector<16xi1>, vector<16xi32>
        %parallel_loop3A_507 = arith.addi %parallel_loop3A_439, %parallel_loop3A_506 : vector<16xi32>
        %parallel_loop3A_508 = arith.constant 2 : i32
        %parallel_loop3A_509 = arith.addi %parallel_loop3A_321, %parallel_loop3A_508 : i32
        %parallel_loop3A_510 = arith.index_cast %parallel_loop3A_509 : i32 to index
        %parallel_loop3A_511 = arith.constant 32 : index
        %parallel_loop3A_512 = tpu.vector_load %arg7[%parallel_loop3A_510, %parallel_loop3A_511] {strides = array<i32>} : memref<800x64xf32, #tpu.memory_space<vmem>>, vector<1x16xf32>,
        %parallel_loop3A_513 = vector.shape_cast %parallel_loop3A_512 : vector<1x16xf32> to vector<16xf32>
        %parallel_loop3A_514 = arith.addf %parallel_loop3A_446, %parallel_loop3A_513 : vector<16xf32>
        %parallel_loop3A_515 = tpu.bitcast %parallel_loop3A_513 : vector<16xf32> -> vector<16xi32>
        %parallel_loop3A_516 = arith.constant 0 : i32
        %parallel_loop3A_517 = vector.broadcast %parallel_loop3A_516 : i32 to vector<16xi32>
        %parallel_loop3A_518 = arith.cmpi ne, %parallel_loop3A_515, %parallel_loop3A_517 : vector<16xi32>
        %parallel_loop3A_519 = arith.constant 1 : i32
        %parallel_loop3A_520 = arith.constant 0 : i32
        %parallel_loop3A_521 = vector.broadcast %parallel_loop3A_519 : i32 to vector<16xi32>
        %parallel_loop3A_522 = vector.broadcast %parallel_loop3A_520 : i32 to vector<16xi32>
        %parallel_loop3A_523 = arith.select %parallel_loop3A_518, %parallel_loop3A_521, %parallel_loop3A_522 : vector<16xi1>, vector<16xi32>
        %parallel_loop3A_524 = arith.addi %parallel_loop3A_456, %parallel_loop3A_523 : vector<16xi32>
        %parallel_loop3A_525 = arith.constant 2 : i32
        %parallel_loop3A_526 = arith.addi %parallel_loop3A_321, %parallel_loop3A_525 : i32
        %parallel_loop3A_527 = arith.index_cast %parallel_loop3A_526 : i32 to index
        %parallel_loop3A_528 = arith.constant 48 : index
        %parallel_loop3A_529 = tpu.vector_load %arg7[%parallel_loop3A_527, %parallel_loop3A_528] {strides = array<i32>} : memref<800x64xf32, #tpu.memory_space<vmem>>, vector<1x16xf32>,
        %parallel_loop3A_530 = vector.shape_cast %parallel_loop3A_529 : vector<1x16xf32> to vector<16xf32>
        %parallel_loop3A_531 = arith.addf %parallel_loop3A_463, %parallel_loop3A_530 : vector<16xf32>
        %parallel_loop3A_532 = tpu.bitcast %parallel_loop3A_530 : vector<16xf32> -> vector<16xi32>
        %parallel_loop3A_533 = arith.constant 0 : i32
        %parallel_loop3A_534 = vector.broadcast %parallel_loop3A_533 : i32 to vector<16xi32>
        %parallel_loop3A_535 = arith.cmpi ne, %parallel_loop3A_532, %parallel_loop3A_534 : vector<16xi32>
        %parallel_loop3A_536 = arith.constant 1 : i32
        %parallel_loop3A_537 = arith.constant 0 : i32
        %parallel_loop3A_538 = vector.broadcast %parallel_loop3A_536 : i32 to vector<16xi32>
        %parallel_loop3A_539 = vector.broadcast %parallel_loop3A_537 : i32 to vector<16xi32>
        %parallel_loop3A_540 = arith.select %parallel_loop3A_535, %parallel_loop3A_538, %parallel_loop3A_539 : vector<16xi1>, vector<16xi32>
        %parallel_loop3A_541 = arith.addi %parallel_loop3A_473, %parallel_loop3A_540 : vector<16xi32>
        %parallel_loop3A_542 = arith.constant 3 : i32
        %parallel_loop3A_543 = arith.addi %parallel_loop3A_321, %parallel_loop3A_542 : i32
        %parallel_loop3A_544 = arith.index_cast %parallel_loop3A_543 : i32 to index
        %parallel_loop3A_545 = arith.constant 0 : index
        %parallel_loop3A_546 = tpu.vector_load %arg7[%parallel_loop3A_544, %parallel_loop3A_545] {strides = array<i32>} : memref<800x64xf32, #tpu.memory_space<vmem>>, vector<1x16xf32>,
        %parallel_loop3A_547 = vector.shape_cast %parallel_loop3A_546 : vector<1x16xf32> to vector<16xf32>
        %parallel_loop3A_548 = arith.addf %parallel_loop3A_480, %parallel_loop3A_547 : vector<16xf32>
        %parallel_loop3A_549 = tpu.bitcast %parallel_loop3A_547 : vector<16xf32> -> vector<16xi32>
        %parallel_loop3A_550 = arith.constant 0 : i32
        %parallel_loop3A_551 = vector.broadcast %parallel_loop3A_550 : i32 to vector<16xi32>
        %parallel_loop3A_552 = arith.cmpi ne, %parallel_loop3A_549, %parallel_loop3A_551 : vector<16xi32>
        %parallel_loop3A_553 = arith.constant 1 : i32
        %parallel_loop3A_554 = arith.constant 0 : i32
        %parallel_loop3A_555 = vector.broadcast %parallel_loop3A_553 : i32 to vector<16xi32>
        %parallel_loop3A_556 = vector.broadcast %parallel_loop3A_554 : i32 to vector<16xi32>
        %parallel_loop3A_557 = arith.select %parallel_loop3A_552, %parallel_loop3A_555, %parallel_loop3A_556 : vector<16xi1>, vector<16xi32>
        %parallel_loop3A_558 = arith.addi %parallel_loop3A_490, %parallel_loop3A_557 : vector<16xi32>
        %parallel_loop3A_559 = arith.constant 3 : i32
        %parallel_loop3A_560 = arith.addi %parallel_loop3A_321, %parallel_loop3A_559 : i32
        %parallel_loop3A_561 = arith.index_cast %parallel_loop3A_560 : i32 to index
        %parallel_loop3A_562 = arith.constant 16 : index
        %parallel_loop3A_563 = tpu.vector_load %arg7[%parallel_loop3A_561, %parallel_loop3A_562] {strides = array<i32>} : memref<800x64xf32, #tpu.memory_space<vmem>>, vector<1x16xf32>,
        %parallel_loop3A_564 = vector.shape_cast %parallel_loop3A_563 : vector<1x16xf32> to vector<16xf32>
        %parallel_loop3A_565 = arith.addf %parallel_loop3A_497, %parallel_loop3A_564 : vector<16xf32>
        %parallel_loop3A_566 = tpu.bitcast %parallel_loop3A_564 : vector<16xf32> -> vector<16xi32>
        %parallel_loop3A_567 = arith.constant 0 : i32
        %parallel_loop3A_568 = vector.broadcast %parallel_loop3A_567 : i32 to vector<16xi32>
        %parallel_loop3A_569 = arith.cmpi ne, %parallel_loop3A_566, %parallel_loop3A_568 : vector<16xi32>
        %parallel_loop3A_570 = arith.constant 1 : i32
        %parallel_loop3A_571 = arith.constant 0 : i32
        %parallel_loop3A_572 = vector.broadcast %parallel_loop3A_570 : i32 to vector<16xi32>
        %parallel_loop3A_573 = vector.broadcast %parallel_loop3A_571 : i32 to vector<16xi32>
        %parallel_loop3A_574 = arith.select %parallel_loop3A_569, %parallel_loop3A_572, %parallel_loop3A_573 : vector<16xi1>, vector<16xi32>
        %parallel_loop3A_575 = arith.addi %parallel_loop3A_507, %parallel_loop3A_574 : vector<16xi32>
        %parallel_loop3A_576 = arith.constant 3 : i32
        %parallel_loop3A_577 = arith.addi %parallel_loop3A_321, %parallel_loop3A_576 : i32
        %parallel_loop3A_578 = arith.index_cast %parallel_loop3A_577 : i32 to index
        %parallel_loop3A_579 = arith.constant 32 : index
        %parallel_loop3A_580 = tpu.vector_load %arg7[%parallel_loop3A_578, %parallel_loop3A_579] {strides = array<i32>} : memref<800x64xf32, #tpu.memory_space<vmem>>, vector<1x16xf32>,
        %parallel_loop3A_581 = vector.shape_cast %parallel_loop3A_580 : vector<1x16xf32> to vector<16xf32>
        %parallel_loop3A_582 = arith.addf %parallel_loop3A_514, %parallel_loop3A_581 : vector<16xf32>
        %parallel_loop3A_583 = tpu.bitcast %parallel_loop3A_581 : vector<16xf32> -> vector<16xi32>
        %parallel_loop3A_584 = arith.constant 0 : i32
        %parallel_loop3A_585 = vector.broadcast %parallel_loop3A_584 : i32 to vector<16xi32>
        %parallel_loop3A_586 = arith.cmpi ne, %parallel_loop3A_583, %parallel_loop3A_585 : vector<16xi32>
        %parallel_loop3A_587 = arith.constant 1 : i32
        %parallel_loop3A_588 = arith.constant 0 : i32
        %parallel_loop3A_589 = vector.broadcast %parallel_loop3A_587 : i32 to vector<16xi32>
        %parallel_loop3A_590 = vector.broadcast %parallel_loop3A_588 : i32 to vector<16xi32>
        %parallel_loop3A_591 = arith.select %parallel_loop3A_586, %parallel_loop3A_589, %parallel_loop3A_590 : vector<16xi1>, vector<16xi32>
        %parallel_loop3A_592 = arith.addi %parallel_loop3A_524, %parallel_loop3A_591 : vector<16xi32>
        %parallel_loop3A_593 = arith.constant 3 : i32
        %parallel_loop3A_594 = arith.addi %parallel_loop3A_321, %parallel_loop3A_593 : i32
        %parallel_loop3A_595 = arith.index_cast %parallel_loop3A_594 : i32 to index
        %parallel_loop3A_596 = arith.constant 48 : index
        %parallel_loop3A_597 = tpu.vector_load %arg7[%parallel_loop3A_595, %parallel_loop3A_596] {strides = array<i32>} : memref<800x64xf32, #tpu.memory_space<vmem>>, vector<1x16xf32>,
        %parallel_loop3A_598 = vector.shape_cast %parallel_loop3A_597 : vector<1x16xf32> to vector<16xf32>
        %parallel_loop3A_599 = arith.addf %parallel_loop3A_531, %parallel_loop3A_598 : vector<16xf32>
        %parallel_loop3A_600 = tpu.bitcast %parallel_loop3A_598 : vector<16xf32> -> vector<16xi32>
        %parallel_loop3A_601 = arith.constant 0 : i32
        %parallel_loop3A_602 = vector.broadcast %parallel_loop3A_601 : i32 to vector<16xi32>
        %parallel_loop3A_603 = arith.cmpi ne, %parallel_loop3A_600, %parallel_loop3A_602 : vector<16xi32>
        %parallel_loop3A_604 = arith.constant 1 : i32
        %parallel_loop3A_605 = arith.constant 0 : i32
        %parallel_loop3A_606 = vector.broadcast %parallel_loop3A_604 : i32 to vector<16xi32>
        %parallel_loop3A_607 = vector.broadcast %parallel_loop3A_605 : i32 to vector<16xi32>
        %parallel_loop3A_608 = arith.select %parallel_loop3A_603, %parallel_loop3A_606, %parallel_loop3A_607 : vector<16xi1>, vector<16xi32>
        %parallel_loop3A_609 = arith.addi %parallel_loop3A_541, %parallel_loop3A_608 : vector<16xi32>
        %parallel_loop3A_610 = arith.constant 4 : i32
        %parallel_loop3A_611 = arith.addi %parallel_loop3A_321, %parallel_loop3A_610 : i32
        %parallel_loop3A_612 = arith.index_cast %parallel_loop3A_611 : i32 to index
        %parallel_loop3A_613 = arith.constant 0 : index
        %parallel_loop3A_614 = tpu.vector_load %arg7[%parallel_loop3A_612, %parallel_loop3A_613] {strides = array<i32>} : memref<800x64xf32, #tpu.memory_space<vmem>>, vector<1x16xf32>,
        %parallel_loop3A_615 = vector.shape_cast %parallel_loop3A_614 : vector<1x16xf32> to vector<16xf32>
        %parallel_loop3A_616 = arith.addf %parallel_loop3A_548, %parallel_loop3A_615 : vector<16xf32>
        %parallel_loop3A_617 = tpu.bitcast %parallel_loop3A_615 : vector<16xf32> -> vector<16xi32>
        %parallel_loop3A_618 = arith.constant 0 : i32
        %parallel_loop3A_619 = vector.broadcast %parallel_loop3A_618 : i32 to vector<16xi32>
        %parallel_loop3A_620 = arith.cmpi ne, %parallel_loop3A_617, %parallel_loop3A_619 : vector<16xi32>
        %parallel_loop3A_621 = arith.constant 1 : i32
        %parallel_loop3A_622 = arith.constant 0 : i32
        %parallel_loop3A_623 = vector.broadcast %parallel_loop3A_621 : i32 to vector<16xi32>
        %parallel_loop3A_624 = vector.broadcast %parallel_loop3A_622 : i32 to vector<16xi32>
        %parallel_loop3A_625 = arith.select %parallel_loop3A_620, %parallel_loop3A_623, %parallel_loop3A_624 : vector<16xi1>, vector<16xi32>
        %parallel_loop3A_626 = arith.addi %parallel_loop3A_558, %parallel_loop3A_625 : vector<16xi32>
        %parallel_loop3A_627 = arith.constant 4 : i32
        %parallel_loop3A_628 = arith.addi %parallel_loop3A_321, %parallel_loop3A_627 : i32
        %parallel_loop3A_629 = arith.index_cast %parallel_loop3A_628 : i32 to index
        %parallel_loop3A_630 = arith.constant 16 : index
        %parallel_loop3A_631 = tpu.vector_load %arg7[%parallel_loop3A_629, %parallel_loop3A_630] {strides = array<i32>} : memref<800x64xf32, #tpu.memory_space<vmem>>, vector<1x16xf32>,
        %parallel_loop3A_632 = vector.shape_cast %parallel_loop3A_631 : vector<1x16xf32> to vector<16xf32>
        %parallel_loop3A_633 = arith.addf %parallel_loop3A_565, %parallel_loop3A_632 : vector<16xf32>
        %parallel_loop3A_634 = tpu.bitcast %parallel_loop3A_632 : vector<16xf32> -> vector<16xi32>
        %parallel_loop3A_635 = arith.constant 0 : i32
        %parallel_loop3A_636 = vector.broadcast %parallel_loop3A_635 : i32 to vector<16xi32>
        %parallel_loop3A_637 = arith.cmpi ne, %parallel_loop3A_634, %parallel_loop3A_636 : vector<16xi32>
        %parallel_loop3A_638 = arith.constant 1 : i32
        %parallel_loop3A_639 = arith.constant 0 : i32
        %parallel_loop3A_640 = vector.broadcast %parallel_loop3A_638 : i32 to vector<16xi32>
        %parallel_loop3A_641 = vector.broadcast %parallel_loop3A_639 : i32 to vector<16xi32>
        %parallel_loop3A_642 = arith.select %parallel_loop3A_637, %parallel_loop3A_640, %parallel_loop3A_641 : vector<16xi1>, vector<16xi32>
        %parallel_loop3A_643 = arith.addi %parallel_loop3A_575, %parallel_loop3A_642 : vector<16xi32>
        %parallel_loop3A_644 = arith.constant 4 : i32
        %parallel_loop3A_645 = arith.addi %parallel_loop3A_321, %parallel_loop3A_644 : i32
        %parallel_loop3A_646 = arith.index_cast %parallel_loop3A_645 : i32 to index
        %parallel_loop3A_647 = arith.constant 32 : index
        %parallel_loop3A_648 = tpu.vector_load %arg7[%parallel_loop3A_646, %parallel_loop3A_647] {strides = array<i32>} : memref<800x64xf32, #tpu.memory_space<vmem>>, vector<1x16xf32>,
        %parallel_loop3A_649 = vector.shape_cast %parallel_loop3A_648 : vector<1x16xf32> to vector<16xf32>
        %parallel_loop3A_650 = arith.addf %parallel_loop3A_582, %parallel_loop3A_649 : vector<16xf32>
        %parallel_loop3A_651 = tpu.bitcast %parallel_loop3A_649 : vector<16xf32> -> vector<16xi32>
        %parallel_loop3A_652 = arith.constant 0 : i32
        %parallel_loop3A_653 = vector.broadcast %parallel_loop3A_652 : i32 to vector<16xi32>
        %parallel_loop3A_654 = arith.cmpi ne, %parallel_loop3A_651, %parallel_loop3A_653 : vector<16xi32>
        %parallel_loop3A_655 = arith.constant 1 : i32
        %parallel_loop3A_656 = arith.constant 0 : i32
        %parallel_loop3A_657 = vector.broadcast %parallel_loop3A_655 : i32 to vector<16xi32>
        %parallel_loop3A_658 = vector.broadcast %parallel_loop3A_656 : i32 to vector<16xi32>
        %parallel_loop3A_659 = arith.select %parallel_loop3A_654, %parallel_loop3A_657, %parallel_loop3A_658 : vector<16xi1>, vector<16xi32>
        %parallel_loop3A_660 = arith.addi %parallel_loop3A_592, %parallel_loop3A_659 : vector<16xi32>
        %parallel_loop3A_661 = arith.constant 4 : i32
        %parallel_loop3A_662 = arith.addi %parallel_loop3A_321, %parallel_loop3A_661 : i32
        %parallel_loop3A_663 = arith.index_cast %parallel_loop3A_662 : i32 to index
        %parallel_loop3A_664 = arith.constant 48 : index
        %parallel_loop3A_665 = tpu.vector_load %arg7[%parallel_loop3A_663, %parallel_loop3A_664] {strides = array<i32>} : memref<800x64xf32, #tpu.memory_space<vmem>>, vector<1x16xf32>,
        %parallel_loop3A_666 = vector.shape_cast %parallel_loop3A_665 : vector<1x16xf32> to vector<16xf32>
        %parallel_loop3A_667 = arith.addf %parallel_loop3A_599, %parallel_loop3A_666 : vector<16xf32>
        %parallel_loop3A_668 = tpu.bitcast %parallel_loop3A_666 : vector<16xf32> -> vector<16xi32>
        %parallel_loop3A_669 = arith.constant 0 : i32
        %parallel_loop3A_670 = vector.broadcast %parallel_loop3A_669 : i32 to vector<16xi32>
        %parallel_loop3A_671 = arith.cmpi ne, %parallel_loop3A_668, %parallel_loop3A_670 : vector<16xi32>
        %parallel_loop3A_672 = arith.constant 1 : i32
        %parallel_loop3A_673 = arith.constant 0 : i32
        %parallel_loop3A_674 = vector.broadcast %parallel_loop3A_672 : i32 to vector<16xi32>
        %parallel_loop3A_675 = vector.broadcast %parallel_loop3A_673 : i32 to vector<16xi32>
        %parallel_loop3A_676 = arith.select %parallel_loop3A_671, %parallel_loop3A_674, %parallel_loop3A_675 : vector<16xi1>, vector<16xi32>
        %parallel_loop3A_677 = arith.addi %parallel_loop3A_609, %parallel_loop3A_676 : vector<16xi32>
        %parallel_loop3A_678 = arith.constant 5 : i32
        %parallel_loop3A_679 = arith.addi %parallel_loop3A_321, %parallel_loop3A_678 : i32
        %parallel_loop3A_680 = arith.index_cast %parallel_loop3A_679 : i32 to index
        %parallel_loop3A_681 = arith.constant 0 : index
        %parallel_loop3A_682 = tpu.vector_load %arg7[%parallel_loop3A_680, %parallel_loop3A_681] {strides = array<i32>} : memref<800x64xf32, #tpu.memory_space<vmem>>, vector<1x16xf32>,
        %parallel_loop3A_683 = vector.shape_cast %parallel_loop3A_682 : vector<1x16xf32> to vector<16xf32>
        %parallel_loop3A_684 = arith.addf %parallel_loop3A_616, %parallel_loop3A_683 : vector<16xf32>
        %parallel_loop3A_685 = tpu.bitcast %parallel_loop3A_683 : vector<16xf32> -> vector<16xi32>
        %parallel_loop3A_686 = arith.constant 0 : i32
        %parallel_loop3A_687 = vector.broadcast %parallel_loop3A_686 : i32 to vector<16xi32>
        %parallel_loop3A_688 = arith.cmpi ne, %parallel_loop3A_685, %parallel_loop3A_687 : vector<16xi32>
        %parallel_loop3A_689 = arith.constant 1 : i32
        %parallel_loop3A_690 = arith.constant 0 : i32
        %parallel_loop3A_691 = vector.broadcast %parallel_loop3A_689 : i32 to vector<16xi32>
        %parallel_loop3A_692 = vector.broadcast %parallel_loop3A_690 : i32 to vector<16xi32>
        %parallel_loop3A_693 = arith.select %parallel_loop3A_688, %parallel_loop3A_691, %parallel_loop3A_692 : vector<16xi1>, vector<16xi32>
        %parallel_loop3A_694 = arith.addi %parallel_loop3A_626, %parallel_loop3A_693 : vector<16xi32>
        %parallel_loop3A_695 = arith.constant 5 : i32
        %parallel_loop3A_696 = arith.addi %parallel_loop3A_321, %parallel_loop3A_695 : i32
        %parallel_loop3A_697 = arith.index_cast %parallel_loop3A_696 : i32 to index
        %parallel_loop3A_698 = arith.constant 16 : index
        %parallel_loop3A_699 = tpu.vector_load %arg7[%parallel_loop3A_697, %parallel_loop3A_698] {strides = array<i32>} : memref<800x64xf32, #tpu.memory_space<vmem>>, vector<1x16xf32>,
        %parallel_loop3A_700 = vector.shape_cast %parallel_loop3A_699 : vector<1x16xf32> to vector<16xf32>
        %parallel_loop3A_701 = arith.addf %parallel_loop3A_633, %parallel_loop3A_700 : vector<16xf32>
        %parallel_loop3A_702 = tpu.bitcast %parallel_loop3A_700 : vector<16xf32> -> vector<16xi32>
        %parallel_loop3A_703 = arith.constant 0 : i32
        %parallel_loop3A_704 = vector.broadcast %parallel_loop3A_703 : i32 to vector<16xi32>
        %parallel_loop3A_705 = arith.cmpi ne, %parallel_loop3A_702, %parallel_loop3A_704 : vector<16xi32>
        %parallel_loop3A_706 = arith.constant 1 : i32
        %parallel_loop3A_707 = arith.constant 0 : i32
        %parallel_loop3A_708 = vector.broadcast %parallel_loop3A_706 : i32 to vector<16xi32>
        %parallel_loop3A_709 = vector.broadcast %parallel_loop3A_707 : i32 to vector<16xi32>
        %parallel_loop3A_710 = arith.select %parallel_loop3A_705, %parallel_loop3A_708, %parallel_loop3A_709 : vector<16xi1>, vector<16xi32>
        %parallel_loop3A_711 = arith.addi %parallel_loop3A_643, %parallel_loop3A_710 : vector<16xi32>
        %parallel_loop3A_712 = arith.constant 5 : i32
        %parallel_loop3A_713 = arith.addi %parallel_loop3A_321, %parallel_loop3A_712 : i32
        %parallel_loop3A_714 = arith.index_cast %parallel_loop3A_713 : i32 to index
        %parallel_loop3A_715 = arith.constant 32 : index
        %parallel_loop3A_716 = tpu.vector_load %arg7[%parallel_loop3A_714, %parallel_loop3A_715] {strides = array<i32>} : memref<800x64xf32, #tpu.memory_space<vmem>>, vector<1x16xf32>,
        %parallel_loop3A_717 = vector.shape_cast %parallel_loop3A_716 : vector<1x16xf32> to vector<16xf32>
        %parallel_loop3A_718 = arith.addf %parallel_loop3A_650, %parallel_loop3A_717 : vector<16xf32>
        %parallel_loop3A_719 = tpu.bitcast %parallel_loop3A_717 : vector<16xf32> -> vector<16xi32>
        %parallel_loop3A_720 = arith.constant 0 : i32
        %parallel_loop3A_721 = vector.broadcast %parallel_loop3A_720 : i32 to vector<16xi32>
        %parallel_loop3A_722 = arith.cmpi ne, %parallel_loop3A_719, %parallel_loop3A_721 : vector<16xi32>
        %parallel_loop3A_723 = arith.constant 1 : i32
        %parallel_loop3A_724 = arith.constant 0 : i32
        %parallel_loop3A_725 = vector.broadcast %parallel_loop3A_723 : i32 to vector<16xi32>
        %parallel_loop3A_726 = vector.broadcast %parallel_loop3A_724 : i32 to vector<16xi32>
        %parallel_loop3A_727 = arith.select %parallel_loop3A_722, %parallel_loop3A_725, %parallel_loop3A_726 : vector<16xi1>, vector<16xi32>
        %parallel_loop3A_728 = arith.addi %parallel_loop3A_660, %parallel_loop3A_727 : vector<16xi32>
        %parallel_loop3A_729 = arith.constant 5 : i32
        %parallel_loop3A_730 = arith.addi %parallel_loop3A_321, %parallel_loop3A_729 : i32
        %parallel_loop3A_731 = arith.index_cast %parallel_loop3A_730 : i32 to index
        %parallel_loop3A_732 = arith.constant 48 : index
        %parallel_loop3A_733 = tpu.vector_load %arg7[%parallel_loop3A_731, %parallel_loop3A_732] {strides = array<i32>} : memref<800x64xf32, #tpu.memory_space<vmem>>, vector<1x16xf32>,
        %parallel_loop3A_734 = vector.shape_cast %parallel_loop3A_733 : vector<1x16xf32> to vector<16xf32>
        %parallel_loop3A_735 = arith.addf %parallel_loop3A_667, %parallel_loop3A_734 : vector<16xf32>
        %parallel_loop3A_736 = tpu.bitcast %parallel_loop3A_734 : vector<16xf32> -> vector<16xi32>
        %parallel_loop3A_737 = arith.constant 0 : i32
        %parallel_loop3A_738 = vector.broadcast %parallel_loop3A_737 : i32 to vector<16xi32>
        %parallel_loop3A_739 = arith.cmpi ne, %parallel_loop3A_736, %parallel_loop3A_738 : vector<16xi32>
        %parallel_loop3A_740 = arith.constant 1 : i32
        %parallel_loop3A_741 = arith.constant 0 : i32
        %parallel_loop3A_742 = vector.broadcast %parallel_loop3A_740 : i32 to vector<16xi32>
        %parallel_loop3A_743 = vector.broadcast %parallel_loop3A_741 : i32 to vector<16xi32>
        %parallel_loop3A_744 = arith.select %parallel_loop3A_739, %parallel_loop3A_742, %parallel_loop3A_743 : vector<16xi1>, vector<16xi32>
        %parallel_loop3A_745 = arith.addi %parallel_loop3A_677, %parallel_loop3A_744 : vector<16xi32>
        %parallel_loop3A_746 = arith.constant 6 : i32
        %parallel_loop3A_747 = arith.addi %parallel_loop3A_321, %parallel_loop3A_746 : i32
        %parallel_loop3A_748 = arith.index_cast %parallel_loop3A_747 : i32 to index
        %parallel_loop3A_749 = arith.constant 0 : index
        %parallel_loop3A_750 = tpu.vector_load %arg7[%parallel_loop3A_748, %parallel_loop3A_749] {strides = array<i32>} : memref<800x64xf32, #tpu.memory_space<vmem>>, vector<1x16xf32>,
        %parallel_loop3A_751 = vector.shape_cast %parallel_loop3A_750 : vector<1x16xf32> to vector<16xf32>
        %parallel_loop3A_752 = arith.addf %parallel_loop3A_684, %parallel_loop3A_751 : vector<16xf32>
        %parallel_loop3A_753 = tpu.bitcast %parallel_loop3A_751 : vector<16xf32> -> vector<16xi32>
        %parallel_loop3A_754 = arith.constant 0 : i32
        %parallel_loop3A_755 = vector.broadcast %parallel_loop3A_754 : i32 to vector<16xi32>
        %parallel_loop3A_756 = arith.cmpi ne, %parallel_loop3A_753, %parallel_loop3A_755 : vector<16xi32>
        %parallel_loop3A_757 = arith.constant 1 : i32
        %parallel_loop3A_758 = arith.constant 0 : i32
        %parallel_loop3A_759 = vector.broadcast %parallel_loop3A_757 : i32 to vector<16xi32>
        %parallel_loop3A_760 = vector.broadcast %parallel_loop3A_758 : i32 to vector<16xi32>
        %parallel_loop3A_761 = arith.select %parallel_loop3A_756, %parallel_loop3A_759, %parallel_loop3A_760 : vector<16xi1>, vector<16xi32>
        %parallel_loop3A_762 = arith.addi %parallel_loop3A_694, %parallel_loop3A_761 : vector<16xi32>
        %parallel_loop3A_763 = arith.constant 6 : i32
        %parallel_loop3A_764 = arith.addi %parallel_loop3A_321, %parallel_loop3A_763 : i32
        %parallel_loop3A_765 = arith.index_cast %parallel_loop3A_764 : i32 to index
        %parallel_loop3A_766 = arith.constant 16 : index
        %parallel_loop3A_767 = tpu.vector_load %arg7[%parallel_loop3A_765, %parallel_loop3A_766] {strides = array<i32>} : memref<800x64xf32, #tpu.memory_space<vmem>>, vector<1x16xf32>,
        %parallel_loop3A_768 = vector.shape_cast %parallel_loop3A_767 : vector<1x16xf32> to vector<16xf32>
        %parallel_loop3A_769 = arith.addf %parallel_loop3A_701, %parallel_loop3A_768 : vector<16xf32>
        %parallel_loop3A_770 = tpu.bitcast %parallel_loop3A_768 : vector<16xf32> -> vector<16xi32>
        %parallel_loop3A_771 = arith.constant 0 : i32
        %parallel_loop3A_772 = vector.broadcast %parallel_loop3A_771 : i32 to vector<16xi32>
        %parallel_loop3A_773 = arith.cmpi ne, %parallel_loop3A_770, %parallel_loop3A_772 : vector<16xi32>
        %parallel_loop3A_774 = arith.constant 1 : i32
        %parallel_loop3A_775 = arith.constant 0 : i32
        %parallel_loop3A_776 = vector.broadcast %parallel_loop3A_774 : i32 to vector<16xi32>
        %parallel_loop3A_777 = vector.broadcast %parallel_loop3A_775 : i32 to vector<16xi32>
        %parallel_loop3A_778 = arith.select %parallel_loop3A_773, %parallel_loop3A_776, %parallel_loop3A_777 : vector<16xi1>, vector<16xi32>
        %parallel_loop3A_779 = arith.addi %parallel_loop3A_711, %parallel_loop3A_778 : vector<16xi32>
        %parallel_loop3A_780 = arith.constant 6 : i32
        %parallel_loop3A_781 = arith.addi %parallel_loop3A_321, %parallel_loop3A_780 : i32
        %parallel_loop3A_782 = arith.index_cast %parallel_loop3A_781 : i32 to index
        %parallel_loop3A_783 = arith.constant 32 : index
        %parallel_loop3A_784 = tpu.vector_load %arg7[%parallel_loop3A_782, %parallel_loop3A_783] {strides = array<i32>} : memref<800x64xf32, #tpu.memory_space<vmem>>, vector<1x16xf32>,
        %parallel_loop3A_785 = vector.shape_cast %parallel_loop3A_784 : vector<1x16xf32> to vector<16xf32>
        %parallel_loop3A_786 = arith.addf %parallel_loop3A_718, %parallel_loop3A_785 : vector<16xf32>
        %parallel_loop3A_787 = tpu.bitcast %parallel_loop3A_785 : vector<16xf32> -> vector<16xi32>
        %parallel_loop3A_788 = arith.constant 0 : i32
        %parallel_loop3A_789 = vector.broadcast %parallel_loop3A_788 : i32 to vector<16xi32>
        %parallel_loop3A_790 = arith.cmpi ne, %parallel_loop3A_787, %parallel_loop3A_789 : vector<16xi32>
        %parallel_loop3A_791 = arith.constant 1 : i32
        %parallel_loop3A_792 = arith.constant 0 : i32
        %parallel_loop3A_793 = vector.broadcast %parallel_loop3A_791 : i32 to vector<16xi32>
        %parallel_loop3A_794 = vector.broadcast %parallel_loop3A_792 : i32 to vector<16xi32>
        %parallel_loop3A_795 = arith.select %parallel_loop3A_790, %parallel_loop3A_793, %parallel_loop3A_794 : vector<16xi1>, vector<16xi32>
        %parallel_loop3A_796 = arith.addi %parallel_loop3A_728, %parallel_loop3A_795 : vector<16xi32>
        %parallel_loop3A_797 = arith.constant 6 : i32
        %parallel_loop3A_798 = arith.addi %parallel_loop3A_321, %parallel_loop3A_797 : i32
        %parallel_loop3A_799 = arith.index_cast %parallel_loop3A_798 : i32 to index
        %parallel_loop3A_800 = arith.constant 48 : index
        %parallel_loop3A_801 = tpu.vector_load %arg7[%parallel_loop3A_799, %parallel_loop3A_800] {strides = array<i32>} : memref<800x64xf32, #tpu.memory_space<vmem>>, vector<1x16xf32>,
        %parallel_loop3A_802 = vector.shape_cast %parallel_loop3A_801 : vector<1x16xf32> to vector<16xf32>
        %parallel_loop3A_803 = arith.addf %parallel_loop3A_735, %parallel_loop3A_802 : vector<16xf32>
        %parallel_loop3A_804 = tpu.bitcast %parallel_loop3A_802 : vector<16xf32> -> vector<16xi32>
        %parallel_loop3A_805 = arith.constant 0 : i32
        %parallel_loop3A_806 = vector.broadcast %parallel_loop3A_805 : i32 to vector<16xi32>
        %parallel_loop3A_807 = arith.cmpi ne, %parallel_loop3A_804, %parallel_loop3A_806 : vector<16xi32>
        %parallel_loop3A_808 = arith.constant 1 : i32
        %parallel_loop3A_809 = arith.constant 0 : i32
        %parallel_loop3A_810 = vector.broadcast %parallel_loop3A_808 : i32 to vector<16xi32>
        %parallel_loop3A_811 = vector.broadcast %parallel_loop3A_809 : i32 to vector<16xi32>
        %parallel_loop3A_812 = arith.select %parallel_loop3A_807, %parallel_loop3A_810, %parallel_loop3A_811 : vector<16xi1>, vector<16xi32>
        %parallel_loop3A_813 = arith.addi %parallel_loop3A_745, %parallel_loop3A_812 : vector<16xi32>
        %parallel_loop3A_814 = arith.constant 7 : i32
        %parallel_loop3A_815 = arith.addi %parallel_loop3A_321, %parallel_loop3A_814 : i32
        %parallel_loop3A_816 = arith.index_cast %parallel_loop3A_815 : i32 to index
        %parallel_loop3A_817 = arith.constant 0 : index
        %parallel_loop3A_818 = tpu.vector_load %arg7[%parallel_loop3A_816, %parallel_loop3A_817] {strides = array<i32>} : memref<800x64xf32, #tpu.memory_space<vmem>>, vector<1x16xf32>,
        %parallel_loop3A_819 = vector.shape_cast %parallel_loop3A_818 : vector<1x16xf32> to vector<16xf32>
        %parallel_loop3A_820 = arith.addf %parallel_loop3A_752, %parallel_loop3A_819 : vector<16xf32>
        %parallel_loop3A_821 = tpu.bitcast %parallel_loop3A_819 : vector<16xf32> -> vector<16xi32>
        %parallel_loop3A_822 = arith.constant 0 : i32
        %parallel_loop3A_823 = vector.broadcast %parallel_loop3A_822 : i32 to vector<16xi32>
        %parallel_loop3A_824 = arith.cmpi ne, %parallel_loop3A_821, %parallel_loop3A_823 : vector<16xi32>
        %parallel_loop3A_825 = arith.constant 1 : i32
        %parallel_loop3A_826 = arith.constant 0 : i32
        %parallel_loop3A_827 = vector.broadcast %parallel_loop3A_825 : i32 to vector<16xi32>
        %parallel_loop3A_828 = vector.broadcast %parallel_loop3A_826 : i32 to vector<16xi32>
        %parallel_loop3A_829 = arith.select %parallel_loop3A_824, %parallel_loop3A_827, %parallel_loop3A_828 : vector<16xi1>, vector<16xi32>
        %parallel_loop3A_830 = arith.addi %parallel_loop3A_762, %parallel_loop3A_829 : vector<16xi32>
        %parallel_loop3A_831 = arith.constant 7 : i32
        %parallel_loop3A_832 = arith.addi %parallel_loop3A_321, %parallel_loop3A_831 : i32
        %parallel_loop3A_833 = arith.index_cast %parallel_loop3A_832 : i32 to index
        %parallel_loop3A_834 = arith.constant 16 : index
        %parallel_loop3A_835 = tpu.vector_load %arg7[%parallel_loop3A_833, %parallel_loop3A_834] {strides = array<i32>} : memref<800x64xf32, #tpu.memory_space<vmem>>, vector<1x16xf32>,
        %parallel_loop3A_836 = vector.shape_cast %parallel_loop3A_835 : vector<1x16xf32> to vector<16xf32>
        %parallel_loop3A_837 = arith.addf %parallel_loop3A_769, %parallel_loop3A_836 : vector<16xf32>
        %parallel_loop3A_838 = tpu.bitcast %parallel_loop3A_836 : vector<16xf32> -> vector<16xi32>
        %parallel_loop3A_839 = arith.constant 0 : i32
        %parallel_loop3A_840 = vector.broadcast %parallel_loop3A_839 : i32 to vector<16xi32>
        %parallel_loop3A_841 = arith.cmpi ne, %parallel_loop3A_838, %parallel_loop3A_840 : vector<16xi32>
        %parallel_loop3A_842 = arith.constant 1 : i32
        %parallel_loop3A_843 = arith.constant 0 : i32
        %parallel_loop3A_844 = vector.broadcast %parallel_loop3A_842 : i32 to vector<16xi32>
        %parallel_loop3A_845 = vector.broadcast %parallel_loop3A_843 : i32 to vector<16xi32>
        %parallel_loop3A_846 = arith.select %parallel_loop3A_841, %parallel_loop3A_844, %parallel_loop3A_845 : vector<16xi1>, vector<16xi32>
        %parallel_loop3A_847 = arith.addi %parallel_loop3A_779, %parallel_loop3A_846 : vector<16xi32>
        %parallel_loop3A_848 = arith.constant 7 : i32
        %parallel_loop3A_849 = arith.addi %parallel_loop3A_321, %parallel_loop3A_848 : i32
        %parallel_loop3A_850 = arith.index_cast %parallel_loop3A_849 : i32 to index
        %parallel_loop3A_851 = arith.constant 32 : index
        %parallel_loop3A_852 = tpu.vector_load %arg7[%parallel_loop3A_850, %parallel_loop3A_851] {strides = array<i32>} : memref<800x64xf32, #tpu.memory_space<vmem>>, vector<1x16xf32>,
        %parallel_loop3A_853 = vector.shape_cast %parallel_loop3A_852 : vector<1x16xf32> to vector<16xf32>
        %parallel_loop3A_854 = arith.addf %parallel_loop3A_786, %parallel_loop3A_853 : vector<16xf32>
        %parallel_loop3A_855 = tpu.bitcast %parallel_loop3A_853 : vector<16xf32> -> vector<16xi32>
        %parallel_loop3A_856 = arith.constant 0 : i32
        %parallel_loop3A_857 = vector.broadcast %parallel_loop3A_856 : i32 to vector<16xi32>
        %parallel_loop3A_858 = arith.cmpi ne, %parallel_loop3A_855, %parallel_loop3A_857 : vector<16xi32>
        %parallel_loop3A_859 = arith.constant 1 : i32
        %parallel_loop3A_860 = arith.constant 0 : i32
        %parallel_loop3A_861 = vector.broadcast %parallel_loop3A_859 : i32 to vector<16xi32>
        %parallel_loop3A_862 = vector.broadcast %parallel_loop3A_860 : i32 to vector<16xi32>
        %parallel_loop3A_863 = arith.select %parallel_loop3A_858, %parallel_loop3A_861, %parallel_loop3A_862 : vector<16xi1>, vector<16xi32>
        %parallel_loop3A_864 = arith.addi %parallel_loop3A_796, %parallel_loop3A_863 : vector<16xi32>
        %parallel_loop3A_865 = arith.constant 7 : i32
        %parallel_loop3A_866 = arith.addi %parallel_loop3A_321, %parallel_loop3A_865 : i32
        %parallel_loop3A_867 = arith.index_cast %parallel_loop3A_866 : i32 to index
        %parallel_loop3A_868 = arith.constant 48 : index
        %parallel_loop3A_869 = tpu.vector_load %arg7[%parallel_loop3A_867, %parallel_loop3A_868] {strides = array<i32>} : memref<800x64xf32, #tpu.memory_space<vmem>>, vector<1x16xf32>,
        %parallel_loop3A_870 = vector.shape_cast %parallel_loop3A_869 : vector<1x16xf32> to vector<16xf32>
        %parallel_loop3A_871 = arith.addf %parallel_loop3A_803, %parallel_loop3A_870 : vector<16xf32>
        %parallel_loop3A_872 = tpu.bitcast %parallel_loop3A_870 : vector<16xf32> -> vector<16xi32>
        %parallel_loop3A_873 = arith.constant 0 : i32
        %parallel_loop3A_874 = vector.broadcast %parallel_loop3A_873 : i32 to vector<16xi32>
        %parallel_loop3A_875 = arith.cmpi ne, %parallel_loop3A_872, %parallel_loop3A_874 : vector<16xi32>
        %parallel_loop3A_876 = arith.constant 1 : i32
        %parallel_loop3A_877 = arith.constant 0 : i32
        %parallel_loop3A_878 = vector.broadcast %parallel_loop3A_876 : i32 to vector<16xi32>
        %parallel_loop3A_879 = vector.broadcast %parallel_loop3A_877 : i32 to vector<16xi32>
        %parallel_loop3A_880 = arith.select %parallel_loop3A_875, %parallel_loop3A_878, %parallel_loop3A_879 : vector<16xi1>, vector<16xi32>
        %parallel_loop3A_881 = arith.addi %parallel_loop3A_813, %parallel_loop3A_880 : vector<16xi32>
        %parallel_loop3A_882 = arith.constant 8 : i32
        %parallel_loop3A_883 = arith.addi %parallel_loop3A_321, %parallel_loop3A_882 : i32
        %parallel_loop3A_884 = arith.index_cast %parallel_loop3A_883 : i32 to index
        %parallel_loop3A_885 = arith.constant 0 : index
        %parallel_loop3A_886 = tpu.vector_load %arg7[%parallel_loop3A_884, %parallel_loop3A_885] {strides = array<i32>} : memref<800x64xf32, #tpu.memory_space<vmem>>, vector<1x16xf32>,
        %parallel_loop3A_887 = vector.shape_cast %parallel_loop3A_886 : vector<1x16xf32> to vector<16xf32>
        %parallel_loop3A_888 = arith.addf %parallel_loop3A_820, %parallel_loop3A_887 : vector<16xf32>
        %parallel_loop3A_889 = tpu.bitcast %parallel_loop3A_887 : vector<16xf32> -> vector<16xi32>
        %parallel_loop3A_890 = arith.constant 0 : i32
        %parallel_loop3A_891 = vector.broadcast %parallel_loop3A_890 : i32 to vector<16xi32>
        %parallel_loop3A_892 = arith.cmpi ne, %parallel_loop3A_889, %parallel_loop3A_891 : vector<16xi32>
        %parallel_loop3A_893 = arith.constant 1 : i32
        %parallel_loop3A_894 = arith.constant 0 : i32
        %parallel_loop3A_895 = vector.broadcast %parallel_loop3A_893 : i32 to vector<16xi32>
        %parallel_loop3A_896 = vector.broadcast %parallel_loop3A_894 : i32 to vector<16xi32>
        %parallel_loop3A_897 = arith.select %parallel_loop3A_892, %parallel_loop3A_895, %parallel_loop3A_896 : vector<16xi1>, vector<16xi32>
        %parallel_loop3A_898 = arith.addi %parallel_loop3A_830, %parallel_loop3A_897 : vector<16xi32>
        %parallel_loop3A_899 = arith.constant 8 : i32
        %parallel_loop3A_900 = arith.addi %parallel_loop3A_321, %parallel_loop3A_899 : i32
        %parallel_loop3A_901 = arith.index_cast %parallel_loop3A_900 : i32 to index
        %parallel_loop3A_902 = arith.constant 16 : index
        %parallel_loop3A_903 = tpu.vector_load %arg7[%parallel_loop3A_901, %parallel_loop3A_902] {strides = array<i32>} : memref<800x64xf32, #tpu.memory_space<vmem>>, vector<1x16xf32>,
        %parallel_loop3A_904 = vector.shape_cast %parallel_loop3A_903 : vector<1x16xf32> to vector<16xf32>
        %parallel_loop3A_905 = arith.addf %parallel_loop3A_837, %parallel_loop3A_904 : vector<16xf32>
        %parallel_loop3A_906 = tpu.bitcast %parallel_loop3A_904 : vector<16xf32> -> vector<16xi32>
        %parallel_loop3A_907 = arith.constant 0 : i32
        %parallel_loop3A_908 = vector.broadcast %parallel_loop3A_907 : i32 to vector<16xi32>
        %parallel_loop3A_909 = arith.cmpi ne, %parallel_loop3A_906, %parallel_loop3A_908 : vector<16xi32>
        %parallel_loop3A_910 = arith.constant 1 : i32
        %parallel_loop3A_911 = arith.constant 0 : i32
        %parallel_loop3A_912 = vector.broadcast %parallel_loop3A_910 : i32 to vector<16xi32>
        %parallel_loop3A_913 = vector.broadcast %parallel_loop3A_911 : i32 to vector<16xi32>
        %parallel_loop3A_914 = arith.select %parallel_loop3A_909, %parallel_loop3A_912, %parallel_loop3A_913 : vector<16xi1>, vector<16xi32>
        %parallel_loop3A_915 = arith.addi %parallel_loop3A_847, %parallel_loop3A_914 : vector<16xi32>
        %parallel_loop3A_916 = arith.constant 8 : i32
        %parallel_loop3A_917 = arith.addi %parallel_loop3A_321, %parallel_loop3A_916 : i32
        %parallel_loop3A_918 = arith.index_cast %parallel_loop3A_917 : i32 to index
        %parallel_loop3A_919 = arith.constant 32 : index
        %parallel_loop3A_920 = tpu.vector_load %arg7[%parallel_loop3A_918, %parallel_loop3A_919] {strides = array<i32>} : memref<800x64xf32, #tpu.memory_space<vmem>>, vector<1x16xf32>,
        %parallel_loop3A_921 = vector.shape_cast %parallel_loop3A_920 : vector<1x16xf32> to vector<16xf32>
        %parallel_loop3A_922 = arith.addf %parallel_loop3A_854, %parallel_loop3A_921 : vector<16xf32>
        %parallel_loop3A_923 = tpu.bitcast %parallel_loop3A_921 : vector<16xf32> -> vector<16xi32>
        %parallel_loop3A_924 = arith.constant 0 : i32
        %parallel_loop3A_925 = vector.broadcast %parallel_loop3A_924 : i32 to vector<16xi32>
        %parallel_loop3A_926 = arith.cmpi ne, %parallel_loop3A_923, %parallel_loop3A_925 : vector<16xi32>
        %parallel_loop3A_927 = arith.constant 1 : i32
        %parallel_loop3A_928 = arith.constant 0 : i32
        %parallel_loop3A_929 = vector.broadcast %parallel_loop3A_927 : i32 to vector<16xi32>
        %parallel_loop3A_930 = vector.broadcast %parallel_loop3A_928 : i32 to vector<16xi32>
        %parallel_loop3A_931 = arith.select %parallel_loop3A_926, %parallel_loop3A_929, %parallel_loop3A_930 : vector<16xi1>, vector<16xi32>
        %parallel_loop3A_932 = arith.addi %parallel_loop3A_864, %parallel_loop3A_931 : vector<16xi32>
        %parallel_loop3A_933 = arith.constant 8 : i32
        %parallel_loop3A_934 = arith.addi %parallel_loop3A_321, %parallel_loop3A_933 : i32
        %parallel_loop3A_935 = arith.index_cast %parallel_loop3A_934 : i32 to index
        %parallel_loop3A_936 = arith.constant 48 : index
        %parallel_loop3A_937 = tpu.vector_load %arg7[%parallel_loop3A_935, %parallel_loop3A_936] {strides = array<i32>} : memref<800x64xf32, #tpu.memory_space<vmem>>, vector<1x16xf32>,
        %parallel_loop3A_938 = vector.shape_cast %parallel_loop3A_937 : vector<1x16xf32> to vector<16xf32>
        %parallel_loop3A_939 = arith.addf %parallel_loop3A_871, %parallel_loop3A_938 : vector<16xf32>
        %parallel_loop3A_940 = tpu.bitcast %parallel_loop3A_938 : vector<16xf32> -> vector<16xi32>
        %parallel_loop3A_941 = arith.constant 0 : i32
        %parallel_loop3A_942 = vector.broadcast %parallel_loop3A_941 : i32 to vector<16xi32>
        %parallel_loop3A_943 = arith.cmpi ne, %parallel_loop3A_940, %parallel_loop3A_942 : vector<16xi32>
        %parallel_loop3A_944 = arith.constant 1 : i32
        %parallel_loop3A_945 = arith.constant 0 : i32
        %parallel_loop3A_946 = vector.broadcast %parallel_loop3A_944 : i32 to vector<16xi32>
        %parallel_loop3A_947 = vector.broadcast %parallel_loop3A_945 : i32 to vector<16xi32>
        %parallel_loop3A_948 = arith.select %parallel_loop3A_943, %parallel_loop3A_946, %parallel_loop3A_947 : vector<16xi1>, vector<16xi32>
        %parallel_loop3A_949 = arith.addi %parallel_loop3A_881, %parallel_loop3A_948 : vector<16xi32>
        %parallel_loop3A_950 = arith.constant 9 : i32
        %parallel_loop3A_951 = arith.addi %parallel_loop3A_321, %parallel_loop3A_950 : i32
        %parallel_loop3A_952 = arith.index_cast %parallel_loop3A_951 : i32 to index
        %parallel_loop3A_953 = arith.constant 0 : index
        %parallel_loop3A_954 = tpu.vector_load %arg7[%parallel_loop3A_952, %parallel_loop3A_953] {strides = array<i32>} : memref<800x64xf32, #tpu.memory_space<vmem>>, vector<1x16xf32>,
        %parallel_loop3A_955 = vector.shape_cast %parallel_loop3A_954 : vector<1x16xf32> to vector<16xf32>
        %parallel_loop3A_956 = arith.addf %parallel_loop3A_888, %parallel_loop3A_955 : vector<16xf32>
        %parallel_loop3A_957 = tpu.bitcast %parallel_loop3A_955 : vector<16xf32> -> vector<16xi32>
        %parallel_loop3A_958 = arith.constant 0 : i32
        %parallel_loop3A_959 = vector.broadcast %parallel_loop3A_958 : i32 to vector<16xi32>
        %parallel_loop3A_960 = arith.cmpi ne, %parallel_loop3A_957, %parallel_loop3A_959 : vector<16xi32>
        %parallel_loop3A_961 = arith.constant 1 : i32
        %parallel_loop3A_962 = arith.constant 0 : i32
        %parallel_loop3A_963 = vector.broadcast %parallel_loop3A_961 : i32 to vector<16xi32>
        %parallel_loop3A_964 = vector.broadcast %parallel_loop3A_962 : i32 to vector<16xi32>
        %parallel_loop3A_965 = arith.select %parallel_loop3A_960, %parallel_loop3A_963, %parallel_loop3A_964 : vector<16xi1>, vector<16xi32>
        %parallel_loop3A_966 = arith.addi %parallel_loop3A_898, %parallel_loop3A_965 : vector<16xi32>
        %parallel_loop3A_967 = arith.constant 9 : i32
        %parallel_loop3A_968 = arith.addi %parallel_loop3A_321, %parallel_loop3A_967 : i32
        %parallel_loop3A_969 = arith.index_cast %parallel_loop3A_968 : i32 to index
        %parallel_loop3A_970 = arith.constant 16 : index
        %parallel_loop3A_971 = tpu.vector_load %arg7[%parallel_loop3A_969, %parallel_loop3A_970] {strides = array<i32>} : memref<800x64xf32, #tpu.memory_space<vmem>>, vector<1x16xf32>,
        %parallel_loop3A_972 = vector.shape_cast %parallel_loop3A_971 : vector<1x16xf32> to vector<16xf32>
        %parallel_loop3A_973 = arith.addf %parallel_loop3A_905, %parallel_loop3A_972 : vector<16xf32>
        %parallel_loop3A_974 = tpu.bitcast %parallel_loop3A_972 : vector<16xf32> -> vector<16xi32>
        %parallel_loop3A_975 = arith.constant 0 : i32
        %parallel_loop3A_976 = vector.broadcast %parallel_loop3A_975 : i32 to vector<16xi32>
        %parallel_loop3A_977 = arith.cmpi ne, %parallel_loop3A_974, %parallel_loop3A_976 : vector<16xi32>
        %parallel_loop3A_978 = arith.constant 1 : i32
        %parallel_loop3A_979 = arith.constant 0 : i32
        %parallel_loop3A_980 = vector.broadcast %parallel_loop3A_978 : i32 to vector<16xi32>
        %parallel_loop3A_981 = vector.broadcast %parallel_loop3A_979 : i32 to vector<16xi32>
        %parallel_loop3A_982 = arith.select %parallel_loop3A_977, %parallel_loop3A_980, %parallel_loop3A_981 : vector<16xi1>, vector<16xi32>
        %parallel_loop3A_983 = arith.addi %parallel_loop3A_915, %parallel_loop3A_982 : vector<16xi32>
        %parallel_loop3A_984 = arith.constant 9 : i32
        %parallel_loop3A_985 = arith.addi %parallel_loop3A_321, %parallel_loop3A_984 : i32
        %parallel_loop3A_986 = arith.index_cast %parallel_loop3A_985 : i32 to index
        %parallel_loop3A_987 = arith.constant 32 : index
        %parallel_loop3A_988 = tpu.vector_load %arg7[%parallel_loop3A_986, %parallel_loop3A_987] {strides = array<i32>} : memref<800x64xf32, #tpu.memory_space<vmem>>, vector<1x16xf32>,
        %parallel_loop3A_989 = vector.shape_cast %parallel_loop3A_988 : vector<1x16xf32> to vector<16xf32>
        %parallel_loop3A_990 = arith.addf %parallel_loop3A_922, %parallel_loop3A_989 : vector<16xf32>
        %parallel_loop3A_991 = tpu.bitcast %parallel_loop3A_989 : vector<16xf32> -> vector<16xi32>
        %parallel_loop3A_992 = arith.constant 0 : i32
        %parallel_loop3A_993 = vector.broadcast %parallel_loop3A_992 : i32 to vector<16xi32>
        %parallel_loop3A_994 = arith.cmpi ne, %parallel_loop3A_991, %parallel_loop3A_993 : vector<16xi32>
        %parallel_loop3A_995 = arith.constant 1 : i32
        %parallel_loop3A_996 = arith.constant 0 : i32
        %parallel_loop3A_997 = vector.broadcast %parallel_loop3A_995 : i32 to vector<16xi32>
        %parallel_loop3A_998 = vector.broadcast %parallel_loop3A_996 : i32 to vector<16xi32>
        %parallel_loop3A_999 = arith.select %parallel_loop3A_994, %parallel_loop3A_997, %parallel_loop3A_998 : vector<16xi1>, vector<16xi32>
        %parallel_loop3A_1000 = arith.addi %parallel_loop3A_932, %parallel_loop3A_999 : vector<16xi32>
        %parallel_loop3A_1001 = arith.constant 9 : i32
        %parallel_loop3A_1002 = arith.addi %parallel_loop3A_321, %parallel_loop3A_1001 : i32
        %parallel_loop3A_1003 = arith.index_cast %parallel_loop3A_1002 : i32 to index
        %parallel_loop3A_1004 = arith.constant 48 : index
        %parallel_loop3A_1005 = tpu.vector_load %arg7[%parallel_loop3A_1003, %parallel_loop3A_1004] {strides = array<i32>} : memref<800x64xf32, #tpu.memory_space<vmem>>, vector<1x16xf32>,
        %parallel_loop3A_1006 = vector.shape_cast %parallel_loop3A_1005 : vector<1x16xf32> to vector<16xf32>
        %parallel_loop3A_1007 = arith.addf %parallel_loop3A_939, %parallel_loop3A_1006 : vector<16xf32>
        %parallel_loop3A_1008 = tpu.bitcast %parallel_loop3A_1006 : vector<16xf32> -> vector<16xi32>
        %parallel_loop3A_1009 = arith.constant 0 : i32
        %parallel_loop3A_1010 = vector.broadcast %parallel_loop3A_1009 : i32 to vector<16xi32>
        %parallel_loop3A_1011 = arith.cmpi ne, %parallel_loop3A_1008, %parallel_loop3A_1010 : vector<16xi32>
        %parallel_loop3A_1012 = arith.constant 1 : i32
        %parallel_loop3A_1013 = arith.constant 0 : i32
        %parallel_loop3A_1014 = vector.broadcast %parallel_loop3A_1012 : i32 to vector<16xi32>
        %parallel_loop3A_1015 = vector.broadcast %parallel_loop3A_1013 : i32 to vector<16xi32>
        %parallel_loop3A_1016 = arith.select %parallel_loop3A_1011, %parallel_loop3A_1014, %parallel_loop3A_1015 : vector<16xi1>, vector<16xi32>
        %parallel_loop3A_1017 = arith.addi %parallel_loop3A_949, %parallel_loop3A_1016 : vector<16xi32>
        %parallel_loop3A_1018 = arith.constant 10 : i32
        %parallel_loop3A_1019 = arith.addi %parallel_loop3A_321, %parallel_loop3A_1018 : i32
        %parallel_loop3A_1020 = arith.index_cast %parallel_loop3A_1019 : i32 to index
        %parallel_loop3A_1021 = arith.constant 0 : index
        %parallel_loop3A_1022 = tpu.vector_load %arg7[%parallel_loop3A_1020, %parallel_loop3A_1021] {strides = array<i32>} : memref<800x64xf32, #tpu.memory_space<vmem>>, vector<1x16xf32>,
        %parallel_loop3A_1023 = vector.shape_cast %parallel_loop3A_1022 : vector<1x16xf32> to vector<16xf32>
        %parallel_loop3A_1024 = arith.addf %parallel_loop3A_956, %parallel_loop3A_1023 : vector<16xf32>
        %parallel_loop3A_1025 = tpu.bitcast %parallel_loop3A_1023 : vector<16xf32> -> vector<16xi32>
        %parallel_loop3A_1026 = arith.constant 0 : i32
        %parallel_loop3A_1027 = vector.broadcast %parallel_loop3A_1026 : i32 to vector<16xi32>
        %parallel_loop3A_1028 = arith.cmpi ne, %parallel_loop3A_1025, %parallel_loop3A_1027 : vector<16xi32>
        %parallel_loop3A_1029 = arith.constant 1 : i32
        %parallel_loop3A_1030 = arith.constant 0 : i32
        %parallel_loop3A_1031 = vector.broadcast %parallel_loop3A_1029 : i32 to vector<16xi32>
        %parallel_loop3A_1032 = vector.broadcast %parallel_loop3A_1030 : i32 to vector<16xi32>
        %parallel_loop3A_1033 = arith.select %parallel_loop3A_1028, %parallel_loop3A_1031, %parallel_loop3A_1032 : vector<16xi1>, vector<16xi32>
        %parallel_loop3A_1034 = arith.addi %parallel_loop3A_966, %parallel_loop3A_1033 : vector<16xi32>
        %parallel_loop3A_1035 = arith.constant 10 : i32
        %parallel_loop3A_1036 = arith.addi %parallel_loop3A_321, %parallel_loop3A_1035 : i32
        %parallel_loop3A_1037 = arith.index_cast %parallel_loop3A_1036 : i32 to index
        %parallel_loop3A_1038 = arith.constant 16 : index
        %parallel_loop3A_1039 = tpu.vector_load %arg7[%parallel_loop3A_1037, %parallel_loop3A_1038] {strides = array<i32>} : memref<800x64xf32, #tpu.memory_space<vmem>>, vector<1x16xf32>,
        %parallel_loop3A_1040 = vector.shape_cast %parallel_loop3A_1039 : vector<1x16xf32> to vector<16xf32>
        %parallel_loop3A_1041 = arith.addf %parallel_loop3A_973, %parallel_loop3A_1040 : vector<16xf32>
        %parallel_loop3A_1042 = tpu.bitcast %parallel_loop3A_1040 : vector<16xf32> -> vector<16xi32>
        %parallel_loop3A_1043 = arith.constant 0 : i32
        %parallel_loop3A_1044 = vector.broadcast %parallel_loop3A_1043 : i32 to vector<16xi32>
        %parallel_loop3A_1045 = arith.cmpi ne, %parallel_loop3A_1042, %parallel_loop3A_1044 : vector<16xi32>
        %parallel_loop3A_1046 = arith.constant 1 : i32
        %parallel_loop3A_1047 = arith.constant 0 : i32
        %parallel_loop3A_1048 = vector.broadcast %parallel_loop3A_1046 : i32 to vector<16xi32>
        %parallel_loop3A_1049 = vector.broadcast %parallel_loop3A_1047 : i32 to vector<16xi32>
        %parallel_loop3A_1050 = arith.select %parallel_loop3A_1045, %parallel_loop3A_1048, %parallel_loop3A_1049 : vector<16xi1>, vector<16xi32>
        %parallel_loop3A_1051 = arith.addi %parallel_loop3A_983, %parallel_loop3A_1050 : vector<16xi32>
        %parallel_loop3A_1052 = arith.constant 10 : i32
        %parallel_loop3A_1053 = arith.addi %parallel_loop3A_321, %parallel_loop3A_1052 : i32
        %parallel_loop3A_1054 = arith.index_cast %parallel_loop3A_1053 : i32 to index
        %parallel_loop3A_1055 = arith.constant 32 : index
        %parallel_loop3A_1056 = tpu.vector_load %arg7[%parallel_loop3A_1054, %parallel_loop3A_1055] {strides = array<i32>} : memref<800x64xf32, #tpu.memory_space<vmem>>, vector<1x16xf32>,
        %parallel_loop3A_1057 = vector.shape_cast %parallel_loop3A_1056 : vector<1x16xf32> to vector<16xf32>
        %parallel_loop3A_1058 = arith.addf %parallel_loop3A_990, %parallel_loop3A_1057 : vector<16xf32>
        %parallel_loop3A_1059 = tpu.bitcast %parallel_loop3A_1057 : vector<16xf32> -> vector<16xi32>
        %parallel_loop3A_1060 = arith.constant 0 : i32
        %parallel_loop3A_1061 = vector.broadcast %parallel_loop3A_1060 : i32 to vector<16xi32>
        %parallel_loop3A_1062 = arith.cmpi ne, %parallel_loop3A_1059, %parallel_loop3A_1061 : vector<16xi32>
        %parallel_loop3A_1063 = arith.constant 1 : i32
        %parallel_loop3A_1064 = arith.constant 0 : i32
        %parallel_loop3A_1065 = vector.broadcast %parallel_loop3A_1063 : i32 to vector<16xi32>
        %parallel_loop3A_1066 = vector.broadcast %parallel_loop3A_1064 : i32 to vector<16xi32>
        %parallel_loop3A_1067 = arith.select %parallel_loop3A_1062, %parallel_loop3A_1065, %parallel_loop3A_1066 : vector<16xi1>, vector<16xi32>
        %parallel_loop3A_1068 = arith.addi %parallel_loop3A_1000, %parallel_loop3A_1067 : vector<16xi32>
        %parallel_loop3A_1069 = arith.constant 10 : i32
        %parallel_loop3A_1070 = arith.addi %parallel_loop3A_321, %parallel_loop3A_1069 : i32
        %parallel_loop3A_1071 = arith.index_cast %parallel_loop3A_1070 : i32 to index
        %parallel_loop3A_1072 = arith.constant 48 : index
        %parallel_loop3A_1073 = tpu.vector_load %arg7[%parallel_loop3A_1071, %parallel_loop3A_1072] {strides = array<i32>} : memref<800x64xf32, #tpu.memory_space<vmem>>, vector<1x16xf32>,
        %parallel_loop3A_1074 = vector.shape_cast %parallel_loop3A_1073 : vector<1x16xf32> to vector<16xf32>
        %parallel_loop3A_1075 = arith.addf %parallel_loop3A_1007, %parallel_loop3A_1074 : vector<16xf32>
        %parallel_loop3A_1076 = tpu.bitcast %parallel_loop3A_1074 : vector<16xf32> -> vector<16xi32>
        %parallel_loop3A_1077 = arith.constant 0 : i32
        %parallel_loop3A_1078 = vector.broadcast %parallel_loop3A_1077 : i32 to vector<16xi32>
        %parallel_loop3A_1079 = arith.cmpi ne, %parallel_loop3A_1076, %parallel_loop3A_1078 : vector<16xi32>
        %parallel_loop3A_1080 = arith.constant 1 : i32
        %parallel_loop3A_1081 = arith.constant 0 : i32
        %parallel_loop3A_1082 = vector.broadcast %parallel_loop3A_1080 : i32 to vector<16xi32>
        %parallel_loop3A_1083 = vector.broadcast %parallel_loop3A_1081 : i32 to vector<16xi32>
        %parallel_loop3A_1084 = arith.select %parallel_loop3A_1079, %parallel_loop3A_1082, %parallel_loop3A_1083 : vector<16xi1>, vector<16xi32>
        %parallel_loop3A_1085 = arith.addi %parallel_loop3A_1017, %parallel_loop3A_1084 : vector<16xi32>
        %parallel_loop3A_1086 = arith.constant 11 : i32
        %parallel_loop3A_1087 = arith.addi %parallel_loop3A_321, %parallel_loop3A_1086 : i32
        %parallel_loop3A_1088 = arith.index_cast %parallel_loop3A_1087 : i32 to index
        %parallel_loop3A_1089 = arith.constant 0 : index
        %parallel_loop3A_1090 = tpu.vector_load %arg7[%parallel_loop3A_1088, %parallel_loop3A_1089] {strides = array<i32>} : memref<800x64xf32, #tpu.memory_space<vmem>>, vector<1x16xf32>,
        %parallel_loop3A_1091 = vector.shape_cast %parallel_loop3A_1090 : vector<1x16xf32> to vector<16xf32>
        %parallel_loop3A_1092 = arith.addf %parallel_loop3A_1024, %parallel_loop3A_1091 : vector<16xf32>
        %parallel_loop3A_1093 = tpu.bitcast %parallel_loop3A_1091 : vector<16xf32> -> vector<16xi32>
        %parallel_loop3A_1094 = arith.constant 0 : i32
        %parallel_loop3A_1095 = vector.broadcast %parallel_loop3A_1094 : i32 to vector<16xi32>
        %parallel_loop3A_1096 = arith.cmpi ne, %parallel_loop3A_1093, %parallel_loop3A_1095 : vector<16xi32>
        %parallel_loop3A_1097 = arith.constant 1 : i32
        %parallel_loop3A_1098 = arith.constant 0 : i32
        %parallel_loop3A_1099 = vector.broadcast %parallel_loop3A_1097 : i32 to vector<16xi32>
        %parallel_loop3A_1100 = vector.broadcast %parallel_loop3A_1098 : i32 to vector<16xi32>
        %parallel_loop3A_1101 = arith.select %parallel_loop3A_1096, %parallel_loop3A_1099, %parallel_loop3A_1100 : vector<16xi1>, vector<16xi32>
        %parallel_loop3A_1102 = arith.addi %parallel_loop3A_1034, %parallel_loop3A_1101 : vector<16xi32>
        %parallel_loop3A_1103 = arith.constant 11 : i32
        %parallel_loop3A_1104 = arith.addi %parallel_loop3A_321, %parallel_loop3A_1103 : i32
        %parallel_loop3A_1105 = arith.index_cast %parallel_loop3A_1104 : i32 to index
        %parallel_loop3A_1106 = arith.constant 16 : index
        %parallel_loop3A_1107 = tpu.vector_load %arg7[%parallel_loop3A_1105, %parallel_loop3A_1106] {strides = array<i32>} : memref<800x64xf32, #tpu.memory_space<vmem>>, vector<1x16xf32>,
        %parallel_loop3A_1108 = vector.shape_cast %parallel_loop3A_1107 : vector<1x16xf32> to vector<16xf32>
        %parallel_loop3A_1109 = arith.addf %parallel_loop3A_1041, %parallel_loop3A_1108 : vector<16xf32>
        %parallel_loop3A_1110 = tpu.bitcast %parallel_loop3A_1108 : vector<16xf32> -> vector<16xi32>
        %parallel_loop3A_1111 = arith.constant 0 : i32
        %parallel_loop3A_1112 = vector.broadcast %parallel_loop3A_1111 : i32 to vector<16xi32>
        %parallel_loop3A_1113 = arith.cmpi ne, %parallel_loop3A_1110, %parallel_loop3A_1112 : vector<16xi32>
        %parallel_loop3A_1114 = arith.constant 1 : i32
        %parallel_loop3A_1115 = arith.constant 0 : i32
        %parallel_loop3A_1116 = vector.broadcast %parallel_loop3A_1114 : i32 to vector<16xi32>
        %parallel_loop3A_1117 = vector.broadcast %parallel_loop3A_1115 : i32 to vector<16xi32>
        %parallel_loop3A_1118 = arith.select %parallel_loop3A_1113, %parallel_loop3A_1116, %parallel_loop3A_1117 : vector<16xi1>, vector<16xi32>
        %parallel_loop3A_1119 = arith.addi %parallel_loop3A_1051, %parallel_loop3A_1118 : vector<16xi32>
        %parallel_loop3A_1120 = arith.constant 11 : i32
        %parallel_loop3A_1121 = arith.addi %parallel_loop3A_321, %parallel_loop3A_1120 : i32
        %parallel_loop3A_1122 = arith.index_cast %parallel_loop3A_1121 : i32 to index
        %parallel_loop3A_1123 = arith.constant 32 : index
        %parallel_loop3A_1124 = tpu.vector_load %arg7[%parallel_loop3A_1122, %parallel_loop3A_1123] {strides = array<i32>} : memref<800x64xf32, #tpu.memory_space<vmem>>, vector<1x16xf32>,
        %parallel_loop3A_1125 = vector.shape_cast %parallel_loop3A_1124 : vector<1x16xf32> to vector<16xf32>
        %parallel_loop3A_1126 = arith.addf %parallel_loop3A_1058, %parallel_loop3A_1125 : vector<16xf32>
        %parallel_loop3A_1127 = tpu.bitcast %parallel_loop3A_1125 : vector<16xf32> -> vector<16xi32>
        %parallel_loop3A_1128 = arith.constant 0 : i32
        %parallel_loop3A_1129 = vector.broadcast %parallel_loop3A_1128 : i32 to vector<16xi32>
        %parallel_loop3A_1130 = arith.cmpi ne, %parallel_loop3A_1127, %parallel_loop3A_1129 : vector<16xi32>
        %parallel_loop3A_1131 = arith.constant 1 : i32
        %parallel_loop3A_1132 = arith.constant 0 : i32
        %parallel_loop3A_1133 = vector.broadcast %parallel_loop3A_1131 : i32 to vector<16xi32>
        %parallel_loop3A_1134 = vector.broadcast %parallel_loop3A_1132 : i32 to vector<16xi32>
        %parallel_loop3A_1135 = arith.select %parallel_loop3A_1130, %parallel_loop3A_1133, %parallel_loop3A_1134 : vector<16xi1>, vector<16xi32>
        %parallel_loop3A_1136 = arith.addi %parallel_loop3A_1068, %parallel_loop3A_1135 : vector<16xi32>
        %parallel_loop3A_1137 = arith.constant 11 : i32
        %parallel_loop3A_1138 = arith.addi %parallel_loop3A_321, %parallel_loop3A_1137 : i32
        %parallel_loop3A_1139 = arith.index_cast %parallel_loop3A_1138 : i32 to index
        %parallel_loop3A_1140 = arith.constant 48 : index
        %parallel_loop3A_1141 = tpu.vector_load %arg7[%parallel_loop3A_1139, %parallel_loop3A_1140] {strides = array<i32>} : memref<800x64xf32, #tpu.memory_space<vmem>>, vector<1x16xf32>,
        %parallel_loop3A_1142 = vector.shape_cast %parallel_loop3A_1141 : vector<1x16xf32> to vector<16xf32>
        %parallel_loop3A_1143 = arith.addf %parallel_loop3A_1075, %parallel_loop3A_1142 : vector<16xf32>
        %parallel_loop3A_1144 = tpu.bitcast %parallel_loop3A_1142 : vector<16xf32> -> vector<16xi32>
        %parallel_loop3A_1145 = arith.constant 0 : i32
        %parallel_loop3A_1146 = vector.broadcast %parallel_loop3A_1145 : i32 to vector<16xi32>
        %parallel_loop3A_1147 = arith.cmpi ne, %parallel_loop3A_1144, %parallel_loop3A_1146 : vector<16xi32>
        %parallel_loop3A_1148 = arith.constant 1 : i32
        %parallel_loop3A_1149 = arith.constant 0 : i32
        %parallel_loop3A_1150 = vector.broadcast %parallel_loop3A_1148 : i32 to vector<16xi32>
        %parallel_loop3A_1151 = vector.broadcast %parallel_loop3A_1149 : i32 to vector<16xi32>
        %parallel_loop3A_1152 = arith.select %parallel_loop3A_1147, %parallel_loop3A_1150, %parallel_loop3A_1151 : vector<16xi1>, vector<16xi32>
        %parallel_loop3A_1153 = arith.addi %parallel_loop3A_1085, %parallel_loop3A_1152 : vector<16xi32>
        %parallel_loop3A_1154 = arith.constant 12 : i32
        %parallel_loop3A_1155 = arith.addi %parallel_loop3A_321, %parallel_loop3A_1154 : i32
        %parallel_loop3A_1156 = arith.index_cast %parallel_loop3A_1155 : i32 to index
        %parallel_loop3A_1157 = arith.constant 0 : index
        %parallel_loop3A_1158 = tpu.vector_load %arg7[%parallel_loop3A_1156, %parallel_loop3A_1157] {strides = array<i32>} : memref<800x64xf32, #tpu.memory_space<vmem>>, vector<1x16xf32>,
        %parallel_loop3A_1159 = vector.shape_cast %parallel_loop3A_1158 : vector<1x16xf32> to vector<16xf32>
        %parallel_loop3A_1160 = arith.addf %parallel_loop3A_1092, %parallel_loop3A_1159 : vector<16xf32>
        %parallel_loop3A_1161 = tpu.bitcast %parallel_loop3A_1159 : vector<16xf32> -> vector<16xi32>
        %parallel_loop3A_1162 = arith.constant 0 : i32
        %parallel_loop3A_1163 = vector.broadcast %parallel_loop3A_1162 : i32 to vector<16xi32>
        %parallel_loop3A_1164 = arith.cmpi ne, %parallel_loop3A_1161, %parallel_loop3A_1163 : vector<16xi32>
        %parallel_loop3A_1165 = arith.constant 1 : i32
        %parallel_loop3A_1166 = arith.constant 0 : i32
        %parallel_loop3A_1167 = vector.broadcast %parallel_loop3A_1165 : i32 to vector<16xi32>
        %parallel_loop3A_1168 = vector.broadcast %parallel_loop3A_1166 : i32 to vector<16xi32>
        %parallel_loop3A_1169 = arith.select %parallel_loop3A_1164, %parallel_loop3A_1167, %parallel_loop3A_1168 : vector<16xi1>, vector<16xi32>
        %parallel_loop3A_1170 = arith.addi %parallel_loop3A_1102, %parallel_loop3A_1169 : vector<16xi32>
        %parallel_loop3A_1171 = arith.constant 12 : i32
        %parallel_loop3A_1172 = arith.addi %parallel_loop3A_321, %parallel_loop3A_1171 : i32
        %parallel_loop3A_1173 = arith.index_cast %parallel_loop3A_1172 : i32 to index
        %parallel_loop3A_1174 = arith.constant 16 : index
        %parallel_loop3A_1175 = tpu.vector_load %arg7[%parallel_loop3A_1173, %parallel_loop3A_1174] {strides = array<i32>} : memref<800x64xf32, #tpu.memory_space<vmem>>, vector<1x16xf32>,
        %parallel_loop3A_1176 = vector.shape_cast %parallel_loop3A_1175 : vector<1x16xf32> to vector<16xf32>
        %parallel_loop3A_1177 = arith.addf %parallel_loop3A_1109, %parallel_loop3A_1176 : vector<16xf32>
        %parallel_loop3A_1178 = tpu.bitcast %parallel_loop3A_1176 : vector<16xf32> -> vector<16xi32>
        %parallel_loop3A_1179 = arith.constant 0 : i32
        %parallel_loop3A_1180 = vector.broadcast %parallel_loop3A_1179 : i32 to vector<16xi32>
        %parallel_loop3A_1181 = arith.cmpi ne, %parallel_loop3A_1178, %parallel_loop3A_1180 : vector<16xi32>
        %parallel_loop3A_1182 = arith.constant 1 : i32
        %parallel_loop3A_1183 = arith.constant 0 : i32
        %parallel_loop3A_1184 = vector.broadcast %parallel_loop3A_1182 : i32 to vector<16xi32>
        %parallel_loop3A_1185 = vector.broadcast %parallel_loop3A_1183 : i32 to vector<16xi32>
        %parallel_loop3A_1186 = arith.select %parallel_loop3A_1181, %parallel_loop3A_1184, %parallel_loop3A_1185 : vector<16xi1>, vector<16xi32>
        %parallel_loop3A_1187 = arith.addi %parallel_loop3A_1119, %parallel_loop3A_1186 : vector<16xi32>
        %parallel_loop3A_1188 = arith.constant 12 : i32
        %parallel_loop3A_1189 = arith.addi %parallel_loop3A_321, %parallel_loop3A_1188 : i32
        %parallel_loop3A_1190 = arith.index_cast %parallel_loop3A_1189 : i32 to index
        %parallel_loop3A_1191 = arith.constant 32 : index
        %parallel_loop3A_1192 = tpu.vector_load %arg7[%parallel_loop3A_1190, %parallel_loop3A_1191] {strides = array<i32>} : memref<800x64xf32, #tpu.memory_space<vmem>>, vector<1x16xf32>,
        %parallel_loop3A_1193 = vector.shape_cast %parallel_loop3A_1192 : vector<1x16xf32> to vector<16xf32>
        %parallel_loop3A_1194 = arith.addf %parallel_loop3A_1126, %parallel_loop3A_1193 : vector<16xf32>
        %parallel_loop3A_1195 = tpu.bitcast %parallel_loop3A_1193 : vector<16xf32> -> vector<16xi32>
        %parallel_loop3A_1196 = arith.constant 0 : i32
        %parallel_loop3A_1197 = vector.broadcast %parallel_loop3A_1196 : i32 to vector<16xi32>
        %parallel_loop3A_1198 = arith.cmpi ne, %parallel_loop3A_1195, %parallel_loop3A_1197 : vector<16xi32>
        %parallel_loop3A_1199 = arith.constant 1 : i32
        %parallel_loop3A_1200 = arith.constant 0 : i32
        %parallel_loop3A_1201 = vector.broadcast %parallel_loop3A_1199 : i32 to vector<16xi32>
        %parallel_loop3A_1202 = vector.broadcast %parallel_loop3A_1200 : i32 to vector<16xi32>
        %parallel_loop3A_1203 = arith.select %parallel_loop3A_1198, %parallel_loop3A_1201, %parallel_loop3A_1202 : vector<16xi1>, vector<16xi32>
        %parallel_loop3A_1204 = arith.addi %parallel_loop3A_1136, %parallel_loop3A_1203 : vector<16xi32>
        %parallel_loop3A_1205 = arith.constant 12 : i32
        %parallel_loop3A_1206 = arith.addi %parallel_loop3A_321, %parallel_loop3A_1205 : i32
        %parallel_loop3A_1207 = arith.index_cast %parallel_loop3A_1206 : i32 to index
        %parallel_loop3A_1208 = arith.constant 48 : index
        %parallel_loop3A_1209 = tpu.vector_load %arg7[%parallel_loop3A_1207, %parallel_loop3A_1208] {strides = array<i32>} : memref<800x64xf32, #tpu.memory_space<vmem>>, vector<1x16xf32>,
        %parallel_loop3A_1210 = vector.shape_cast %parallel_loop3A_1209 : vector<1x16xf32> to vector<16xf32>
        %parallel_loop3A_1211 = arith.addf %parallel_loop3A_1143, %parallel_loop3A_1210 : vector<16xf32>
        %parallel_loop3A_1212 = tpu.bitcast %parallel_loop3A_1210 : vector<16xf32> -> vector<16xi32>
        %parallel_loop3A_1213 = arith.constant 0 : i32
        %parallel_loop3A_1214 = vector.broadcast %parallel_loop3A_1213 : i32 to vector<16xi32>
        %parallel_loop3A_1215 = arith.cmpi ne, %parallel_loop3A_1212, %parallel_loop3A_1214 : vector<16xi32>
        %parallel_loop3A_1216 = arith.constant 1 : i32
        %parallel_loop3A_1217 = arith.constant 0 : i32
        %parallel_loop3A_1218 = vector.broadcast %parallel_loop3A_1216 : i32 to vector<16xi32>
        %parallel_loop3A_1219 = vector.broadcast %parallel_loop3A_1217 : i32 to vector<16xi32>
        %parallel_loop3A_1220 = arith.select %parallel_loop3A_1215, %parallel_loop3A_1218, %parallel_loop3A_1219 : vector<16xi1>, vector<16xi32>
        %parallel_loop3A_1221 = arith.addi %parallel_loop3A_1153, %parallel_loop3A_1220 : vector<16xi32>
        %parallel_loop3A_1222 = arith.constant 13 : i32
        %parallel_loop3A_1223 = arith.addi %parallel_loop3A_321, %parallel_loop3A_1222 : i32
        %parallel_loop3A_1224 = arith.index_cast %parallel_loop3A_1223 : i32 to index
        %parallel_loop3A_1225 = arith.constant 0 : index
        %parallel_loop3A_1226 = tpu.vector_load %arg7[%parallel_loop3A_1224, %parallel_loop3A_1225] {strides = array<i32>} : memref<800x64xf32, #tpu.memory_space<vmem>>, vector<1x16xf32>,
        %parallel_loop3A_1227 = vector.shape_cast %parallel_loop3A_1226 : vector<1x16xf32> to vector<16xf32>
        %parallel_loop3A_1228 = arith.addf %parallel_loop3A_1160, %parallel_loop3A_1227 : vector<16xf32>
        %parallel_loop3A_1229 = tpu.bitcast %parallel_loop3A_1227 : vector<16xf32> -> vector<16xi32>
        %parallel_loop3A_1230 = arith.constant 0 : i32
        %parallel_loop3A_1231 = vector.broadcast %parallel_loop3A_1230 : i32 to vector<16xi32>
        %parallel_loop3A_1232 = arith.cmpi ne, %parallel_loop3A_1229, %parallel_loop3A_1231 : vector<16xi32>
        %parallel_loop3A_1233 = arith.constant 1 : i32
        %parallel_loop3A_1234 = arith.constant 0 : i32
        %parallel_loop3A_1235 = vector.broadcast %parallel_loop3A_1233 : i32 to vector<16xi32>
        %parallel_loop3A_1236 = vector.broadcast %parallel_loop3A_1234 : i32 to vector<16xi32>
        %parallel_loop3A_1237 = arith.select %parallel_loop3A_1232, %parallel_loop3A_1235, %parallel_loop3A_1236 : vector<16xi1>, vector<16xi32>
        %parallel_loop3A_1238 = arith.addi %parallel_loop3A_1170, %parallel_loop3A_1237 : vector<16xi32>
        %parallel_loop3A_1239 = arith.constant 13 : i32
        %parallel_loop3A_1240 = arith.addi %parallel_loop3A_321, %parallel_loop3A_1239 : i32
        %parallel_loop3A_1241 = arith.index_cast %parallel_loop3A_1240 : i32 to index
        %parallel_loop3A_1242 = arith.constant 16 : index
        %parallel_loop3A_1243 = tpu.vector_load %arg7[%parallel_loop3A_1241, %parallel_loop3A_1242] {strides = array<i32>} : memref<800x64xf32, #tpu.memory_space<vmem>>, vector<1x16xf32>,
        %parallel_loop3A_1244 = vector.shape_cast %parallel_loop3A_1243 : vector<1x16xf32> to vector<16xf32>
        %parallel_loop3A_1245 = arith.addf %parallel_loop3A_1177, %parallel_loop3A_1244 : vector<16xf32>
        %parallel_loop3A_1246 = tpu.bitcast %parallel_loop3A_1244 : vector<16xf32> -> vector<16xi32>
        %parallel_loop3A_1247 = arith.constant 0 : i32
        %parallel_loop3A_1248 = vector.broadcast %parallel_loop3A_1247 : i32 to vector<16xi32>
        %parallel_loop3A_1249 = arith.cmpi ne, %parallel_loop3A_1246, %parallel_loop3A_1248 : vector<16xi32>
        %parallel_loop3A_1250 = arith.constant 1 : i32
        %parallel_loop3A_1251 = arith.constant 0 : i32
        %parallel_loop3A_1252 = vector.broadcast %parallel_loop3A_1250 : i32 to vector<16xi32>
        %parallel_loop3A_1253 = vector.broadcast %parallel_loop3A_1251 : i32 to vector<16xi32>
        %parallel_loop3A_1254 = arith.select %parallel_loop3A_1249, %parallel_loop3A_1252, %parallel_loop3A_1253 : vector<16xi1>, vector<16xi32>
        %parallel_loop3A_1255 = arith.addi %parallel_loop3A_1187, %parallel_loop3A_1254 : vector<16xi32>
        %parallel_loop3A_1256 = arith.constant 13 : i32
        %parallel_loop3A_1257 = arith.addi %parallel_loop3A_321, %parallel_loop3A_1256 : i32
        %parallel_loop3A_1258 = arith.index_cast %parallel_loop3A_1257 : i32 to index
        %parallel_loop3A_1259 = arith.constant 32 : index
        %parallel_loop3A_1260 = tpu.vector_load %arg7[%parallel_loop3A_1258, %parallel_loop3A_1259] {strides = array<i32>} : memref<800x64xf32, #tpu.memory_space<vmem>>, vector<1x16xf32>,
        %parallel_loop3A_1261 = vector.shape_cast %parallel_loop3A_1260 : vector<1x16xf32> to vector<16xf32>
        %parallel_loop3A_1262 = arith.addf %parallel_loop3A_1194, %parallel_loop3A_1261 : vector<16xf32>
        %parallel_loop3A_1263 = tpu.bitcast %parallel_loop3A_1261 : vector<16xf32> -> vector<16xi32>
        %parallel_loop3A_1264 = arith.constant 0 : i32
        %parallel_loop3A_1265 = vector.broadcast %parallel_loop3A_1264 : i32 to vector<16xi32>
        %parallel_loop3A_1266 = arith.cmpi ne, %parallel_loop3A_1263, %parallel_loop3A_1265 : vector<16xi32>
        %parallel_loop3A_1267 = arith.constant 1 : i32
        %parallel_loop3A_1268 = arith.constant 0 : i32
        %parallel_loop3A_1269 = vector.broadcast %parallel_loop3A_1267 : i32 to vector<16xi32>
        %parallel_loop3A_1270 = vector.broadcast %parallel_loop3A_1268 : i32 to vector<16xi32>
        %parallel_loop3A_1271 = arith.select %parallel_loop3A_1266, %parallel_loop3A_1269, %parallel_loop3A_1270 : vector<16xi1>, vector<16xi32>
        %parallel_loop3A_1272 = arith.addi %parallel_loop3A_1204, %parallel_loop3A_1271 : vector<16xi32>
        %parallel_loop3A_1273 = arith.constant 13 : i32
        %parallel_loop3A_1274 = arith.addi %parallel_loop3A_321, %parallel_loop3A_1273 : i32
        %parallel_loop3A_1275 = arith.index_cast %parallel_loop3A_1274 : i32 to index
        %parallel_loop3A_1276 = arith.constant 48 : index
        %parallel_loop3A_1277 = tpu.vector_load %arg7[%parallel_loop3A_1275, %parallel_loop3A_1276] {strides = array<i32>} : memref<800x64xf32, #tpu.memory_space<vmem>>, vector<1x16xf32>,
        %parallel_loop3A_1278 = vector.shape_cast %parallel_loop3A_1277 : vector<1x16xf32> to vector<16xf32>
        %parallel_loop3A_1279 = arith.addf %parallel_loop3A_1211, %parallel_loop3A_1278 : vector<16xf32>
        %parallel_loop3A_1280 = tpu.bitcast %parallel_loop3A_1278 : vector<16xf32> -> vector<16xi32>
        %parallel_loop3A_1281 = arith.constant 0 : i32
        %parallel_loop3A_1282 = vector.broadcast %parallel_loop3A_1281 : i32 to vector<16xi32>
        %parallel_loop3A_1283 = arith.cmpi ne, %parallel_loop3A_1280, %parallel_loop3A_1282 : vector<16xi32>
        %parallel_loop3A_1284 = arith.constant 1 : i32
        %parallel_loop3A_1285 = arith.constant 0 : i32
        %parallel_loop3A_1286 = vector.broadcast %parallel_loop3A_1284 : i32 to vector<16xi32>
        %parallel_loop3A_1287 = vector.broadcast %parallel_loop3A_1285 : i32 to vector<16xi32>
        %parallel_loop3A_1288 = arith.select %parallel_loop3A_1283, %parallel_loop3A_1286, %parallel_loop3A_1287 : vector<16xi1>, vector<16xi32>
        %parallel_loop3A_1289 = arith.addi %parallel_loop3A_1221, %parallel_loop3A_1288 : vector<16xi32>
        %parallel_loop3A_1290 = arith.constant 14 : i32
        %parallel_loop3A_1291 = arith.addi %parallel_loop3A_321, %parallel_loop3A_1290 : i32
        %parallel_loop3A_1292 = arith.index_cast %parallel_loop3A_1291 : i32 to index
        %parallel_loop3A_1293 = arith.constant 0 : index
        %parallel_loop3A_1294 = tpu.vector_load %arg7[%parallel_loop3A_1292, %parallel_loop3A_1293] {strides = array<i32>} : memref<800x64xf32, #tpu.memory_space<vmem>>, vector<1x16xf32>,
        %parallel_loop3A_1295 = vector.shape_cast %parallel_loop3A_1294 : vector<1x16xf32> to vector<16xf32>
        %parallel_loop3A_1296 = arith.addf %parallel_loop3A_1228, %parallel_loop3A_1295 : vector<16xf32>
        %parallel_loop3A_1297 = tpu.bitcast %parallel_loop3A_1295 : vector<16xf32> -> vector<16xi32>
        %parallel_loop3A_1298 = arith.constant 0 : i32
        %parallel_loop3A_1299 = vector.broadcast %parallel_loop3A_1298 : i32 to vector<16xi32>
        %parallel_loop3A_1300 = arith.cmpi ne, %parallel_loop3A_1297, %parallel_loop3A_1299 : vector<16xi32>
        %parallel_loop3A_1301 = arith.constant 1 : i32
        %parallel_loop3A_1302 = arith.constant 0 : i32
        %parallel_loop3A_1303 = vector.broadcast %parallel_loop3A_1301 : i32 to vector<16xi32>
        %parallel_loop3A_1304 = vector.broadcast %parallel_loop3A_1302 : i32 to vector<16xi32>
        %parallel_loop3A_1305 = arith.select %parallel_loop3A_1300, %parallel_loop3A_1303, %parallel_loop3A_1304 : vector<16xi1>, vector<16xi32>
        %parallel_loop3A_1306 = arith.addi %parallel_loop3A_1238, %parallel_loop3A_1305 : vector<16xi32>
        %parallel_loop3A_1307 = arith.constant 14 : i32
        %parallel_loop3A_1308 = arith.addi %parallel_loop3A_321, %parallel_loop3A_1307 : i32
        %parallel_loop3A_1309 = arith.index_cast %parallel_loop3A_1308 : i32 to index
        %parallel_loop3A_1310 = arith.constant 16 : index
        %parallel_loop3A_1311 = tpu.vector_load %arg7[%parallel_loop3A_1309, %parallel_loop3A_1310] {strides = array<i32>} : memref<800x64xf32, #tpu.memory_space<vmem>>, vector<1x16xf32>,
        %parallel_loop3A_1312 = vector.shape_cast %parallel_loop3A_1311 : vector<1x16xf32> to vector<16xf32>
        %parallel_loop3A_1313 = arith.addf %parallel_loop3A_1245, %parallel_loop3A_1312 : vector<16xf32>
        %parallel_loop3A_1314 = tpu.bitcast %parallel_loop3A_1312 : vector<16xf32> -> vector<16xi32>
        %parallel_loop3A_1315 = arith.constant 0 : i32
        %parallel_loop3A_1316 = vector.broadcast %parallel_loop3A_1315 : i32 to vector<16xi32>
        %parallel_loop3A_1317 = arith.cmpi ne, %parallel_loop3A_1314, %parallel_loop3A_1316 : vector<16xi32>
        %parallel_loop3A_1318 = arith.constant 1 : i32
        %parallel_loop3A_1319 = arith.constant 0 : i32
        %parallel_loop3A_1320 = vector.broadcast %parallel_loop3A_1318 : i32 to vector<16xi32>
        %parallel_loop3A_1321 = vector.broadcast %parallel_loop3A_1319 : i32 to vector<16xi32>
        %parallel_loop3A_1322 = arith.select %parallel_loop3A_1317, %parallel_loop3A_1320, %parallel_loop3A_1321 : vector<16xi1>, vector<16xi32>
        %parallel_loop3A_1323 = arith.addi %parallel_loop3A_1255, %parallel_loop3A_1322 : vector<16xi32>
        %parallel_loop3A_1324 = arith.constant 14 : i32
        %parallel_loop3A_1325 = arith.addi %parallel_loop3A_321, %parallel_loop3A_1324 : i32
        %parallel_loop3A_1326 = arith.index_cast %parallel_loop3A_1325 : i32 to index
        %parallel_loop3A_1327 = arith.constant 32 : index
        %parallel_loop3A_1328 = tpu.vector_load %arg7[%parallel_loop3A_1326, %parallel_loop3A_1327] {strides = array<i32>} : memref<800x64xf32, #tpu.memory_space<vmem>>, vector<1x16xf32>,
        %parallel_loop3A_1329 = vector.shape_cast %parallel_loop3A_1328 : vector<1x16xf32> to vector<16xf32>
        %parallel_loop3A_1330 = arith.addf %parallel_loop3A_1262, %parallel_loop3A_1329 : vector<16xf32>
        %parallel_loop3A_1331 = tpu.bitcast %parallel_loop3A_1329 : vector<16xf32> -> vector<16xi32>
        %parallel_loop3A_1332 = arith.constant 0 : i32
        %parallel_loop3A_1333 = vector.broadcast %parallel_loop3A_1332 : i32 to vector<16xi32>
        %parallel_loop3A_1334 = arith.cmpi ne, %parallel_loop3A_1331, %parallel_loop3A_1333 : vector<16xi32>
        %parallel_loop3A_1335 = arith.constant 1 : i32
        %parallel_loop3A_1336 = arith.constant 0 : i32
        %parallel_loop3A_1337 = vector.broadcast %parallel_loop3A_1335 : i32 to vector<16xi32>
        %parallel_loop3A_1338 = vector.broadcast %parallel_loop3A_1336 : i32 to vector<16xi32>
        %parallel_loop3A_1339 = arith.select %parallel_loop3A_1334, %parallel_loop3A_1337, %parallel_loop3A_1338 : vector<16xi1>, vector<16xi32>
        %parallel_loop3A_1340 = arith.addi %parallel_loop3A_1272, %parallel_loop3A_1339 : vector<16xi32>
        %parallel_loop3A_1341 = arith.constant 14 : i32
        %parallel_loop3A_1342 = arith.addi %parallel_loop3A_321, %parallel_loop3A_1341 : i32
        %parallel_loop3A_1343 = arith.index_cast %parallel_loop3A_1342 : i32 to index
        %parallel_loop3A_1344 = arith.constant 48 : index
        %parallel_loop3A_1345 = tpu.vector_load %arg7[%parallel_loop3A_1343, %parallel_loop3A_1344] {strides = array<i32>} : memref<800x64xf32, #tpu.memory_space<vmem>>, vector<1x16xf32>,
        %parallel_loop3A_1346 = vector.shape_cast %parallel_loop3A_1345 : vector<1x16xf32> to vector<16xf32>
        %parallel_loop3A_1347 = arith.addf %parallel_loop3A_1279, %parallel_loop3A_1346 : vector<16xf32>
        %parallel_loop3A_1348 = tpu.bitcast %parallel_loop3A_1346 : vector<16xf32> -> vector<16xi32>
        %parallel_loop3A_1349 = arith.constant 0 : i32
        %parallel_loop3A_1350 = vector.broadcast %parallel_loop3A_1349 : i32 to vector<16xi32>
        %parallel_loop3A_1351 = arith.cmpi ne, %parallel_loop3A_1348, %parallel_loop3A_1350 : vector<16xi32>
        %parallel_loop3A_1352 = arith.constant 1 : i32
        %parallel_loop3A_1353 = arith.constant 0 : i32
        %parallel_loop3A_1354 = vector.broadcast %parallel_loop3A_1352 : i32 to vector<16xi32>
        %parallel_loop3A_1355 = vector.broadcast %parallel_loop3A_1353 : i32 to vector<16xi32>
        %parallel_loop3A_1356 = arith.select %parallel_loop3A_1351, %parallel_loop3A_1354, %parallel_loop3A_1355 : vector<16xi1>, vector<16xi32>
        %parallel_loop3A_1357 = arith.addi %parallel_loop3A_1289, %parallel_loop3A_1356 : vector<16xi32>
        %parallel_loop3A_1358 = arith.constant 15 : i32
        %parallel_loop3A_1359 = arith.addi %parallel_loop3A_321, %parallel_loop3A_1358 : i32
        %parallel_loop3A_1360 = arith.index_cast %parallel_loop3A_1359 : i32 to index
        %parallel_loop3A_1361 = arith.constant 0 : index
        %parallel_loop3A_1362 = tpu.vector_load %arg7[%parallel_loop3A_1360, %parallel_loop3A_1361] {strides = array<i32>} : memref<800x64xf32, #tpu.memory_space<vmem>>, vector<1x16xf32>,
        %parallel_loop3A_1363 = vector.shape_cast %parallel_loop3A_1362 : vector<1x16xf32> to vector<16xf32>
        %parallel_loop3A_1364 = arith.addf %parallel_loop3A_1296, %parallel_loop3A_1363 : vector<16xf32>
        %parallel_loop3A_1365 = tpu.bitcast %parallel_loop3A_1363 : vector<16xf32> -> vector<16xi32>
        %parallel_loop3A_1366 = arith.constant 0 : i32
        %parallel_loop3A_1367 = vector.broadcast %parallel_loop3A_1366 : i32 to vector<16xi32>
        %parallel_loop3A_1368 = arith.cmpi ne, %parallel_loop3A_1365, %parallel_loop3A_1367 : vector<16xi32>
        %parallel_loop3A_1369 = arith.constant 1 : i32
        %parallel_loop3A_1370 = arith.constant 0 : i32
        %parallel_loop3A_1371 = vector.broadcast %parallel_loop3A_1369 : i32 to vector<16xi32>
        %parallel_loop3A_1372 = vector.broadcast %parallel_loop3A_1370 : i32 to vector<16xi32>
        %parallel_loop3A_1373 = arith.select %parallel_loop3A_1368, %parallel_loop3A_1371, %parallel_loop3A_1372 : vector<16xi1>, vector<16xi32>
        %parallel_loop3A_1374 = arith.addi %parallel_loop3A_1306, %parallel_loop3A_1373 : vector<16xi32>
        %parallel_loop3A_1375 = arith.constant 15 : i32
        %parallel_loop3A_1376 = arith.addi %parallel_loop3A_321, %parallel_loop3A_1375 : i32
        %parallel_loop3A_1377 = arith.index_cast %parallel_loop3A_1376 : i32 to index
        %parallel_loop3A_1378 = arith.constant 16 : index
        %parallel_loop3A_1379 = tpu.vector_load %arg7[%parallel_loop3A_1377, %parallel_loop3A_1378] {strides = array<i32>} : memref<800x64xf32, #tpu.memory_space<vmem>>, vector<1x16xf32>,
        %parallel_loop3A_1380 = vector.shape_cast %parallel_loop3A_1379 : vector<1x16xf32> to vector<16xf32>
        %parallel_loop3A_1381 = arith.addf %parallel_loop3A_1313, %parallel_loop3A_1380 : vector<16xf32>
        %parallel_loop3A_1382 = tpu.bitcast %parallel_loop3A_1380 : vector<16xf32> -> vector<16xi32>
        %parallel_loop3A_1383 = arith.constant 0 : i32
        %parallel_loop3A_1384 = vector.broadcast %parallel_loop3A_1383 : i32 to vector<16xi32>
        %parallel_loop3A_1385 = arith.cmpi ne, %parallel_loop3A_1382, %parallel_loop3A_1384 : vector<16xi32>
        %parallel_loop3A_1386 = arith.constant 1 : i32
        %parallel_loop3A_1387 = arith.constant 0 : i32
        %parallel_loop3A_1388 = vector.broadcast %parallel_loop3A_1386 : i32 to vector<16xi32>
        %parallel_loop3A_1389 = vector.broadcast %parallel_loop3A_1387 : i32 to vector<16xi32>
        %parallel_loop3A_1390 = arith.select %parallel_loop3A_1385, %parallel_loop3A_1388, %parallel_loop3A_1389 : vector<16xi1>, vector<16xi32>
        %parallel_loop3A_1391 = arith.addi %parallel_loop3A_1323, %parallel_loop3A_1390 : vector<16xi32>
        %parallel_loop3A_1392 = arith.constant 15 : i32
        %parallel_loop3A_1393 = arith.addi %parallel_loop3A_321, %parallel_loop3A_1392 : i32
        %parallel_loop3A_1394 = arith.index_cast %parallel_loop3A_1393 : i32 to index
        %parallel_loop3A_1395 = arith.constant 32 : index
        %parallel_loop3A_1396 = tpu.vector_load %arg7[%parallel_loop3A_1394, %parallel_loop3A_1395] {strides = array<i32>} : memref<800x64xf32, #tpu.memory_space<vmem>>, vector<1x16xf32>,
        %parallel_loop3A_1397 = vector.shape_cast %parallel_loop3A_1396 : vector<1x16xf32> to vector<16xf32>
        %parallel_loop3A_1398 = arith.addf %parallel_loop3A_1330, %parallel_loop3A_1397 : vector<16xf32>
        %parallel_loop3A_1399 = tpu.bitcast %parallel_loop3A_1397 : vector<16xf32> -> vector<16xi32>
        %parallel_loop3A_1400 = arith.constant 0 : i32
        %parallel_loop3A_1401 = vector.broadcast %parallel_loop3A_1400 : i32 to vector<16xi32>
        %parallel_loop3A_1402 = arith.cmpi ne, %parallel_loop3A_1399, %parallel_loop3A_1401 : vector<16xi32>
        %parallel_loop3A_1403 = arith.constant 1 : i32
        %parallel_loop3A_1404 = arith.constant 0 : i32
        %parallel_loop3A_1405 = vector.broadcast %parallel_loop3A_1403 : i32 to vector<16xi32>
        %parallel_loop3A_1406 = vector.broadcast %parallel_loop3A_1404 : i32 to vector<16xi32>
        %parallel_loop3A_1407 = arith.select %parallel_loop3A_1402, %parallel_loop3A_1405, %parallel_loop3A_1406 : vector<16xi1>, vector<16xi32>
        %parallel_loop3A_1408 = arith.addi %parallel_loop3A_1340, %parallel_loop3A_1407 : vector<16xi32>
        %parallel_loop3A_1409 = arith.constant 15 : i32
        %parallel_loop3A_1410 = arith.addi %parallel_loop3A_321, %parallel_loop3A_1409 : i32
        %parallel_loop3A_1411 = arith.index_cast %parallel_loop3A_1410 : i32 to index
        %parallel_loop3A_1412 = arith.constant 48 : index
        %parallel_loop3A_1413 = tpu.vector_load %arg7[%parallel_loop3A_1411, %parallel_loop3A_1412] {strides = array<i32>} : memref<800x64xf32, #tpu.memory_space<vmem>>, vector<1x16xf32>,
        %parallel_loop3A_1414 = vector.shape_cast %parallel_loop3A_1413 : vector<1x16xf32> to vector<16xf32>
        %parallel_loop3A_1415 = arith.addf %parallel_loop3A_1347, %parallel_loop3A_1414 : vector<16xf32>
        %parallel_loop3A_1416 = tpu.bitcast %parallel_loop3A_1414 : vector<16xf32> -> vector<16xi32>
        %parallel_loop3A_1417 = arith.constant 0 : i32
        %parallel_loop3A_1418 = vector.broadcast %parallel_loop3A_1417 : i32 to vector<16xi32>
        %parallel_loop3A_1419 = arith.cmpi ne, %parallel_loop3A_1416, %parallel_loop3A_1418 : vector<16xi32>
        %parallel_loop3A_1420 = arith.constant 1 : i32
        %parallel_loop3A_1421 = arith.constant 0 : i32
        %parallel_loop3A_1422 = vector.broadcast %parallel_loop3A_1420 : i32 to vector<16xi32>
        %parallel_loop3A_1423 = vector.broadcast %parallel_loop3A_1421 : i32 to vector<16xi32>
        %parallel_loop3A_1424 = arith.select %parallel_loop3A_1419, %parallel_loop3A_1422, %parallel_loop3A_1423 : vector<16xi1>, vector<16xi32>
        %parallel_loop3A_1425 = arith.addi %parallel_loop3A_1357, %parallel_loop3A_1424 : vector<16xi32>
        %parallel_loop3A_1426 = arith.constant 16 : i32
        %parallel_loop3A_1427 = arith.addi %parallel_loop3A_321, %parallel_loop3A_1426 : i32
        %parallel_loop3A_1428 = arith.index_cast %parallel_loop3A_1427 : i32 to index
        %parallel_loop3A_1429 = arith.constant 0 : index
        %parallel_loop3A_1430 = tpu.vector_load %arg7[%parallel_loop3A_1428, %parallel_loop3A_1429] {strides = array<i32>} : memref<800x64xf32, #tpu.memory_space<vmem>>, vector<1x16xf32>,
        %parallel_loop3A_1431 = vector.shape_cast %parallel_loop3A_1430 : vector<1x16xf32> to vector<16xf32>
        %parallel_loop3A_1432 = arith.addf %parallel_loop3A_1364, %parallel_loop3A_1431 : vector<16xf32>
        %parallel_loop3A_1433 = tpu.bitcast %parallel_loop3A_1431 : vector<16xf32> -> vector<16xi32>
        %parallel_loop3A_1434 = arith.constant 0 : i32
        %parallel_loop3A_1435 = vector.broadcast %parallel_loop3A_1434 : i32 to vector<16xi32>
        %parallel_loop3A_1436 = arith.cmpi ne, %parallel_loop3A_1433, %parallel_loop3A_1435 : vector<16xi32>
        %parallel_loop3A_1437 = arith.constant 1 : i32
        %parallel_loop3A_1438 = arith.constant 0 : i32
        %parallel_loop3A_1439 = vector.broadcast %parallel_loop3A_1437 : i32 to vector<16xi32>
        %parallel_loop3A_1440 = vector.broadcast %parallel_loop3A_1438 : i32 to vector<16xi32>
        %parallel_loop3A_1441 = arith.select %parallel_loop3A_1436, %parallel_loop3A_1439, %parallel_loop3A_1440 : vector<16xi1>, vector<16xi32>
        %parallel_loop3A_1442 = arith.addi %parallel_loop3A_1374, %parallel_loop3A_1441 : vector<16xi32>
        %parallel_loop3A_1443 = arith.constant 16 : i32
        %parallel_loop3A_1444 = arith.addi %parallel_loop3A_321, %parallel_loop3A_1443 : i32
        %parallel_loop3A_1445 = arith.index_cast %parallel_loop3A_1444 : i32 to index
        %parallel_loop3A_1446 = arith.constant 16 : index
        %parallel_loop3A_1447 = tpu.vector_load %arg7[%parallel_loop3A_1445, %parallel_loop3A_1446] {strides = array<i32>} : memref<800x64xf32, #tpu.memory_space<vmem>>, vector<1x16xf32>,
        %parallel_loop3A_1448 = vector.shape_cast %parallel_loop3A_1447 : vector<1x16xf32> to vector<16xf32>
        %parallel_loop3A_1449 = arith.addf %parallel_loop3A_1381, %parallel_loop3A_1448 : vector<16xf32>
        %parallel_loop3A_1450 = tpu.bitcast %parallel_loop3A_1448 : vector<16xf32> -> vector<16xi32>
        %parallel_loop3A_1451 = arith.constant 0 : i32
        %parallel_loop3A_1452 = vector.broadcast %parallel_loop3A_1451 : i32 to vector<16xi32>
        %parallel_loop3A_1453 = arith.cmpi ne, %parallel_loop3A_1450, %parallel_loop3A_1452 : vector<16xi32>
        %parallel_loop3A_1454 = arith.constant 1 : i32
        %parallel_loop3A_1455 = arith.constant 0 : i32
        %parallel_loop3A_1456 = vector.broadcast %parallel_loop3A_1454 : i32 to vector<16xi32>
        %parallel_loop3A_1457 = vector.broadcast %parallel_loop3A_1455 : i32 to vector<16xi32>
        %parallel_loop3A_1458 = arith.select %parallel_loop3A_1453, %parallel_loop3A_1456, %parallel_loop3A_1457 : vector<16xi1>, vector<16xi32>
        %parallel_loop3A_1459 = arith.addi %parallel_loop3A_1391, %parallel_loop3A_1458 : vector<16xi32>
        %parallel_loop3A_1460 = arith.constant 16 : i32
        %parallel_loop3A_1461 = arith.addi %parallel_loop3A_321, %parallel_loop3A_1460 : i32
        %parallel_loop3A_1462 = arith.index_cast %parallel_loop3A_1461 : i32 to index
        %parallel_loop3A_1463 = arith.constant 32 : index
        %parallel_loop3A_1464 = tpu.vector_load %arg7[%parallel_loop3A_1462, %parallel_loop3A_1463] {strides = array<i32>} : memref<800x64xf32, #tpu.memory_space<vmem>>, vector<1x16xf32>,
        %parallel_loop3A_1465 = vector.shape_cast %parallel_loop3A_1464 : vector<1x16xf32> to vector<16xf32>
        %parallel_loop3A_1466 = arith.addf %parallel_loop3A_1398, %parallel_loop3A_1465 : vector<16xf32>
        %parallel_loop3A_1467 = tpu.bitcast %parallel_loop3A_1465 : vector<16xf32> -> vector<16xi32>
        %parallel_loop3A_1468 = arith.constant 0 : i32
        %parallel_loop3A_1469 = vector.broadcast %parallel_loop3A_1468 : i32 to vector<16xi32>
        %parallel_loop3A_1470 = arith.cmpi ne, %parallel_loop3A_1467, %parallel_loop3A_1469 : vector<16xi32>
        %parallel_loop3A_1471 = arith.constant 1 : i32
        %parallel_loop3A_1472 = arith.constant 0 : i32
        %parallel_loop3A_1473 = vector.broadcast %parallel_loop3A_1471 : i32 to vector<16xi32>
        %parallel_loop3A_1474 = vector.broadcast %parallel_loop3A_1472 : i32 to vector<16xi32>
        %parallel_loop3A_1475 = arith.select %parallel_loop3A_1470, %parallel_loop3A_1473, %parallel_loop3A_1474 : vector<16xi1>, vector<16xi32>
        %parallel_loop3A_1476 = arith.addi %parallel_loop3A_1408, %parallel_loop3A_1475 : vector<16xi32>
        %parallel_loop3A_1477 = arith.constant 16 : i32
        %parallel_loop3A_1478 = arith.addi %parallel_loop3A_321, %parallel_loop3A_1477 : i32
        %parallel_loop3A_1479 = arith.index_cast %parallel_loop3A_1478 : i32 to index
        %parallel_loop3A_1480 = arith.constant 48 : index
        %parallel_loop3A_1481 = tpu.vector_load %arg7[%parallel_loop3A_1479, %parallel_loop3A_1480] {strides = array<i32>} : memref<800x64xf32, #tpu.memory_space<vmem>>, vector<1x16xf32>,
        %parallel_loop3A_1482 = vector.shape_cast %parallel_loop3A_1481 : vector<1x16xf32> to vector<16xf32>
        %parallel_loop3A_1483 = arith.addf %parallel_loop3A_1415, %parallel_loop3A_1482 : vector<16xf32>
        %parallel_loop3A_1484 = tpu.bitcast %parallel_loop3A_1482 : vector<16xf32> -> vector<16xi32>
        %parallel_loop3A_1485 = arith.constant 0 : i32
        %parallel_loop3A_1486 = vector.broadcast %parallel_loop3A_1485 : i32 to vector<16xi32>
        %parallel_loop3A_1487 = arith.cmpi ne, %parallel_loop3A_1484, %parallel_loop3A_1486 : vector<16xi32>
        %parallel_loop3A_1488 = arith.constant 1 : i32
        %parallel_loop3A_1489 = arith.constant 0 : i32
        %parallel_loop3A_1490 = vector.broadcast %parallel_loop3A_1488 : i32 to vector<16xi32>
        %parallel_loop3A_1491 = vector.broadcast %parallel_loop3A_1489 : i32 to vector<16xi32>
        %parallel_loop3A_1492 = arith.select %parallel_loop3A_1487, %parallel_loop3A_1490, %parallel_loop3A_1491 : vector<16xi1>, vector<16xi32>
        %parallel_loop3A_1493 = arith.addi %parallel_loop3A_1425, %parallel_loop3A_1492 : vector<16xi32>
        %parallel_loop3A_1494 = arith.constant 17 : i32
        %parallel_loop3A_1495 = arith.addi %parallel_loop3A_321, %parallel_loop3A_1494 : i32
        %parallel_loop3A_1496 = arith.index_cast %parallel_loop3A_1495 : i32 to index
        %parallel_loop3A_1497 = arith.constant 0 : index
        %parallel_loop3A_1498 = tpu.vector_load %arg7[%parallel_loop3A_1496, %parallel_loop3A_1497] {strides = array<i32>} : memref<800x64xf32, #tpu.memory_space<vmem>>, vector<1x16xf32>,
        %parallel_loop3A_1499 = vector.shape_cast %parallel_loop3A_1498 : vector<1x16xf32> to vector<16xf32>
        %parallel_loop3A_1500 = arith.addf %parallel_loop3A_1432, %parallel_loop3A_1499 : vector<16xf32>
        %parallel_loop3A_1501 = tpu.bitcast %parallel_loop3A_1499 : vector<16xf32> -> vector<16xi32>
        %parallel_loop3A_1502 = arith.constant 0 : i32
        %parallel_loop3A_1503 = vector.broadcast %parallel_loop3A_1502 : i32 to vector<16xi32>
        %parallel_loop3A_1504 = arith.cmpi ne, %parallel_loop3A_1501, %parallel_loop3A_1503 : vector<16xi32>
        %parallel_loop3A_1505 = arith.constant 1 : i32
        %parallel_loop3A_1506 = arith.constant 0 : i32
        %parallel_loop3A_1507 = vector.broadcast %parallel_loop3A_1505 : i32 to vector<16xi32>
        %parallel_loop3A_1508 = vector.broadcast %parallel_loop3A_1506 : i32 to vector<16xi32>
        %parallel_loop3A_1509 = arith.select %parallel_loop3A_1504, %parallel_loop3A_1507, %parallel_loop3A_1508 : vector<16xi1>, vector<16xi32>
        %parallel_loop3A_1510 = arith.addi %parallel_loop3A_1442, %parallel_loop3A_1509 : vector<16xi32>
        %parallel_loop3A_1511 = arith.constant 17 : i32
        %parallel_loop3A_1512 = arith.addi %parallel_loop3A_321, %parallel_loop3A_1511 : i32
        %parallel_loop3A_1513 = arith.index_cast %parallel_loop3A_1512 : i32 to index
        %parallel_loop3A_1514 = arith.constant 16 : index
        %parallel_loop3A_1515 = tpu.vector_load %arg7[%parallel_loop3A_1513, %parallel_loop3A_1514] {strides = array<i32>} : memref<800x64xf32, #tpu.memory_space<vmem>>, vector<1x16xf32>,
        %parallel_loop3A_1516 = vector.shape_cast %parallel_loop3A_1515 : vector<1x16xf32> to vector<16xf32>
        %parallel_loop3A_1517 = arith.addf %parallel_loop3A_1449, %parallel_loop3A_1516 : vector<16xf32>
        %parallel_loop3A_1518 = tpu.bitcast %parallel_loop3A_1516 : vector<16xf32> -> vector<16xi32>
        %parallel_loop3A_1519 = arith.constant 0 : i32
        %parallel_loop3A_1520 = vector.broadcast %parallel_loop3A_1519 : i32 to vector<16xi32>
        %parallel_loop3A_1521 = arith.cmpi ne, %parallel_loop3A_1518, %parallel_loop3A_1520 : vector<16xi32>
        %parallel_loop3A_1522 = arith.constant 1 : i32
        %parallel_loop3A_1523 = arith.constant 0 : i32
        %parallel_loop3A_1524 = vector.broadcast %parallel_loop3A_1522 : i32 to vector<16xi32>
        %parallel_loop3A_1525 = vector.broadcast %parallel_loop3A_1523 : i32 to vector<16xi32>
        %parallel_loop3A_1526 = arith.select %parallel_loop3A_1521, %parallel_loop3A_1524, %parallel_loop3A_1525 : vector<16xi1>, vector<16xi32>
        %parallel_loop3A_1527 = arith.addi %parallel_loop3A_1459, %parallel_loop3A_1526 : vector<16xi32>
        %parallel_loop3A_1528 = arith.constant 17 : i32
        %parallel_loop3A_1529 = arith.addi %parallel_loop3A_321, %parallel_loop3A_1528 : i32
        %parallel_loop3A_1530 = arith.index_cast %parallel_loop3A_1529 : i32 to index
        %parallel_loop3A_1531 = arith.constant 32 : index
        %parallel_loop3A_1532 = tpu.vector_load %arg7[%parallel_loop3A_1530, %parallel_loop3A_1531] {strides = array<i32>} : memref<800x64xf32, #tpu.memory_space<vmem>>, vector<1x16xf32>,
        %parallel_loop3A_1533 = vector.shape_cast %parallel_loop3A_1532 : vector<1x16xf32> to vector<16xf32>
        %parallel_loop3A_1534 = arith.addf %parallel_loop3A_1466, %parallel_loop3A_1533 : vector<16xf32>
        %parallel_loop3A_1535 = tpu.bitcast %parallel_loop3A_1533 : vector<16xf32> -> vector<16xi32>
        %parallel_loop3A_1536 = arith.constant 0 : i32
        %parallel_loop3A_1537 = vector.broadcast %parallel_loop3A_1536 : i32 to vector<16xi32>
        %parallel_loop3A_1538 = arith.cmpi ne, %parallel_loop3A_1535, %parallel_loop3A_1537 : vector<16xi32>
        %parallel_loop3A_1539 = arith.constant 1 : i32
        %parallel_loop3A_1540 = arith.constant 0 : i32
        %parallel_loop3A_1541 = vector.broadcast %parallel_loop3A_1539 : i32 to vector<16xi32>
        %parallel_loop3A_1542 = vector.broadcast %parallel_loop3A_1540 : i32 to vector<16xi32>
        %parallel_loop3A_1543 = arith.select %parallel_loop3A_1538, %parallel_loop3A_1541, %parallel_loop3A_1542 : vector<16xi1>, vector<16xi32>
        %parallel_loop3A_1544 = arith.addi %parallel_loop3A_1476, %parallel_loop3A_1543 : vector<16xi32>
        %parallel_loop3A_1545 = arith.constant 17 : i32
        %parallel_loop3A_1546 = arith.addi %parallel_loop3A_321, %parallel_loop3A_1545 : i32
        %parallel_loop3A_1547 = arith.index_cast %parallel_loop3A_1546 : i32 to index
        %parallel_loop3A_1548 = arith.constant 48 : index
        %parallel_loop3A_1549 = tpu.vector_load %arg7[%parallel_loop3A_1547, %parallel_loop3A_1548] {strides = array<i32>} : memref<800x64xf32, #tpu.memory_space<vmem>>, vector<1x16xf32>,
        %parallel_loop3A_1550 = vector.shape_cast %parallel_loop3A_1549 : vector<1x16xf32> to vector<16xf32>
        %parallel_loop3A_1551 = arith.addf %parallel_loop3A_1483, %parallel_loop3A_1550 : vector<16xf32>
        %parallel_loop3A_1552 = tpu.bitcast %parallel_loop3A_1550 : vector<16xf32> -> vector<16xi32>
        %parallel_loop3A_1553 = arith.constant 0 : i32
        %parallel_loop3A_1554 = vector.broadcast %parallel_loop3A_1553 : i32 to vector<16xi32>
        %parallel_loop3A_1555 = arith.cmpi ne, %parallel_loop3A_1552, %parallel_loop3A_1554 : vector<16xi32>
        %parallel_loop3A_1556 = arith.constant 1 : i32
        %parallel_loop3A_1557 = arith.constant 0 : i32
        %parallel_loop3A_1558 = vector.broadcast %parallel_loop3A_1556 : i32 to vector<16xi32>
        %parallel_loop3A_1559 = vector.broadcast %parallel_loop3A_1557 : i32 to vector<16xi32>
        %parallel_loop3A_1560 = arith.select %parallel_loop3A_1555, %parallel_loop3A_1558, %parallel_loop3A_1559 : vector<16xi1>, vector<16xi32>
        %parallel_loop3A_1561 = arith.addi %parallel_loop3A_1493, %parallel_loop3A_1560 : vector<16xi32>
        %parallel_loop3A_1562 = arith.constant 18 : i32
        %parallel_loop3A_1563 = arith.addi %parallel_loop3A_321, %parallel_loop3A_1562 : i32
        %parallel_loop3A_1564 = arith.index_cast %parallel_loop3A_1563 : i32 to index
        %parallel_loop3A_1565 = arith.constant 0 : index
        %parallel_loop3A_1566 = tpu.vector_load %arg7[%parallel_loop3A_1564, %parallel_loop3A_1565] {strides = array<i32>} : memref<800x64xf32, #tpu.memory_space<vmem>>, vector<1x16xf32>,
        %parallel_loop3A_1567 = vector.shape_cast %parallel_loop3A_1566 : vector<1x16xf32> to vector<16xf32>
        %parallel_loop3A_1568 = arith.addf %parallel_loop3A_1500, %parallel_loop3A_1567 : vector<16xf32>
        %parallel_loop3A_1569 = tpu.bitcast %parallel_loop3A_1567 : vector<16xf32> -> vector<16xi32>
        %parallel_loop3A_1570 = arith.constant 0 : i32
        %parallel_loop3A_1571 = vector.broadcast %parallel_loop3A_1570 : i32 to vector<16xi32>
        %parallel_loop3A_1572 = arith.cmpi ne, %parallel_loop3A_1569, %parallel_loop3A_1571 : vector<16xi32>
        %parallel_loop3A_1573 = arith.constant 1 : i32
        %parallel_loop3A_1574 = arith.constant 0 : i32
        %parallel_loop3A_1575 = vector.broadcast %parallel_loop3A_1573 : i32 to vector<16xi32>
        %parallel_loop3A_1576 = vector.broadcast %parallel_loop3A_1574 : i32 to vector<16xi32>
        %parallel_loop3A_1577 = arith.select %parallel_loop3A_1572, %parallel_loop3A_1575, %parallel_loop3A_1576 : vector<16xi1>, vector<16xi32>
        %parallel_loop3A_1578 = arith.addi %parallel_loop3A_1510, %parallel_loop3A_1577 : vector<16xi32>
        %parallel_loop3A_1579 = arith.constant 18 : i32
        %parallel_loop3A_1580 = arith.addi %parallel_loop3A_321, %parallel_loop3A_1579 : i32
        %parallel_loop3A_1581 = arith.index_cast %parallel_loop3A_1580 : i32 to index
        %parallel_loop3A_1582 = arith.constant 16 : index
        %parallel_loop3A_1583 = tpu.vector_load %arg7[%parallel_loop3A_1581, %parallel_loop3A_1582] {strides = array<i32>} : memref<800x64xf32, #tpu.memory_space<vmem>>, vector<1x16xf32>,
        %parallel_loop3A_1584 = vector.shape_cast %parallel_loop3A_1583 : vector<1x16xf32> to vector<16xf32>
        %parallel_loop3A_1585 = arith.addf %parallel_loop3A_1517, %parallel_loop3A_1584 : vector<16xf32>
        %parallel_loop3A_1586 = tpu.bitcast %parallel_loop3A_1584 : vector<16xf32> -> vector<16xi32>
        %parallel_loop3A_1587 = arith.constant 0 : i32
        %parallel_loop3A_1588 = vector.broadcast %parallel_loop3A_1587 : i32 to vector<16xi32>
        %parallel_loop3A_1589 = arith.cmpi ne, %parallel_loop3A_1586, %parallel_loop3A_1588 : vector<16xi32>
        %parallel_loop3A_1590 = arith.constant 1 : i32
        %parallel_loop3A_1591 = arith.constant 0 : i32
        %parallel_loop3A_1592 = vector.broadcast %parallel_loop3A_1590 : i32 to vector<16xi32>
        %parallel_loop3A_1593 = vector.broadcast %parallel_loop3A_1591 : i32 to vector<16xi32>
        %parallel_loop3A_1594 = arith.select %parallel_loop3A_1589, %parallel_loop3A_1592, %parallel_loop3A_1593 : vector<16xi1>, vector<16xi32>
        %parallel_loop3A_1595 = arith.addi %parallel_loop3A_1527, %parallel_loop3A_1594 : vector<16xi32>
        %parallel_loop3A_1596 = arith.constant 18 : i32
        %parallel_loop3A_1597 = arith.addi %parallel_loop3A_321, %parallel_loop3A_1596 : i32
        %parallel_loop3A_1598 = arith.index_cast %parallel_loop3A_1597 : i32 to index
        %parallel_loop3A_1599 = arith.constant 32 : index
        %parallel_loop3A_1600 = tpu.vector_load %arg7[%parallel_loop3A_1598, %parallel_loop3A_1599] {strides = array<i32>} : memref<800x64xf32, #tpu.memory_space<vmem>>, vector<1x16xf32>,
        %parallel_loop3A_1601 = vector.shape_cast %parallel_loop3A_1600 : vector<1x16xf32> to vector<16xf32>
        %parallel_loop3A_1602 = arith.addf %parallel_loop3A_1534, %parallel_loop3A_1601 : vector<16xf32>
        %parallel_loop3A_1603 = tpu.bitcast %parallel_loop3A_1601 : vector<16xf32> -> vector<16xi32>
        %parallel_loop3A_1604 = arith.constant 0 : i32
        %parallel_loop3A_1605 = vector.broadcast %parallel_loop3A_1604 : i32 to vector<16xi32>
        %parallel_loop3A_1606 = arith.cmpi ne, %parallel_loop3A_1603, %parallel_loop3A_1605 : vector<16xi32>
        %parallel_loop3A_1607 = arith.constant 1 : i32
        %parallel_loop3A_1608 = arith.constant 0 : i32
        %parallel_loop3A_1609 = vector.broadcast %parallel_loop3A_1607 : i32 to vector<16xi32>
        %parallel_loop3A_1610 = vector.broadcast %parallel_loop3A_1608 : i32 to vector<16xi32>
        %parallel_loop3A_1611 = arith.select %parallel_loop3A_1606, %parallel_loop3A_1609, %parallel_loop3A_1610 : vector<16xi1>, vector<16xi32>
        %parallel_loop3A_1612 = arith.addi %parallel_loop3A_1544, %parallel_loop3A_1611 : vector<16xi32>
        %parallel_loop3A_1613 = arith.constant 18 : i32
        %parallel_loop3A_1614 = arith.addi %parallel_loop3A_321, %parallel_loop3A_1613 : i32
        %parallel_loop3A_1615 = arith.index_cast %parallel_loop3A_1614 : i32 to index
        %parallel_loop3A_1616 = arith.constant 48 : index
        %parallel_loop3A_1617 = tpu.vector_load %arg7[%parallel_loop3A_1615, %parallel_loop3A_1616] {strides = array<i32>} : memref<800x64xf32, #tpu.memory_space<vmem>>, vector<1x16xf32>,
        %parallel_loop3A_1618 = vector.shape_cast %parallel_loop3A_1617 : vector<1x16xf32> to vector<16xf32>
        %parallel_loop3A_1619 = arith.addf %parallel_loop3A_1551, %parallel_loop3A_1618 : vector<16xf32>
        %parallel_loop3A_1620 = tpu.bitcast %parallel_loop3A_1618 : vector<16xf32> -> vector<16xi32>
        %parallel_loop3A_1621 = arith.constant 0 : i32
        %parallel_loop3A_1622 = vector.broadcast %parallel_loop3A_1621 : i32 to vector<16xi32>
        %parallel_loop3A_1623 = arith.cmpi ne, %parallel_loop3A_1620, %parallel_loop3A_1622 : vector<16xi32>
        %parallel_loop3A_1624 = arith.constant 1 : i32
        %parallel_loop3A_1625 = arith.constant 0 : i32
        %parallel_loop3A_1626 = vector.broadcast %parallel_loop3A_1624 : i32 to vector<16xi32>
        %parallel_loop3A_1627 = vector.broadcast %parallel_loop3A_1625 : i32 to vector<16xi32>
        %parallel_loop3A_1628 = arith.select %parallel_loop3A_1623, %parallel_loop3A_1626, %parallel_loop3A_1627 : vector<16xi1>, vector<16xi32>
        %parallel_loop3A_1629 = arith.addi %parallel_loop3A_1561, %parallel_loop3A_1628 : vector<16xi32>
        %parallel_loop3A_1630 = arith.constant 19 : i32
        %parallel_loop3A_1631 = arith.addi %parallel_loop3A_321, %parallel_loop3A_1630 : i32
        %parallel_loop3A_1632 = arith.index_cast %parallel_loop3A_1631 : i32 to index
        %parallel_loop3A_1633 = arith.constant 0 : index
        %parallel_loop3A_1634 = tpu.vector_load %arg7[%parallel_loop3A_1632, %parallel_loop3A_1633] {strides = array<i32>} : memref<800x64xf32, #tpu.memory_space<vmem>>, vector<1x16xf32>,
        %parallel_loop3A_1635 = vector.shape_cast %parallel_loop3A_1634 : vector<1x16xf32> to vector<16xf32>
        %parallel_loop3A_1636 = arith.addf %parallel_loop3A_1568, %parallel_loop3A_1635 : vector<16xf32>
        %parallel_loop3A_1637 = tpu.bitcast %parallel_loop3A_1635 : vector<16xf32> -> vector<16xi32>
        %parallel_loop3A_1638 = arith.constant 0 : i32
        %parallel_loop3A_1639 = vector.broadcast %parallel_loop3A_1638 : i32 to vector<16xi32>
        %parallel_loop3A_1640 = arith.cmpi ne, %parallel_loop3A_1637, %parallel_loop3A_1639 : vector<16xi32>
        %parallel_loop3A_1641 = arith.constant 1 : i32
        %parallel_loop3A_1642 = arith.constant 0 : i32
        %parallel_loop3A_1643 = vector.broadcast %parallel_loop3A_1641 : i32 to vector<16xi32>
        %parallel_loop3A_1644 = vector.broadcast %parallel_loop3A_1642 : i32 to vector<16xi32>
        %parallel_loop3A_1645 = arith.select %parallel_loop3A_1640, %parallel_loop3A_1643, %parallel_loop3A_1644 : vector<16xi1>, vector<16xi32>
        %parallel_loop3A_1646 = arith.addi %parallel_loop3A_1578, %parallel_loop3A_1645 : vector<16xi32>
        %parallel_loop3A_1647 = arith.constant 19 : i32
        %parallel_loop3A_1648 = arith.addi %parallel_loop3A_321, %parallel_loop3A_1647 : i32
        %parallel_loop3A_1649 = arith.index_cast %parallel_loop3A_1648 : i32 to index
        %parallel_loop3A_1650 = arith.constant 16 : index
        %parallel_loop3A_1651 = tpu.vector_load %arg7[%parallel_loop3A_1649, %parallel_loop3A_1650] {strides = array<i32>} : memref<800x64xf32, #tpu.memory_space<vmem>>, vector<1x16xf32>,
        %parallel_loop3A_1652 = vector.shape_cast %parallel_loop3A_1651 : vector<1x16xf32> to vector<16xf32>
        %parallel_loop3A_1653 = arith.addf %parallel_loop3A_1585, %parallel_loop3A_1652 : vector<16xf32>
        %parallel_loop3A_1654 = tpu.bitcast %parallel_loop3A_1652 : vector<16xf32> -> vector<16xi32>
        %parallel_loop3A_1655 = arith.constant 0 : i32
        %parallel_loop3A_1656 = vector.broadcast %parallel_loop3A_1655 : i32 to vector<16xi32>
        %parallel_loop3A_1657 = arith.cmpi ne, %parallel_loop3A_1654, %parallel_loop3A_1656 : vector<16xi32>
        %parallel_loop3A_1658 = arith.constant 1 : i32
        %parallel_loop3A_1659 = arith.constant 0 : i32
        %parallel_loop3A_1660 = vector.broadcast %parallel_loop3A_1658 : i32 to vector<16xi32>
        %parallel_loop3A_1661 = vector.broadcast %parallel_loop3A_1659 : i32 to vector<16xi32>
        %parallel_loop3A_1662 = arith.select %parallel_loop3A_1657, %parallel_loop3A_1660, %parallel_loop3A_1661 : vector<16xi1>, vector<16xi32>
        %parallel_loop3A_1663 = arith.addi %parallel_loop3A_1595, %parallel_loop3A_1662 : vector<16xi32>
        %parallel_loop3A_1664 = arith.constant 19 : i32
        %parallel_loop3A_1665 = arith.addi %parallel_loop3A_321, %parallel_loop3A_1664 : i32
        %parallel_loop3A_1666 = arith.index_cast %parallel_loop3A_1665 : i32 to index
        %parallel_loop3A_1667 = arith.constant 32 : index
        %parallel_loop3A_1668 = tpu.vector_load %arg7[%parallel_loop3A_1666, %parallel_loop3A_1667] {strides = array<i32>} : memref<800x64xf32, #tpu.memory_space<vmem>>, vector<1x16xf32>,
        %parallel_loop3A_1669 = vector.shape_cast %parallel_loop3A_1668 : vector<1x16xf32> to vector<16xf32>
        %parallel_loop3A_1670 = arith.addf %parallel_loop3A_1602, %parallel_loop3A_1669 : vector<16xf32>
        %parallel_loop3A_1671 = tpu.bitcast %parallel_loop3A_1669 : vector<16xf32> -> vector<16xi32>
        %parallel_loop3A_1672 = arith.constant 0 : i32
        %parallel_loop3A_1673 = vector.broadcast %parallel_loop3A_1672 : i32 to vector<16xi32>
        %parallel_loop3A_1674 = arith.cmpi ne, %parallel_loop3A_1671, %parallel_loop3A_1673 : vector<16xi32>
        %parallel_loop3A_1675 = arith.constant 1 : i32
        %parallel_loop3A_1676 = arith.constant 0 : i32
        %parallel_loop3A_1677 = vector.broadcast %parallel_loop3A_1675 : i32 to vector<16xi32>
        %parallel_loop3A_1678 = vector.broadcast %parallel_loop3A_1676 : i32 to vector<16xi32>
        %parallel_loop3A_1679 = arith.select %parallel_loop3A_1674, %parallel_loop3A_1677, %parallel_loop3A_1678 : vector<16xi1>, vector<16xi32>
        %parallel_loop3A_1680 = arith.addi %parallel_loop3A_1612, %parallel_loop3A_1679 : vector<16xi32>
        %parallel_loop3A_1681 = arith.constant 19 : i32
        %parallel_loop3A_1682 = arith.addi %parallel_loop3A_321, %parallel_loop3A_1681 : i32
        %parallel_loop3A_1683 = arith.index_cast %parallel_loop3A_1682 : i32 to index
        %parallel_loop3A_1684 = arith.constant 48 : index
        %parallel_loop3A_1685 = tpu.vector_load %arg7[%parallel_loop3A_1683, %parallel_loop3A_1684] {strides = array<i32>} : memref<800x64xf32, #tpu.memory_space<vmem>>, vector<1x16xf32>,
        %parallel_loop3A_1686 = vector.shape_cast %parallel_loop3A_1685 : vector<1x16xf32> to vector<16xf32>
        %parallel_loop3A_1687 = arith.addf %parallel_loop3A_1619, %parallel_loop3A_1686 : vector<16xf32>
        %parallel_loop3A_1688 = tpu.bitcast %parallel_loop3A_1686 : vector<16xf32> -> vector<16xi32>
        %parallel_loop3A_1689 = arith.constant 0 : i32
        %parallel_loop3A_1690 = vector.broadcast %parallel_loop3A_1689 : i32 to vector<16xi32>
        %parallel_loop3A_1691 = arith.cmpi ne, %parallel_loop3A_1688, %parallel_loop3A_1690 : vector<16xi32>
        %parallel_loop3A_1692 = arith.constant 1 : i32
        %parallel_loop3A_1693 = arith.constant 0 : i32
        %parallel_loop3A_1694 = vector.broadcast %parallel_loop3A_1692 : i32 to vector<16xi32>
        %parallel_loop3A_1695 = vector.broadcast %parallel_loop3A_1693 : i32 to vector<16xi32>
        %parallel_loop3A_1696 = arith.select %parallel_loop3A_1691, %parallel_loop3A_1694, %parallel_loop3A_1695 : vector<16xi1>, vector<16xi32>
        %parallel_loop3A_1697 = arith.addi %parallel_loop3A_1629, %parallel_loop3A_1696 : vector<16xi32>
        %parallel_loop3A_1698 = arith.sitofp %parallel_loop3A_1646 : vector<16xi32> to vector<16xf32>
        %parallel_loop3A_1699 = arith.constant 0 : i32
        %parallel_loop3A_1700 = vector.broadcast %parallel_loop3A_1699 : i32 to vector<16xi32>
        %parallel_loop3A_1701 = arith.cmpi eq, %parallel_loop3A_1646, %parallel_loop3A_1700 : vector<16xi32>
        %parallel_loop3A_1702 = arith.divf %parallel_loop3A_1636, %parallel_loop3A_1698 : vector<16xf32>
        %parallel_loop3A_1703 = arith.constant 0.000000e+00 : f32
        %parallel_loop3A_1704 = vector.broadcast %parallel_loop3A_1703 : f32 to vector<16xf32>
        %parallel_loop3A_1705 = arith.select %parallel_loop3A_1701, %parallel_loop3A_1704, %parallel_loop3A_1702 : vector<16xi1>, vector<16xf32>
        %parallel_loop3A_1706 = arith.index_cast %parallel_loop3A_319 : i32 to index
        %parallel_loop3A_1707 = arith.constant 0 : index
        %parallel_loop3A_1708 = tpu.vector_load %arg9[%parallel_loop3A_1706, %parallel_loop3A_1707] {strides = array<i32>} : memref<40x64xf32, #tpu.memory_space<vmem>>, vector<1x16xf32>,
        %parallel_loop3A_1709 = vector.shape_cast %parallel_loop3A_1708 : vector<1x16xf32> to vector<16xf32>
        %parallel_loop3A_1710 = vector.shape_cast %parallel_loop3A_1705 : vector<16xf32> to vector<1x16xf32>
        tpu.vector_store %arg9[%parallel_loop3A_1706, %parallel_loop3A_1707], %parallel_loop3A_1710 {strides = array<i32>} : memref<40x64xf32, #tpu.memory_space<vmem>>, vector<1x16xf32>,
        %parallel_loop3A_1711 = arith.sitofp %parallel_loop3A_1663 : vector<16xi32> to vector<16xf32>
        %parallel_loop3A_1712 = arith.constant 0 : i32
        %parallel_loop3A_1713 = vector.broadcast %parallel_loop3A_1712 : i32 to vector<16xi32>
        %parallel_loop3A_1714 = arith.cmpi eq, %parallel_loop3A_1663, %parallel_loop3A_1713 : vector<16xi32>
        %parallel_loop3A_1715 = arith.divf %parallel_loop3A_1653, %parallel_loop3A_1711 : vector<16xf32>
        %parallel_loop3A_1716 = arith.constant 0.000000e+00 : f32
        %parallel_loop3A_1717 = vector.broadcast %parallel_loop3A_1716 : f32 to vector<16xf32>
        %parallel_loop3A_1718 = arith.select %parallel_loop3A_1714, %parallel_loop3A_1717, %parallel_loop3A_1715 : vector<16xi1>, vector<16xf32>
        %parallel_loop3A_1719 = arith.index_cast %parallel_loop3A_319 : i32 to index
        %parallel_loop3A_1720 = arith.constant 16 : index
        %parallel_loop3A_1721 = tpu.vector_load %arg9[%parallel_loop3A_1719, %parallel_loop3A_1720] {strides = array<i32>} : memref<40x64xf32, #tpu.memory_space<vmem>>, vector<1x16xf32>,
        %parallel_loop3A_1722 = vector.shape_cast %parallel_loop3A_1721 : vector<1x16xf32> to vector<16xf32>
        %parallel_loop3A_1723 = vector.shape_cast %parallel_loop3A_1718 : vector<16xf32> to vector<1x16xf32>
        tpu.vector_store %arg9[%parallel_loop3A_1719, %parallel_loop3A_1720], %parallel_loop3A_1723 {strides = array<i32>} : memref<40x64xf32, #tpu.memory_space<vmem>>, vector<1x16xf32>,
        %parallel_loop3A_1724 = arith.sitofp %parallel_loop3A_1680 : vector<16xi32> to vector<16xf32>
        %parallel_loop3A_1725 = arith.constant 0 : i32
        %parallel_loop3A_1726 = vector.broadcast %parallel_loop3A_1725 : i32 to vector<16xi32>
        %parallel_loop3A_1727 = arith.cmpi eq, %parallel_loop3A_1680, %parallel_loop3A_1726 : vector<16xi32>
        %parallel_loop3A_1728 = arith.divf %parallel_loop3A_1670, %parallel_loop3A_1724 : vector<16xf32>
        %parallel_loop3A_1729 = arith.constant 0.000000e+00 : f32
        %parallel_loop3A_1730 = vector.broadcast %parallel_loop3A_1729 : f32 to vector<16xf32>
        %parallel_loop3A_1731 = arith.select %parallel_loop3A_1727, %parallel_loop3A_1730, %parallel_loop3A_1728 : vector<16xi1>, vector<16xf32>
        %parallel_loop3A_1732 = arith.index_cast %parallel_loop3A_319 : i32 to index
        %parallel_loop3A_1733 = arith.constant 32 : index
        %parallel_loop3A_1734 = tpu.vector_load %arg9[%parallel_loop3A_1732, %parallel_loop3A_1733] {strides = array<i32>} : memref<40x64xf32, #tpu.memory_space<vmem>>, vector<1x16xf32>,
        %parallel_loop3A_1735 = vector.shape_cast %parallel_loop3A_1734 : vector<1x16xf32> to vector<16xf32>
        %parallel_loop3A_1736 = vector.shape_cast %parallel_loop3A_1731 : vector<16xf32> to vector<1x16xf32>
        tpu.vector_store %arg9[%parallel_loop3A_1732, %parallel_loop3A_1733], %parallel_loop3A_1736 {strides = array<i32>} : memref<40x64xf32, #tpu.memory_space<vmem>>, vector<1x16xf32>,
        %parallel_loop3A_1737 = arith.sitofp %parallel_loop3A_1697 : vector<16xi32> to vector<16xf32>
        %parallel_loop3A_1738 = arith.constant 0 : i32
        %parallel_loop3A_1739 = vector.broadcast %parallel_loop3A_1738 : i32 to vector<16xi32>
        %parallel_loop3A_1740 = arith.cmpi eq, %parallel_loop3A_1697, %parallel_loop3A_1739 : vector<16xi32>
        %parallel_loop3A_1741 = arith.divf %parallel_loop3A_1687, %parallel_loop3A_1737 : vector<16xf32>
        %parallel_loop3A_1742 = arith.constant 0.000000e+00 : f32
        %parallel_loop3A_1743 = vector.broadcast %parallel_loop3A_1742 : f32 to vector<16xf32>
        %parallel_loop3A_1744 = arith.select %parallel_loop3A_1740, %parallel_loop3A_1743, %parallel_loop3A_1741 : vector<16xi1>, vector<16xf32>
        %parallel_loop3A_1745 = arith.index_cast %parallel_loop3A_319 : i32 to index
        %parallel_loop3A_1746 = arith.constant 48 : index
        %parallel_loop3A_1747 = tpu.vector_load %arg9[%parallel_loop3A_1745, %parallel_loop3A_1746] {strides = array<i32>} : memref<40x64xf32, #tpu.memory_space<vmem>>, vector<1x16xf32>,
        %parallel_loop3A_1748 = vector.shape_cast %parallel_loop3A_1747 : vector<1x16xf32> to vector<16xf32>
        %parallel_loop3A_1749 = vector.shape_cast %parallel_loop3A_1744 : vector<16xf32> to vector<1x16xf32>
        tpu.vector_store %arg9[%parallel_loop3A_1745, %parallel_loop3A_1746], %parallel_loop3A_1749 {strides = array<i32>} : memref<40x64xf32, #tpu.memory_space<vmem>>, vector<1x16xf32>,
      } {sc.loop_unroll_factor = 2 : i64, sc.parallel_access}
      %mul3A_284 = arith.constant 40 : i32
      %mul3A_285 = arith.muli %add3A_158, %mul3A_284 : i32
      %dma_start3A_286 = arith.constant 0 : i32
      %dma_start3A_287 = tpu.memref_slice %arg4[%mul3A_285, %dma_start3A_286] : memref<51200x64xf32, #tpu.memory_space<hbm>> -> memref<40x64xf32, #tpu.memory_space<hbm>>
      %dma_start3A_288 = arith.constant 0 : i32
      %dma_start3A_289 = tpu.memref_slice %arg4[%mul3A_285, %dma_start3A_288] : memref<51200x64xf32, #tpu.memory_space<hbm>> -> memref<40x64xf32, #tpu.memory_space<hbm>>
      tpu.enqueue_dma source(%arg9 : memref<40x64xf32, #tpu.memory_space<vmem>>) target(%dma_start3A_289 : memref<40x64xf32, #tpu.memory_space<hbm>>) target_semaphore(%arg15 : memref<!tpu.dma_semaphore, #tpu.memory_space<semaphore_mem>>)
      %dma_wait3A_290 = arith.constant 0 : i32
      %dma_wait3A_291 = arith.constant 0 : i32
      %dma_wait3A_292 = tpu.memref_slice %arg3[%dma_wait3A_290, %dma_wait3A_291] : memref<100000x64xf32, #tpu.memory_space<hbm>> -> memref<800x64xf32, #tpu.memory_space<hbm>>
      %dma_wait3A_293 = arith.constant 0 : i32
      %dma_wait3A_294 = arith.constant 0 : i32
      %dma_wait3A_295 = tpu.memref_slice %arg3[%dma_wait3A_293, %dma_wait3A_294] : memref<100000x64xf32, #tpu.memory_space<hbm>> -> memref<800x64xf32, #tpu.memory_space<hbm>>
      tpu.wait_dma2 semaphore(%arg14 : memref<!tpu.dma_semaphore, #tpu.memory_space<semaphore_mem>>) src(%dma_wait3A_295 : memref<800x64xf32, #tpu.memory_space<hbm>>) dst(%arg8 : memref<800x64xf32, #tpu.memory_space<vmem>>)
      %lt3A_296 = arith.constant 19 : i32
      %lt3A_297 = arith.cmpi slt, %scan3A_155, %lt3A_296 : i32
      %convert_element_type3A_298 = arith.extui %lt3A_297 : i1 to i32
      %cond3A_299 = arith.constant 0 : i32
      %cond3A_300 = arith.cmpi ne, %convert_element_type3A_298, %cond3A_299 : i32
      scf.if %cond3A_300 {
        %add3A_319 = arith.constant 3 : i32
        %add3A_320 = arith.addi %add3A_158, %add3A_319 : i32
        %dma_start3A_321 = arith.constant 0 : i32
        %dma_start3A_322 = arith.constant 0 : i32
        %dma_start3A_323 = tpu.memref_slice %arg2[%add3A_320, %dma_start3A_321, %dma_start3A_322] : memref<1280x10x80xi32, #tpu.memory_space<hbm>> -> memref<1x10x80xi32, #tpu.memory_space<hbm>>
        %dma_start3A_324 = tpu.memref_squeeze %dma_start3A_323 : memref<1x10x80xi32, #tpu.memory_space<hbm>> -> memref<10x80xi32, #tpu.memory_space<hbm>>
        %dma_start3A_325 = arith.constant 0 : i32
        %dma_start3A_326 = arith.constant 0 : i32
        %dma_start3A_327 = tpu.memref_slice %arg2[%add3A_320, %dma_start3A_325, %dma_start3A_326] : memref<1280x10x80xi32, #tpu.memory_space<hbm>> -> memref<1x10x80xi32, #tpu.memory_space<hbm>>
        %dma_start3A_328 = tpu.memref_squeeze %dma_start3A_327 : memref<1x10x80xi32, #tpu.memory_space<hbm>> -> memref<10x80xi32, #tpu.memory_space<hbm>>
        tpu.enqueue_dma source(%dma_start3A_328 : memref<10x80xi32, #tpu.memory_space<hbm>>) target(%arg6 : memref<10x80xi32, #tpu.memory_space<vmem>>) target_semaphore(%arg12 : memref<!tpu.dma_semaphore, #tpu.memory_space<semaphore_mem>>)
        %add3A_329 = arith.constant 2 : i32
        %add3A_330 = arith.addi %add3A_158, %add3A_329 : i32
        %dma_wait3A_331 = arith.constant 0 : i32
        %dma_wait3A_332 = arith.constant 0 : i32
        %dma_wait3A_333 = tpu.memref_slice %arg2[%add3A_330, %dma_wait3A_331, %dma_wait3A_332] : memref<1280x10x80xi32, #tpu.memory_space<hbm>> -> memref<1x10x80xi32, #tpu.memory_space<hbm>>
        %dma_wait3A_334 = tpu.memref_squeeze %dma_wait3A_333 : memref<1x10x80xi32, #tpu.memory_space<hbm>> -> memref<10x80xi32, #tpu.memory_space<hbm>>
        %dma_wait3A_335 = arith.constant 0 : i32
        %dma_wait3A_336 = arith.constant 0 : i32
        %dma_wait3A_337 = tpu.memref_slice %arg2[%add3A_330, %dma_wait3A_335, %dma_wait3A_336] : memref<1280x10x80xi32, #tpu.memory_space<hbm>> -> memref<1x10x80xi32, #tpu.memory_space<hbm>>
        %dma_wait3A_338 = tpu.memref_squeeze %dma_wait3A_337 : memref<1x10x80xi32, #tpu.memory_space<hbm>> -> memref<10x80xi32, #tpu.memory_space<hbm>>
        tpu.wait_dma2 semaphore(%arg11 : memref<!tpu.dma_semaphore, #tpu.memory_space<semaphore_mem>>) src(%dma_wait3A_338 : memref<10x80xi32, #tpu.memory_space<hbm>>) dst(%arg5 : memref<10x80xi32, #tpu.memory_space<vmem>>)
        %dma_start3A_339 = arith.constant 0 : i32
        %dma_start3A_340 = arith.constant 0 : i32
        %dma_start3A_341 = arith.constant 0 : i32
        %dma_start3A_342 = tpu.memref_slice %arg7[%dma_start3A_340, %dma_start3A_341] : memref<800x64xf32, #tpu.memory_space<vmem>> -> memref<80x64xf32, #tpu.memory_space<vmem>>
        %dma_start3A_343 = arith.constant 0 : i32
        %dma_start3A_344 = tpu.memref_slice %arg5[%dma_start3A_339, %dma_start3A_343] : memref<10x80xi32, #tpu.memory_space<vmem>> -> memref<1x80xi32, #tpu.memory_space<vmem>>
        %dma_start3A_345 = tpu.memref_squeeze %dma_start3A_344 : memref<1x80xi32, #tpu.memory_space<vmem>> -> memref<80xi32, #tpu.memory_space<vmem>>
        %dma_start3A_346 = arith.constant 0 : i32
        %dma_start3A_347 = arith.constant 0 : i32
        %dma_start3A_348 = tpu.memref_slice %arg3[%dma_start3A_346, %dma_start3A_347] : memref<100000x64xf32, #tpu.memory_space<hbm>> -> memref<100000x64xf32, #tpu.memory_space<hbm>>
        tpu.enqueue_indirect_dma source(%dma_start3A_348 : memref<100000x64xf32, #tpu.memory_space<hbm>>) target(%dma_start3A_342 : memref<80x64xf32, #tpu.memory_space<vmem>>) offsets(%dma_start3A_345 : memref<80xi32, #tpu.memory_space<vmem>>) semaphore(%arg13 : memref<!tpu.dma_semaphore, #tpu.memory_space<semaphore_mem>>)
        %dma_start3A_349 = arith.constant 1 : i32
        %dma_start3A_350 = arith.constant 80 : i32
        %dma_start3A_351 = arith.constant 0 : i32
        %dma_start3A_352 = tpu.memref_slice %arg7[%dma_start3A_350, %dma_start3A_351] : memref<800x64xf32, #tpu.memory_space<vmem>> -> memref<80x64xf32, #tpu.memory_space<vmem>>
        %dma_start3A_353 = arith.constant 0 : i32
        %dma_start3A_354 = tpu.memref_slice %arg5[%dma_start3A_349, %dma_start3A_353] : memref<10x80xi32, #tpu.memory_space<vmem>> -> memref<1x80xi32, #tpu.memory_space<vmem>>
        %dma_start3A_355 = tpu.memref_squeeze %dma_start3A_354 : memref<1x80xi32, #tpu.memory_space<vmem>> -> memref<80xi32, #tpu.memory_space<vmem>>
        %dma_start3A_356 = arith.constant 0 : i32
        %dma_start3A_357 = arith.constant 0 : i32
        %dma_start3A_358 = tpu.memref_slice %arg3[%dma_start3A_356, %dma_start3A_357] : memref<100000x64xf32, #tpu.memory_space<hbm>> -> memref<100000x64xf32, #tpu.memory_space<hbm>>
        tpu.enqueue_indirect_dma source(%dma_start3A_358 : memref<100000x64xf32, #tpu.memory_space<hbm>>) target(%dma_start3A_352 : memref<80x64xf32, #tpu.memory_space<vmem>>) offsets(%dma_start3A_355 : memref<80xi32, #tpu.memory_space<vmem>>) semaphore(%arg13 : memref<!tpu.dma_semaphore, #tpu.memory_space<semaphore_mem>>)
        %dma_start3A_359 = arith.constant 2 : i32
        %dma_start3A_360 = arith.constant 160 : i32
        %dma_start3A_361 = arith.constant 0 : i32
        %dma_start3A_362 = tpu.memref_slice %arg7[%dma_start3A_360, %dma_start3A_361] : memref<800x64xf32, #tpu.memory_space<vmem>> -> memref<80x64xf32, #tpu.memory_space<vmem>>
        %dma_start3A_363 = arith.constant 0 : i32
        %dma_start3A_364 = tpu.memref_slice %arg5[%dma_start3A_359, %dma_start3A_363] : memref<10x80xi32, #tpu.memory_space<vmem>> -> memref<1x80xi32, #tpu.memory_space<vmem>>
        %dma_start3A_365 = tpu.memref_squeeze %dma_start3A_364 : memref<1x80xi32, #tpu.memory_space<vmem>> -> memref<80xi32, #tpu.memory_space<vmem>>
        %dma_start3A_366 = arith.constant 0 : i32
        %dma_start3A_367 = arith.constant 0 : i32
        %dma_start3A_368 = tpu.memref_slice %arg3[%dma_start3A_366, %dma_start3A_367] : memref<100000x64xf32, #tpu.memory_space<hbm>> -> memref<100000x64xf32, #tpu.memory_space<hbm>>
        tpu.enqueue_indirect_dma source(%dma_start3A_368 : memref<100000x64xf32, #tpu.memory_space<hbm>>) target(%dma_start3A_362 : memref<80x64xf32, #tpu.memory_space<vmem>>) offsets(%dma_start3A_365 : memref<80xi32, #tpu.memory_space<vmem>>) semaphore(%arg13 : memref<!tpu.dma_semaphore, #tpu.memory_space<semaphore_mem>>)
        %dma_start3A_369 = arith.constant 3 : i32
        %dma_start3A_370 = arith.constant 240 : i32
        %dma_start3A_371 = arith.constant 0 : i32
        %dma_start3A_372 = tpu.memref_slice %arg7[%dma_start3A_370, %dma_start3A_371] : memref<800x64xf32, #tpu.memory_space<vmem>> -> memref<80x64xf32, #tpu.memory_space<vmem>>
        %dma_start3A_373 = arith.constant 0 : i32
        %dma_start3A_374 = tpu.memref_slice %arg5[%dma_start3A_369, %dma_start3A_373] : memref<10x80xi32, #tpu.memory_space<vmem>> -> memref<1x80xi32, #tpu.memory_space<vmem>>
        %dma_start3A_375 = tpu.memref_squeeze %dma_start3A_374 : memref<1x80xi32, #tpu.memory_space<vmem>> -> memref<80xi32, #tpu.memory_space<vmem>>
        %dma_start3A_376 = arith.constant 0 : i32
        %dma_start3A_377 = arith.constant 0 : i32
        %dma_start3A_378 = tpu.memref_slice %arg3[%dma_start3A_376, %dma_start3A_377] : memref<100000x64xf32, #tpu.memory_space<hbm>> -> memref<100000x64xf32, #tpu.memory_space<hbm>>
        tpu.enqueue_indirect_dma source(%dma_start3A_378 : memref<100000x64xf32, #tpu.memory_space<hbm>>) target(%dma_start3A_372 : memref<80x64xf32, #tpu.memory_space<vmem>>) offsets(%dma_start3A_375 : memref<80xi32, #tpu.memory_space<vmem>>) semaphore(%arg13 : memref<!tpu.dma_semaphore, #tpu.memory_space<semaphore_mem>>)
        %dma_start3A_379 = arith.constant 4 : i32
        %dma_start3A_380 = arith.constant 320 : i32
        %dma_start3A_381 = arith.constant 0 : i32
        %dma_start3A_382 = tpu.memref_slice %arg7[%dma_start3A_380, %dma_start3A_381] : memref<800x64xf32, #tpu.memory_space<vmem>> -> memref<80x64xf32, #tpu.memory_space<vmem>>
        %dma_start3A_383 = arith.constant 0 : i32
        %dma_start3A_384 = tpu.memref_slice %arg5[%dma_start3A_379, %dma_start3A_383] : memref<10x80xi32, #tpu.memory_space<vmem>> -> memref<1x80xi32, #tpu.memory_space<vmem>>
        %dma_start3A_385 = tpu.memref_squeeze %dma_start3A_384 : memref<1x80xi32, #tpu.memory_space<vmem>> -> memref<80xi32, #tpu.memory_space<vmem>>
        %dma_start3A_386 = arith.constant 0 : i32
        %dma_start3A_387 = arith.constant 0 : i32
        %dma_start3A_388 = tpu.memref_slice %arg3[%dma_start3A_386, %dma_start3A_387] : memref<100000x64xf32, #tpu.memory_space<hbm>> -> memref<100000x64xf32, #tpu.memory_space<hbm>>
        tpu.enqueue_indirect_dma source(%dma_start3A_388 : memref<100000x64xf32, #tpu.memory_space<hbm>>) target(%dma_start3A_382 : memref<80x64xf32, #tpu.memory_space<vmem>>) offsets(%dma_start3A_385 : memref<80xi32, #tpu.memory_space<vmem>>) semaphore(%arg13 : memref<!tpu.dma_semaphore, #tpu.memory_space<semaphore_mem>>)
        %dma_start3A_389 = arith.constant 5 : i32
        %dma_start3A_390 = arith.constant 400 : i32
        %dma_start3A_391 = arith.constant 0 : i32
        %dma_start3A_392 = tpu.memref_slice %arg7[%dma_start3A_390, %dma_start3A_391] : memref<800x64xf32, #tpu.memory_space<vmem>> -> memref<80x64xf32, #tpu.memory_space<vmem>>
        %dma_start3A_393 = arith.constant 0 : i32
        %dma_start3A_394 = tpu.memref_slice %arg5[%dma_start3A_389, %dma_start3A_393] : memref<10x80xi32, #tpu.memory_space<vmem>> -> memref<1x80xi32, #tpu.memory_space<vmem>>
        %dma_start3A_395 = tpu.memref_squeeze %dma_start3A_394 : memref<1x80xi32, #tpu.memory_space<vmem>> -> memref<80xi32, #tpu.memory_space<vmem>>
        %dma_start3A_396 = arith.constant 0 : i32
        %dma_start3A_397 = arith.constant 0 : i32
        %dma_start3A_398 = tpu.memref_slice %arg3[%dma_start3A_396, %dma_start3A_397] : memref<100000x64xf32, #tpu.memory_space<hbm>> -> memref<100000x64xf32, #tpu.memory_space<hbm>>
        tpu.enqueue_indirect_dma source(%dma_start3A_398 : memref<100000x64xf32, #tpu.memory_space<hbm>>) target(%dma_start3A_392 : memref<80x64xf32, #tpu.memory_space<vmem>>) offsets(%dma_start3A_395 : memref<80xi32, #tpu.memory_space<vmem>>) semaphore(%arg13 : memref<!tpu.dma_semaphore, #tpu.memory_space<semaphore_mem>>)
        %dma_start3A_399 = arith.constant 6 : i32
        %dma_start3A_400 = arith.constant 480 : i32
        %dma_start3A_401 = arith.constant 0 : i32
        %dma_start3A_402 = tpu.memref_slice %arg7[%dma_start3A_400, %dma_start3A_401] : memref<800x64xf32, #tpu.memory_space<vmem>> -> memref<80x64xf32, #tpu.memory_space<vmem>>
        %dma_start3A_403 = arith.constant 0 : i32
        %dma_start3A_404 = tpu.memref_slice %arg5[%dma_start3A_399, %dma_start3A_403] : memref<10x80xi32, #tpu.memory_space<vmem>> -> memref<1x80xi32, #tpu.memory_space<vmem>>
        %dma_start3A_405 = tpu.memref_squeeze %dma_start3A_404 : memref<1x80xi32, #tpu.memory_space<vmem>> -> memref<80xi32, #tpu.memory_space<vmem>>
        %dma_start3A_406 = arith.constant 0 : i32
        %dma_start3A_407 = arith.constant 0 : i32
        %dma_start3A_408 = tpu.memref_slice %arg3[%dma_start3A_406, %dma_start3A_407] : memref<100000x64xf32, #tpu.memory_space<hbm>> -> memref<100000x64xf32, #tpu.memory_space<hbm>>
        tpu.enqueue_indirect_dma source(%dma_start3A_408 : memref<100000x64xf32, #tpu.memory_space<hbm>>) target(%dma_start3A_402 : memref<80x64xf32, #tpu.memory_space<vmem>>) offsets(%dma_start3A_405 : memref<80xi32, #tpu.memory_space<vmem>>) semaphore(%arg13 : memref<!tpu.dma_semaphore, #tpu.memory_space<semaphore_mem>>)
        %dma_start3A_409 = arith.constant 7 : i32
        %dma_start3A_410 = arith.constant 560 : i32
        %dma_start3A_411 = arith.constant 0 : i32
        %dma_start3A_412 = tpu.memref_slice %arg7[%dma_start3A_410, %dma_start3A_411] : memref<800x64xf32, #tpu.memory_space<vmem>> -> memref<80x64xf32, #tpu.memory_space<vmem>>
        %dma_start3A_413 = arith.constant 0 : i32
        %dma_start3A_414 = tpu.memref_slice %arg5[%dma_start3A_409, %dma_start3A_413] : memref<10x80xi32, #tpu.memory_space<vmem>> -> memref<1x80xi32, #tpu.memory_space<vmem>>
        %dma_start3A_415 = tpu.memref_squeeze %dma_start3A_414 : memref<1x80xi32, #tpu.memory_space<vmem>> -> memref<80xi32, #tpu.memory_space<vmem>>
        %dma_start3A_416 = arith.constant 0 : i32
        %dma_start3A_417 = arith.constant 0 : i32
        %dma_start3A_418 = tpu.memref_slice %arg3[%dma_start3A_416, %dma_start3A_417] : memref<100000x64xf32, #tpu.memory_space<hbm>> -> memref<100000x64xf32, #tpu.memory_space<hbm>>
        tpu.enqueue_indirect_dma source(%dma_start3A_418 : memref<100000x64xf32, #tpu.memory_space<hbm>>) target(%dma_start3A_412 : memref<80x64xf32, #tpu.memory_space<vmem>>) offsets(%dma_start3A_415 : memref<80xi32, #tpu.memory_space<vmem>>) semaphore(%arg13 : memref<!tpu.dma_semaphore, #tpu.memory_space<semaphore_mem>>)
        %dma_start3A_419 = arith.constant 8 : i32
        %dma_start3A_420 = arith.constant 640 : i32
        %dma_start3A_421 = arith.constant 0 : i32
        %dma_start3A_422 = tpu.memref_slice %arg7[%dma_start3A_420, %dma_start3A_421] : memref<800x64xf32, #tpu.memory_space<vmem>> -> memref<80x64xf32, #tpu.memory_space<vmem>>
        %dma_start3A_423 = arith.constant 0 : i32
        %dma_start3A_424 = tpu.memref_slice %arg5[%dma_start3A_419, %dma_start3A_423] : memref<10x80xi32, #tpu.memory_space<vmem>> -> memref<1x80xi32, #tpu.memory_space<vmem>>
        %dma_start3A_425 = tpu.memref_squeeze %dma_start3A_424 : memref<1x80xi32, #tpu.memory_space<vmem>> -> memref<80xi32, #tpu.memory_space<vmem>>
        %dma_start3A_426 = arith.constant 0 : i32
        %dma_start3A_427 = arith.constant 0 : i32
        %dma_start3A_428 = tpu.memref_slice %arg3[%dma_start3A_426, %dma_start3A_427] : memref<100000x64xf32, #tpu.memory_space<hbm>> -> memref<100000x64xf32, #tpu.memory_space<hbm>>
        tpu.enqueue_indirect_dma source(%dma_start3A_428 : memref<100000x64xf32, #tpu.memory_space<hbm>>) target(%dma_start3A_422 : memref<80x64xf32, #tpu.memory_space<vmem>>) offsets(%dma_start3A_425 : memref<80xi32, #tpu.memory_space<vmem>>) semaphore(%arg13 : memref<!tpu.dma_semaphore, #tpu.memory_space<semaphore_mem>>)
        %dma_start3A_429 = arith.constant 9 : i32
        %dma_start3A_430 = arith.constant 720 : i32
        %dma_start3A_431 = arith.constant 0 : i32
        %dma_start3A_432 = tpu.memref_slice %arg7[%dma_start3A_430, %dma_start3A_431] : memref<800x64xf32, #tpu.memory_space<vmem>> -> memref<80x64xf32, #tpu.memory_space<vmem>>
        %dma_start3A_433 = arith.constant 0 : i32
        %dma_start3A_434 = tpu.memref_slice %arg5[%dma_start3A_429, %dma_start3A_433] : memref<10x80xi32, #tpu.memory_space<vmem>> -> memref<1x80xi32, #tpu.memory_space<vmem>>
        %dma_start3A_435 = tpu.memref_squeeze %dma_start3A_434 : memref<1x80xi32, #tpu.memory_space<vmem>> -> memref<80xi32, #tpu.memory_space<vmem>>
        %dma_start3A_436 = arith.constant 0 : i32
        %dma_start3A_437 = arith.constant 0 : i32
        %dma_start3A_438 = tpu.memref_slice %arg3[%dma_start3A_436, %dma_start3A_437] : memref<100000x64xf32, #tpu.memory_space<hbm>> -> memref<100000x64xf32, #tpu.memory_space<hbm>>
        tpu.enqueue_indirect_dma source(%dma_start3A_438 : memref<100000x64xf32, #tpu.memory_space<hbm>>) target(%dma_start3A_432 : memref<80x64xf32, #tpu.memory_space<vmem>>) offsets(%dma_start3A_435 : memref<80xi32, #tpu.memory_space<vmem>>) semaphore(%arg13 : memref<!tpu.dma_semaphore, #tpu.memory_space<semaphore_mem>>)
      } else {
      }
      %add3A_301 = arith.constant 1 : i32
      %add3A_302 = arith.addi %add3A_158, %add3A_301 : i32
      %eq3A_303 = arith.constant 0 : i32
      %eq3A_304 = arith.cmpi eq, %scan3A_155, %eq3A_303 : i32
      %not3A_305 = arith.constant true
      %not3A_306 = arith.xori %eq3A_304, %not3A_305 : i1
      %convert_element_type3A_307 = arith.extui %not3A_306 : i1 to i32
      %cond3A_308 = arith.constant 0 : i32
      %cond3A_309 = arith.cmpi ne, %convert_element_type3A_307, %cond3A_308 : i32
      scf.if %cond3A_309 {
        %sub3A_319 = arith.constant 2 : i32
        %sub3A_320 = arith.subi %add3A_302, %sub3A_319 : i32
        %mul3A_321 = arith.constant 40 : i32
        %mul3A_322 = arith.muli %sub3A_320, %mul3A_321 : i32
        %dma_wait3A_323 = arith.constant 0 : i32
        %dma_wait3A_324 = tpu.memref_slice %arg4[%mul3A_322, %dma_wait3A_323] : memref<51200x64xf32, #tpu.memory_space<hbm>> -> memref<40x64xf32, #tpu.memory_space<hbm>>
        %dma_wait3A_325 = arith.constant 0 : i32
        %dma_wait3A_326 = tpu.memref_slice %arg4[%mul3A_322, %dma_wait3A_325] : memref<51200x64xf32, #tpu.memory_space<hbm>> -> memref<40x64xf32, #tpu.memory_space<hbm>>
        tpu.wait_dma2 semaphore(%arg16 : memref<!tpu.dma_semaphore, #tpu.memory_space<semaphore_mem>>) src(%arg10 : memref<40x64xf32, #tpu.memory_space<vmem>>) dst(%dma_wait3A_326 : memref<40x64xf32, #tpu.memory_space<hbm>>)
      } else {
      }
      %parallel_loop3A_310 = arith.constant 0 : i32
      %parallel_loop3A_311 = arith.constant 40 : i32
      %parallel_loop3A_312 = arith.constant 1 : i32
      scf.for %parallel_loop3A_319 = %parallel_loop3A_310 to %parallel_loop3A_311 step %parallel_loop3A_312  : i32 {
        %parallel_loop3A_320 = arith.constant 20 : i32
        %parallel_loop3A_321 = arith.muli %parallel_loop3A_319, %parallel_loop3A_320 : i32
        %parallel_loop3A_322 = arith.constant 0.000000e+00 : f32
        %parallel_loop3A_323 = vector.broadcast %parallel_loop3A_322 : f32 to vector<16xf32>
        %parallel_loop3A_324 = arith.constant 0.000000e+00 : f32
        %parallel_loop3A_325 = vector.broadcast %parallel_loop3A_324 : f32 to vector<16xf32>
        %parallel_loop3A_326 = arith.constant 0.000000e+00 : f32
        %parallel_loop3A_327 = vector.broadcast %parallel_loop3A_326 : f32 to vector<16xf32>
        %parallel_loop3A_328 = arith.constant 0.000000e+00 : f32
        %parallel_loop3A_329 = vector.broadcast %parallel_loop3A_328 : f32 to vector<16xf32>
        %parallel_loop3A_330 = arith.constant 0 : i32
        %parallel_loop3A_331 = vector.broadcast %parallel_loop3A_330 : i32 to vector<16xi32>
        %parallel_loop3A_332 = arith.constant 0 : i32
        %parallel_loop3A_333 = vector.broadcast %parallel_loop3A_332 : i32 to vector<16xi32>
        %parallel_loop3A_334 = arith.constant 0 : i32
        %parallel_loop3A_335 = vector.broadcast %parallel_loop3A_334 : i32 to vector<16xi32>
        %parallel_loop3A_336 = arith.constant 0 : i32
        %parallel_loop3A_337 = vector.broadcast %parallel_loop3A_336 : i32 to vector<16xi32>
        %parallel_loop3A_338 = arith.constant 0 : i32
        %parallel_loop3A_339 = arith.addi %parallel_loop3A_321, %parallel_loop3A_338 : i32
        %parallel_loop3A_340 = arith.index_cast %parallel_loop3A_339 : i32 to index
        %parallel_loop3A_341 = arith.constant 0 : index
        %parallel_loop3A_342 = tpu.vector_load %arg8[%parallel_loop3A_340, %parallel_loop3A_341] {strides = array<i32>} : memref<800x64xf32, #tpu.memory_space<vmem>>, vector<1x16xf32>,
        %parallel_loop3A_343 = vector.shape_cast %parallel_loop3A_342 : vector<1x16xf32> to vector<16xf32>
        %parallel_loop3A_344 = arith.addf %parallel_loop3A_323, %parallel_loop3A_343 : vector<16xf32>
        %parallel_loop3A_345 = tpu.bitcast %parallel_loop3A_343 : vector<16xf32> -> vector<16xi32>
        %parallel_loop3A_346 = arith.constant 0 : i32
        %parallel_loop3A_347 = vector.broadcast %parallel_loop3A_346 : i32 to vector<16xi32>
        %parallel_loop3A_348 = arith.cmpi ne, %parallel_loop3A_345, %parallel_loop3A_347 : vector<16xi32>
        %parallel_loop3A_349 = arith.constant 1 : i32
        %parallel_loop3A_350 = arith.constant 0 : i32
        %parallel_loop3A_351 = vector.broadcast %parallel_loop3A_349 : i32 to vector<16xi32>
        %parallel_loop3A_352 = vector.broadcast %parallel_loop3A_350 : i32 to vector<16xi32>
        %parallel_loop3A_353 = arith.select %parallel_loop3A_348, %parallel_loop3A_351, %parallel_loop3A_352 : vector<16xi1>, vector<16xi32>
        %parallel_loop3A_354 = arith.addi %parallel_loop3A_331, %parallel_loop3A_353 : vector<16xi32>
        %parallel_loop3A_355 = arith.constant 0 : i32
        %parallel_loop3A_356 = arith.addi %parallel_loop3A_321, %parallel_loop3A_355 : i32
        %parallel_loop3A_357 = arith.index_cast %parallel_loop3A_356 : i32 to index
        %parallel_loop3A_358 = arith.constant 16 : index
        %parallel_loop3A_359 = tpu.vector_load %arg8[%parallel_loop3A_357, %parallel_loop3A_358] {strides = array<i32>} : memref<800x64xf32, #tpu.memory_space<vmem>>, vector<1x16xf32>,
        %parallel_loop3A_360 = vector.shape_cast %parallel_loop3A_359 : vector<1x16xf32> to vector<16xf32>
        %parallel_loop3A_361 = arith.addf %parallel_loop3A_325, %parallel_loop3A_360 : vector<16xf32>
        %parallel_loop3A_362 = tpu.bitcast %parallel_loop3A_360 : vector<16xf32> -> vector<16xi32>
        %parallel_loop3A_363 = arith.constant 0 : i32
        %parallel_loop3A_364 = vector.broadcast %parallel_loop3A_363 : i32 to vector<16xi32>
        %parallel_loop3A_365 = arith.cmpi ne, %parallel_loop3A_362, %parallel_loop3A_364 : vector<16xi32>
        %parallel_loop3A_366 = arith.constant 1 : i32
        %parallel_loop3A_367 = arith.constant 0 : i32
        %parallel_loop3A_368 = vector.broadcast %parallel_loop3A_366 : i32 to vector<16xi32>
        %parallel_loop3A_369 = vector.broadcast %parallel_loop3A_367 : i32 to vector<16xi32>
        %parallel_loop3A_370 = arith.select %parallel_loop3A_365, %parallel_loop3A_368, %parallel_loop3A_369 : vector<16xi1>, vector<16xi32>
        %parallel_loop3A_371 = arith.addi %parallel_loop3A_333, %parallel_loop3A_370 : vector<16xi32>
        %parallel_loop3A_372 = arith.constant 0 : i32
        %parallel_loop3A_373 = arith.addi %parallel_loop3A_321, %parallel_loop3A_372 : i32
        %parallel_loop3A_374 = arith.index_cast %parallel_loop3A_373 : i32 to index
        %parallel_loop3A_375 = arith.constant 32 : index
        %parallel_loop3A_376 = tpu.vector_load %arg8[%parallel_loop3A_374, %parallel_loop3A_375] {strides = array<i32>} : memref<800x64xf32, #tpu.memory_space<vmem>>, vector<1x16xf32>,
        %parallel_loop3A_377 = vector.shape_cast %parallel_loop3A_376 : vector<1x16xf32> to vector<16xf32>
        %parallel_loop3A_378 = arith.addf %parallel_loop3A_327, %parallel_loop3A_377 : vector<16xf32>
        %parallel_loop3A_379 = tpu.bitcast %parallel_loop3A_377 : vector<16xf32> -> vector<16xi32>
        %parallel_loop3A_380 = arith.constant 0 : i32
        %parallel_loop3A_381 = vector.broadcast %parallel_loop3A_380 : i32 to vector<16xi32>
        %parallel_loop3A_382 = arith.cmpi ne, %parallel_loop3A_379, %parallel_loop3A_381 : vector<16xi32>
        %parallel_loop3A_383 = arith.constant 1 : i32
        %parallel_loop3A_384 = arith.constant 0 : i32
        %parallel_loop3A_385 = vector.broadcast %parallel_loop3A_383 : i32 to vector<16xi32>
        %parallel_loop3A_386 = vector.broadcast %parallel_loop3A_384 : i32 to vector<16xi32>
        %parallel_loop3A_387 = arith.select %parallel_loop3A_382, %parallel_loop3A_385, %parallel_loop3A_386 : vector<16xi1>, vector<16xi32>
        %parallel_loop3A_388 = arith.addi %parallel_loop3A_335, %parallel_loop3A_387 : vector<16xi32>
        %parallel_loop3A_389 = arith.constant 0 : i32
        %parallel_loop3A_390 = arith.addi %parallel_loop3A_321, %parallel_loop3A_389 : i32
        %parallel_loop3A_391 = arith.index_cast %parallel_loop3A_390 : i32 to index
        %parallel_loop3A_392 = arith.constant 48 : index
        %parallel_loop3A_393 = tpu.vector_load %arg8[%parallel_loop3A_391, %parallel_loop3A_392] {strides = array<i32>} : memref<800x64xf32, #tpu.memory_space<vmem>>, vector<1x16xf32>,
        %parallel_loop3A_394 = vector.shape_cast %parallel_loop3A_393 : vector<1x16xf32> to vector<16xf32>
        %parallel_loop3A_395 = arith.addf %parallel_loop3A_329, %parallel_loop3A_394 : vector<16xf32>
        %parallel_loop3A_396 = tpu.bitcast %parallel_loop3A_394 : vector<16xf32> -> vector<16xi32>
        %parallel_loop3A_397 = arith.constant 0 : i32
        %parallel_loop3A_398 = vector.broadcast %parallel_loop3A_397 : i32 to vector<16xi32>
        %parallel_loop3A_399 = arith.cmpi ne, %parallel_loop3A_396, %parallel_loop3A_398 : vector<16xi32>
        %parallel_loop3A_400 = arith.constant 1 : i32
        %parallel_loop3A_401 = arith.constant 0 : i32
        %parallel_loop3A_402 = vector.broadcast %parallel_loop3A_400 : i32 to vector<16xi32>
        %parallel_loop3A_403 = vector.broadcast %parallel_loop3A_401 : i32 to vector<16xi32>
        %parallel_loop3A_404 = arith.select %parallel_loop3A_399, %parallel_loop3A_402, %parallel_loop3A_403 : vector<16xi1>, vector<16xi32>
        %parallel_loop3A_405 = arith.addi %parallel_loop3A_337, %parallel_loop3A_404 : vector<16xi32>
        %parallel_loop3A_406 = arith.constant 1 : i32
        %parallel_loop3A_407 = arith.addi %parallel_loop3A_321, %parallel_loop3A_406 : i32
        %parallel_loop3A_408 = arith.index_cast %parallel_loop3A_407 : i32 to index
        %parallel_loop3A_409 = arith.constant 0 : index
        %parallel_loop3A_410 = tpu.vector_load %arg8[%parallel_loop3A_408, %parallel_loop3A_409] {strides = array<i32>} : memref<800x64xf32, #tpu.memory_space<vmem>>, vector<1x16xf32>,
        %parallel_loop3A_411 = vector.shape_cast %parallel_loop3A_410 : vector<1x16xf32> to vector<16xf32>
        %parallel_loop3A_412 = arith.addf %parallel_loop3A_344, %parallel_loop3A_411 : vector<16xf32>
        %parallel_loop3A_413 = tpu.bitcast %parallel_loop3A_411 : vector<16xf32> -> vector<16xi32>
        %parallel_loop3A_414 = arith.constant 0 : i32
        %parallel_loop3A_415 = vector.broadcast %parallel_loop3A_414 : i32 to vector<16xi32>
        %parallel_loop3A_416 = arith.cmpi ne, %parallel_loop3A_413, %parallel_loop3A_415 : vector<16xi32>
        %parallel_loop3A_417 = arith.constant 1 : i32
        %parallel_loop3A_418 = arith.constant 0 : i32
        %parallel_loop3A_419 = vector.broadcast %parallel_loop3A_417 : i32 to vector<16xi32>
        %parallel_loop3A_420 = vector.broadcast %parallel_loop3A_418 : i32 to vector<16xi32>
        %parallel_loop3A_421 = arith.select %parallel_loop3A_416, %parallel_loop3A_419, %parallel_loop3A_420 : vector<16xi1>, vector<16xi32>
        %parallel_loop3A_422 = arith.addi %parallel_loop3A_354, %parallel_loop3A_421 : vector<16xi32>
        %parallel_loop3A_423 = arith.constant 1 : i32
        %parallel_loop3A_424 = arith.addi %parallel_loop3A_321, %parallel_loop3A_423 : i32
        %parallel_loop3A_425 = arith.index_cast %parallel_loop3A_424 : i32 to index
        %parallel_loop3A_426 = arith.constant 16 : index
        %parallel_loop3A_427 = tpu.vector_load %arg8[%parallel_loop3A_425, %parallel_loop3A_426] {strides = array<i32>} : memref<800x64xf32, #tpu.memory_space<vmem>>, vector<1x16xf32>,
        %parallel_loop3A_428 = vector.shape_cast %parallel_loop3A_427 : vector<1x16xf32> to vector<16xf32>
        %parallel_loop3A_429 = arith.addf %parallel_loop3A_361, %parallel_loop3A_428 : vector<16xf32>
        %parallel_loop3A_430 = tpu.bitcast %parallel_loop3A_428 : vector<16xf32> -> vector<16xi32>
        %parallel_loop3A_431 = arith.constant 0 : i32
        %parallel_loop3A_432 = vector.broadcast %parallel_loop3A_431 : i32 to vector<16xi32>
        %parallel_loop3A_433 = arith.cmpi ne, %parallel_loop3A_430, %parallel_loop3A_432 : vector<16xi32>
        %parallel_loop3A_434 = arith.constant 1 : i32
        %parallel_loop3A_435 = arith.constant 0 : i32
        %parallel_loop3A_436 = vector.broadcast %parallel_loop3A_434 : i32 to vector<16xi32>
        %parallel_loop3A_437 = vector.broadcast %parallel_loop3A_435 : i32 to vector<16xi32>
        %parallel_loop3A_438 = arith.select %parallel_loop3A_433, %parallel_loop3A_436, %parallel_loop3A_437 : vector<16xi1>, vector<16xi32>
        %parallel_loop3A_439 = arith.addi %parallel_loop3A_371, %parallel_loop3A_438 : vector<16xi32>
        %parallel_loop3A_440 = arith.constant 1 : i32
        %parallel_loop3A_441 = arith.addi %parallel_loop3A_321, %parallel_loop3A_440 : i32
        %parallel_loop3A_442 = arith.index_cast %parallel_loop3A_441 : i32 to index
        %parallel_loop3A_443 = arith.constant 32 : index
        %parallel_loop3A_444 = tpu.vector_load %arg8[%parallel_loop3A_442, %parallel_loop3A_443] {strides = array<i32>} : memref<800x64xf32, #tpu.memory_space<vmem>>, vector<1x16xf32>,
        %parallel_loop3A_445 = vector.shape_cast %parallel_loop3A_444 : vector<1x16xf32> to vector<16xf32>
        %parallel_loop3A_446 = arith.addf %parallel_loop3A_378, %parallel_loop3A_445 : vector<16xf32>
        %parallel_loop3A_447 = tpu.bitcast %parallel_loop3A_445 : vector<16xf32> -> vector<16xi32>
        %parallel_loop3A_448 = arith.constant 0 : i32
        %parallel_loop3A_449 = vector.broadcast %parallel_loop3A_448 : i32 to vector<16xi32>
        %parallel_loop3A_450 = arith.cmpi ne, %parallel_loop3A_447, %parallel_loop3A_449 : vector<16xi32>
        %parallel_loop3A_451 = arith.constant 1 : i32
        %parallel_loop3A_452 = arith.constant 0 : i32
        %parallel_loop3A_453 = vector.broadcast %parallel_loop3A_451 : i32 to vector<16xi32>
        %parallel_loop3A_454 = vector.broadcast %parallel_loop3A_452 : i32 to vector<16xi32>
        %parallel_loop3A_455 = arith.select %parallel_loop3A_450, %parallel_loop3A_453, %parallel_loop3A_454 : vector<16xi1>, vector<16xi32>
        %parallel_loop3A_456 = arith.addi %parallel_loop3A_388, %parallel_loop3A_455 : vector<16xi32>
        %parallel_loop3A_457 = arith.constant 1 : i32
        %parallel_loop3A_458 = arith.addi %parallel_loop3A_321, %parallel_loop3A_457 : i32
        %parallel_loop3A_459 = arith.index_cast %parallel_loop3A_458 : i32 to index
        %parallel_loop3A_460 = arith.constant 48 : index
        %parallel_loop3A_461 = tpu.vector_load %arg8[%parallel_loop3A_459, %parallel_loop3A_460] {strides = array<i32>} : memref<800x64xf32, #tpu.memory_space<vmem>>, vector<1x16xf32>,
        %parallel_loop3A_462 = vector.shape_cast %parallel_loop3A_461 : vector<1x16xf32> to vector<16xf32>
        %parallel_loop3A_463 = arith.addf %parallel_loop3A_395, %parallel_loop3A_462 : vector<16xf32>
        %parallel_loop3A_464 = tpu.bitcast %parallel_loop3A_462 : vector<16xf32> -> vector<16xi32>
        %parallel_loop3A_465 = arith.constant 0 : i32
        %parallel_loop3A_466 = vector.broadcast %parallel_loop3A_465 : i32 to vector<16xi32>
        %parallel_loop3A_467 = arith.cmpi ne, %parallel_loop3A_464, %parallel_loop3A_466 : vector<16xi32>
        %parallel_loop3A_468 = arith.constant 1 : i32
        %parallel_loop3A_469 = arith.constant 0 : i32
        %parallel_loop3A_470 = vector.broadcast %parallel_loop3A_468 : i32 to vector<16xi32>
        %parallel_loop3A_471 = vector.broadcast %parallel_loop3A_469 : i32 to vector<16xi32>
        %parallel_loop3A_472 = arith.select %parallel_loop3A_467, %parallel_loop3A_470, %parallel_loop3A_471 : vector<16xi1>, vector<16xi32>
        %parallel_loop3A_473 = arith.addi %parallel_loop3A_405, %parallel_loop3A_472 : vector<16xi32>
        %parallel_loop3A_474 = arith.constant 2 : i32
        %parallel_loop3A_475 = arith.addi %parallel_loop3A_321, %parallel_loop3A_474 : i32
        %parallel_loop3A_476 = arith.index_cast %parallel_loop3A_475 : i32 to index
        %parallel_loop3A_477 = arith.constant 0 : index
        %parallel_loop3A_478 = tpu.vector_load %arg8[%parallel_loop3A_476, %parallel_loop3A_477] {strides = array<i32>} : memref<800x64xf32, #tpu.memory_space<vmem>>, vector<1x16xf32>,
        %parallel_loop3A_479 = vector.shape_cast %parallel_loop3A_478 : vector<1x16xf32> to vector<16xf32>
        %parallel_loop3A_480 = arith.addf %parallel_loop3A_412, %parallel_loop3A_479 : vector<16xf32>
        %parallel_loop3A_481 = tpu.bitcast %parallel_loop3A_479 : vector<16xf32> -> vector<16xi32>
        %parallel_loop3A_482 = arith.constant 0 : i32
        %parallel_loop3A_483 = vector.broadcast %parallel_loop3A_482 : i32 to vector<16xi32>
        %parallel_loop3A_484 = arith.cmpi ne, %parallel_loop3A_481, %parallel_loop3A_483 : vector<16xi32>
        %parallel_loop3A_485 = arith.constant 1 : i32
        %parallel_loop3A_486 = arith.constant 0 : i32
        %parallel_loop3A_487 = vector.broadcast %parallel_loop3A_485 : i32 to vector<16xi32>
        %parallel_loop3A_488 = vector.broadcast %parallel_loop3A_486 : i32 to vector<16xi32>
        %parallel_loop3A_489 = arith.select %parallel_loop3A_484, %parallel_loop3A_487, %parallel_loop3A_488 : vector<16xi1>, vector<16xi32>
        %parallel_loop3A_490 = arith.addi %parallel_loop3A_422, %parallel_loop3A_489 : vector<16xi32>
        %parallel_loop3A_491 = arith.constant 2 : i32
        %parallel_loop3A_492 = arith.addi %parallel_loop3A_321, %parallel_loop3A_491 : i32
        %parallel_loop3A_493 = arith.index_cast %parallel_loop3A_492 : i32 to index
        %parallel_loop3A_494 = arith.constant 16 : index
        %parallel_loop3A_495 = tpu.vector_load %arg8[%parallel_loop3A_493, %parallel_loop3A_494] {strides = array<i32>} : memref<800x64xf32, #tpu.memory_space<vmem>>, vector<1x16xf32>,
        %parallel_loop3A_496 = vector.shape_cast %parallel_loop3A_495 : vector<1x16xf32> to vector<16xf32>
        %parallel_loop3A_497 = arith.addf %parallel_loop3A_429, %parallel_loop3A_496 : vector<16xf32>
        %parallel_loop3A_498 = tpu.bitcast %parallel_loop3A_496 : vector<16xf32> -> vector<16xi32>
        %parallel_loop3A_499 = arith.constant 0 : i32
        %parallel_loop3A_500 = vector.broadcast %parallel_loop3A_499 : i32 to vector<16xi32>
        %parallel_loop3A_501 = arith.cmpi ne, %parallel_loop3A_498, %parallel_loop3A_500 : vector<16xi32>
        %parallel_loop3A_502 = arith.constant 1 : i32
        %parallel_loop3A_503 = arith.constant 0 : i32
        %parallel_loop3A_504 = vector.broadcast %parallel_loop3A_502 : i32 to vector<16xi32>
        %parallel_loop3A_505 = vector.broadcast %parallel_loop3A_503 : i32 to vector<16xi32>
        %parallel_loop3A_506 = arith.select %parallel_loop3A_501, %parallel_loop3A_504, %parallel_loop3A_505 : vector<16xi1>, vector<16xi32>
        %parallel_loop3A_507 = arith.addi %parallel_loop3A_439, %parallel_loop3A_506 : vector<16xi32>
        %parallel_loop3A_508 = arith.constant 2 : i32
        %parallel_loop3A_509 = arith.addi %parallel_loop3A_321, %parallel_loop3A_508 : i32
        %parallel_loop3A_510 = arith.index_cast %parallel_loop3A_509 : i32 to index
        %parallel_loop3A_511 = arith.constant 32 : index
        %parallel_loop3A_512 = tpu.vector_load %arg8[%parallel_loop3A_510, %parallel_loop3A_511] {strides = array<i32>} : memref<800x64xf32, #tpu.memory_space<vmem>>, vector<1x16xf32>,
        %parallel_loop3A_513 = vector.shape_cast %parallel_loop3A_512 : vector<1x16xf32> to vector<16xf32>
        %parallel_loop3A_514 = arith.addf %parallel_loop3A_446, %parallel_loop3A_513 : vector<16xf32>
        %parallel_loop3A_515 = tpu.bitcast %parallel_loop3A_513 : vector<16xf32> -> vector<16xi32>
        %parallel_loop3A_516 = arith.constant 0 : i32
        %parallel_loop3A_517 = vector.broadcast %parallel_loop3A_516 : i32 to vector<16xi32>
        %parallel_loop3A_518 = arith.cmpi ne, %parallel_loop3A_515, %parallel_loop3A_517 : vector<16xi32>
        %parallel_loop3A_519 = arith.constant 1 : i32
        %parallel_loop3A_520 = arith.constant 0 : i32
        %parallel_loop3A_521 = vector.broadcast %parallel_loop3A_519 : i32 to vector<16xi32>
        %parallel_loop3A_522 = vector.broadcast %parallel_loop3A_520 : i32 to vector<16xi32>
        %parallel_loop3A_523 = arith.select %parallel_loop3A_518, %parallel_loop3A_521, %parallel_loop3A_522 : vector<16xi1>, vector<16xi32>
        %parallel_loop3A_524 = arith.addi %parallel_loop3A_456, %parallel_loop3A_523 : vector<16xi32>
        %parallel_loop3A_525 = arith.constant 2 : i32
        %parallel_loop3A_526 = arith.addi %parallel_loop3A_321, %parallel_loop3A_525 : i32
        %parallel_loop3A_527 = arith.index_cast %parallel_loop3A_526 : i32 to index
        %parallel_loop3A_528 = arith.constant 48 : index
        %parallel_loop3A_529 = tpu.vector_load %arg8[%parallel_loop3A_527, %parallel_loop3A_528] {strides = array<i32>} : memref<800x64xf32, #tpu.memory_space<vmem>>, vector<1x16xf32>,
        %parallel_loop3A_530 = vector.shape_cast %parallel_loop3A_529 : vector<1x16xf32> to vector<16xf32>
        %parallel_loop3A_531 = arith.addf %parallel_loop3A_463, %parallel_loop3A_530 : vector<16xf32>
        %parallel_loop3A_532 = tpu.bitcast %parallel_loop3A_530 : vector<16xf32> -> vector<16xi32>
        %parallel_loop3A_533 = arith.constant 0 : i32
        %parallel_loop3A_534 = vector.broadcast %parallel_loop3A_533 : i32 to vector<16xi32>
        %parallel_loop3A_535 = arith.cmpi ne, %parallel_loop3A_532, %parallel_loop3A_534 : vector<16xi32>
        %parallel_loop3A_536 = arith.constant 1 : i32
        %parallel_loop3A_537 = arith.constant 0 : i32
        %parallel_loop3A_538 = vector.broadcast %parallel_loop3A_536 : i32 to vector<16xi32>
        %parallel_loop3A_539 = vector.broadcast %parallel_loop3A_537 : i32 to vector<16xi32>
        %parallel_loop3A_540 = arith.select %parallel_loop3A_535, %parallel_loop3A_538, %parallel_loop3A_539 : vector<16xi1>, vector<16xi32>
        %parallel_loop3A_541 = arith.addi %parallel_loop3A_473, %parallel_loop3A_540 : vector<16xi32>
        %parallel_loop3A_542 = arith.constant 3 : i32
        %parallel_loop3A_543 = arith.addi %parallel_loop3A_321, %parallel_loop3A_542 : i32
        %parallel_loop3A_544 = arith.index_cast %parallel_loop3A_543 : i32 to index
        %parallel_loop3A_545 = arith.constant 0 : index
        %parallel_loop3A_546 = tpu.vector_load %arg8[%parallel_loop3A_544, %parallel_loop3A_545] {strides = array<i32>} : memref<800x64xf32, #tpu.memory_space<vmem>>, vector<1x16xf32>,
        %parallel_loop3A_547 = vector.shape_cast %parallel_loop3A_546 : vector<1x16xf32> to vector<16xf32>
        %parallel_loop3A_548 = arith.addf %parallel_loop3A_480, %parallel_loop3A_547 : vector<16xf32>
        %parallel_loop3A_549 = tpu.bitcast %parallel_loop3A_547 : vector<16xf32> -> vector<16xi32>
        %parallel_loop3A_550 = arith.constant 0 : i32
        %parallel_loop3A_551 = vector.broadcast %parallel_loop3A_550 : i32 to vector<16xi32>
        %parallel_loop3A_552 = arith.cmpi ne, %parallel_loop3A_549, %parallel_loop3A_551 : vector<16xi32>
        %parallel_loop3A_553 = arith.constant 1 : i32
        %parallel_loop3A_554 = arith.constant 0 : i32
        %parallel_loop3A_555 = vector.broadcast %parallel_loop3A_553 : i32 to vector<16xi32>
        %parallel_loop3A_556 = vector.broadcast %parallel_loop3A_554 : i32 to vector<16xi32>
        %parallel_loop3A_557 = arith.select %parallel_loop3A_552, %parallel_loop3A_555, %parallel_loop3A_556 : vector<16xi1>, vector<16xi32>
        %parallel_loop3A_558 = arith.addi %parallel_loop3A_490, %parallel_loop3A_557 : vector<16xi32>
        %parallel_loop3A_559 = arith.constant 3 : i32
        %parallel_loop3A_560 = arith.addi %parallel_loop3A_321, %parallel_loop3A_559 : i32
        %parallel_loop3A_561 = arith.index_cast %parallel_loop3A_560 : i32 to index
        %parallel_loop3A_562 = arith.constant 16 : index
        %parallel_loop3A_563 = tpu.vector_load %arg8[%parallel_loop3A_561, %parallel_loop3A_562] {strides = array<i32>} : memref<800x64xf32, #tpu.memory_space<vmem>>, vector<1x16xf32>,
        %parallel_loop3A_564 = vector.shape_cast %parallel_loop3A_563 : vector<1x16xf32> to vector<16xf32>
        %parallel_loop3A_565 = arith.addf %parallel_loop3A_497, %parallel_loop3A_564 : vector<16xf32>
        %parallel_loop3A_566 = tpu.bitcast %parallel_loop3A_564 : vector<16xf32> -> vector<16xi32>
        %parallel_loop3A_567 = arith.constant 0 : i32
        %parallel_loop3A_568 = vector.broadcast %parallel_loop3A_567 : i32 to vector<16xi32>
        %parallel_loop3A_569 = arith.cmpi ne, %parallel_loop3A_566, %parallel_loop3A_568 : vector<16xi32>
        %parallel_loop3A_570 = arith.constant 1 : i32
        %parallel_loop3A_571 = arith.constant 0 : i32
        %parallel_loop3A_572 = vector.broadcast %parallel_loop3A_570 : i32 to vector<16xi32>
        %parallel_loop3A_573 = vector.broadcast %parallel_loop3A_571 : i32 to vector<16xi32>
        %parallel_loop3A_574 = arith.select %parallel_loop3A_569, %parallel_loop3A_572, %parallel_loop3A_573 : vector<16xi1>, vector<16xi32>
        %parallel_loop3A_575 = arith.addi %parallel_loop3A_507, %parallel_loop3A_574 : vector<16xi32>
        %parallel_loop3A_576 = arith.constant 3 : i32
        %parallel_loop3A_577 = arith.addi %parallel_loop3A_321, %parallel_loop3A_576 : i32
        %parallel_loop3A_578 = arith.index_cast %parallel_loop3A_577 : i32 to index
        %parallel_loop3A_579 = arith.constant 32 : index
        %parallel_loop3A_580 = tpu.vector_load %arg8[%parallel_loop3A_578, %parallel_loop3A_579] {strides = array<i32>} : memref<800x64xf32, #tpu.memory_space<vmem>>, vector<1x16xf32>,
        %parallel_loop3A_581 = vector.shape_cast %parallel_loop3A_580 : vector<1x16xf32> to vector<16xf32>
        %parallel_loop3A_582 = arith.addf %parallel_loop3A_514, %parallel_loop3A_581 : vector<16xf32>
        %parallel_loop3A_583 = tpu.bitcast %parallel_loop3A_581 : vector<16xf32> -> vector<16xi32>
        %parallel_loop3A_584 = arith.constant 0 : i32
        %parallel_loop3A_585 = vector.broadcast %parallel_loop3A_584 : i32 to vector<16xi32>
        %parallel_loop3A_586 = arith.cmpi ne, %parallel_loop3A_583, %parallel_loop3A_585 : vector<16xi32>
        %parallel_loop3A_587 = arith.constant 1 : i32
        %parallel_loop3A_588 = arith.constant 0 : i32
        %parallel_loop3A_589 = vector.broadcast %parallel_loop3A_587 : i32 to vector<16xi32>
        %parallel_loop3A_590 = vector.broadcast %parallel_loop3A_588 : i32 to vector<16xi32>
        %parallel_loop3A_591 = arith.select %parallel_loop3A_586, %parallel_loop3A_589, %parallel_loop3A_590 : vector<16xi1>, vector<16xi32>
        %parallel_loop3A_592 = arith.addi %parallel_loop3A_524, %parallel_loop3A_591 : vector<16xi32>
        %parallel_loop3A_593 = arith.constant 3 : i32
        %parallel_loop3A_594 = arith.addi %parallel_loop3A_321, %parallel_loop3A_593 : i32
        %parallel_loop3A_595 = arith.index_cast %parallel_loop3A_594 : i32 to index
        %parallel_loop3A_596 = arith.constant 48 : index
        %parallel_loop3A_597 = tpu.vector_load %arg8[%parallel_loop3A_595, %parallel_loop3A_596] {strides = array<i32>} : memref<800x64xf32, #tpu.memory_space<vmem>>, vector<1x16xf32>,
        %parallel_loop3A_598 = vector.shape_cast %parallel_loop3A_597 : vector<1x16xf32> to vector<16xf32>
        %parallel_loop3A_599 = arith.addf %parallel_loop3A_531, %parallel_loop3A_598 : vector<16xf32>
        %parallel_loop3A_600 = tpu.bitcast %parallel_loop3A_598 : vector<16xf32> -> vector<16xi32>
        %parallel_loop3A_601 = arith.constant 0 : i32
        %parallel_loop3A_602 = vector.broadcast %parallel_loop3A_601 : i32 to vector<16xi32>
        %parallel_loop3A_603 = arith.cmpi ne, %parallel_loop3A_600, %parallel_loop3A_602 : vector<16xi32>
        %parallel_loop3A_604 = arith.constant 1 : i32
        %parallel_loop3A_605 = arith.constant 0 : i32
        %parallel_loop3A_606 = vector.broadcast %parallel_loop3A_604 : i32 to vector<16xi32>
        %parallel_loop3A_607 = vector.broadcast %parallel_loop3A_605 : i32 to vector<16xi32>
        %parallel_loop3A_608 = arith.select %parallel_loop3A_603, %parallel_loop3A_606, %parallel_loop3A_607 : vector<16xi1>, vector<16xi32>
        %parallel_loop3A_609 = arith.addi %parallel_loop3A_541, %parallel_loop3A_608 : vector<16xi32>
        %parallel_loop3A_610 = arith.constant 4 : i32
        %parallel_loop3A_611 = arith.addi %parallel_loop3A_321, %parallel_loop3A_610 : i32
        %parallel_loop3A_612 = arith.index_cast %parallel_loop3A_611 : i32 to index
        %parallel_loop3A_613 = arith.constant 0 : index
        %parallel_loop3A_614 = tpu.vector_load %arg8[%parallel_loop3A_612, %parallel_loop3A_613] {strides = array<i32>} : memref<800x64xf32, #tpu.memory_space<vmem>>, vector<1x16xf32>,
        %parallel_loop3A_615 = vector.shape_cast %parallel_loop3A_614 : vector<1x16xf32> to vector<16xf32>
        %parallel_loop3A_616 = arith.addf %parallel_loop3A_548, %parallel_loop3A_615 : vector<16xf32>
        %parallel_loop3A_617 = tpu.bitcast %parallel_loop3A_615 : vector<16xf32> -> vector<16xi32>
        %parallel_loop3A_618 = arith.constant 0 : i32
        %parallel_loop3A_619 = vector.broadcast %parallel_loop3A_618 : i32 to vector<16xi32>
        %parallel_loop3A_620 = arith.cmpi ne, %parallel_loop3A_617, %parallel_loop3A_619 : vector<16xi32>
        %parallel_loop3A_621 = arith.constant 1 : i32
        %parallel_loop3A_622 = arith.constant 0 : i32
        %parallel_loop3A_623 = vector.broadcast %parallel_loop3A_621 : i32 to vector<16xi32>
        %parallel_loop3A_624 = vector.broadcast %parallel_loop3A_622 : i32 to vector<16xi32>
        %parallel_loop3A_625 = arith.select %parallel_loop3A_620, %parallel_loop3A_623, %parallel_loop3A_624 : vector<16xi1>, vector<16xi32>
        %parallel_loop3A_626 = arith.addi %parallel_loop3A_558, %parallel_loop3A_625 : vector<16xi32>
        %parallel_loop3A_627 = arith.constant 4 : i32
        %parallel_loop3A_628 = arith.addi %parallel_loop3A_321, %parallel_loop3A_627 : i32
        %parallel_loop3A_629 = arith.index_cast %parallel_loop3A_628 : i32 to index
        %parallel_loop3A_630 = arith.constant 16 : index
        %parallel_loop3A_631 = tpu.vector_load %arg8[%parallel_loop3A_629, %parallel_loop3A_630] {strides = array<i32>} : memref<800x64xf32, #tpu.memory_space<vmem>>, vector<1x16xf32>,
        %parallel_loop3A_632 = vector.shape_cast %parallel_loop3A_631 : vector<1x16xf32> to vector<16xf32>
        %parallel_loop3A_633 = arith.addf %parallel_loop3A_565, %parallel_loop3A_632 : vector<16xf32>
        %parallel_loop3A_634 = tpu.bitcast %parallel_loop3A_632 : vector<16xf32> -> vector<16xi32>
        %parallel_loop3A_635 = arith.constant 0 : i32
        %parallel_loop3A_636 = vector.broadcast %parallel_loop3A_635 : i32 to vector<16xi32>
        %parallel_loop3A_637 = arith.cmpi ne, %parallel_loop3A_634, %parallel_loop3A_636 : vector<16xi32>
        %parallel_loop3A_638 = arith.constant 1 : i32
        %parallel_loop3A_639 = arith.constant 0 : i32
        %parallel_loop3A_640 = vector.broadcast %parallel_loop3A_638 : i32 to vector<16xi32>
        %parallel_loop3A_641 = vector.broadcast %parallel_loop3A_639 : i32 to vector<16xi32>
        %parallel_loop3A_642 = arith.select %parallel_loop3A_637, %parallel_loop3A_640, %parallel_loop3A_641 : vector<16xi1>, vector<16xi32>
        %parallel_loop3A_643 = arith.addi %parallel_loop3A_575, %parallel_loop3A_642 : vector<16xi32>
        %parallel_loop3A_644 = arith.constant 4 : i32
        %parallel_loop3A_645 = arith.addi %parallel_loop3A_321, %parallel_loop3A_644 : i32
        %parallel_loop3A_646 = arith.index_cast %parallel_loop3A_645 : i32 to index
        %parallel_loop3A_647 = arith.constant 32 : index
        %parallel_loop3A_648 = tpu.vector_load %arg8[%parallel_loop3A_646, %parallel_loop3A_647] {strides = array<i32>} : memref<800x64xf32, #tpu.memory_space<vmem>>, vector<1x16xf32>,
        %parallel_loop3A_649 = vector.shape_cast %parallel_loop3A_648 : vector<1x16xf32> to vector<16xf32>
        %parallel_loop3A_650 = arith.addf %parallel_loop3A_582, %parallel_loop3A_649 : vector<16xf32>
        %parallel_loop3A_651 = tpu.bitcast %parallel_loop3A_649 : vector<16xf32> -> vector<16xi32>
        %parallel_loop3A_652 = arith.constant 0 : i32
        %parallel_loop3A_653 = vector.broadcast %parallel_loop3A_652 : i32 to vector<16xi32>
        %parallel_loop3A_654 = arith.cmpi ne, %parallel_loop3A_651, %parallel_loop3A_653 : vector<16xi32>
        %parallel_loop3A_655 = arith.constant 1 : i32
        %parallel_loop3A_656 = arith.constant 0 : i32
        %parallel_loop3A_657 = vector.broadcast %parallel_loop3A_655 : i32 to vector<16xi32>
        %parallel_loop3A_658 = vector.broadcast %parallel_loop3A_656 : i32 to vector<16xi32>
        %parallel_loop3A_659 = arith.select %parallel_loop3A_654, %parallel_loop3A_657, %parallel_loop3A_658 : vector<16xi1>, vector<16xi32>
        %parallel_loop3A_660 = arith.addi %parallel_loop3A_592, %parallel_loop3A_659 : vector<16xi32>
        %parallel_loop3A_661 = arith.constant 4 : i32
        %parallel_loop3A_662 = arith.addi %parallel_loop3A_321, %parallel_loop3A_661 : i32
        %parallel_loop3A_663 = arith.index_cast %parallel_loop3A_662 : i32 to index
        %parallel_loop3A_664 = arith.constant 48 : index
        %parallel_loop3A_665 = tpu.vector_load %arg8[%parallel_loop3A_663, %parallel_loop3A_664] {strides = array<i32>} : memref<800x64xf32, #tpu.memory_space<vmem>>, vector<1x16xf32>,
        %parallel_loop3A_666 = vector.shape_cast %parallel_loop3A_665 : vector<1x16xf32> to vector<16xf32>
        %parallel_loop3A_667 = arith.addf %parallel_loop3A_599, %parallel_loop3A_666 : vector<16xf32>
        %parallel_loop3A_668 = tpu.bitcast %parallel_loop3A_666 : vector<16xf32> -> vector<16xi32>
        %parallel_loop3A_669 = arith.constant 0 : i32
        %parallel_loop3A_670 = vector.broadcast %parallel_loop3A_669 : i32 to vector<16xi32>
        %parallel_loop3A_671 = arith.cmpi ne, %parallel_loop3A_668, %parallel_loop3A_670 : vector<16xi32>
        %parallel_loop3A_672 = arith.constant 1 : i32
        %parallel_loop3A_673 = arith.constant 0 : i32
        %parallel_loop3A_674 = vector.broadcast %parallel_loop3A_672 : i32 to vector<16xi32>
        %parallel_loop3A_675 = vector.broadcast %parallel_loop3A_673 : i32 to vector<16xi32>
        %parallel_loop3A_676 = arith.select %parallel_loop3A_671, %parallel_loop3A_674, %parallel_loop3A_675 : vector<16xi1>, vector<16xi32>
        %parallel_loop3A_677 = arith.addi %parallel_loop3A_609, %parallel_loop3A_676 : vector<16xi32>
        %parallel_loop3A_678 = arith.constant 5 : i32
        %parallel_loop3A_679 = arith.addi %parallel_loop3A_321, %parallel_loop3A_678 : i32
        %parallel_loop3A_680 = arith.index_cast %parallel_loop3A_679 : i32 to index
        %parallel_loop3A_681 = arith.constant 0 : index
        %parallel_loop3A_682 = tpu.vector_load %arg8[%parallel_loop3A_680, %parallel_loop3A_681] {strides = array<i32>} : memref<800x64xf32, #tpu.memory_space<vmem>>, vector<1x16xf32>,
        %parallel_loop3A_683 = vector.shape_cast %parallel_loop3A_682 : vector<1x16xf32> to vector<16xf32>
        %parallel_loop3A_684 = arith.addf %parallel_loop3A_616, %parallel_loop3A_683 : vector<16xf32>
        %parallel_loop3A_685 = tpu.bitcast %parallel_loop3A_683 : vector<16xf32> -> vector<16xi32>
        %parallel_loop3A_686 = arith.constant 0 : i32
        %parallel_loop3A_687 = vector.broadcast %parallel_loop3A_686 : i32 to vector<16xi32>
        %parallel_loop3A_688 = arith.cmpi ne, %parallel_loop3A_685, %parallel_loop3A_687 : vector<16xi32>
        %parallel_loop3A_689 = arith.constant 1 : i32
        %parallel_loop3A_690 = arith.constant 0 : i32
        %parallel_loop3A_691 = vector.broadcast %parallel_loop3A_689 : i32 to vector<16xi32>
        %parallel_loop3A_692 = vector.broadcast %parallel_loop3A_690 : i32 to vector<16xi32>
        %parallel_loop3A_693 = arith.select %parallel_loop3A_688, %parallel_loop3A_691, %parallel_loop3A_692 : vector<16xi1>, vector<16xi32>
        %parallel_loop3A_694 = arith.addi %parallel_loop3A_626, %parallel_loop3A_693 : vector<16xi32>
        %parallel_loop3A_695 = arith.constant 5 : i32
        %parallel_loop3A_696 = arith.addi %parallel_loop3A_321, %parallel_loop3A_695 : i32
        %parallel_loop3A_697 = arith.index_cast %parallel_loop3A_696 : i32 to index
        %parallel_loop3A_698 = arith.constant 16 : index
        %parallel_loop3A_699 = tpu.vector_load %arg8[%parallel_loop3A_697, %parallel_loop3A_698] {strides = array<i32>} : memref<800x64xf32, #tpu.memory_space<vmem>>, vector<1x16xf32>,
        %parallel_loop3A_700 = vector.shape_cast %parallel_loop3A_699 : vector<1x16xf32> to vector<16xf32>
        %parallel_loop3A_701 = arith.addf %parallel_loop3A_633, %parallel_loop3A_700 : vector<16xf32>
        %parallel_loop3A_702 = tpu.bitcast %parallel_loop3A_700 : vector<16xf32> -> vector<16xi32>
        %parallel_loop3A_703 = arith.constant 0 : i32
        %parallel_loop3A_704 = vector.broadcast %parallel_loop3A_703 : i32 to vector<16xi32>
        %parallel_loop3A_705 = arith.cmpi ne, %parallel_loop3A_702, %parallel_loop3A_704 : vector<16xi32>
        %parallel_loop3A_706 = arith.constant 1 : i32
        %parallel_loop3A_707 = arith.constant 0 : i32
        %parallel_loop3A_708 = vector.broadcast %parallel_loop3A_706 : i32 to vector<16xi32>
        %parallel_loop3A_709 = vector.broadcast %parallel_loop3A_707 : i32 to vector<16xi32>
        %parallel_loop3A_710 = arith.select %parallel_loop3A_705, %parallel_loop3A_708, %parallel_loop3A_709 : vector<16xi1>, vector<16xi32>
        %parallel_loop3A_711 = arith.addi %parallel_loop3A_643, %parallel_loop3A_710 : vector<16xi32>
        %parallel_loop3A_712 = arith.constant 5 : i32
        %parallel_loop3A_713 = arith.addi %parallel_loop3A_321, %parallel_loop3A_712 : i32
        %parallel_loop3A_714 = arith.index_cast %parallel_loop3A_713 : i32 to index
        %parallel_loop3A_715 = arith.constant 32 : index
        %parallel_loop3A_716 = tpu.vector_load %arg8[%parallel_loop3A_714, %parallel_loop3A_715] {strides = array<i32>} : memref<800x64xf32, #tpu.memory_space<vmem>>, vector<1x16xf32>,
        %parallel_loop3A_717 = vector.shape_cast %parallel_loop3A_716 : vector<1x16xf32> to vector<16xf32>
        %parallel_loop3A_718 = arith.addf %parallel_loop3A_650, %parallel_loop3A_717 : vector<16xf32>
        %parallel_loop3A_719 = tpu.bitcast %parallel_loop3A_717 : vector<16xf32> -> vector<16xi32>
        %parallel_loop3A_720 = arith.constant 0 : i32
        %parallel_loop3A_721 = vector.broadcast %parallel_loop3A_720 : i32 to vector<16xi32>
        %parallel_loop3A_722 = arith.cmpi ne, %parallel_loop3A_719, %parallel_loop3A_721 : vector<16xi32>
        %parallel_loop3A_723 = arith.constant 1 : i32
        %parallel_loop3A_724 = arith.constant 0 : i32
        %parallel_loop3A_725 = vector.broadcast %parallel_loop3A_723 : i32 to vector<16xi32>
        %parallel_loop3A_726 = vector.broadcast %parallel_loop3A_724 : i32 to vector<16xi32>
        %parallel_loop3A_727 = arith.select %parallel_loop3A_722, %parallel_loop3A_725, %parallel_loop3A_726 : vector<16xi1>, vector<16xi32>
        %parallel_loop3A_728 = arith.addi %parallel_loop3A_660, %parallel_loop3A_727 : vector<16xi32>
        %parallel_loop3A_729 = arith.constant 5 : i32
        %parallel_loop3A_730 = arith.addi %parallel_loop3A_321, %parallel_loop3A_729 : i32
        %parallel_loop3A_731 = arith.index_cast %parallel_loop3A_730 : i32 to index
        %parallel_loop3A_732 = arith.constant 48 : index
        %parallel_loop3A_733 = tpu.vector_load %arg8[%parallel_loop3A_731, %parallel_loop3A_732] {strides = array<i32>} : memref<800x64xf32, #tpu.memory_space<vmem>>, vector<1x16xf32>,
        %parallel_loop3A_734 = vector.shape_cast %parallel_loop3A_733 : vector<1x16xf32> to vector<16xf32>
        %parallel_loop3A_735 = arith.addf %parallel_loop3A_667, %parallel_loop3A_734 : vector<16xf32>
        %parallel_loop3A_736 = tpu.bitcast %parallel_loop3A_734 : vector<16xf32> -> vector<16xi32>
        %parallel_loop3A_737 = arith.constant 0 : i32
        %parallel_loop3A_738 = vector.broadcast %parallel_loop3A_737 : i32 to vector<16xi32>
        %parallel_loop3A_739 = arith.cmpi ne, %parallel_loop3A_736, %parallel_loop3A_738 : vector<16xi32>
        %parallel_loop3A_740 = arith.constant 1 : i32
        %parallel_loop3A_741 = arith.constant 0 : i32
        %parallel_loop3A_742 = vector.broadcast %parallel_loop3A_740 : i32 to vector<16xi32>
        %parallel_loop3A_743 = vector.broadcast %parallel_loop3A_741 : i32 to vector<16xi32>
        %parallel_loop3A_744 = arith.select %parallel_loop3A_739, %parallel_loop3A_742, %parallel_loop3A_743 : vector<16xi1>, vector<16xi32>
        %parallel_loop3A_745 = arith.addi %parallel_loop3A_677, %parallel_loop3A_744 : vector<16xi32>
        %parallel_loop3A_746 = arith.constant 6 : i32
        %parallel_loop3A_747 = arith.addi %parallel_loop3A_321, %parallel_loop3A_746 : i32
        %parallel_loop3A_748 = arith.index_cast %parallel_loop3A_747 : i32 to index
        %parallel_loop3A_749 = arith.constant 0 : index
        %parallel_loop3A_750 = tpu.vector_load %arg8[%parallel_loop3A_748, %parallel_loop3A_749] {strides = array<i32>} : memref<800x64xf32, #tpu.memory_space<vmem>>, vector<1x16xf32>,
        %parallel_loop3A_751 = vector.shape_cast %parallel_loop3A_750 : vector<1x16xf32> to vector<16xf32>
        %parallel_loop3A_752 = arith.addf %parallel_loop3A_684, %parallel_loop3A_751 : vector<16xf32>
        %parallel_loop3A_753 = tpu.bitcast %parallel_loop3A_751 : vector<16xf32> -> vector<16xi32>
        %parallel_loop3A_754 = arith.constant 0 : i32
        %parallel_loop3A_755 = vector.broadcast %parallel_loop3A_754 : i32 to vector<16xi32>
        %parallel_loop3A_756 = arith.cmpi ne, %parallel_loop3A_753, %parallel_loop3A_755 : vector<16xi32>
        %parallel_loop3A_757 = arith.constant 1 : i32
        %parallel_loop3A_758 = arith.constant 0 : i32
        %parallel_loop3A_759 = vector.broadcast %parallel_loop3A_757 : i32 to vector<16xi32>
        %parallel_loop3A_760 = vector.broadcast %parallel_loop3A_758 : i32 to vector<16xi32>
        %parallel_loop3A_761 = arith.select %parallel_loop3A_756, %parallel_loop3A_759, %parallel_loop3A_760 : vector<16xi1>, vector<16xi32>
        %parallel_loop3A_762 = arith.addi %parallel_loop3A_694, %parallel_loop3A_761 : vector<16xi32>
        %parallel_loop3A_763 = arith.constant 6 : i32
        %parallel_loop3A_764 = arith.addi %parallel_loop3A_321, %parallel_loop3A_763 : i32
        %parallel_loop3A_765 = arith.index_cast %parallel_loop3A_764 : i32 to index
        %parallel_loop3A_766 = arith.constant 16 : index
        %parallel_loop3A_767 = tpu.vector_load %arg8[%parallel_loop3A_765, %parallel_loop3A_766] {strides = array<i32>} : memref<800x64xf32, #tpu.memory_space<vmem>>, vector<1x16xf32>,
        %parallel_loop3A_768 = vector.shape_cast %parallel_loop3A_767 : vector<1x16xf32> to vector<16xf32>
        %parallel_loop3A_769 = arith.addf %parallel_loop3A_701, %parallel_loop3A_768 : vector<16xf32>
        %parallel_loop3A_770 = tpu.bitcast %parallel_loop3A_768 : vector<16xf32> -> vector<16xi32>
        %parallel_loop3A_771 = arith.constant 0 : i32
        %parallel_loop3A_772 = vector.broadcast %parallel_loop3A_771 : i32 to vector<16xi32>
        %parallel_loop3A_773 = arith.cmpi ne, %parallel_loop3A_770, %parallel_loop3A_772 : vector<16xi32>
        %parallel_loop3A_774 = arith.constant 1 : i32
        %parallel_loop3A_775 = arith.constant 0 : i32
        %parallel_loop3A_776 = vector.broadcast %parallel_loop3A_774 : i32 to vector<16xi32>
        %parallel_loop3A_777 = vector.broadcast %parallel_loop3A_775 : i32 to vector<16xi32>
        %parallel_loop3A_778 = arith.select %parallel_loop3A_773, %parallel_loop3A_776, %parallel_loop3A_777 : vector<16xi1>, vector<16xi32>
        %parallel_loop3A_779 = arith.addi %parallel_loop3A_711, %parallel_loop3A_778 : vector<16xi32>
        %parallel_loop3A_780 = arith.constant 6 : i32
        %parallel_loop3A_781 = arith.addi %parallel_loop3A_321, %parallel_loop3A_780 : i32
        %parallel_loop3A_782 = arith.index_cast %parallel_loop3A_781 : i32 to index
        %parallel_loop3A_783 = arith.constant 32 : index
        %parallel_loop3A_784 = tpu.vector_load %arg8[%parallel_loop3A_782, %parallel_loop3A_783] {strides = array<i32>} : memref<800x64xf32, #tpu.memory_space<vmem>>, vector<1x16xf32>,
        %parallel_loop3A_785 = vector.shape_cast %parallel_loop3A_784 : vector<1x16xf32> to vector<16xf32>
        %parallel_loop3A_786 = arith.addf %parallel_loop3A_718, %parallel_loop3A_785 : vector<16xf32>
        %parallel_loop3A_787 = tpu.bitcast %parallel_loop3A_785 : vector<16xf32> -> vector<16xi32>
        %parallel_loop3A_788 = arith.constant 0 : i32
        %parallel_loop3A_789 = vector.broadcast %parallel_loop3A_788 : i32 to vector<16xi32>
        %parallel_loop3A_790 = arith.cmpi ne, %parallel_loop3A_787, %parallel_loop3A_789 : vector<16xi32>
        %parallel_loop3A_791 = arith.constant 1 : i32
        %parallel_loop3A_792 = arith.constant 0 : i32
        %parallel_loop3A_793 = vector.broadcast %parallel_loop3A_791 : i32 to vector<16xi32>
        %parallel_loop3A_794 = vector.broadcast %parallel_loop3A_792 : i32 to vector<16xi32>
        %parallel_loop3A_795 = arith.select %parallel_loop3A_790, %parallel_loop3A_793, %parallel_loop3A_794 : vector<16xi1>, vector<16xi32>
        %parallel_loop3A_796 = arith.addi %parallel_loop3A_728, %parallel_loop3A_795 : vector<16xi32>
        %parallel_loop3A_797 = arith.constant 6 : i32
        %parallel_loop3A_798 = arith.addi %parallel_loop3A_321, %parallel_loop3A_797 : i32
        %parallel_loop3A_799 = arith.index_cast %parallel_loop3A_798 : i32 to index
        %parallel_loop3A_800 = arith.constant 48 : index
        %parallel_loop3A_801 = tpu.vector_load %arg8[%parallel_loop3A_799, %parallel_loop3A_800] {strides = array<i32>} : memref<800x64xf32, #tpu.memory_space<vmem>>, vector<1x16xf32>,
        %parallel_loop3A_802 = vector.shape_cast %parallel_loop3A_801 : vector<1x16xf32> to vector<16xf32>
        %parallel_loop3A_803 = arith.addf %parallel_loop3A_735, %parallel_loop3A_802 : vector<16xf32>
        %parallel_loop3A_804 = tpu.bitcast %parallel_loop3A_802 : vector<16xf32> -> vector<16xi32>
        %parallel_loop3A_805 = arith.constant 0 : i32
        %parallel_loop3A_806 = vector.broadcast %parallel_loop3A_805 : i32 to vector<16xi32>
        %parallel_loop3A_807 = arith.cmpi ne, %parallel_loop3A_804, %parallel_loop3A_806 : vector<16xi32>
        %parallel_loop3A_808 = arith.constant 1 : i32
        %parallel_loop3A_809 = arith.constant 0 : i32
        %parallel_loop3A_810 = vector.broadcast %parallel_loop3A_808 : i32 to vector<16xi32>
        %parallel_loop3A_811 = vector.broadcast %parallel_loop3A_809 : i32 to vector<16xi32>
        %parallel_loop3A_812 = arith.select %parallel_loop3A_807, %parallel_loop3A_810, %parallel_loop3A_811 : vector<16xi1>, vector<16xi32>
        %parallel_loop3A_813 = arith.addi %parallel_loop3A_745, %parallel_loop3A_812 : vector<16xi32>
        %parallel_loop3A_814 = arith.constant 7 : i32
        %parallel_loop3A_815 = arith.addi %parallel_loop3A_321, %parallel_loop3A_814 : i32
        %parallel_loop3A_816 = arith.index_cast %parallel_loop3A_815 : i32 to index
        %parallel_loop3A_817 = arith.constant 0 : index
        %parallel_loop3A_818 = tpu.vector_load %arg8[%parallel_loop3A_816, %parallel_loop3A_817] {strides = array<i32>} : memref<800x64xf32, #tpu.memory_space<vmem>>, vector<1x16xf32>,
        %parallel_loop3A_819 = vector.shape_cast %parallel_loop3A_818 : vector<1x16xf32> to vector<16xf32>
        %parallel_loop3A_820 = arith.addf %parallel_loop3A_752, %parallel_loop3A_819 : vector<16xf32>
        %parallel_loop3A_821 = tpu.bitcast %parallel_loop3A_819 : vector<16xf32> -> vector<16xi32>
        %parallel_loop3A_822 = arith.constant 0 : i32
        %parallel_loop3A_823 = vector.broadcast %parallel_loop3A_822 : i32 to vector<16xi32>
        %parallel_loop3A_824 = arith.cmpi ne, %parallel_loop3A_821, %parallel_loop3A_823 : vector<16xi32>
        %parallel_loop3A_825 = arith.constant 1 : i32
        %parallel_loop3A_826 = arith.constant 0 : i32
        %parallel_loop3A_827 = vector.broadcast %parallel_loop3A_825 : i32 to vector<16xi32>
        %parallel_loop3A_828 = vector.broadcast %parallel_loop3A_826 : i32 to vector<16xi32>
        %parallel_loop3A_829 = arith.select %parallel_loop3A_824, %parallel_loop3A_827, %parallel_loop3A_828 : vector<16xi1>, vector<16xi32>
        %parallel_loop3A_830 = arith.addi %parallel_loop3A_762, %parallel_loop3A_829 : vector<16xi32>
        %parallel_loop3A_831 = arith.constant 7 : i32
        %parallel_loop3A_832 = arith.addi %parallel_loop3A_321, %parallel_loop3A_831 : i32
        %parallel_loop3A_833 = arith.index_cast %parallel_loop3A_832 : i32 to index
        %parallel_loop3A_834 = arith.constant 16 : index
        %parallel_loop3A_835 = tpu.vector_load %arg8[%parallel_loop3A_833, %parallel_loop3A_834] {strides = array<i32>} : memref<800x64xf32, #tpu.memory_space<vmem>>, vector<1x16xf32>,
        %parallel_loop3A_836 = vector.shape_cast %parallel_loop3A_835 : vector<1x16xf32> to vector<16xf32>
        %parallel_loop3A_837 = arith.addf %parallel_loop3A_769, %parallel_loop3A_836 : vector<16xf32>
        %parallel_loop3A_838 = tpu.bitcast %parallel_loop3A_836 : vector<16xf32> -> vector<16xi32>
        %parallel_loop3A_839 = arith.constant 0 : i32
        %parallel_loop3A_840 = vector.broadcast %parallel_loop3A_839 : i32 to vector<16xi32>
        %parallel_loop3A_841 = arith.cmpi ne, %parallel_loop3A_838, %parallel_loop3A_840 : vector<16xi32>
        %parallel_loop3A_842 = arith.constant 1 : i32
        %parallel_loop3A_843 = arith.constant 0 : i32
        %parallel_loop3A_844 = vector.broadcast %parallel_loop3A_842 : i32 to vector<16xi32>
        %parallel_loop3A_845 = vector.broadcast %parallel_loop3A_843 : i32 to vector<16xi32>
        %parallel_loop3A_846 = arith.select %parallel_loop3A_841, %parallel_loop3A_844, %parallel_loop3A_845 : vector<16xi1>, vector<16xi32>
        %parallel_loop3A_847 = arith.addi %parallel_loop3A_779, %parallel_loop3A_846 : vector<16xi32>
        %parallel_loop3A_848 = arith.constant 7 : i32
        %parallel_loop3A_849 = arith.addi %parallel_loop3A_321, %parallel_loop3A_848 : i32
        %parallel_loop3A_850 = arith.index_cast %parallel_loop3A_849 : i32 to index
        %parallel_loop3A_851 = arith.constant 32 : index
        %parallel_loop3A_852 = tpu.vector_load %arg8[%parallel_loop3A_850, %parallel_loop3A_851] {strides = array<i32>} : memref<800x64xf32, #tpu.memory_space<vmem>>, vector<1x16xf32>,
        %parallel_loop3A_853 = vector.shape_cast %parallel_loop3A_852 : vector<1x16xf32> to vector<16xf32>
        %parallel_loop3A_854 = arith.addf %parallel_loop3A_786, %parallel_loop3A_853 : vector<16xf32>
        %parallel_loop3A_855 = tpu.bitcast %parallel_loop3A_853 : vector<16xf32> -> vector<16xi32>
        %parallel_loop3A_856 = arith.constant 0 : i32
        %parallel_loop3A_857 = vector.broadcast %parallel_loop3A_856 : i32 to vector<16xi32>
        %parallel_loop3A_858 = arith.cmpi ne, %parallel_loop3A_855, %parallel_loop3A_857 : vector<16xi32>
        %parallel_loop3A_859 = arith.constant 1 : i32
        %parallel_loop3A_860 = arith.constant 0 : i32
        %parallel_loop3A_861 = vector.broadcast %parallel_loop3A_859 : i32 to vector<16xi32>
        %parallel_loop3A_862 = vector.broadcast %parallel_loop3A_860 : i32 to vector<16xi32>
        %parallel_loop3A_863 = arith.select %parallel_loop3A_858, %parallel_loop3A_861, %parallel_loop3A_862 : vector<16xi1>, vector<16xi32>
        %parallel_loop3A_864 = arith.addi %parallel_loop3A_796, %parallel_loop3A_863 : vector<16xi32>
        %parallel_loop3A_865 = arith.constant 7 : i32
        %parallel_loop3A_866 = arith.addi %parallel_loop3A_321, %parallel_loop3A_865 : i32
        %parallel_loop3A_867 = arith.index_cast %parallel_loop3A_866 : i32 to index
        %parallel_loop3A_868 = arith.constant 48 : index
        %parallel_loop3A_869 = tpu.vector_load %arg8[%parallel_loop3A_867, %parallel_loop3A_868] {strides = array<i32>} : memref<800x64xf32, #tpu.memory_space<vmem>>, vector<1x16xf32>,
        %parallel_loop3A_870 = vector.shape_cast %parallel_loop3A_869 : vector<1x16xf32> to vector<16xf32>
        %parallel_loop3A_871 = arith.addf %parallel_loop3A_803, %parallel_loop3A_870 : vector<16xf32>
        %parallel_loop3A_872 = tpu.bitcast %parallel_loop3A_870 : vector<16xf32> -> vector<16xi32>
        %parallel_loop3A_873 = arith.constant 0 : i32
        %parallel_loop3A_874 = vector.broadcast %parallel_loop3A_873 : i32 to vector<16xi32>
        %parallel_loop3A_875 = arith.cmpi ne, %parallel_loop3A_872, %parallel_loop3A_874 : vector<16xi32>
        %parallel_loop3A_876 = arith.constant 1 : i32
        %parallel_loop3A_877 = arith.constant 0 : i32
        %parallel_loop3A_878 = vector.broadcast %parallel_loop3A_876 : i32 to vector<16xi32>
        %parallel_loop3A_879 = vector.broadcast %parallel_loop3A_877 : i32 to vector<16xi32>
        %parallel_loop3A_880 = arith.select %parallel_loop3A_875, %parallel_loop3A_878, %parallel_loop3A_879 : vector<16xi1>, vector<16xi32>
        %parallel_loop3A_881 = arith.addi %parallel_loop3A_813, %parallel_loop3A_880 : vector<16xi32>
        %parallel_loop3A_882 = arith.constant 8 : i32
        %parallel_loop3A_883 = arith.addi %parallel_loop3A_321, %parallel_loop3A_882 : i32
        %parallel_loop3A_884 = arith.index_cast %parallel_loop3A_883 : i32 to index
        %parallel_loop3A_885 = arith.constant 0 : index
        %parallel_loop3A_886 = tpu.vector_load %arg8[%parallel_loop3A_884, %parallel_loop3A_885] {strides = array<i32>} : memref<800x64xf32, #tpu.memory_space<vmem>>, vector<1x16xf32>,
        %parallel_loop3A_887 = vector.shape_cast %parallel_loop3A_886 : vector<1x16xf32> to vector<16xf32>
        %parallel_loop3A_888 = arith.addf %parallel_loop3A_820, %parallel_loop3A_887 : vector<16xf32>
        %parallel_loop3A_889 = tpu.bitcast %parallel_loop3A_887 : vector<16xf32> -> vector<16xi32>
        %parallel_loop3A_890 = arith.constant 0 : i32
        %parallel_loop3A_891 = vector.broadcast %parallel_loop3A_890 : i32 to vector<16xi32>
        %parallel_loop3A_892 = arith.cmpi ne, %parallel_loop3A_889, %parallel_loop3A_891 : vector<16xi32>
        %parallel_loop3A_893 = arith.constant 1 : i32
        %parallel_loop3A_894 = arith.constant 0 : i32
        %parallel_loop3A_895 = vector.broadcast %parallel_loop3A_893 : i32 to vector<16xi32>
        %parallel_loop3A_896 = vector.broadcast %parallel_loop3A_894 : i32 to vector<16xi32>
        %parallel_loop3A_897 = arith.select %parallel_loop3A_892, %parallel_loop3A_895, %parallel_loop3A_896 : vector<16xi1>, vector<16xi32>
        %parallel_loop3A_898 = arith.addi %parallel_loop3A_830, %parallel_loop3A_897 : vector<16xi32>
        %parallel_loop3A_899 = arith.constant 8 : i32
        %parallel_loop3A_900 = arith.addi %parallel_loop3A_321, %parallel_loop3A_899 : i32
        %parallel_loop3A_901 = arith.index_cast %parallel_loop3A_900 : i32 to index
        %parallel_loop3A_902 = arith.constant 16 : index
        %parallel_loop3A_903 = tpu.vector_load %arg8[%parallel_loop3A_901, %parallel_loop3A_902] {strides = array<i32>} : memref<800x64xf32, #tpu.memory_space<vmem>>, vector<1x16xf32>,
        %parallel_loop3A_904 = vector.shape_cast %parallel_loop3A_903 : vector<1x16xf32> to vector<16xf32>
        %parallel_loop3A_905 = arith.addf %parallel_loop3A_837, %parallel_loop3A_904 : vector<16xf32>
        %parallel_loop3A_906 = tpu.bitcast %parallel_loop3A_904 : vector<16xf32> -> vector<16xi32>
        %parallel_loop3A_907 = arith.constant 0 : i32
        %parallel_loop3A_908 = vector.broadcast %parallel_loop3A_907 : i32 to vector<16xi32>
        %parallel_loop3A_909 = arith.cmpi ne, %parallel_loop3A_906, %parallel_loop3A_908 : vector<16xi32>
        %parallel_loop3A_910 = arith.constant 1 : i32
        %parallel_loop3A_911 = arith.constant 0 : i32
        %parallel_loop3A_912 = vector.broadcast %parallel_loop3A_910 : i32 to vector<16xi32>
        %parallel_loop3A_913 = vector.broadcast %parallel_loop3A_911 : i32 to vector<16xi32>
        %parallel_loop3A_914 = arith.select %parallel_loop3A_909, %parallel_loop3A_912, %parallel_loop3A_913 : vector<16xi1>, vector<16xi32>
        %parallel_loop3A_915 = arith.addi %parallel_loop3A_847, %parallel_loop3A_914 : vector<16xi32>
        %parallel_loop3A_916 = arith.constant 8 : i32
        %parallel_loop3A_917 = arith.addi %parallel_loop3A_321, %parallel_loop3A_916 : i32
        %parallel_loop3A_918 = arith.index_cast %parallel_loop3A_917 : i32 to index
        %parallel_loop3A_919 = arith.constant 32 : index
        %parallel_loop3A_920 = tpu.vector_load %arg8[%parallel_loop3A_918, %parallel_loop3A_919] {strides = array<i32>} : memref<800x64xf32, #tpu.memory_space<vmem>>, vector<1x16xf32>,
        %parallel_loop3A_921 = vector.shape_cast %parallel_loop3A_920 : vector<1x16xf32> to vector<16xf32>
        %parallel_loop3A_922 = arith.addf %parallel_loop3A_854, %parallel_loop3A_921 : vector<16xf32>
        %parallel_loop3A_923 = tpu.bitcast %parallel_loop3A_921 : vector<16xf32> -> vector<16xi32>
        %parallel_loop3A_924 = arith.constant 0 : i32
        %parallel_loop3A_925 = vector.broadcast %parallel_loop3A_924 : i32 to vector<16xi32>
        %parallel_loop3A_926 = arith.cmpi ne, %parallel_loop3A_923, %parallel_loop3A_925 : vector<16xi32>
        %parallel_loop3A_927 = arith.constant 1 : i32
        %parallel_loop3A_928 = arith.constant 0 : i32
        %parallel_loop3A_929 = vector.broadcast %parallel_loop3A_927 : i32 to vector<16xi32>
        %parallel_loop3A_930 = vector.broadcast %parallel_loop3A_928 : i32 to vector<16xi32>
        %parallel_loop3A_931 = arith.select %parallel_loop3A_926, %parallel_loop3A_929, %parallel_loop3A_930 : vector<16xi1>, vector<16xi32>
        %parallel_loop3A_932 = arith.addi %parallel_loop3A_864, %parallel_loop3A_931 : vector<16xi32>
        %parallel_loop3A_933 = arith.constant 8 : i32
        %parallel_loop3A_934 = arith.addi %parallel_loop3A_321, %parallel_loop3A_933 : i32
        %parallel_loop3A_935 = arith.index_cast %parallel_loop3A_934 : i32 to index
        %parallel_loop3A_936 = arith.constant 48 : index
        %parallel_loop3A_937 = tpu.vector_load %arg8[%parallel_loop3A_935, %parallel_loop3A_936] {strides = array<i32>} : memref<800x64xf32, #tpu.memory_space<vmem>>, vector<1x16xf32>,
        %parallel_loop3A_938 = vector.shape_cast %parallel_loop3A_937 : vector<1x16xf32> to vector<16xf32>
        %parallel_loop3A_939 = arith.addf %parallel_loop3A_871, %parallel_loop3A_938 : vector<16xf32>
        %parallel_loop3A_940 = tpu.bitcast %parallel_loop3A_938 : vector<16xf32> -> vector<16xi32>
        %parallel_loop3A_941 = arith.constant 0 : i32
        %parallel_loop3A_942 = vector.broadcast %parallel_loop3A_941 : i32 to vector<16xi32>
        %parallel_loop3A_943 = arith.cmpi ne, %parallel_loop3A_940, %parallel_loop3A_942 : vector<16xi32>
        %parallel_loop3A_944 = arith.constant 1 : i32
        %parallel_loop3A_945 = arith.constant 0 : i32
        %parallel_loop3A_946 = vector.broadcast %parallel_loop3A_944 : i32 to vector<16xi32>
        %parallel_loop3A_947 = vector.broadcast %parallel_loop3A_945 : i32 to vector<16xi32>
        %parallel_loop3A_948 = arith.select %parallel_loop3A_943, %parallel_loop3A_946, %parallel_loop3A_947 : vector<16xi1>, vector<16xi32>
        %parallel_loop3A_949 = arith.addi %parallel_loop3A_881, %parallel_loop3A_948 : vector<16xi32>
        %parallel_loop3A_950 = arith.constant 9 : i32
        %parallel_loop3A_951 = arith.addi %parallel_loop3A_321, %parallel_loop3A_950 : i32
        %parallel_loop3A_952 = arith.index_cast %parallel_loop3A_951 : i32 to index
        %parallel_loop3A_953 = arith.constant 0 : index
        %parallel_loop3A_954 = tpu.vector_load %arg8[%parallel_loop3A_952, %parallel_loop3A_953] {strides = array<i32>} : memref<800x64xf32, #tpu.memory_space<vmem>>, vector<1x16xf32>,
        %parallel_loop3A_955 = vector.shape_cast %parallel_loop3A_954 : vector<1x16xf32> to vector<16xf32>
        %parallel_loop3A_956 = arith.addf %parallel_loop3A_888, %parallel_loop3A_955 : vector<16xf32>
        %parallel_loop3A_957 = tpu.bitcast %parallel_loop3A_955 : vector<16xf32> -> vector<16xi32>
        %parallel_loop3A_958 = arith.constant 0 : i32
        %parallel_loop3A_959 = vector.broadcast %parallel_loop3A_958 : i32 to vector<16xi32>
        %parallel_loop3A_960 = arith.cmpi ne, %parallel_loop3A_957, %parallel_loop3A_959 : vector<16xi32>
        %parallel_loop3A_961 = arith.constant 1 : i32
        %parallel_loop3A_962 = arith.constant 0 : i32
        %parallel_loop3A_963 = vector.broadcast %parallel_loop3A_961 : i32 to vector<16xi32>
        %parallel_loop3A_964 = vector.broadcast %parallel_loop3A_962 : i32 to vector<16xi32>
        %parallel_loop3A_965 = arith.select %parallel_loop3A_960, %parallel_loop3A_963, %parallel_loop3A_964 : vector<16xi1>, vector<16xi32>
        %parallel_loop3A_966 = arith.addi %parallel_loop3A_898, %parallel_loop3A_965 : vector<16xi32>
        %parallel_loop3A_967 = arith.constant 9 : i32
        %parallel_loop3A_968 = arith.addi %parallel_loop3A_321, %parallel_loop3A_967 : i32
        %parallel_loop3A_969 = arith.index_cast %parallel_loop3A_968 : i32 to index
        %parallel_loop3A_970 = arith.constant 16 : index
        %parallel_loop3A_971 = tpu.vector_load %arg8[%parallel_loop3A_969, %parallel_loop3A_970] {strides = array<i32>} : memref<800x64xf32, #tpu.memory_space<vmem>>, vector<1x16xf32>,
        %parallel_loop3A_972 = vector.shape_cast %parallel_loop3A_971 : vector<1x16xf32> to vector<16xf32>
        %parallel_loop3A_973 = arith.addf %parallel_loop3A_905, %parallel_loop3A_972 : vector<16xf32>
        %parallel_loop3A_974 = tpu.bitcast %parallel_loop3A_972 : vector<16xf32> -> vector<16xi32>
        %parallel_loop3A_975 = arith.constant 0 : i32
        %parallel_loop3A_976 = vector.broadcast %parallel_loop3A_975 : i32 to vector<16xi32>
        %parallel_loop3A_977 = arith.cmpi ne, %parallel_loop3A_974, %parallel_loop3A_976 : vector<16xi32>
        %parallel_loop3A_978 = arith.constant 1 : i32
        %parallel_loop3A_979 = arith.constant 0 : i32
        %parallel_loop3A_980 = vector.broadcast %parallel_loop3A_978 : i32 to vector<16xi32>
        %parallel_loop3A_981 = vector.broadcast %parallel_loop3A_979 : i32 to vector<16xi32>
        %parallel_loop3A_982 = arith.select %parallel_loop3A_977, %parallel_loop3A_980, %parallel_loop3A_981 : vector<16xi1>, vector<16xi32>
        %parallel_loop3A_983 = arith.addi %parallel_loop3A_915, %parallel_loop3A_982 : vector<16xi32>
        %parallel_loop3A_984 = arith.constant 9 : i32
        %parallel_loop3A_985 = arith.addi %parallel_loop3A_321, %parallel_loop3A_984 : i32
        %parallel_loop3A_986 = arith.index_cast %parallel_loop3A_985 : i32 to index
        %parallel_loop3A_987 = arith.constant 32 : index
        %parallel_loop3A_988 = tpu.vector_load %arg8[%parallel_loop3A_986, %parallel_loop3A_987] {strides = array<i32>} : memref<800x64xf32, #tpu.memory_space<vmem>>, vector<1x16xf32>,
        %parallel_loop3A_989 = vector.shape_cast %parallel_loop3A_988 : vector<1x16xf32> to vector<16xf32>
        %parallel_loop3A_990 = arith.addf %parallel_loop3A_922, %parallel_loop3A_989 : vector<16xf32>
        %parallel_loop3A_991 = tpu.bitcast %parallel_loop3A_989 : vector<16xf32> -> vector<16xi32>
        %parallel_loop3A_992 = arith.constant 0 : i32
        %parallel_loop3A_993 = vector.broadcast %parallel_loop3A_992 : i32 to vector<16xi32>
        %parallel_loop3A_994 = arith.cmpi ne, %parallel_loop3A_991, %parallel_loop3A_993 : vector<16xi32>
        %parallel_loop3A_995 = arith.constant 1 : i32
        %parallel_loop3A_996 = arith.constant 0 : i32
        %parallel_loop3A_997 = vector.broadcast %parallel_loop3A_995 : i32 to vector<16xi32>
        %parallel_loop3A_998 = vector.broadcast %parallel_loop3A_996 : i32 to vector<16xi32>
        %parallel_loop3A_999 = arith.select %parallel_loop3A_994, %parallel_loop3A_997, %parallel_loop3A_998 : vector<16xi1>, vector<16xi32>
        %parallel_loop3A_1000 = arith.addi %parallel_loop3A_932, %parallel_loop3A_999 : vector<16xi32>
        %parallel_loop3A_1001 = arith.constant 9 : i32
        %parallel_loop3A_1002 = arith.addi %parallel_loop3A_321, %parallel_loop3A_1001 : i32
        %parallel_loop3A_1003 = arith.index_cast %parallel_loop3A_1002 : i32 to index
        %parallel_loop3A_1004 = arith.constant 48 : index
        %parallel_loop3A_1005 = tpu.vector_load %arg8[%parallel_loop3A_1003, %parallel_loop3A_1004] {strides = array<i32>} : memref<800x64xf32, #tpu.memory_space<vmem>>, vector<1x16xf32>,
        %parallel_loop3A_1006 = vector.shape_cast %parallel_loop3A_1005 : vector<1x16xf32> to vector<16xf32>
        %parallel_loop3A_1007 = arith.addf %parallel_loop3A_939, %parallel_loop3A_1006 : vector<16xf32>
        %parallel_loop3A_1008 = tpu.bitcast %parallel_loop3A_1006 : vector<16xf32> -> vector<16xi32>
        %parallel_loop3A_1009 = arith.constant 0 : i32
        %parallel_loop3A_1010 = vector.broadcast %parallel_loop3A_1009 : i32 to vector<16xi32>
        %parallel_loop3A_1011 = arith.cmpi ne, %parallel_loop3A_1008, %parallel_loop3A_1010 : vector<16xi32>
        %parallel_loop3A_1012 = arith.constant 1 : i32
        %parallel_loop3A_1013 = arith.constant 0 : i32
        %parallel_loop3A_1014 = vector.broadcast %parallel_loop3A_1012 : i32 to vector<16xi32>
        %parallel_loop3A_1015 = vector.broadcast %parallel_loop3A_1013 : i32 to vector<16xi32>
        %parallel_loop3A_1016 = arith.select %parallel_loop3A_1011, %parallel_loop3A_1014, %parallel_loop3A_1015 : vector<16xi1>, vector<16xi32>
        %parallel_loop3A_1017 = arith.addi %parallel_loop3A_949, %parallel_loop3A_1016 : vector<16xi32>
        %parallel_loop3A_1018 = arith.constant 10 : i32
        %parallel_loop3A_1019 = arith.addi %parallel_loop3A_321, %parallel_loop3A_1018 : i32
        %parallel_loop3A_1020 = arith.index_cast %parallel_loop3A_1019 : i32 to index
        %parallel_loop3A_1021 = arith.constant 0 : index
        %parallel_loop3A_1022 = tpu.vector_load %arg8[%parallel_loop3A_1020, %parallel_loop3A_1021] {strides = array<i32>} : memref<800x64xf32, #tpu.memory_space<vmem>>, vector<1x16xf32>,
        %parallel_loop3A_1023 = vector.shape_cast %parallel_loop3A_1022 : vector<1x16xf32> to vector<16xf32>
        %parallel_loop3A_1024 = arith.addf %parallel_loop3A_956, %parallel_loop3A_1023 : vector<16xf32>
        %parallel_loop3A_1025 = tpu.bitcast %parallel_loop3A_1023 : vector<16xf32> -> vector<16xi32>
        %parallel_loop3A_1026 = arith.constant 0 : i32
        %parallel_loop3A_1027 = vector.broadcast %parallel_loop3A_1026 : i32 to vector<16xi32>
        %parallel_loop3A_1028 = arith.cmpi ne, %parallel_loop3A_1025, %parallel_loop3A_1027 : vector<16xi32>
        %parallel_loop3A_1029 = arith.constant 1 : i32
        %parallel_loop3A_1030 = arith.constant 0 : i32
        %parallel_loop3A_1031 = vector.broadcast %parallel_loop3A_1029 : i32 to vector<16xi32>
        %parallel_loop3A_1032 = vector.broadcast %parallel_loop3A_1030 : i32 to vector<16xi32>
        %parallel_loop3A_1033 = arith.select %parallel_loop3A_1028, %parallel_loop3A_1031, %parallel_loop3A_1032 : vector<16xi1>, vector<16xi32>
        %parallel_loop3A_1034 = arith.addi %parallel_loop3A_966, %parallel_loop3A_1033 : vector<16xi32>
        %parallel_loop3A_1035 = arith.constant 10 : i32
        %parallel_loop3A_1036 = arith.addi %parallel_loop3A_321, %parallel_loop3A_1035 : i32
        %parallel_loop3A_1037 = arith.index_cast %parallel_loop3A_1036 : i32 to index
        %parallel_loop3A_1038 = arith.constant 16 : index
        %parallel_loop3A_1039 = tpu.vector_load %arg8[%parallel_loop3A_1037, %parallel_loop3A_1038] {strides = array<i32>} : memref<800x64xf32, #tpu.memory_space<vmem>>, vector<1x16xf32>,
        %parallel_loop3A_1040 = vector.shape_cast %parallel_loop3A_1039 : vector<1x16xf32> to vector<16xf32>
        %parallel_loop3A_1041 = arith.addf %parallel_loop3A_973, %parallel_loop3A_1040 : vector<16xf32>
        %parallel_loop3A_1042 = tpu.bitcast %parallel_loop3A_1040 : vector<16xf32> -> vector<16xi32>
        %parallel_loop3A_1043 = arith.constant 0 : i32
        %parallel_loop3A_1044 = vector.broadcast %parallel_loop3A_1043 : i32 to vector<16xi32>
        %parallel_loop3A_1045 = arith.cmpi ne, %parallel_loop3A_1042, %parallel_loop3A_1044 : vector<16xi32>
        %parallel_loop3A_1046 = arith.constant 1 : i32
        %parallel_loop3A_1047 = arith.constant 0 : i32
        %parallel_loop3A_1048 = vector.broadcast %parallel_loop3A_1046 : i32 to vector<16xi32>
        %parallel_loop3A_1049 = vector.broadcast %parallel_loop3A_1047 : i32 to vector<16xi32>
        %parallel_loop3A_1050 = arith.select %parallel_loop3A_1045, %parallel_loop3A_1048, %parallel_loop3A_1049 : vector<16xi1>, vector<16xi32>
        %parallel_loop3A_1051 = arith.addi %parallel_loop3A_983, %parallel_loop3A_1050 : vector<16xi32>
        %parallel_loop3A_1052 = arith.constant 10 : i32
        %parallel_loop3A_1053 = arith.addi %parallel_loop3A_321, %parallel_loop3A_1052 : i32
        %parallel_loop3A_1054 = arith.index_cast %parallel_loop3A_1053 : i32 to index
        %parallel_loop3A_1055 = arith.constant 32 : index
        %parallel_loop3A_1056 = tpu.vector_load %arg8[%parallel_loop3A_1054, %parallel_loop3A_1055] {strides = array<i32>} : memref<800x64xf32, #tpu.memory_space<vmem>>, vector<1x16xf32>,
        %parallel_loop3A_1057 = vector.shape_cast %parallel_loop3A_1056 : vector<1x16xf32> to vector<16xf32>
        %parallel_loop3A_1058 = arith.addf %parallel_loop3A_990, %parallel_loop3A_1057 : vector<16xf32>
        %parallel_loop3A_1059 = tpu.bitcast %parallel_loop3A_1057 : vector<16xf32> -> vector<16xi32>
        %parallel_loop3A_1060 = arith.constant 0 : i32
        %parallel_loop3A_1061 = vector.broadcast %parallel_loop3A_1060 : i32 to vector<16xi32>
        %parallel_loop3A_1062 = arith.cmpi ne, %parallel_loop3A_1059, %parallel_loop3A_1061 : vector<16xi32>
        %parallel_loop3A_1063 = arith.constant 1 : i32
        %parallel_loop3A_1064 = arith.constant 0 : i32
        %parallel_loop3A_1065 = vector.broadcast %parallel_loop3A_1063 : i32 to vector<16xi32>
        %parallel_loop3A_1066 = vector.broadcast %parallel_loop3A_1064 : i32 to vector<16xi32>
        %parallel_loop3A_1067 = arith.select %parallel_loop3A_1062, %parallel_loop3A_1065, %parallel_loop3A_1066 : vector<16xi1>, vector<16xi32>
        %parallel_loop3A_1068 = arith.addi %parallel_loop3A_1000, %parallel_loop3A_1067 : vector<16xi32>
        %parallel_loop3A_1069 = arith.constant 10 : i32
        %parallel_loop3A_1070 = arith.addi %parallel_loop3A_321, %parallel_loop3A_1069 : i32
        %parallel_loop3A_1071 = arith.index_cast %parallel_loop3A_1070 : i32 to index
        %parallel_loop3A_1072 = arith.constant 48 : index
        %parallel_loop3A_1073 = tpu.vector_load %arg8[%parallel_loop3A_1071, %parallel_loop3A_1072] {strides = array<i32>} : memref<800x64xf32, #tpu.memory_space<vmem>>, vector<1x16xf32>,
        %parallel_loop3A_1074 = vector.shape_cast %parallel_loop3A_1073 : vector<1x16xf32> to vector<16xf32>
        %parallel_loop3A_1075 = arith.addf %parallel_loop3A_1007, %parallel_loop3A_1074 : vector<16xf32>
        %parallel_loop3A_1076 = tpu.bitcast %parallel_loop3A_1074 : vector<16xf32> -> vector<16xi32>
        %parallel_loop3A_1077 = arith.constant 0 : i32
        %parallel_loop3A_1078 = vector.broadcast %parallel_loop3A_1077 : i32 to vector<16xi32>
        %parallel_loop3A_1079 = arith.cmpi ne, %parallel_loop3A_1076, %parallel_loop3A_1078 : vector<16xi32>
        %parallel_loop3A_1080 = arith.constant 1 : i32
        %parallel_loop3A_1081 = arith.constant 0 : i32
        %parallel_loop3A_1082 = vector.broadcast %parallel_loop3A_1080 : i32 to vector<16xi32>
        %parallel_loop3A_1083 = vector.broadcast %parallel_loop3A_1081 : i32 to vector<16xi32>
        %parallel_loop3A_1084 = arith.select %parallel_loop3A_1079, %parallel_loop3A_1082, %parallel_loop3A_1083 : vector<16xi1>, vector<16xi32>
        %parallel_loop3A_1085 = arith.addi %parallel_loop3A_1017, %parallel_loop3A_1084 : vector<16xi32>
        %parallel_loop3A_1086 = arith.constant 11 : i32
        %parallel_loop3A_1087 = arith.addi %parallel_loop3A_321, %parallel_loop3A_1086 : i32
        %parallel_loop3A_1088 = arith.index_cast %parallel_loop3A_1087 : i32 to index
        %parallel_loop3A_1089 = arith.constant 0 : index
        %parallel_loop3A_1090 = tpu.vector_load %arg8[%parallel_loop3A_1088, %parallel_loop3A_1089] {strides = array<i32>} : memref<800x64xf32, #tpu.memory_space<vmem>>, vector<1x16xf32>,
        %parallel_loop3A_1091 = vector.shape_cast %parallel_loop3A_1090 : vector<1x16xf32> to vector<16xf32>
        %parallel_loop3A_1092 = arith.addf %parallel_loop3A_1024, %parallel_loop3A_1091 : vector<16xf32>
        %parallel_loop3A_1093 = tpu.bitcast %parallel_loop3A_1091 : vector<16xf32> -> vector<16xi32>
        %parallel_loop3A_1094 = arith.constant 0 : i32
        %parallel_loop3A_1095 = vector.broadcast %parallel_loop3A_1094 : i32 to vector<16xi32>
        %parallel_loop3A_1096 = arith.cmpi ne, %parallel_loop3A_1093, %parallel_loop3A_1095 : vector<16xi32>
        %parallel_loop3A_1097 = arith.constant 1 : i32
        %parallel_loop3A_1098 = arith.constant 0 : i32
        %parallel_loop3A_1099 = vector.broadcast %parallel_loop3A_1097 : i32 to vector<16xi32>
        %parallel_loop3A_1100 = vector.broadcast %parallel_loop3A_1098 : i32 to vector<16xi32>
        %parallel_loop3A_1101 = arith.select %parallel_loop3A_1096, %parallel_loop3A_1099, %parallel_loop3A_1100 : vector<16xi1>, vector<16xi32>
        %parallel_loop3A_1102 = arith.addi %parallel_loop3A_1034, %parallel_loop3A_1101 : vector<16xi32>
        %parallel_loop3A_1103 = arith.constant 11 : i32
        %parallel_loop3A_1104 = arith.addi %parallel_loop3A_321, %parallel_loop3A_1103 : i32
        %parallel_loop3A_1105 = arith.index_cast %parallel_loop3A_1104 : i32 to index
        %parallel_loop3A_1106 = arith.constant 16 : index
        %parallel_loop3A_1107 = tpu.vector_load %arg8[%parallel_loop3A_1105, %parallel_loop3A_1106] {strides = array<i32>} : memref<800x64xf32, #tpu.memory_space<vmem>>, vector<1x16xf32>,
        %parallel_loop3A_1108 = vector.shape_cast %parallel_loop3A_1107 : vector<1x16xf32> to vector<16xf32>
        %parallel_loop3A_1109 = arith.addf %parallel_loop3A_1041, %parallel_loop3A_1108 : vector<16xf32>
        %parallel_loop3A_1110 = tpu.bitcast %parallel_loop3A_1108 : vector<16xf32> -> vector<16xi32>
        %parallel_loop3A_1111 = arith.constant 0 : i32
        %parallel_loop3A_1112 = vector.broadcast %parallel_loop3A_1111 : i32 to vector<16xi32>
        %parallel_loop3A_1113 = arith.cmpi ne, %parallel_loop3A_1110, %parallel_loop3A_1112 : vector<16xi32>
        %parallel_loop3A_1114 = arith.constant 1 : i32
        %parallel_loop3A_1115 = arith.constant 0 : i32
        %parallel_loop3A_1116 = vector.broadcast %parallel_loop3A_1114 : i32 to vector<16xi32>
        %parallel_loop3A_1117 = vector.broadcast %parallel_loop3A_1115 : i32 to vector<16xi32>
        %parallel_loop3A_1118 = arith.select %parallel_loop3A_1113, %parallel_loop3A_1116, %parallel_loop3A_1117 : vector<16xi1>, vector<16xi32>
        %parallel_loop3A_1119 = arith.addi %parallel_loop3A_1051, %parallel_loop3A_1118 : vector<16xi32>
        %parallel_loop3A_1120 = arith.constant 11 : i32
        %parallel_loop3A_1121 = arith.addi %parallel_loop3A_321, %parallel_loop3A_1120 : i32
        %parallel_loop3A_1122 = arith.index_cast %parallel_loop3A_1121 : i32 to index
        %parallel_loop3A_1123 = arith.constant 32 : index
        %parallel_loop3A_1124 = tpu.vector_load %arg8[%parallel_loop3A_1122, %parallel_loop3A_1123] {strides = array<i32>} : memref<800x64xf32, #tpu.memory_space<vmem>>, vector<1x16xf32>,
        %parallel_loop3A_1125 = vector.shape_cast %parallel_loop3A_1124 : vector<1x16xf32> to vector<16xf32>
        %parallel_loop3A_1126 = arith.addf %parallel_loop3A_1058, %parallel_loop3A_1125 : vector<16xf32>
        %parallel_loop3A_1127 = tpu.bitcast %parallel_loop3A_1125 : vector<16xf32> -> vector<16xi32>
        %parallel_loop3A_1128 = arith.constant 0 : i32
        %parallel_loop3A_1129 = vector.broadcast %parallel_loop3A_1128 : i32 to vector<16xi32>
        %parallel_loop3A_1130 = arith.cmpi ne, %parallel_loop3A_1127, %parallel_loop3A_1129 : vector<16xi32>
        %parallel_loop3A_1131 = arith.constant 1 : i32
        %parallel_loop3A_1132 = arith.constant 0 : i32
        %parallel_loop3A_1133 = vector.broadcast %parallel_loop3A_1131 : i32 to vector<16xi32>
        %parallel_loop3A_1134 = vector.broadcast %parallel_loop3A_1132 : i32 to vector<16xi32>
        %parallel_loop3A_1135 = arith.select %parallel_loop3A_1130, %parallel_loop3A_1133, %parallel_loop3A_1134 : vector<16xi1>, vector<16xi32>
        %parallel_loop3A_1136 = arith.addi %parallel_loop3A_1068, %parallel_loop3A_1135 : vector<16xi32>
        %parallel_loop3A_1137 = arith.constant 11 : i32
        %parallel_loop3A_1138 = arith.addi %parallel_loop3A_321, %parallel_loop3A_1137 : i32
        %parallel_loop3A_1139 = arith.index_cast %parallel_loop3A_1138 : i32 to index
        %parallel_loop3A_1140 = arith.constant 48 : index
        %parallel_loop3A_1141 = tpu.vector_load %arg8[%parallel_loop3A_1139, %parallel_loop3A_1140] {strides = array<i32>} : memref<800x64xf32, #tpu.memory_space<vmem>>, vector<1x16xf32>,
        %parallel_loop3A_1142 = vector.shape_cast %parallel_loop3A_1141 : vector<1x16xf32> to vector<16xf32>
        %parallel_loop3A_1143 = arith.addf %parallel_loop3A_1075, %parallel_loop3A_1142 : vector<16xf32>
        %parallel_loop3A_1144 = tpu.bitcast %parallel_loop3A_1142 : vector<16xf32> -> vector<16xi32>
        %parallel_loop3A_1145 = arith.constant 0 : i32
        %parallel_loop3A_1146 = vector.broadcast %parallel_loop3A_1145 : i32 to vector<16xi32>
        %parallel_loop3A_1147 = arith.cmpi ne, %parallel_loop3A_1144, %parallel_loop3A_1146 : vector<16xi32>
        %parallel_loop3A_1148 = arith.constant 1 : i32
        %parallel_loop3A_1149 = arith.constant 0 : i32
        %parallel_loop3A_1150 = vector.broadcast %parallel_loop3A_1148 : i32 to vector<16xi32>
        %parallel_loop3A_1151 = vector.broadcast %parallel_loop3A_1149 : i32 to vector<16xi32>
        %parallel_loop3A_1152 = arith.select %parallel_loop3A_1147, %parallel_loop3A_1150, %parallel_loop3A_1151 : vector<16xi1>, vector<16xi32>
        %parallel_loop3A_1153 = arith.addi %parallel_loop3A_1085, %parallel_loop3A_1152 : vector<16xi32>
        %parallel_loop3A_1154 = arith.constant 12 : i32
        %parallel_loop3A_1155 = arith.addi %parallel_loop3A_321, %parallel_loop3A_1154 : i32
        %parallel_loop3A_1156 = arith.index_cast %parallel_loop3A_1155 : i32 to index
        %parallel_loop3A_1157 = arith.constant 0 : index
        %parallel_loop3A_1158 = tpu.vector_load %arg8[%parallel_loop3A_1156, %parallel_loop3A_1157] {strides = array<i32>} : memref<800x64xf32, #tpu.memory_space<vmem>>, vector<1x16xf32>,
        %parallel_loop3A_1159 = vector.shape_cast %parallel_loop3A_1158 : vector<1x16xf32> to vector<16xf32>
        %parallel_loop3A_1160 = arith.addf %parallel_loop3A_1092, %parallel_loop3A_1159 : vector<16xf32>
        %parallel_loop3A_1161 = tpu.bitcast %parallel_loop3A_1159 : vector<16xf32> -> vector<16xi32>
        %parallel_loop3A_1162 = arith.constant 0 : i32
        %parallel_loop3A_1163 = vector.broadcast %parallel_loop3A_1162 : i32 to vector<16xi32>
        %parallel_loop3A_1164 = arith.cmpi ne, %parallel_loop3A_1161, %parallel_loop3A_1163 : vector<16xi32>
        %parallel_loop3A_1165 = arith.constant 1 : i32
        %parallel_loop3A_1166 = arith.constant 0 : i32
        %parallel_loop3A_1167 = vector.broadcast %parallel_loop3A_1165 : i32 to vector<16xi32>
        %parallel_loop3A_1168 = vector.broadcast %parallel_loop3A_1166 : i32 to vector<16xi32>
        %parallel_loop3A_1169 = arith.select %parallel_loop3A_1164, %parallel_loop3A_1167, %parallel_loop3A_1168 : vector<16xi1>, vector<16xi32>
        %parallel_loop3A_1170 = arith.addi %parallel_loop3A_1102, %parallel_loop3A_1169 : vector<16xi32>
        %parallel_loop3A_1171 = arith.constant 12 : i32
        %parallel_loop3A_1172 = arith.addi %parallel_loop3A_321, %parallel_loop3A_1171 : i32
        %parallel_loop3A_1173 = arith.index_cast %parallel_loop3A_1172 : i32 to index
        %parallel_loop3A_1174 = arith.constant 16 : index
        %parallel_loop3A_1175 = tpu.vector_load %arg8[%parallel_loop3A_1173, %parallel_loop3A_1174] {strides = array<i32>} : memref<800x64xf32, #tpu.memory_space<vmem>>, vector<1x16xf32>,
        %parallel_loop3A_1176 = vector.shape_cast %parallel_loop3A_1175 : vector<1x16xf32> to vector<16xf32>
        %parallel_loop3A_1177 = arith.addf %parallel_loop3A_1109, %parallel_loop3A_1176 : vector<16xf32>
        %parallel_loop3A_1178 = tpu.bitcast %parallel_loop3A_1176 : vector<16xf32> -> vector<16xi32>
        %parallel_loop3A_1179 = arith.constant 0 : i32
        %parallel_loop3A_1180 = vector.broadcast %parallel_loop3A_1179 : i32 to vector<16xi32>
        %parallel_loop3A_1181 = arith.cmpi ne, %parallel_loop3A_1178, %parallel_loop3A_1180 : vector<16xi32>
        %parallel_loop3A_1182 = arith.constant 1 : i32
        %parallel_loop3A_1183 = arith.constant 0 : i32
        %parallel_loop3A_1184 = vector.broadcast %parallel_loop3A_1182 : i32 to vector<16xi32>
        %parallel_loop3A_1185 = vector.broadcast %parallel_loop3A_1183 : i32 to vector<16xi32>
        %parallel_loop3A_1186 = arith.select %parallel_loop3A_1181, %parallel_loop3A_1184, %parallel_loop3A_1185 : vector<16xi1>, vector<16xi32>
        %parallel_loop3A_1187 = arith.addi %parallel_loop3A_1119, %parallel_loop3A_1186 : vector<16xi32>
        %parallel_loop3A_1188 = arith.constant 12 : i32
        %parallel_loop3A_1189 = arith.addi %parallel_loop3A_321, %parallel_loop3A_1188 : i32
        %parallel_loop3A_1190 = arith.index_cast %parallel_loop3A_1189 : i32 to index
        %parallel_loop3A_1191 = arith.constant 32 : index
        %parallel_loop3A_1192 = tpu.vector_load %arg8[%parallel_loop3A_1190, %parallel_loop3A_1191] {strides = array<i32>} : memref<800x64xf32, #tpu.memory_space<vmem>>, vector<1x16xf32>,
        %parallel_loop3A_1193 = vector.shape_cast %parallel_loop3A_1192 : vector<1x16xf32> to vector<16xf32>
        %parallel_loop3A_1194 = arith.addf %parallel_loop3A_1126, %parallel_loop3A_1193 : vector<16xf32>
        %parallel_loop3A_1195 = tpu.bitcast %parallel_loop3A_1193 : vector<16xf32> -> vector<16xi32>
        %parallel_loop3A_1196 = arith.constant 0 : i32
        %parallel_loop3A_1197 = vector.broadcast %parallel_loop3A_1196 : i32 to vector<16xi32>
        %parallel_loop3A_1198 = arith.cmpi ne, %parallel_loop3A_1195, %parallel_loop3A_1197 : vector<16xi32>
        %parallel_loop3A_1199 = arith.constant 1 : i32
        %parallel_loop3A_1200 = arith.constant 0 : i32
        %parallel_loop3A_1201 = vector.broadcast %parallel_loop3A_1199 : i32 to vector<16xi32>
        %parallel_loop3A_1202 = vector.broadcast %parallel_loop3A_1200 : i32 to vector<16xi32>
        %parallel_loop3A_1203 = arith.select %parallel_loop3A_1198, %parallel_loop3A_1201, %parallel_loop3A_1202 : vector<16xi1>, vector<16xi32>
        %parallel_loop3A_1204 = arith.addi %parallel_loop3A_1136, %parallel_loop3A_1203 : vector<16xi32>
        %parallel_loop3A_1205 = arith.constant 12 : i32
        %parallel_loop3A_1206 = arith.addi %parallel_loop3A_321, %parallel_loop3A_1205 : i32
        %parallel_loop3A_1207 = arith.index_cast %parallel_loop3A_1206 : i32 to index
        %parallel_loop3A_1208 = arith.constant 48 : index
        %parallel_loop3A_1209 = tpu.vector_load %arg8[%parallel_loop3A_1207, %parallel_loop3A_1208] {strides = array<i32>} : memref<800x64xf32, #tpu.memory_space<vmem>>, vector<1x16xf32>,
        %parallel_loop3A_1210 = vector.shape_cast %parallel_loop3A_1209 : vector<1x16xf32> to vector<16xf32>
        %parallel_loop3A_1211 = arith.addf %parallel_loop3A_1143, %parallel_loop3A_1210 : vector<16xf32>
        %parallel_loop3A_1212 = tpu.bitcast %parallel_loop3A_1210 : vector<16xf32> -> vector<16xi32>
        %parallel_loop3A_1213 = arith.constant 0 : i32
        %parallel_loop3A_1214 = vector.broadcast %parallel_loop3A_1213 : i32 to vector<16xi32>
        %parallel_loop3A_1215 = arith.cmpi ne, %parallel_loop3A_1212, %parallel_loop3A_1214 : vector<16xi32>
        %parallel_loop3A_1216 = arith.constant 1 : i32
        %parallel_loop3A_1217 = arith.constant 0 : i32
        %parallel_loop3A_1218 = vector.broadcast %parallel_loop3A_1216 : i32 to vector<16xi32>
        %parallel_loop3A_1219 = vector.broadcast %parallel_loop3A_1217 : i32 to vector<16xi32>
        %parallel_loop3A_1220 = arith.select %parallel_loop3A_1215, %parallel_loop3A_1218, %parallel_loop3A_1219 : vector<16xi1>, vector<16xi32>
        %parallel_loop3A_1221 = arith.addi %parallel_loop3A_1153, %parallel_loop3A_1220 : vector<16xi32>
        %parallel_loop3A_1222 = arith.constant 13 : i32
        %parallel_loop3A_1223 = arith.addi %parallel_loop3A_321, %parallel_loop3A_1222 : i32
        %parallel_loop3A_1224 = arith.index_cast %parallel_loop3A_1223 : i32 to index
        %parallel_loop3A_1225 = arith.constant 0 : index
        %parallel_loop3A_1226 = tpu.vector_load %arg8[%parallel_loop3A_1224, %parallel_loop3A_1225] {strides = array<i32>} : memref<800x64xf32, #tpu.memory_space<vmem>>, vector<1x16xf32>,
        %parallel_loop3A_1227 = vector.shape_cast %parallel_loop3A_1226 : vector<1x16xf32> to vector<16xf32>
        %parallel_loop3A_1228 = arith.addf %parallel_loop3A_1160, %parallel_loop3A_1227 : vector<16xf32>
        %parallel_loop3A_1229 = tpu.bitcast %parallel_loop3A_1227 : vector<16xf32> -> vector<16xi32>
        %parallel_loop3A_1230 = arith.constant 0 : i32
        %parallel_loop3A_1231 = vector.broadcast %parallel_loop3A_1230 : i32 to vector<16xi32>
        %parallel_loop3A_1232 = arith.cmpi ne, %parallel_loop3A_1229, %parallel_loop3A_1231 : vector<16xi32>
        %parallel_loop3A_1233 = arith.constant 1 : i32
        %parallel_loop3A_1234 = arith.constant 0 : i32
        %parallel_loop3A_1235 = vector.broadcast %parallel_loop3A_1233 : i32 to vector<16xi32>
        %parallel_loop3A_1236 = vector.broadcast %parallel_loop3A_1234 : i32 to vector<16xi32>
        %parallel_loop3A_1237 = arith.select %parallel_loop3A_1232, %parallel_loop3A_1235, %parallel_loop3A_1236 : vector<16xi1>, vector<16xi32>
        %parallel_loop3A_1238 = arith.addi %parallel_loop3A_1170, %parallel_loop3A_1237 : vector<16xi32>
        %parallel_loop3A_1239 = arith.constant 13 : i32
        %parallel_loop3A_1240 = arith.addi %parallel_loop3A_321, %parallel_loop3A_1239 : i32
        %parallel_loop3A_1241 = arith.index_cast %parallel_loop3A_1240 : i32 to index
        %parallel_loop3A_1242 = arith.constant 16 : index
        %parallel_loop3A_1243 = tpu.vector_load %arg8[%parallel_loop3A_1241, %parallel_loop3A_1242] {strides = array<i32>} : memref<800x64xf32, #tpu.memory_space<vmem>>, vector<1x16xf32>,
        %parallel_loop3A_1244 = vector.shape_cast %parallel_loop3A_1243 : vector<1x16xf32> to vector<16xf32>
        %parallel_loop3A_1245 = arith.addf %parallel_loop3A_1177, %parallel_loop3A_1244 : vector<16xf32>
        %parallel_loop3A_1246 = tpu.bitcast %parallel_loop3A_1244 : vector<16xf32> -> vector<16xi32>
        %parallel_loop3A_1247 = arith.constant 0 : i32
        %parallel_loop3A_1248 = vector.broadcast %parallel_loop3A_1247 : i32 to vector<16xi32>
        %parallel_loop3A_1249 = arith.cmpi ne, %parallel_loop3A_1246, %parallel_loop3A_1248 : vector<16xi32>
        %parallel_loop3A_1250 = arith.constant 1 : i32
        %parallel_loop3A_1251 = arith.constant 0 : i32
        %parallel_loop3A_1252 = vector.broadcast %parallel_loop3A_1250 : i32 to vector<16xi32>
        %parallel_loop3A_1253 = vector.broadcast %parallel_loop3A_1251 : i32 to vector<16xi32>
        %parallel_loop3A_1254 = arith.select %parallel_loop3A_1249, %parallel_loop3A_1252, %parallel_loop3A_1253 : vector<16xi1>, vector<16xi32>
        %parallel_loop3A_1255 = arith.addi %parallel_loop3A_1187, %parallel_loop3A_1254 : vector<16xi32>
        %parallel_loop3A_1256 = arith.constant 13 : i32
        %parallel_loop3A_1257 = arith.addi %parallel_loop3A_321, %parallel_loop3A_1256 : i32
        %parallel_loop3A_1258 = arith.index_cast %parallel_loop3A_1257 : i32 to index
        %parallel_loop3A_1259 = arith.constant 32 : index
        %parallel_loop3A_1260 = tpu.vector_load %arg8[%parallel_loop3A_1258, %parallel_loop3A_1259] {strides = array<i32>} : memref<800x64xf32, #tpu.memory_space<vmem>>, vector<1x16xf32>,
        %parallel_loop3A_1261 = vector.shape_cast %parallel_loop3A_1260 : vector<1x16xf32> to vector<16xf32>
        %parallel_loop3A_1262 = arith.addf %parallel_loop3A_1194, %parallel_loop3A_1261 : vector<16xf32>
        %parallel_loop3A_1263 = tpu.bitcast %parallel_loop3A_1261 : vector<16xf32> -> vector<16xi32>
        %parallel_loop3A_1264 = arith.constant 0 : i32
        %parallel_loop3A_1265 = vector.broadcast %parallel_loop3A_1264 : i32 to vector<16xi32>
        %parallel_loop3A_1266 = arith.cmpi ne, %parallel_loop3A_1263, %parallel_loop3A_1265 : vector<16xi32>
        %parallel_loop3A_1267 = arith.constant 1 : i32
        %parallel_loop3A_1268 = arith.constant 0 : i32
        %parallel_loop3A_1269 = vector.broadcast %parallel_loop3A_1267 : i32 to vector<16xi32>
        %parallel_loop3A_1270 = vector.broadcast %parallel_loop3A_1268 : i32 to vector<16xi32>
        %parallel_loop3A_1271 = arith.select %parallel_loop3A_1266, %parallel_loop3A_1269, %parallel_loop3A_1270 : vector<16xi1>, vector<16xi32>
        %parallel_loop3A_1272 = arith.addi %parallel_loop3A_1204, %parallel_loop3A_1271 : vector<16xi32>
        %parallel_loop3A_1273 = arith.constant 13 : i32
        %parallel_loop3A_1274 = arith.addi %parallel_loop3A_321, %parallel_loop3A_1273 : i32
        %parallel_loop3A_1275 = arith.index_cast %parallel_loop3A_1274 : i32 to index
        %parallel_loop3A_1276 = arith.constant 48 : index
        %parallel_loop3A_1277 = tpu.vector_load %arg8[%parallel_loop3A_1275, %parallel_loop3A_1276] {strides = array<i32>} : memref<800x64xf32, #tpu.memory_space<vmem>>, vector<1x16xf32>,
        %parallel_loop3A_1278 = vector.shape_cast %parallel_loop3A_1277 : vector<1x16xf32> to vector<16xf32>
        %parallel_loop3A_1279 = arith.addf %parallel_loop3A_1211, %parallel_loop3A_1278 : vector<16xf32>
        %parallel_loop3A_1280 = tpu.bitcast %parallel_loop3A_1278 : vector<16xf32> -> vector<16xi32>
        %parallel_loop3A_1281 = arith.constant 0 : i32
        %parallel_loop3A_1282 = vector.broadcast %parallel_loop3A_1281 : i32 to vector<16xi32>
        %parallel_loop3A_1283 = arith.cmpi ne, %parallel_loop3A_1280, %parallel_loop3A_1282 : vector<16xi32>
        %parallel_loop3A_1284 = arith.constant 1 : i32
        %parallel_loop3A_1285 = arith.constant 0 : i32
        %parallel_loop3A_1286 = vector.broadcast %parallel_loop3A_1284 : i32 to vector<16xi32>
        %parallel_loop3A_1287 = vector.broadcast %parallel_loop3A_1285 : i32 to vector<16xi32>
        %parallel_loop3A_1288 = arith.select %parallel_loop3A_1283, %parallel_loop3A_1286, %parallel_loop3A_1287 : vector<16xi1>, vector<16xi32>
        %parallel_loop3A_1289 = arith.addi %parallel_loop3A_1221, %parallel_loop3A_1288 : vector<16xi32>
        %parallel_loop3A_1290 = arith.constant 14 : i32
        %parallel_loop3A_1291 = arith.addi %parallel_loop3A_321, %parallel_loop3A_1290 : i32
        %parallel_loop3A_1292 = arith.index_cast %parallel_loop3A_1291 : i32 to index
        %parallel_loop3A_1293 = arith.constant 0 : index
        %parallel_loop3A_1294 = tpu.vector_load %arg8[%parallel_loop3A_1292, %parallel_loop3A_1293] {strides = array<i32>} : memref<800x64xf32, #tpu.memory_space<vmem>>, vector<1x16xf32>,
        %parallel_loop3A_1295 = vector.shape_cast %parallel_loop3A_1294 : vector<1x16xf32> to vector<16xf32>
        %parallel_loop3A_1296 = arith.addf %parallel_loop3A_1228, %parallel_loop3A_1295 : vector<16xf32>
        %parallel_loop3A_1297 = tpu.bitcast %parallel_loop3A_1295 : vector<16xf32> -> vector<16xi32>
        %parallel_loop3A_1298 = arith.constant 0 : i32
        %parallel_loop3A_1299 = vector.broadcast %parallel_loop3A_1298 : i32 to vector<16xi32>
        %parallel_loop3A_1300 = arith.cmpi ne, %parallel_loop3A_1297, %parallel_loop3A_1299 : vector<16xi32>
        %parallel_loop3A_1301 = arith.constant 1 : i32
        %parallel_loop3A_1302 = arith.constant 0 : i32
        %parallel_loop3A_1303 = vector.broadcast %parallel_loop3A_1301 : i32 to vector<16xi32>
        %parallel_loop3A_1304 = vector.broadcast %parallel_loop3A_1302 : i32 to vector<16xi32>
        %parallel_loop3A_1305 = arith.select %parallel_loop3A_1300, %parallel_loop3A_1303, %parallel_loop3A_1304 : vector<16xi1>, vector<16xi32>
        %parallel_loop3A_1306 = arith.addi %parallel_loop3A_1238, %parallel_loop3A_1305 : vector<16xi32>
        %parallel_loop3A_1307 = arith.constant 14 : i32
        %parallel_loop3A_1308 = arith.addi %parallel_loop3A_321, %parallel_loop3A_1307 : i32
        %parallel_loop3A_1309 = arith.index_cast %parallel_loop3A_1308 : i32 to index
        %parallel_loop3A_1310 = arith.constant 16 : index
        %parallel_loop3A_1311 = tpu.vector_load %arg8[%parallel_loop3A_1309, %parallel_loop3A_1310] {strides = array<i32>} : memref<800x64xf32, #tpu.memory_space<vmem>>, vector<1x16xf32>,
        %parallel_loop3A_1312 = vector.shape_cast %parallel_loop3A_1311 : vector<1x16xf32> to vector<16xf32>
        %parallel_loop3A_1313 = arith.addf %parallel_loop3A_1245, %parallel_loop3A_1312 : vector<16xf32>
        %parallel_loop3A_1314 = tpu.bitcast %parallel_loop3A_1312 : vector<16xf32> -> vector<16xi32>
        %parallel_loop3A_1315 = arith.constant 0 : i32
        %parallel_loop3A_1316 = vector.broadcast %parallel_loop3A_1315 : i32 to vector<16xi32>
        %parallel_loop3A_1317 = arith.cmpi ne, %parallel_loop3A_1314, %parallel_loop3A_1316 : vector<16xi32>
        %parallel_loop3A_1318 = arith.constant 1 : i32
        %parallel_loop3A_1319 = arith.constant 0 : i32
        %parallel_loop3A_1320 = vector.broadcast %parallel_loop3A_1318 : i32 to vector<16xi32>
        %parallel_loop3A_1321 = vector.broadcast %parallel_loop3A_1319 : i32 to vector<16xi32>
        %parallel_loop3A_1322 = arith.select %parallel_loop3A_1317, %parallel_loop3A_1320, %parallel_loop3A_1321 : vector<16xi1>, vector<16xi32>
        %parallel_loop3A_1323 = arith.addi %parallel_loop3A_1255, %parallel_loop3A_1322 : vector<16xi32>
        %parallel_loop3A_1324 = arith.constant 14 : i32
        %parallel_loop3A_1325 = arith.addi %parallel_loop3A_321, %parallel_loop3A_1324 : i32
        %parallel_loop3A_1326 = arith.index_cast %parallel_loop3A_1325 : i32 to index
        %parallel_loop3A_1327 = arith.constant 32 : index
        %parallel_loop3A_1328 = tpu.vector_load %arg8[%parallel_loop3A_1326, %parallel_loop3A_1327] {strides = array<i32>} : memref<800x64xf32, #tpu.memory_space<vmem>>, vector<1x16xf32>,
        %parallel_loop3A_1329 = vector.shape_cast %parallel_loop3A_1328 : vector<1x16xf32> to vector<16xf32>
        %parallel_loop3A_1330 = arith.addf %parallel_loop3A_1262, %parallel_loop3A_1329 : vector<16xf32>
        %parallel_loop3A_1331 = tpu.bitcast %parallel_loop3A_1329 : vector<16xf32> -> vector<16xi32>
        %parallel_loop3A_1332 = arith.constant 0 : i32
        %parallel_loop3A_1333 = vector.broadcast %parallel_loop3A_1332 : i32 to vector<16xi32>
        %parallel_loop3A_1334 = arith.cmpi ne, %parallel_loop3A_1331, %parallel_loop3A_1333 : vector<16xi32>
        %parallel_loop3A_1335 = arith.constant 1 : i32
        %parallel_loop3A_1336 = arith.constant 0 : i32
        %parallel_loop3A_1337 = vector.broadcast %parallel_loop3A_1335 : i32 to vector<16xi32>
        %parallel_loop3A_1338 = vector.broadcast %parallel_loop3A_1336 : i32 to vector<16xi32>
        %parallel_loop3A_1339 = arith.select %parallel_loop3A_1334, %parallel_loop3A_1337, %parallel_loop3A_1338 : vector<16xi1>, vector<16xi32>
        %parallel_loop3A_1340 = arith.addi %parallel_loop3A_1272, %parallel_loop3A_1339 : vector<16xi32>
        %parallel_loop3A_1341 = arith.constant 14 : i32
        %parallel_loop3A_1342 = arith.addi %parallel_loop3A_321, %parallel_loop3A_1341 : i32
        %parallel_loop3A_1343 = arith.index_cast %parallel_loop3A_1342 : i32 to index
        %parallel_loop3A_1344 = arith.constant 48 : index
        %parallel_loop3A_1345 = tpu.vector_load %arg8[%parallel_loop3A_1343, %parallel_loop3A_1344] {strides = array<i32>} : memref<800x64xf32, #tpu.memory_space<vmem>>, vector<1x16xf32>,
        %parallel_loop3A_1346 = vector.shape_cast %parallel_loop3A_1345 : vector<1x16xf32> to vector<16xf32>
        %parallel_loop3A_1347 = arith.addf %parallel_loop3A_1279, %parallel_loop3A_1346 : vector<16xf32>
        %parallel_loop3A_1348 = tpu.bitcast %parallel_loop3A_1346 : vector<16xf32> -> vector<16xi32>
        %parallel_loop3A_1349 = arith.constant 0 : i32
        %parallel_loop3A_1350 = vector.broadcast %parallel_loop3A_1349 : i32 to vector<16xi32>
        %parallel_loop3A_1351 = arith.cmpi ne, %parallel_loop3A_1348, %parallel_loop3A_1350 : vector<16xi32>
        %parallel_loop3A_1352 = arith.constant 1 : i32
        %parallel_loop3A_1353 = arith.constant 0 : i32
        %parallel_loop3A_1354 = vector.broadcast %parallel_loop3A_1352 : i32 to vector<16xi32>
        %parallel_loop3A_1355 = vector.broadcast %parallel_loop3A_1353 : i32 to vector<16xi32>
        %parallel_loop3A_1356 = arith.select %parallel_loop3A_1351, %parallel_loop3A_1354, %parallel_loop3A_1355 : vector<16xi1>, vector<16xi32>
        %parallel_loop3A_1357 = arith.addi %parallel_loop3A_1289, %parallel_loop3A_1356 : vector<16xi32>
        %parallel_loop3A_1358 = arith.constant 15 : i32
        %parallel_loop3A_1359 = arith.addi %parallel_loop3A_321, %parallel_loop3A_1358 : i32
        %parallel_loop3A_1360 = arith.index_cast %parallel_loop3A_1359 : i32 to index
        %parallel_loop3A_1361 = arith.constant 0 : index
        %parallel_loop3A_1362 = tpu.vector_load %arg8[%parallel_loop3A_1360, %parallel_loop3A_1361] {strides = array<i32>} : memref<800x64xf32, #tpu.memory_space<vmem>>, vector<1x16xf32>,
        %parallel_loop3A_1363 = vector.shape_cast %parallel_loop3A_1362 : vector<1x16xf32> to vector<16xf32>
        %parallel_loop3A_1364 = arith.addf %parallel_loop3A_1296, %parallel_loop3A_1363 : vector<16xf32>
        %parallel_loop3A_1365 = tpu.bitcast %parallel_loop3A_1363 : vector<16xf32> -> vector<16xi32>
        %parallel_loop3A_1366 = arith.constant 0 : i32
        %parallel_loop3A_1367 = vector.broadcast %parallel_loop3A_1366 : i32 to vector<16xi32>
        %parallel_loop3A_1368 = arith.cmpi ne, %parallel_loop3A_1365, %parallel_loop3A_1367 : vector<16xi32>
        %parallel_loop3A_1369 = arith.constant 1 : i32
        %parallel_loop3A_1370 = arith.constant 0 : i32
        %parallel_loop3A_1371 = vector.broadcast %parallel_loop3A_1369 : i32 to vector<16xi32>
        %parallel_loop3A_1372 = vector.broadcast %parallel_loop3A_1370 : i32 to vector<16xi32>
        %parallel_loop3A_1373 = arith.select %parallel_loop3A_1368, %parallel_loop3A_1371, %parallel_loop3A_1372 : vector<16xi1>, vector<16xi32>
        %parallel_loop3A_1374 = arith.addi %parallel_loop3A_1306, %parallel_loop3A_1373 : vector<16xi32>
        %parallel_loop3A_1375 = arith.constant 15 : i32
        %parallel_loop3A_1376 = arith.addi %parallel_loop3A_321, %parallel_loop3A_1375 : i32
        %parallel_loop3A_1377 = arith.index_cast %parallel_loop3A_1376 : i32 to index
        %parallel_loop3A_1378 = arith.constant 16 : index
        %parallel_loop3A_1379 = tpu.vector_load %arg8[%parallel_loop3A_1377, %parallel_loop3A_1378] {strides = array<i32>} : memref<800x64xf32, #tpu.memory_space<vmem>>, vector<1x16xf32>,
        %parallel_loop3A_1380 = vector.shape_cast %parallel_loop3A_1379 : vector<1x16xf32> to vector<16xf32>
        %parallel_loop3A_1381 = arith.addf %parallel_loop3A_1313, %parallel_loop3A_1380 : vector<16xf32>
        %parallel_loop3A_1382 = tpu.bitcast %parallel_loop3A_1380 : vector<16xf32> -> vector<16xi32>
        %parallel_loop3A_1383 = arith.constant 0 : i32
        %parallel_loop3A_1384 = vector.broadcast %parallel_loop3A_1383 : i32 to vector<16xi32>
        %parallel_loop3A_1385 = arith.cmpi ne, %parallel_loop3A_1382, %parallel_loop3A_1384 : vector<16xi32>
        %parallel_loop3A_1386 = arith.constant 1 : i32
        %parallel_loop3A_1387 = arith.constant 0 : i32
        %parallel_loop3A_1388 = vector.broadcast %parallel_loop3A_1386 : i32 to vector<16xi32>
        %parallel_loop3A_1389 = vector.broadcast %parallel_loop3A_1387 : i32 to vector<16xi32>
        %parallel_loop3A_1390 = arith.select %parallel_loop3A_1385, %parallel_loop3A_1388, %parallel_loop3A_1389 : vector<16xi1>, vector<16xi32>
        %parallel_loop3A_1391 = arith.addi %parallel_loop3A_1323, %parallel_loop3A_1390 : vector<16xi32>
        %parallel_loop3A_1392 = arith.constant 15 : i32
        %parallel_loop3A_1393 = arith.addi %parallel_loop3A_321, %parallel_loop3A_1392 : i32
        %parallel_loop3A_1394 = arith.index_cast %parallel_loop3A_1393 : i32 to index
        %parallel_loop3A_1395 = arith.constant 32 : index
        %parallel_loop3A_1396 = tpu.vector_load %arg8[%parallel_loop3A_1394, %parallel_loop3A_1395] {strides = array<i32>} : memref<800x64xf32, #tpu.memory_space<vmem>>, vector<1x16xf32>,
        %parallel_loop3A_1397 = vector.shape_cast %parallel_loop3A_1396 : vector<1x16xf32> to vector<16xf32>
        %parallel_loop3A_1398 = arith.addf %parallel_loop3A_1330, %parallel_loop3A_1397 : vector<16xf32>
        %parallel_loop3A_1399 = tpu.bitcast %parallel_loop3A_1397 : vector<16xf32> -> vector<16xi32>
        %parallel_loop3A_1400 = arith.constant 0 : i32
        %parallel_loop3A_1401 = vector.broadcast %parallel_loop3A_1400 : i32 to vector<16xi32>
        %parallel_loop3A_1402 = arith.cmpi ne, %parallel_loop3A_1399, %parallel_loop3A_1401 : vector<16xi32>
        %parallel_loop3A_1403 = arith.constant 1 : i32
        %parallel_loop3A_1404 = arith.constant 0 : i32
        %parallel_loop3A_1405 = vector.broadcast %parallel_loop3A_1403 : i32 to vector<16xi32>
        %parallel_loop3A_1406 = vector.broadcast %parallel_loop3A_1404 : i32 to vector<16xi32>
        %parallel_loop3A_1407 = arith.select %parallel_loop3A_1402, %parallel_loop3A_1405, %parallel_loop3A_1406 : vector<16xi1>, vector<16xi32>
        %parallel_loop3A_1408 = arith.addi %parallel_loop3A_1340, %parallel_loop3A_1407 : vector<16xi32>
        %parallel_loop3A_1409 = arith.constant 15 : i32
        %parallel_loop3A_1410 = arith.addi %parallel_loop3A_321, %parallel_loop3A_1409 : i32
        %parallel_loop3A_1411 = arith.index_cast %parallel_loop3A_1410 : i32 to index
        %parallel_loop3A_1412 = arith.constant 48 : index
        %parallel_loop3A_1413 = tpu.vector_load %arg8[%parallel_loop3A_1411, %parallel_loop3A_1412] {strides = array<i32>} : memref<800x64xf32, #tpu.memory_space<vmem>>, vector<1x16xf32>,
        %parallel_loop3A_1414 = vector.shape_cast %parallel_loop3A_1413 : vector<1x16xf32> to vector<16xf32>
        %parallel_loop3A_1415 = arith.addf %parallel_loop3A_1347, %parallel_loop3A_1414 : vector<16xf32>
        %parallel_loop3A_1416 = tpu.bitcast %parallel_loop3A_1414 : vector<16xf32> -> vector<16xi32>
        %parallel_loop3A_1417 = arith.constant 0 : i32
        %parallel_loop3A_1418 = vector.broadcast %parallel_loop3A_1417 : i32 to vector<16xi32>
        %parallel_loop3A_1419 = arith.cmpi ne, %parallel_loop3A_1416, %parallel_loop3A_1418 : vector<16xi32>
        %parallel_loop3A_1420 = arith.constant 1 : i32
        %parallel_loop3A_1421 = arith.constant 0 : i32
        %parallel_loop3A_1422 = vector.broadcast %parallel_loop3A_1420 : i32 to vector<16xi32>
        %parallel_loop3A_1423 = vector.broadcast %parallel_loop3A_1421 : i32 to vector<16xi32>
        %parallel_loop3A_1424 = arith.select %parallel_loop3A_1419, %parallel_loop3A_1422, %parallel_loop3A_1423 : vector<16xi1>, vector<16xi32>
        %parallel_loop3A_1425 = arith.addi %parallel_loop3A_1357, %parallel_loop3A_1424 : vector<16xi32>
        %parallel_loop3A_1426 = arith.constant 16 : i32
        %parallel_loop3A_1427 = arith.addi %parallel_loop3A_321, %parallel_loop3A_1426 : i32
        %parallel_loop3A_1428 = arith.index_cast %parallel_loop3A_1427 : i32 to index
        %parallel_loop3A_1429 = arith.constant 0 : index
        %parallel_loop3A_1430 = tpu.vector_load %arg8[%parallel_loop3A_1428, %parallel_loop3A_1429] {strides = array<i32>} : memref<800x64xf32, #tpu.memory_space<vmem>>, vector<1x16xf32>,
        %parallel_loop3A_1431 = vector.shape_cast %parallel_loop3A_1430 : vector<1x16xf32> to vector<16xf32>
        %parallel_loop3A_1432 = arith.addf %parallel_loop3A_1364, %parallel_loop3A_1431 : vector<16xf32>
        %parallel_loop3A_1433 = tpu.bitcast %parallel_loop3A_1431 : vector<16xf32> -> vector<16xi32>
        %parallel_loop3A_1434 = arith.constant 0 : i32
        %parallel_loop3A_1435 = vector.broadcast %parallel_loop3A_1434 : i32 to vector<16xi32>
        %parallel_loop3A_1436 = arith.cmpi ne, %parallel_loop3A_1433, %parallel_loop3A_1435 : vector<16xi32>
        %parallel_loop3A_1437 = arith.constant 1 : i32
        %parallel_loop3A_1438 = arith.constant 0 : i32
        %parallel_loop3A_1439 = vector.broadcast %parallel_loop3A_1437 : i32 to vector<16xi32>
        %parallel_loop3A_1440 = vector.broadcast %parallel_loop3A_1438 : i32 to vector<16xi32>
        %parallel_loop3A_1441 = arith.select %parallel_loop3A_1436, %parallel_loop3A_1439, %parallel_loop3A_1440 : vector<16xi1>, vector<16xi32>
        %parallel_loop3A_1442 = arith.addi %parallel_loop3A_1374, %parallel_loop3A_1441 : vector<16xi32>
        %parallel_loop3A_1443 = arith.constant 16 : i32
        %parallel_loop3A_1444 = arith.addi %parallel_loop3A_321, %parallel_loop3A_1443 : i32
        %parallel_loop3A_1445 = arith.index_cast %parallel_loop3A_1444 : i32 to index
        %parallel_loop3A_1446 = arith.constant 16 : index
        %parallel_loop3A_1447 = tpu.vector_load %arg8[%parallel_loop3A_1445, %parallel_loop3A_1446] {strides = array<i32>} : memref<800x64xf32, #tpu.memory_space<vmem>>, vector<1x16xf32>,
        %parallel_loop3A_1448 = vector.shape_cast %parallel_loop3A_1447 : vector<1x16xf32> to vector<16xf32>
        %parallel_loop3A_1449 = arith.addf %parallel_loop3A_1381, %parallel_loop3A_1448 : vector<16xf32>
        %parallel_loop3A_1450 = tpu.bitcast %parallel_loop3A_1448 : vector<16xf32> -> vector<16xi32>
        %parallel_loop3A_1451 = arith.constant 0 : i32
        %parallel_loop3A_1452 = vector.broadcast %parallel_loop3A_1451 : i32 to vector<16xi32>
        %parallel_loop3A_1453 = arith.cmpi ne, %parallel_loop3A_1450, %parallel_loop3A_1452 : vector<16xi32>
        %parallel_loop3A_1454 = arith.constant 1 : i32
        %parallel_loop3A_1455 = arith.constant 0 : i32
        %parallel_loop3A_1456 = vector.broadcast %parallel_loop3A_1454 : i32 to vector<16xi32>
        %parallel_loop3A_1457 = vector.broadcast %parallel_loop3A_1455 : i32 to vector<16xi32>
        %parallel_loop3A_1458 = arith.select %parallel_loop3A_1453, %parallel_loop3A_1456, %parallel_loop3A_1457 : vector<16xi1>, vector<16xi32>
        %parallel_loop3A_1459 = arith.addi %parallel_loop3A_1391, %parallel_loop3A_1458 : vector<16xi32>
        %parallel_loop3A_1460 = arith.constant 16 : i32
        %parallel_loop3A_1461 = arith.addi %parallel_loop3A_321, %parallel_loop3A_1460 : i32
        %parallel_loop3A_1462 = arith.index_cast %parallel_loop3A_1461 : i32 to index
        %parallel_loop3A_1463 = arith.constant 32 : index
        %parallel_loop3A_1464 = tpu.vector_load %arg8[%parallel_loop3A_1462, %parallel_loop3A_1463] {strides = array<i32>} : memref<800x64xf32, #tpu.memory_space<vmem>>, vector<1x16xf32>,
        %parallel_loop3A_1465 = vector.shape_cast %parallel_loop3A_1464 : vector<1x16xf32> to vector<16xf32>
        %parallel_loop3A_1466 = arith.addf %parallel_loop3A_1398, %parallel_loop3A_1465 : vector<16xf32>
        %parallel_loop3A_1467 = tpu.bitcast %parallel_loop3A_1465 : vector<16xf32> -> vector<16xi32>
        %parallel_loop3A_1468 = arith.constant 0 : i32
        %parallel_loop3A_1469 = vector.broadcast %parallel_loop3A_1468 : i32 to vector<16xi32>
        %parallel_loop3A_1470 = arith.cmpi ne, %parallel_loop3A_1467, %parallel_loop3A_1469 : vector<16xi32>
        %parallel_loop3A_1471 = arith.constant 1 : i32
        %parallel_loop3A_1472 = arith.constant 0 : i32
        %parallel_loop3A_1473 = vector.broadcast %parallel_loop3A_1471 : i32 to vector<16xi32>
        %parallel_loop3A_1474 = vector.broadcast %parallel_loop3A_1472 : i32 to vector<16xi32>
        %parallel_loop3A_1475 = arith.select %parallel_loop3A_1470, %parallel_loop3A_1473, %parallel_loop3A_1474 : vector<16xi1>, vector<16xi32>
        %parallel_loop3A_1476 = arith.addi %parallel_loop3A_1408, %parallel_loop3A_1475 : vector<16xi32>
        %parallel_loop3A_1477 = arith.constant 16 : i32
        %parallel_loop3A_1478 = arith.addi %parallel_loop3A_321, %parallel_loop3A_1477 : i32
        %parallel_loop3A_1479 = arith.index_cast %parallel_loop3A_1478 : i32 to index
        %parallel_loop3A_1480 = arith.constant 48 : index
        %parallel_loop3A_1481 = tpu.vector_load %arg8[%parallel_loop3A_1479, %parallel_loop3A_1480] {strides = array<i32>} : memref<800x64xf32, #tpu.memory_space<vmem>>, vector<1x16xf32>,
        %parallel_loop3A_1482 = vector.shape_cast %parallel_loop3A_1481 : vector<1x16xf32> to vector<16xf32>
        %parallel_loop3A_1483 = arith.addf %parallel_loop3A_1415, %parallel_loop3A_1482 : vector<16xf32>
        %parallel_loop3A_1484 = tpu.bitcast %parallel_loop3A_1482 : vector<16xf32> -> vector<16xi32>
        %parallel_loop3A_1485 = arith.constant 0 : i32
        %parallel_loop3A_1486 = vector.broadcast %parallel_loop3A_1485 : i32 to vector<16xi32>
        %parallel_loop3A_1487 = arith.cmpi ne, %parallel_loop3A_1484, %parallel_loop3A_1486 : vector<16xi32>
        %parallel_loop3A_1488 = arith.constant 1 : i32
        %parallel_loop3A_1489 = arith.constant 0 : i32
        %parallel_loop3A_1490 = vector.broadcast %parallel_loop3A_1488 : i32 to vector<16xi32>
        %parallel_loop3A_1491 = vector.broadcast %parallel_loop3A_1489 : i32 to vector<16xi32>
        %parallel_loop3A_1492 = arith.select %parallel_loop3A_1487, %parallel_loop3A_1490, %parallel_loop3A_1491 : vector<16xi1>, vector<16xi32>
        %parallel_loop3A_1493 = arith.addi %parallel_loop3A_1425, %parallel_loop3A_1492 : vector<16xi32>
        %parallel_loop3A_1494 = arith.constant 17 : i32
        %parallel_loop3A_1495 = arith.addi %parallel_loop3A_321, %parallel_loop3A_1494 : i32
        %parallel_loop3A_1496 = arith.index_cast %parallel_loop3A_1495 : i32 to index
        %parallel_loop3A_1497 = arith.constant 0 : index
        %parallel_loop3A_1498 = tpu.vector_load %arg8[%parallel_loop3A_1496, %parallel_loop3A_1497] {strides = array<i32>} : memref<800x64xf32, #tpu.memory_space<vmem>>, vector<1x16xf32>,
        %parallel_loop3A_1499 = vector.shape_cast %parallel_loop3A_1498 : vector<1x16xf32> to vector<16xf32>
        %parallel_loop3A_1500 = arith.addf %parallel_loop3A_1432, %parallel_loop3A_1499 : vector<16xf32>
        %parallel_loop3A_1501 = tpu.bitcast %parallel_loop3A_1499 : vector<16xf32> -> vector<16xi32>
        %parallel_loop3A_1502 = arith.constant 0 : i32
        %parallel_loop3A_1503 = vector.broadcast %parallel_loop3A_1502 : i32 to vector<16xi32>
        %parallel_loop3A_1504 = arith.cmpi ne, %parallel_loop3A_1501, %parallel_loop3A_1503 : vector<16xi32>
        %parallel_loop3A_1505 = arith.constant 1 : i32
        %parallel_loop3A_1506 = arith.constant 0 : i32
        %parallel_loop3A_1507 = vector.broadcast %parallel_loop3A_1505 : i32 to vector<16xi32>
        %parallel_loop3A_1508 = vector.broadcast %parallel_loop3A_1506 : i32 to vector<16xi32>
        %parallel_loop3A_1509 = arith.select %parallel_loop3A_1504, %parallel_loop3A_1507, %parallel_loop3A_1508 : vector<16xi1>, vector<16xi32>
        %parallel_loop3A_1510 = arith.addi %parallel_loop3A_1442, %parallel_loop3A_1509 : vector<16xi32>
        %parallel_loop3A_1511 = arith.constant 17 : i32
        %parallel_loop3A_1512 = arith.addi %parallel_loop3A_321, %parallel_loop3A_1511 : i32
        %parallel_loop3A_1513 = arith.index_cast %parallel_loop3A_1512 : i32 to index
        %parallel_loop3A_1514 = arith.constant 16 : index
        %parallel_loop3A_1515 = tpu.vector_load %arg8[%parallel_loop3A_1513, %parallel_loop3A_1514] {strides = array<i32>} : memref<800x64xf32, #tpu.memory_space<vmem>>, vector<1x16xf32>,
        %parallel_loop3A_1516 = vector.shape_cast %parallel_loop3A_1515 : vector<1x16xf32> to vector<16xf32>
        %parallel_loop3A_1517 = arith.addf %parallel_loop3A_1449, %parallel_loop3A_1516 : vector<16xf32>
        %parallel_loop3A_1518 = tpu.bitcast %parallel_loop3A_1516 : vector<16xf32> -> vector<16xi32>
        %parallel_loop3A_1519 = arith.constant 0 : i32
        %parallel_loop3A_1520 = vector.broadcast %parallel_loop3A_1519 : i32 to vector<16xi32>
        %parallel_loop3A_1521 = arith.cmpi ne, %parallel_loop3A_1518, %parallel_loop3A_1520 : vector<16xi32>
        %parallel_loop3A_1522 = arith.constant 1 : i32
        %parallel_loop3A_1523 = arith.constant 0 : i32
        %parallel_loop3A_1524 = vector.broadcast %parallel_loop3A_1522 : i32 to vector<16xi32>
        %parallel_loop3A_1525 = vector.broadcast %parallel_loop3A_1523 : i32 to vector<16xi32>
        %parallel_loop3A_1526 = arith.select %parallel_loop3A_1521, %parallel_loop3A_1524, %parallel_loop3A_1525 : vector<16xi1>, vector<16xi32>
        %parallel_loop3A_1527 = arith.addi %parallel_loop3A_1459, %parallel_loop3A_1526 : vector<16xi32>
        %parallel_loop3A_1528 = arith.constant 17 : i32
        %parallel_loop3A_1529 = arith.addi %parallel_loop3A_321, %parallel_loop3A_1528 : i32
        %parallel_loop3A_1530 = arith.index_cast %parallel_loop3A_1529 : i32 to index
        %parallel_loop3A_1531 = arith.constant 32 : index
        %parallel_loop3A_1532 = tpu.vector_load %arg8[%parallel_loop3A_1530, %parallel_loop3A_1531] {strides = array<i32>} : memref<800x64xf32, #tpu.memory_space<vmem>>, vector<1x16xf32>,
        %parallel_loop3A_1533 = vector.shape_cast %parallel_loop3A_1532 : vector<1x16xf32> to vector<16xf32>
        %parallel_loop3A_1534 = arith.addf %parallel_loop3A_1466, %parallel_loop3A_1533 : vector<16xf32>
        %parallel_loop3A_1535 = tpu.bitcast %parallel_loop3A_1533 : vector<16xf32> -> vector<16xi32>
        %parallel_loop3A_1536 = arith.constant 0 : i32
        %parallel_loop3A_1537 = vector.broadcast %parallel_loop3A_1536 : i32 to vector<16xi32>
        %parallel_loop3A_1538 = arith.cmpi ne, %parallel_loop3A_1535, %parallel_loop3A_1537 : vector<16xi32>
        %parallel_loop3A_1539 = arith.constant 1 : i32
        %parallel_loop3A_1540 = arith.constant 0 : i32
        %parallel_loop3A_1541 = vector.broadcast %parallel_loop3A_1539 : i32 to vector<16xi32>
        %parallel_loop3A_1542 = vector.broadcast %parallel_loop3A_1540 : i32 to vector<16xi32>
        %parallel_loop3A_1543 = arith.select %parallel_loop3A_1538, %parallel_loop3A_1541, %parallel_loop3A_1542 : vector<16xi1>, vector<16xi32>
        %parallel_loop3A_1544 = arith.addi %parallel_loop3A_1476, %parallel_loop3A_1543 : vector<16xi32>
        %parallel_loop3A_1545 = arith.constant 17 : i32
        %parallel_loop3A_1546 = arith.addi %parallel_loop3A_321, %parallel_loop3A_1545 : i32
        %parallel_loop3A_1547 = arith.index_cast %parallel_loop3A_1546 : i32 to index
        %parallel_loop3A_1548 = arith.constant 48 : index
        %parallel_loop3A_1549 = tpu.vector_load %arg8[%parallel_loop3A_1547, %parallel_loop3A_1548] {strides = array<i32>} : memref<800x64xf32, #tpu.memory_space<vmem>>, vector<1x16xf32>,
        %parallel_loop3A_1550 = vector.shape_cast %parallel_loop3A_1549 : vector<1x16xf32> to vector<16xf32>
        %parallel_loop3A_1551 = arith.addf %parallel_loop3A_1483, %parallel_loop3A_1550 : vector<16xf32>
        %parallel_loop3A_1552 = tpu.bitcast %parallel_loop3A_1550 : vector<16xf32> -> vector<16xi32>
        %parallel_loop3A_1553 = arith.constant 0 : i32
        %parallel_loop3A_1554 = vector.broadcast %parallel_loop3A_1553 : i32 to vector<16xi32>
        %parallel_loop3A_1555 = arith.cmpi ne, %parallel_loop3A_1552, %parallel_loop3A_1554 : vector<16xi32>
        %parallel_loop3A_1556 = arith.constant 1 : i32
        %parallel_loop3A_1557 = arith.constant 0 : i32
        %parallel_loop3A_1558 = vector.broadcast %parallel_loop3A_1556 : i32 to vector<16xi32>
        %parallel_loop3A_1559 = vector.broadcast %parallel_loop3A_1557 : i32 to vector<16xi32>
        %parallel_loop3A_1560 = arith.select %parallel_loop3A_1555, %parallel_loop3A_1558, %parallel_loop3A_1559 : vector<16xi1>, vector<16xi32>
        %parallel_loop3A_1561 = arith.addi %parallel_loop3A_1493, %parallel_loop3A_1560 : vector<16xi32>
        %parallel_loop3A_1562 = arith.constant 18 : i32
        %parallel_loop3A_1563 = arith.addi %parallel_loop3A_321, %parallel_loop3A_1562 : i32
        %parallel_loop3A_1564 = arith.index_cast %parallel_loop3A_1563 : i32 to index
        %parallel_loop3A_1565 = arith.constant 0 : index
        %parallel_loop3A_1566 = tpu.vector_load %arg8[%parallel_loop3A_1564, %parallel_loop3A_1565] {strides = array<i32>} : memref<800x64xf32, #tpu.memory_space<vmem>>, vector<1x16xf32>,
        %parallel_loop3A_1567 = vector.shape_cast %parallel_loop3A_1566 : vector<1x16xf32> to vector<16xf32>
        %parallel_loop3A_1568 = arith.addf %parallel_loop3A_1500, %parallel_loop3A_1567 : vector<16xf32>
        %parallel_loop3A_1569 = tpu.bitcast %parallel_loop3A_1567 : vector<16xf32> -> vector<16xi32>
        %parallel_loop3A_1570 = arith.constant 0 : i32
        %parallel_loop3A_1571 = vector.broadcast %parallel_loop3A_1570 : i32 to vector<16xi32>
        %parallel_loop3A_1572 = arith.cmpi ne, %parallel_loop3A_1569, %parallel_loop3A_1571 : vector<16xi32>
        %parallel_loop3A_1573 = arith.constant 1 : i32
        %parallel_loop3A_1574 = arith.constant 0 : i32
        %parallel_loop3A_1575 = vector.broadcast %parallel_loop3A_1573 : i32 to vector<16xi32>
        %parallel_loop3A_1576 = vector.broadcast %parallel_loop3A_1574 : i32 to vector<16xi32>
        %parallel_loop3A_1577 = arith.select %parallel_loop3A_1572, %parallel_loop3A_1575, %parallel_loop3A_1576 : vector<16xi1>, vector<16xi32>
        %parallel_loop3A_1578 = arith.addi %parallel_loop3A_1510, %parallel_loop3A_1577 : vector<16xi32>
        %parallel_loop3A_1579 = arith.constant 18 : i32
        %parallel_loop3A_1580 = arith.addi %parallel_loop3A_321, %parallel_loop3A_1579 : i32
        %parallel_loop3A_1581 = arith.index_cast %parallel_loop3A_1580 : i32 to index
        %parallel_loop3A_1582 = arith.constant 16 : index
        %parallel_loop3A_1583 = tpu.vector_load %arg8[%parallel_loop3A_1581, %parallel_loop3A_1582] {strides = array<i32>} : memref<800x64xf32, #tpu.memory_space<vmem>>, vector<1x16xf32>,
        %parallel_loop3A_1584 = vector.shape_cast %parallel_loop3A_1583 : vector<1x16xf32> to vector<16xf32>
        %parallel_loop3A_1585 = arith.addf %parallel_loop3A_1517, %parallel_loop3A_1584 : vector<16xf32>
        %parallel_loop3A_1586 = tpu.bitcast %parallel_loop3A_1584 : vector<16xf32> -> vector<16xi32>
        %parallel_loop3A_1587 = arith.constant 0 : i32
        %parallel_loop3A_1588 = vector.broadcast %parallel_loop3A_1587 : i32 to vector<16xi32>
        %parallel_loop3A_1589 = arith.cmpi ne, %parallel_loop3A_1586, %parallel_loop3A_1588 : vector<16xi32>
        %parallel_loop3A_1590 = arith.constant 1 : i32
        %parallel_loop3A_1591 = arith.constant 0 : i32
        %parallel_loop3A_1592 = vector.broadcast %parallel_loop3A_1590 : i32 to vector<16xi32>
        %parallel_loop3A_1593 = vector.broadcast %parallel_loop3A_1591 : i32 to vector<16xi32>
        %parallel_loop3A_1594 = arith.select %parallel_loop3A_1589, %parallel_loop3A_1592, %parallel_loop3A_1593 : vector<16xi1>, vector<16xi32>
        %parallel_loop3A_1595 = arith.addi %parallel_loop3A_1527, %parallel_loop3A_1594 : vector<16xi32>
        %parallel_loop3A_1596 = arith.constant 18 : i32
        %parallel_loop3A_1597 = arith.addi %parallel_loop3A_321, %parallel_loop3A_1596 : i32
        %parallel_loop3A_1598 = arith.index_cast %parallel_loop3A_1597 : i32 to index
        %parallel_loop3A_1599 = arith.constant 32 : index
        %parallel_loop3A_1600 = tpu.vector_load %arg8[%parallel_loop3A_1598, %parallel_loop3A_1599] {strides = array<i32>} : memref<800x64xf32, #tpu.memory_space<vmem>>, vector<1x16xf32>,
        %parallel_loop3A_1601 = vector.shape_cast %parallel_loop3A_1600 : vector<1x16xf32> to vector<16xf32>
        %parallel_loop3A_1602 = arith.addf %parallel_loop3A_1534, %parallel_loop3A_1601 : vector<16xf32>
        %parallel_loop3A_1603 = tpu.bitcast %parallel_loop3A_1601 : vector<16xf32> -> vector<16xi32>
        %parallel_loop3A_1604 = arith.constant 0 : i32
        %parallel_loop3A_1605 = vector.broadcast %parallel_loop3A_1604 : i32 to vector<16xi32>
        %parallel_loop3A_1606 = arith.cmpi ne, %parallel_loop3A_1603, %parallel_loop3A_1605 : vector<16xi32>
        %parallel_loop3A_1607 = arith.constant 1 : i32
        %parallel_loop3A_1608 = arith.constant 0 : i32
        %parallel_loop3A_1609 = vector.broadcast %parallel_loop3A_1607 : i32 to vector<16xi32>
        %parallel_loop3A_1610 = vector.broadcast %parallel_loop3A_1608 : i32 to vector<16xi32>
        %parallel_loop3A_1611 = arith.select %parallel_loop3A_1606, %parallel_loop3A_1609, %parallel_loop3A_1610 : vector<16xi1>, vector<16xi32>
        %parallel_loop3A_1612 = arith.addi %parallel_loop3A_1544, %parallel_loop3A_1611 : vector<16xi32>
        %parallel_loop3A_1613 = arith.constant 18 : i32
        %parallel_loop3A_1614 = arith.addi %parallel_loop3A_321, %parallel_loop3A_1613 : i32
        %parallel_loop3A_1615 = arith.index_cast %parallel_loop3A_1614 : i32 to index
        %parallel_loop3A_1616 = arith.constant 48 : index
        %parallel_loop3A_1617 = tpu.vector_load %arg8[%parallel_loop3A_1615, %parallel_loop3A_1616] {strides = array<i32>} : memref<800x64xf32, #tpu.memory_space<vmem>>, vector<1x16xf32>,
        %parallel_loop3A_1618 = vector.shape_cast %parallel_loop3A_1617 : vector<1x16xf32> to vector<16xf32>
        %parallel_loop3A_1619 = arith.addf %parallel_loop3A_1551, %parallel_loop3A_1618 : vector<16xf32>
        %parallel_loop3A_1620 = tpu.bitcast %parallel_loop3A_1618 : vector<16xf32> -> vector<16xi32>
        %parallel_loop3A_1621 = arith.constant 0 : i32
        %parallel_loop3A_1622 = vector.broadcast %parallel_loop3A_1621 : i32 to vector<16xi32>
        %parallel_loop3A_1623 = arith.cmpi ne, %parallel_loop3A_1620, %parallel_loop3A_1622 : vector<16xi32>
        %parallel_loop3A_1624 = arith.constant 1 : i32
        %parallel_loop3A_1625 = arith.constant 0 : i32
        %parallel_loop3A_1626 = vector.broadcast %parallel_loop3A_1624 : i32 to vector<16xi32>
        %parallel_loop3A_1627 = vector.broadcast %parallel_loop3A_1625 : i32 to vector<16xi32>
        %parallel_loop3A_1628 = arith.select %parallel_loop3A_1623, %parallel_loop3A_1626, %parallel_loop3A_1627 : vector<16xi1>, vector<16xi32>
        %parallel_loop3A_1629 = arith.addi %parallel_loop3A_1561, %parallel_loop3A_1628 : vector<16xi32>
        %parallel_loop3A_1630 = arith.constant 19 : i32
        %parallel_loop3A_1631 = arith.addi %parallel_loop3A_321, %parallel_loop3A_1630 : i32
        %parallel_loop3A_1632 = arith.index_cast %parallel_loop3A_1631 : i32 to index
        %parallel_loop3A_1633 = arith.constant 0 : index
        %parallel_loop3A_1634 = tpu.vector_load %arg8[%parallel_loop3A_1632, %parallel_loop3A_1633] {strides = array<i32>} : memref<800x64xf32, #tpu.memory_space<vmem>>, vector<1x16xf32>,
        %parallel_loop3A_1635 = vector.shape_cast %parallel_loop3A_1634 : vector<1x16xf32> to vector<16xf32>
        %parallel_loop3A_1636 = arith.addf %parallel_loop3A_1568, %parallel_loop3A_1635 : vector<16xf32>
        %parallel_loop3A_1637 = tpu.bitcast %parallel_loop3A_1635 : vector<16xf32> -> vector<16xi32>
        %parallel_loop3A_1638 = arith.constant 0 : i32
        %parallel_loop3A_1639 = vector.broadcast %parallel_loop3A_1638 : i32 to vector<16xi32>
        %parallel_loop3A_1640 = arith.cmpi ne, %parallel_loop3A_1637, %parallel_loop3A_1639 : vector<16xi32>
        %parallel_loop3A_1641 = arith.constant 1 : i32
        %parallel_loop3A_1642 = arith.constant 0 : i32
        %parallel_loop3A_1643 = vector.broadcast %parallel_loop3A_1641 : i32 to vector<16xi32>
        %parallel_loop3A_1644 = vector.broadcast %parallel_loop3A_1642 : i32 to vector<16xi32>
        %parallel_loop3A_1645 = arith.select %parallel_loop3A_1640, %parallel_loop3A_1643, %parallel_loop3A_1644 : vector<16xi1>, vector<16xi32>
        %parallel_loop3A_1646 = arith.addi %parallel_loop3A_1578, %parallel_loop3A_1645 : vector<16xi32>
        %parallel_loop3A_1647 = arith.constant 19 : i32
        %parallel_loop3A_1648 = arith.addi %parallel_loop3A_321, %parallel_loop3A_1647 : i32
        %parallel_loop3A_1649 = arith.index_cast %parallel_loop3A_1648 : i32 to index
        %parallel_loop3A_1650 = arith.constant 16 : index
        %parallel_loop3A_1651 = tpu.vector_load %arg8[%parallel_loop3A_1649, %parallel_loop3A_1650] {strides = array<i32>} : memref<800x64xf32, #tpu.memory_space<vmem>>, vector<1x16xf32>,
        %parallel_loop3A_1652 = vector.shape_cast %parallel_loop3A_1651 : vector<1x16xf32> to vector<16xf32>
        %parallel_loop3A_1653 = arith.addf %parallel_loop3A_1585, %parallel_loop3A_1652 : vector<16xf32>
        %parallel_loop3A_1654 = tpu.bitcast %parallel_loop3A_1652 : vector<16xf32> -> vector<16xi32>
        %parallel_loop3A_1655 = arith.constant 0 : i32
        %parallel_loop3A_1656 = vector.broadcast %parallel_loop3A_1655 : i32 to vector<16xi32>
        %parallel_loop3A_1657 = arith.cmpi ne, %parallel_loop3A_1654, %parallel_loop3A_1656 : vector<16xi32>
        %parallel_loop3A_1658 = arith.constant 1 : i32
        %parallel_loop3A_1659 = arith.constant 0 : i32
        %parallel_loop3A_1660 = vector.broadcast %parallel_loop3A_1658 : i32 to vector<16xi32>
        %parallel_loop3A_1661 = vector.broadcast %parallel_loop3A_1659 : i32 to vector<16xi32>
        %parallel_loop3A_1662 = arith.select %parallel_loop3A_1657, %parallel_loop3A_1660, %parallel_loop3A_1661 : vector<16xi1>, vector<16xi32>
        %parallel_loop3A_1663 = arith.addi %parallel_loop3A_1595, %parallel_loop3A_1662 : vector<16xi32>
        %parallel_loop3A_1664 = arith.constant 19 : i32
        %parallel_loop3A_1665 = arith.addi %parallel_loop3A_321, %parallel_loop3A_1664 : i32
        %parallel_loop3A_1666 = arith.index_cast %parallel_loop3A_1665 : i32 to index
        %parallel_loop3A_1667 = arith.constant 32 : index
        %parallel_loop3A_1668 = tpu.vector_load %arg8[%parallel_loop3A_1666, %parallel_loop3A_1667] {strides = array<i32>} : memref<800x64xf32, #tpu.memory_space<vmem>>, vector<1x16xf32>,
        %parallel_loop3A_1669 = vector.shape_cast %parallel_loop3A_1668 : vector<1x16xf32> to vector<16xf32>
        %parallel_loop3A_1670 = arith.addf %parallel_loop3A_1602, %parallel_loop3A_1669 : vector<16xf32>
        %parallel_loop3A_1671 = tpu.bitcast %parallel_loop3A_1669 : vector<16xf32> -> vector<16xi32>
        %parallel_loop3A_1672 = arith.constant 0 : i32
        %parallel_loop3A_1673 = vector.broadcast %parallel_loop3A_1672 : i32 to vector<16xi32>
        %parallel_loop3A_1674 = arith.cmpi ne, %parallel_loop3A_1671, %parallel_loop3A_1673 : vector<16xi32>
        %parallel_loop3A_1675 = arith.constant 1 : i32
        %parallel_loop3A_1676 = arith.constant 0 : i32
        %parallel_loop3A_1677 = vector.broadcast %parallel_loop3A_1675 : i32 to vector<16xi32>
        %parallel_loop3A_1678 = vector.broadcast %parallel_loop3A_1676 : i32 to vector<16xi32>
        %parallel_loop3A_1679 = arith.select %parallel_loop3A_1674, %parallel_loop3A_1677, %parallel_loop3A_1678 : vector<16xi1>, vector<16xi32>
        %parallel_loop3A_1680 = arith.addi %parallel_loop3A_1612, %parallel_loop3A_1679 : vector<16xi32>
        %parallel_loop3A_1681 = arith.constant 19 : i32
        %parallel_loop3A_1682 = arith.addi %parallel_loop3A_321, %parallel_loop3A_1681 : i32
        %parallel_loop3A_1683 = arith.index_cast %parallel_loop3A_1682 : i32 to index
        %parallel_loop3A_1684 = arith.constant 48 : index
        %parallel_loop3A_1685 = tpu.vector_load %arg8[%parallel_loop3A_1683, %parallel_loop3A_1684] {strides = array<i32>} : memref<800x64xf32, #tpu.memory_space<vmem>>, vector<1x16xf32>,
        %parallel_loop3A_1686 = vector.shape_cast %parallel_loop3A_1685 : vector<1x16xf32> to vector<16xf32>
        %parallel_loop3A_1687 = arith.addf %parallel_loop3A_1619, %parallel_loop3A_1686 : vector<16xf32>
        %parallel_loop3A_1688 = tpu.bitcast %parallel_loop3A_1686 : vector<16xf32> -> vector<16xi32>
        %parallel_loop3A_1689 = arith.constant 0 : i32
        %parallel_loop3A_1690 = vector.broadcast %parallel_loop3A_1689 : i32 to vector<16xi32>
        %parallel_loop3A_1691 = arith.cmpi ne, %parallel_loop3A_1688, %parallel_loop3A_1690 : vector<16xi32>
        %parallel_loop3A_1692 = arith.constant 1 : i32
        %parallel_loop3A_1693 = arith.constant 0 : i32
        %parallel_loop3A_1694 = vector.broadcast %parallel_loop3A_1692 : i32 to vector<16xi32>
        %parallel_loop3A_1695 = vector.broadcast %parallel_loop3A_1693 : i32 to vector<16xi32>
        %parallel_loop3A_1696 = arith.select %parallel_loop3A_1691, %parallel_loop3A_1694, %parallel_loop3A_1695 : vector<16xi1>, vector<16xi32>
        %parallel_loop3A_1697 = arith.addi %parallel_loop3A_1629, %parallel_loop3A_1696 : vector<16xi32>
        %parallel_loop3A_1698 = arith.sitofp %parallel_loop3A_1646 : vector<16xi32> to vector<16xf32>
        %parallel_loop3A_1699 = arith.constant 0 : i32
        %parallel_loop3A_1700 = vector.broadcast %parallel_loop3A_1699 : i32 to vector<16xi32>
        %parallel_loop3A_1701 = arith.cmpi eq, %parallel_loop3A_1646, %parallel_loop3A_1700 : vector<16xi32>
        %parallel_loop3A_1702 = arith.divf %parallel_loop3A_1636, %parallel_loop3A_1698 : vector<16xf32>
        %parallel_loop3A_1703 = arith.constant 0.000000e+00 : f32
        %parallel_loop3A_1704 = vector.broadcast %parallel_loop3A_1703 : f32 to vector<16xf32>
        %parallel_loop3A_1705 = arith.select %parallel_loop3A_1701, %parallel_loop3A_1704, %parallel_loop3A_1702 : vector<16xi1>, vector<16xf32>
        %parallel_loop3A_1706 = arith.index_cast %parallel_loop3A_319 : i32 to index
        %parallel_loop3A_1707 = arith.constant 0 : index
        %parallel_loop3A_1708 = tpu.vector_load %arg10[%parallel_loop3A_1706, %parallel_loop3A_1707] {strides = array<i32>} : memref<40x64xf32, #tpu.memory_space<vmem>>, vector<1x16xf32>,
        %parallel_loop3A_1709 = vector.shape_cast %parallel_loop3A_1708 : vector<1x16xf32> to vector<16xf32>
        %parallel_loop3A_1710 = vector.shape_cast %parallel_loop3A_1705 : vector<16xf32> to vector<1x16xf32>
        tpu.vector_store %arg10[%parallel_loop3A_1706, %parallel_loop3A_1707], %parallel_loop3A_1710 {strides = array<i32>} : memref<40x64xf32, #tpu.memory_space<vmem>>, vector<1x16xf32>,
        %parallel_loop3A_1711 = arith.sitofp %parallel_loop3A_1663 : vector<16xi32> to vector<16xf32>
        %parallel_loop3A_1712 = arith.constant 0 : i32
        %parallel_loop3A_1713 = vector.broadcast %parallel_loop3A_1712 : i32 to vector<16xi32>
        %parallel_loop3A_1714 = arith.cmpi eq, %parallel_loop3A_1663, %parallel_loop3A_1713 : vector<16xi32>
        %parallel_loop3A_1715 = arith.divf %parallel_loop3A_1653, %parallel_loop3A_1711 : vector<16xf32>
        %parallel_loop3A_1716 = arith.constant 0.000000e+00 : f32
        %parallel_loop3A_1717 = vector.broadcast %parallel_loop3A_1716 : f32 to vector<16xf32>
        %parallel_loop3A_1718 = arith.select %parallel_loop3A_1714, %parallel_loop3A_1717, %parallel_loop3A_1715 : vector<16xi1>, vector<16xf32>
        %parallel_loop3A_1719 = arith.index_cast %parallel_loop3A_319 : i32 to index
        %parallel_loop3A_1720 = arith.constant 16 : index
        %parallel_loop3A_1721 = tpu.vector_load %arg10[%parallel_loop3A_1719, %parallel_loop3A_1720] {strides = array<i32>} : memref<40x64xf32, #tpu.memory_space<vmem>>, vector<1x16xf32>,
        %parallel_loop3A_1722 = vector.shape_cast %parallel_loop3A_1721 : vector<1x16xf32> to vector<16xf32>
        %parallel_loop3A_1723 = vector.shape_cast %parallel_loop3A_1718 : vector<16xf32> to vector<1x16xf32>
        tpu.vector_store %arg10[%parallel_loop3A_1719, %parallel_loop3A_1720], %parallel_loop3A_1723 {strides = array<i32>} : memref<40x64xf32, #tpu.memory_space<vmem>>, vector<1x16xf32>,
        %parallel_loop3A_1724 = arith.sitofp %parallel_loop3A_1680 : vector<16xi32> to vector<16xf32>
        %parallel_loop3A_1725 = arith.constant 0 : i32
        %parallel_loop3A_1726 = vector.broadcast %parallel_loop3A_1725 : i32 to vector<16xi32>
        %parallel_loop3A_1727 = arith.cmpi eq, %parallel_loop3A_1680, %parallel_loop3A_1726 : vector<16xi32>
        %parallel_loop3A_1728 = arith.divf %parallel_loop3A_1670, %parallel_loop3A_1724 : vector<16xf32>
        %parallel_loop3A_1729 = arith.constant 0.000000e+00 : f32
        %parallel_loop3A_1730 = vector.broadcast %parallel_loop3A_1729 : f32 to vector<16xf32>
        %parallel_loop3A_1731 = arith.select %parallel_loop3A_1727, %parallel_loop3A_1730, %parallel_loop3A_1728 : vector<16xi1>, vector<16xf32>
        %parallel_loop3A_1732 = arith.index_cast %parallel_loop3A_319 : i32 to index
        %parallel_loop3A_1733 = arith.constant 32 : index
        %parallel_loop3A_1734 = tpu.vector_load %arg10[%parallel_loop3A_1732, %parallel_loop3A_1733] {strides = array<i32>} : memref<40x64xf32, #tpu.memory_space<vmem>>, vector<1x16xf32>,
        %parallel_loop3A_1735 = vector.shape_cast %parallel_loop3A_1734 : vector<1x16xf32> to vector<16xf32>
        %parallel_loop3A_1736 = vector.shape_cast %parallel_loop3A_1731 : vector<16xf32> to vector<1x16xf32>
        tpu.vector_store %arg10[%parallel_loop3A_1732, %parallel_loop3A_1733], %parallel_loop3A_1736 {strides = array<i32>} : memref<40x64xf32, #tpu.memory_space<vmem>>, vector<1x16xf32>,
        %parallel_loop3A_1737 = arith.sitofp %parallel_loop3A_1697 : vector<16xi32> to vector<16xf32>
        %parallel_loop3A_1738 = arith.constant 0 : i32
        %parallel_loop3A_1739 = vector.broadcast %parallel_loop3A_1738 : i32 to vector<16xi32>
        %parallel_loop3A_1740 = arith.cmpi eq, %parallel_loop3A_1697, %parallel_loop3A_1739 : vector<16xi32>
        %parallel_loop3A_1741 = arith.divf %parallel_loop3A_1687, %parallel_loop3A_1737 : vector<16xf32>
        %parallel_loop3A_1742 = arith.constant 0.000000e+00 : f32
        %parallel_loop3A_1743 = vector.broadcast %parallel_loop3A_1742 : f32 to vector<16xf32>
        %parallel_loop3A_1744 = arith.select %parallel_loop3A_1740, %parallel_loop3A_1743, %parallel_loop3A_1741 : vector<16xi1>, vector<16xf32>
        %parallel_loop3A_1745 = arith.index_cast %parallel_loop3A_319 : i32 to index
        %parallel_loop3A_1746 = arith.constant 48 : index
        %parallel_loop3A_1747 = tpu.vector_load %arg10[%parallel_loop3A_1745, %parallel_loop3A_1746] {strides = array<i32>} : memref<40x64xf32, #tpu.memory_space<vmem>>, vector<1x16xf32>,
        %parallel_loop3A_1748 = vector.shape_cast %parallel_loop3A_1747 : vector<1x16xf32> to vector<16xf32>
        %parallel_loop3A_1749 = vector.shape_cast %parallel_loop3A_1744 : vector<16xf32> to vector<1x16xf32>
        tpu.vector_store %arg10[%parallel_loop3A_1745, %parallel_loop3A_1746], %parallel_loop3A_1749 {strides = array<i32>} : memref<40x64xf32, #tpu.memory_space<vmem>>, vector<1x16xf32>,
      } {sc.loop_unroll_factor = 2 : i64, sc.parallel_access}
      %mul3A_313 = arith.constant 40 : i32
      %mul3A_314 = arith.muli %add3A_302, %mul3A_313 : i32
      %dma_start3A_315 = arith.constant 0 : i32
      %dma_start3A_316 = tpu.memref_slice %arg4[%mul3A_314, %dma_start3A_315] : memref<51200x64xf32, #tpu.memory_space<hbm>> -> memref<40x64xf32, #tpu.memory_space<hbm>>
      %dma_start3A_317 = arith.constant 0 : i32
      %dma_start3A_318 = tpu.memref_slice %arg4[%mul3A_314, %dma_start3A_317] : memref<51200x64xf32, #tpu.memory_space<hbm>> -> memref<40x64xf32, #tpu.memory_space<hbm>>
      tpu.enqueue_dma source(%arg10 : memref<40x64xf32, #tpu.memory_space<vmem>>) target(%dma_start3A_318 : memref<40x64xf32, #tpu.memory_space<hbm>>) target_semaphore(%arg16 : memref<!tpu.dma_semaphore, #tpu.memory_space<semaphore_mem>>)
    }
    %scan3A_131 = arith.constant 20 : i32
    %add3A_132 = arith.constant 40 : i32
    %add3A_133 = arith.addi %mul3A_2, %add3A_132 : i32
    %sub3A = arith.constant 2 : i32
    %sub3A_134 = arith.subi %add3A_133, %sub3A : i32
    %add3A_135 = arith.constant 0 : i32
    %add3A_136 = arith.addi %sub3A_134, %add3A_135 : i32
    %mul3A_137 = arith.constant 40 : i32
    %mul3A_138 = arith.muli %add3A_136, %mul3A_137 : i32
    %dma_wait3A_139 = arith.constant 0 : i32
    %dma_wait3A_140 = tpu.memref_slice %arg4[%mul3A_138, %dma_wait3A_139] : memref<51200x64xf32, #tpu.memory_space<hbm>> -> memref<40x64xf32, #tpu.memory_space<hbm>>
    %dma_wait3A_141 = arith.constant 0 : i32
    %dma_wait3A_142 = tpu.memref_slice %arg4[%mul3A_138, %dma_wait3A_141] : memref<51200x64xf32, #tpu.memory_space<hbm>> -> memref<40x64xf32, #tpu.memory_space<hbm>>
    tpu.wait_dma2 semaphore(%arg15 : memref<!tpu.dma_semaphore, #tpu.memory_space<semaphore_mem>>) src(%arg9 : memref<40x64xf32, #tpu.memory_space<vmem>>) dst(%dma_wait3A_142 : memref<40x64xf32, #tpu.memory_space<hbm>>)
    %add3A_143 = arith.constant 40 : i32
    %add3A_144 = arith.addi %mul3A_2, %add3A_143 : i32
    %sub3A_145 = arith.constant 2 : i32
    %sub3A_146 = arith.subi %add3A_144, %sub3A_145 : i32
    %add3A_147 = arith.constant 1 : i32
    %add3A_148 = arith.addi %sub3A_146, %add3A_147 : i32
    %mul3A_149 = arith.constant 40 : i32
    %mul3A_150 = arith.muli %add3A_148, %mul3A_149 : i32
    %dma_wait3A_151 = arith.constant 0 : i32
    %dma_wait3A_152 = tpu.memref_slice %arg4[%mul3A_150, %dma_wait3A_151] : memref<51200x64xf32, #tpu.memory_space<hbm>> -> memref<40x64xf32, #tpu.memory_space<hbm>>
    %dma_wait3A_153 = arith.constant 0 : i32
    %dma_wait3A_154 = tpu.memref_slice %arg4[%mul3A_150, %dma_wait3A_153] : memref<51200x64xf32, #tpu.memory_space<hbm>> -> memref<40x64xf32, #tpu.memory_space<hbm>>
    tpu.wait_dma2 semaphore(%arg16 : memref<!tpu.dma_semaphore, #tpu.memory_space<semaphore_mem>>) src(%arg10 : memref<40x64xf32, #tpu.memory_space<vmem>>) dst(%dma_wait3A_154 : memref<40x64xf32, #tpu.memory_space<hbm>>)
    return
  }
}

</mosaic_0001>

<sc_bundles>
// kernel: kernel.3.cloned.1.call-start
scs
__scs_entry_jumppad:
0x0: {  	(pc) =	sbr.rel $0x88, $3  }
0x1: {  	(tag) =	ssettag $0x0;
	lr =	simm.s32 $0x1  }
0x2: {  	[smem:$0x3F9F] =	sst lr;
	_ =	strace $0xD0000000  }
0x3: {  	_ = 	snop  }
0x4: {  	_ = 	snop  }
0x5: {  	_ = 	snop  }
0x6: {  	_ = 	snop  }
0x7: {  	_ = 	snop  }
__scs_overlays_trampoline_lowered:
0x8: {  	[smem:$0x3FAE] =	sst s0  }
0x9: {  	[smem:$0x3FAF] =	sst s1  }
0xa: {  	[smem:$0x3FB0] =	sst s2  }
0xb: {  	[smem:$0x3FB1] =	sst s3  }
0xc: {  	[smem:$0x3FB2] =	sst s4  }
0xd: {  	[smem:$0x3FB3] =	sst s5  }
0xe: {  	[smem:$0x3FB4] =	sst s6  }
0xf: {  	[smem:$0x3FB5] =	sst s7  }
0x10: {  	[smem:$0x3FB6] =	sst s8  }
0x11: {  	[smem:$0x3FB7] =	sst s9;
	s0 =	simm.s32 @!p0 $0x0  }
0x12: {  	s1 =	sld [smem:$0x3F9D];
	s0 =	simm.s32 @p0 $0x1  }
0x13: {  	[smem:$0x3FB8] =	sst s0;
	s0 =	simm.s32 @!p1 $0x0  }
0x14: {  	s2 =	sld [smem:$0x3F9C];
	s0 =	simm.s32 @p1 $0x1  }
0x15: {  	[smem:$0x3FB9] =	sst s0;
	s0 =	simm.s32 @!p2 $0x0  }
0x16: {  	s3 =	sld [smem:$0x3FDB];
	s0 =	simm.s32 @p2 $0x1  }
0x17: {  	s4 =	simm.s32 $0x1BF5;
	[smem:$0x3FBB] =	sst s0  }
0x18: {  	s0 =	sld [smem:$0x3F9E];
	_ =	swait.ge [sflag:s4], $0x0  }
0x19: {  	s7 =	sld [smem:$0x3F9F]  }
0x1a: {  	s8 =	sadd.s32 $0xFFFFE003, lr  }
0x1b: {  	s9 =	sadd.s32 $0xFFFFFEF7, lr;
	s5 =	simm.s32 $0xFFFFFFFF;
	p2 =	slt.u32 s8, $0xFFFFF086  }
0x1c: {  	p1 =	slt.u32 s9, $0xF7A;
	s5 =	simm.s32 @!p2 $0x0  }
0x1d: {  	s5 =	simm.s32 @p1 $0x1;
	p0 =	seq.s32 s7, s2  }
0x1e: {  	s7 =	smul.u32 @!p0 $0xF7A, s2;
	p2 =	seq.s32 @!p0 s5, $0x0  }
0x1f: {  	s9 =	smul.u32 $0xF7A, s1;
	s8 =	simm.s32 @!p0 $0x1BF5;
	p2 =	por !p2, p0  }
0x20: {  	[sflag:s8] =	ssyncset.s32 @!p0 $0xFFFFF086;
	s6 =	sadd.s32 @!p0 s3, s7;
	s7 =	simm.s32 @!p0 $0x108  }
0x21: {  	s3 =	sadd.s32 s3, s9;
	s6 =	sadd.s32 @!p0 $0x88, s6;
	s7 =	simm.s32 @p2 $0x1082  }
0x22: {  	[simem:s7], [sflag:s8] =	dma.local @!p0 [hbm:s6], $0xF7A  }
0x23: {  	s9 =	sor.u32 $0xD0000000, s2;
	s6 =	simm.s32 $0x108;
	_ =	swait.ge @!p0 [sflag:s8], $0x0  }
0x24: {  	s3 =	sadd.s32 $0x88, s3;
	s6 =	simm.s32 @!p1 $0x1082;
	[sflag:s4] =	ssyncset.s32 $0xFFFFF086  }
0x25: {  	[simem:s6], [sflag:s4] =	dma.local [hbm:s3], $0xF7A  }
0x26: {  	[smem:$0x3F9F] =	sst s1;
	(tag) =	ssettag s2;
	_ =	strace s9  }
0x27: {  	s1 =	sld [smem:$0x3FAF]  }
0x28: {  	s2 =	sld [smem:$0x3FB0]  }
0x29: {  	s4 =	sld [smem:$0x3FB2]  }
0x2a: {  	p0 =	seq.s32 s5, $0x0;
	s5 =	sld [smem:$0x3FB3]  }
0x2b: {  	s6 =	sld [smem:$0x3FB4]  }
0x2c: {  	s7 =	sld [smem:$0x3FB5]  }
0x2d: {  	s3 =	simm.s32 $0x108;
	s8 =	sld [smem:$0x3FB6]  }
0x2e: {  	s3 =	simm.s32 @!p0 $0x1082;
	s9 =	sld [smem:$0x3FB7]  }
0x2f: {  	lr =	sadd.s32 s0, s3;
	s0 =	sld [smem:$0x3FAE]  }
0x30: {  	s3 =	sld [smem:$0x3FB1]  }
0x31: {  	[smem:$0x3FBA] =	sst s10  }
0x32: {  	s10 =	sld [smem:$0x3FB8];
	_ =	sdelay $0x3  }
0x33: {  	p0 =	seq.s32 s10, $0x1;
	s10 =	sld [smem:$0x3FBA];
	_ =	sdelay $0x3  }
0x34: {  	[smem:$0x3FBA] =	sst s10  }
0x35: {  	s10 =	sld [smem:$0x3FB9];
	_ =	sdelay $0x3  }
0x36: {  	p1 =	seq.s32 s10, $0x1;
	s10 =	sld [smem:$0x3FBA];
	_ =	sdelay $0x3  }
0x37: {  	[smem:$0x3FBA] =	sst s10  }
0x38: {  	s10 =	sld [smem:$0x3FBB]  }
0x39: {  	_ = 	snop;
	(pc) =	sbr.ind lr, $3  }
0x3a: {  	_ = 	snop  }
0x3b: {  	_ = 	snop  }
0x3c: {  	p2 =	seq.s32 s10, $0x1;
	s10 =	sld [smem:$0x3FBA]  }
0x3d: {  	_ =	shalt  }
0x3e: {  	_ =	shalt  }
0x3f: {  	_ =	shalt  }
0x40: {  	_ =	shalt  }
0x41: {  	_ =	shalt  }
0x42: {  	_ =	shalt  }
0x43: {  	_ =	shalt  }
0x44: {  	_ =	shalt  }
0x45: {  	_ =	shalt  }
0x46: {  	_ =	shalt  }
0x47: {  	_ =	shalt  }
0x48: {  	_ =	shalt  }
0x49: {  	_ =	shalt  }
0x4a: {  	_ =	shalt  }
0x4b: {  	_ =	shalt  }
0x4c: {  	_ =	shalt  }
0x4d: {  	_ =	shalt  }
0x4e: {  	_ =	shalt  }
0x4f: {  	_ =	shalt  }
0x50: {  	_ =	shalt  }
0x51: {  	_ =	shalt  }
0x52: {  	_ =	shalt  }
0x53: {  	_ =	shalt  }
0x54: {  	_ =	shalt  }
0x55: {  	_ =	shalt  }
0x56: {  	_ =	shalt  }
0x57: {  	_ =	shalt  }
0x58: {  	_ =	shalt  }
0x59: {  	_ =	shalt  }
0x5a: {  	_ =	shalt  }
0x5b: {  	_ =	shalt  }
0x5c: {  	_ =	shalt  }
0x5d: {  	_ =	shalt  }
0x5e: {  	_ =	shalt  }
0x5f: {  	_ =	shalt  }
0x60: {  	_ =	shalt  }
0x61: {  	_ =	shalt  }
0x62: {  	_ =	shalt  }
0x63: {  	_ =	shalt  }
0x64: {  	_ =	shalt  }
0x65: {  	_ =	shalt  }
0x66: {  	_ =	shalt  }
0x67: {  	_ =	shalt  }
0x68: {  	_ =	shalt  }
0x69: {  	_ =	shalt  }
0x6a: {  	_ =	shalt  }
0x6b: {  	_ =	shalt  }
0x6c: {  	_ =	shalt  }
0x6d: {  	_ =	shalt  }
0x6e: {  	_ =	shalt  }
0x6f: {  	_ =	shalt  }
0x70: {  	_ =	shalt  }
0x71: {  	_ =	shalt  }
0x72: {  	_ =	shalt  }
0x73: {  	_ =	shalt  }
0x74: {  	_ =	shalt  }
0x75: {  	_ =	shalt  }
0x76: {  	_ =	shalt  }
0x77: {  	_ =	shalt  }
0x78: {  	_ =	shalt  }
0x79: {  	_ =	shalt  }
0x7a: {  	_ =	shalt  }
0x7b: {  	_ =	shalt  }
0x7c: {  	_ =	shalt  }
0x7d: {  	_ =	shalt  }
0x7e: {  	_ =	shalt  }
0x7f: {  	_ =	shalt  }
0x80: {  	_ =	shalt  }
0x81: {  	_ =	shalt  }
0x82: {  	_ =	shalt  }
0x83: {  	_ =	shalt  }
0x84: {  	_ =	shalt  }
0x85: {  	_ =	shalt  }
0x86: {  	_ =	shalt  }
0x87: {  	_ =	shalt  }
.Lfunc_end0:
.L_simem_size_0:
called_computation_lowered:
.L_overlay_start_0:
0x88: {  	s2 =	sld [smem:$0x3FD9]  }
0x89: {  	s3 =	sld [smem:$0x3FFE];
	_ =	sdelay $0x1  }
0x8a: {  	s1 =	srdreg.scid  }
0x8b: {  	s0 =	sand.u32 $0x1, s1  }
0x8c: {  	s17 =	sshll.u32 s0, $0xA;
	s2 =	sadd.s32 s3, s2  }
0x8d: {  	s2 =	sadd.s32 s2, s17  }
0x8e: {  	[smem:$0x3FC6] =	sst s2  }
0x8f: {  	_ = 	snop  }
0x90: {  	s2 =	sld [smem:$0x3FD0];
	(tm) =	ssettm $0x1  }
0x91: {  	s18 =	sld [smem:$0x3FFB];
	_ =	sdelay $0x3  }
0x92: {  	_ =	strace s18  }
0x93: {  	s3 =	sld [smem:$0x3FFC];
	_ =	sdelay $0x3  }
0x94: {  	_ =	strace s3  }
0x95: {  	s3 =	sld [smem:$0x3FFD];
	_ =	sdelay $0x3  }
0x96: {  	_ =	strace s3  }
0x97: {  	_ =	strace $0x8FFFFFFF  }
0x98: {  	s19 =	sld [smem:$0x3FDB];
	_ =	sdelay $0x1  }
0x99: {  	s4 =	simm.s32 $_scs_section_size  }
0x9a: {  	s5 =	simm.s32 $_size__tile_overlayer_lowered;
	s6 =	simm.s32 $_tile_overlayer_lowered  }
0x9b: {  	s22 =	simm.s32 $0x1BFF;
	s21 =	sshll.u32 s6, $0x1;
	s3 =	sadd.s32 s4, s19  }
0x9c: {  	s7 =	simm.s32 $0x0;
	s20 =	sshll.u32 s5, $0x1;
	s5 =	sadd.s32 s21, s3  }
0x9d: {  	[timem:s7], [sflag:s22] =	dma.local [hbm:s5], s20  }
0x9e: {  	_ =	swait.ge [sflag:s22], s20  }
0x9f: {  	s4 =	ssub.s32 $0x0, s20;
	[sflag:s22] =	ssyncset.done $0x0  }
0xa0: {  	[sflag:s22] =	ssyncadd.s32 s4;
	_ =	sdelay $0x1  }
0xa1: {  	s23 =	simm.s32 $0x1B8B  }
0xa2: {  	_ =	swait.ge [sflag:s23], $0x1  }
0xa3: {  	[sflag:s23] =	ssyncset.done $0x0  }
0xa4: {  	s25 =	simm.s32 $0x1B8E;
	s24 =	sld [smem:$0x3FFE];
	[sflag:s23] =	ssyncadd.s32 $0xFFFFFFFF  }
0xa5: {  	s26 =	simm.s32 $execute0_lowered;
	[smem:$0x3FD2] =	sst s25  }
0xa6: {  	s5 =	sshll.u32 s26, $0x1;
	_ =	strace $0x80000046;
	[dreg:$0x1] =	wrdreg $0xFFFFFFFF  }
0xa7: {  	s28 =	simm.s32 $_size_execute0_lowered;
	s3 =	sadd.s32 s3, s5;
	[dreg:$0x0] =	wrdreg $0x0  }
0xa8: {  	s5 =	sshll.u32 s28, $0x1;
	[dreg:$0x2] =	wrdreg s3  }
0xa9: {  	[dreg:$0x3] =	wrdreg s5  }
0xaa: {  	[dreg:$0x4] =	wrdreg $0xC0  }
0xab: {  	_ =	task [dreg:s7], $0x5FFFF  }
0xac: {  	[dreg:$0x1] =	wrdreg $0xFFFFFFFF  }
0xad: {  	[dreg:$0x0] =	wrdreg $0x60  }
0xae: {  	[dreg:$0x2] =	wrdreg s24  }
0xaf: {  	[dreg:$0x3] =	wrdreg s2  }
0xb0: {  	[dreg:$0x4] =	wrdreg $0x9  }
0xb1: {  	_ =	task.clear_ibuf [dreg:s7], $0x5FFFF;
	_ =	strace $0x90000046  }
0xb2: {  	s29 =	simm.s32 $0x9;
	_ =	strace $0x80000048  }
0xb3: {  	_ =	swait.ge [sflag:s29], $0x1  }
0xb4: {  	[sflag:s29] =	ssyncadd.s32 $0xFFFFFFFF  }
0xb5: {  	_ =	strace $0x90000048  }
0xb6: {  	_ =	sfence  }
0xb7: {  	s30 =	sld [smem:$0x0];
	_ =	sdelay $0x2  }
0xb8: {  	s31 =	sshll.u32 s1, $0xD;
	s1 =	sshrl.u32 s1, $0x2  }
0xb9: {  	s3 =	sand.u32 $0x4000, s31;
	s1 =	sadd.s32 s1, s30  }
0xba: {  	s0 =	sor.u32 s3, s0;
	s1 =	sshll.u32 s1, $0x11  }
0xbb: {  	s0 =	sor.u32 s1, s0  }
0xbc: {  	s0 =	sadd.s32 $0x8F2B, s0  }
0xbd: {  	[sflag:s0] =	ssyncadd.remote.s32 $0x1  }
0xbe: {  	_ =	sfence.sel $0xFFFF  }
0xbf: {  	[dreg:$0x0] =	wrdreg $0xFFFFFFFF;
	(pc) =	sbr.abs _section_cstart, $3  }
0xc0: {  	[dreg:$0x1] =	wrdreg $0xFFFFFFFF  }
0xc1: {  	_ =	task.clear_ibuf [dreg:s7], $0x2FFFF;
	_ =	strace $0x9FFFFFFF  }
0xc2: {  	(tm) =	ssettm $0x7FFFFFFF  }
0xc3: {  	_ =	shalt  }
tec
execute0_lowered:
.L_overlay_start_1:
0x0: {  	(tag) =	ssettag $0x1  }
0x1: {  	s0 =	rddreg [dreg:$0x0]  }
0x2: {  	s2 =	rddreg [dreg:$0x1]  }
0x3: {  	s1 =	srdreg.scid;
	s4 =	stileid.u32;
	s3 =	simm.s32 $0x0  }
0x4: {  	s10 =	simm.s32 $0x320;
	s12 =	simm.s32 $0x50;
	s20 =	simm.s32 $0x460  }
0x5: {  	s21 =	simm.s32 $0x11E40;
	s22 =	simm.s32 $0x4B0;
	s23 =	simm.s32 $0x13240  }
0x6: {  	s28 =	simm.s32 $0x15A40;
	s29 =	simm.s32 $0x5A0;
	s30 =	simm.s32 $0x16E40  }
0x7: {  	s31 =	simm.s32 $0x5F0;
	s9 =	simm.s32 $0x4;
	s11 =	simm.s32 $0x1A040  }
0x8: {  	s13 =	simm.s32 $0x6;
	s1 =	sand.u32 $0x1, s1;
	s4 =	sshll.u32 s4, $0x1  }
0x9: {  	s15 =	simm.s32 $0x0;
	[smem:$0x7FF] =	sst s3;
	s6 =	sor.u32 s1, s4  }
0xa: {  	s5 =	sadd.s32 $0x400, s0;
	s24 =	ssub.s32 $0x2, s1;
	s7 =	smul.u32 $0x7D00, s6  }
0xb: {  	_ =	strace $0x80000047;
	s1 =	sshrl.u32 s24, $0x1;
	s8 =	smul.u32 $0xFA0, s6  }
0xc: {  	s4 =	sadd.s32 $0xC3A00, s0;
	s6 =	smul.u32 $0x28, s6;
	s0 =	ssub.s32 s24, s1  }
0xd: {  	s24 =	simm.s32 $0x500;
	s7 =	sshrl.u32 s7, $0x3;
	s26 =	sadd.s32 s4, s8  }
0xe: {  	s0 =	smax.u32 s0, $0x1;
	s8 =	simm.s32 $0x19640;
	[dreg:$0x3] =	wrdreg s26  }
0xf: {  	s25 =	sadd.s32 s4, s7;
	[dreg:$0x5] =	wrdreg s0;
	s0 =	simm.s32 $0x3  }
0x10: {  	s26 =	simm.s32 $0x550;
	s7 =	simm.s32 $0x18240;
	s1 =	sadd.s32 $0x64, s25  }
0x11: {  	v51 =	vimm.s32 $0x0;
	s25 =	simm.s32 $0x14640;
	[dreg:$0x4] =	wrdreg s1;
	s1 =	simm.s32 $0x2  }
.LBB2_1:
0x12: {  	[dreg:$0x6] =	wrdreg s15  }
0x13: {  	s14 =	rddreg [dreg:$0x3]  }
0x14: {  	[tilespmem:s3], [sflag:$0x1] =	stream.linear.gather [hbm4b:s14+s3], $0x320, $0x38;
	[tilespmem:$0x1AA40] =	vst v63  }
0x15: {  	s17 =	rddreg [dreg:$0x4];
	s18 =	simm.s32 $0x1  }
0x16: {  	[tilespmem:s10], [sflag:$0x2] =	stream.linear.gather [hbm4b:s17+s3], $0x320, $0x38;
	[tilespmem:$0x1AA40] =	vst v63  }
0x17: {  	_ =	swait.ge [sflag:s18], $0x320  }
0x18: {  	[sflag:s18] =	ssyncset.done $0x0  }
0x19: {  	s19 =	simm.s32 $0x640;
	[sflag:s18] =	ssyncadd.s32 $0xFFFFFCE0  }
0x1a: {  	[tilespmem:s19], [sflag:$0x3] =	stream.indirect.gather [hbm4b:s5+s12], $0x40, s3, s12, $0xb8;
	[tilespmem:$0x1AA40] =	vst v63  }
0x1b: {  	s15 =	simm.s32 $0x1A40  }
0x1c: {  	[tilespmem:s15], [sflag:$0x3] =	stream.indirect.gather [hbm4b:s5+s12], $0x40, s12, s12, $0xb8;
	[tilespmem:$0x1AA40] =	vst v63  }
0x1d: {  	s16 =	simm.s32 $0xA0;
	s17 =	simm.s32 $0x2E40  }
0x1e: {  	[tilespmem:s17], [sflag:$0x3] =	stream.indirect.gather [hbm4b:s5+s12], $0x40, s16, s12, $0xb8;
	[tilespmem:$0x1AA40] =	vst v63  }
0x1f: {  	s18 =	simm.s32 $0xF0;
	s19 =	simm.s32 $0x4240  }
0x20: {  	[tilespmem:s19], [sflag:$0x3] =	stream.indirect.gather [hbm4b:s5+s12], $0x40, s18, s12, $0xb8;
	[tilespmem:$0x1AA40] =	vst v63  }
0x21: {  	s16 =	simm.s32 $0x140;
	s17 =	simm.s32 $0x5640  }
0x22: {  	[tilespmem:s17], [sflag:$0x3] =	stream.indirect.gather [hbm4b:s5+s12], $0x40, s16, s12, $0xb8;
	[tilespmem:$0x1AA40] =	vst v63  }
0x23: {  	s18 =	simm.s32 $0x190;
	s19 =	simm.s32 $0x6A40  }
0x24: {  	[tilespmem:s19], [sflag:$0x3] =	stream.indirect.gather [hbm4b:s5+s12], $0x40, s18, s12, $0xb8;
	[tilespmem:$0x1AA40] =	vst v63  }
0x25: {  	s16 =	simm.s32 $0x1E0;
	s17 =	simm.s32 $0x7E40  }
0x26: {  	[tilespmem:s17], [sflag:$0x3] =	stream.indirect.gather [hbm4b:s5+s12], $0x40, s16, s12, $0xb8;
	[tilespmem:$0x1AA40] =	vst v63  }
0x27: {  	s18 =	simm.s32 $0x230;
	s19 =	simm.s32 $0x9240  }
0x28: {  	[tilespmem:s19], [sflag:$0x3] =	stream.indirect.gather [hbm4b:s5+s12], $0x40, s18, s12, $0xb8;
	[tilespmem:$0x1AA40] =	vst v63  }
0x29: {  	s16 =	simm.s32 $0x280;
	s17 =	simm.s32 $0xA640  }
0x2a: {  	[tilespmem:s17], [sflag:$0x3] =	stream.indirect.gather [hbm4b:s5+s12], $0x40, s16, s12, $0xb8;
	[tilespmem:$0x1AA40] =	vst v63  }
0x2b: {  	s14 =	simm.s32 $0x0;
	s18 =	simm.s32 $0x2D0;
	s19 =	simm.s32 $0xBA40  }
0x2c: {  	[tilespmem:s19], [sflag:$0x3] =	stream.indirect.gather [hbm4b:s5+s12], $0x40, s18, s12, $0xb8;
	[tilespmem:$0x1AA40] =	vst v63  }
.LBB2_2:
0x2d: {  	s15 =	sshll.u32 s14, $0x1  }
0x2e: {  	p0 =	seq.s32 s14, $0x13;
	s15 =	sadd.s32 s6, s15  }
0x2f: {  	s16 =	smul.u32 @!p0 $0x320, s15;
	_ =	sdelay $0x1  }
0x30: {  	_ =	swait.ge [sflag:s0], $0xC800;
	s16 =	sshrl.u32 @!p0 s16, $0x3  }
0x31: {  	[sflag:s0] =	ssyncset.done $0x0;
	s16 =	sadd.s32 @!p0 s4, s16  }
0x32: {  	s18 =	simm.s32 @!p0 $0x0;
	[sflag:s0] =	ssyncadd.s32 $0xFFFF3800;
	s17 =	sadd.s32 @!p0 $0xC8, s16  }
0x33: {  	[tilespmem:s18], [sflag:$0x1] =	stream.linear.gather @!p0 [hbm4b:s17+s18], $0x320, $0x38;
	[tilespmem:$0x1AA40] =	vst v63  }
0x34: {  	_ =	swait.ge [sflag:s1], $0x320  }
0x35: {  	[sflag:s1] =	ssyncset.done $0x0  }
0x36: {  	s19 =	simm.s32 $0xCE40;
	[sflag:s1] =	ssyncadd.s32 $0xFFFFFCE0  }
0x37: {  	[tilespmem:s19], [sflag:$0x4] =	stream.indirect.gather [hbm4b:s5+s12], $0x40, s10, s12, $0xb8;
	[tilespmem:$0x1AA40] =	vst v63  }
0x38: {  	s18 =	simm.s32 $0x370;
	s19 =	simm.s32 $0xE240  }
0x39: {  	[tilespmem:s19], [sflag:$0x4] =	stream.indirect.gather [hbm4b:s5+s12], $0x40, s18, s12, $0xb8;
	[tilespmem:$0x1AA40] =	vst v63  }
0x3a: {  	s18 =	simm.s32 $0x3C0;
	s19 =	simm.s32 $0xF640  }
0x3b: {  	[tilespmem:s19], [sflag:$0x4] =	stream.indirect.gather [hbm4b:s5+s12], $0x40, s18, s12, $0xb8;
	[tilespmem:$0x1AA40] =	vst v63  }
0x3c: {  	s18 =	simm.s32 $0x410;
	s19 =	simm.s32 $0x10A40  }
0x3d: {  	[tilespmem:s19], [sflag:$0x4] =	stream.indirect.gather [hbm4b:s5+s12], $0x40, s18, s12, $0xb8;
	[tilespmem:$0x1AA40] =	vst v63  }
0x3e: {  	_ = 	snop  }
0x3f: {  	[tilespmem:s21], [sflag:$0x4] =	stream.indirect.gather [hbm4b:s5+s12], $0x40, s20, s12, $0xb8;
	[tilespmem:$0x1AA40] =	vst v63  }
0x40: {  	_ = 	snop  }
0x41: {  	[tilespmem:s23], [sflag:$0x4] =	stream.indirect.gather [hbm4b:s5+s12], $0x40, s22, s12, $0xb8;
	[tilespmem:$0x1AA40] =	vst v63  }
0x42: {  	_ = 	snop  }
0x43: {  	[tilespmem:s25], [sflag:$0x4] =	stream.indirect.gather [hbm4b:s5+s12], $0x40, s24, s12, $0xb8;
	[tilespmem:$0x1AA40] =	vst v63  }
0x44: {  	_ = 	snop  }
0x45: {  	[tilespmem:s28], [sflag:$0x4] =	stream.indirect.gather [hbm4b:s5+s12], $0x40, s26, s12, $0xb8;
	[tilespmem:$0x1AA40] =	vst v63  }
0x46: {  	p1 =	seq.s32 s14, $0x0  }
0x47: {  	[tilespmem:s30], [sflag:$0x4] =	stream.indirect.gather [hbm4b:s5+s12], $0x40, s29, s12, $0xb8;
	[tilespmem:$0x1AA40] =	vst v63  }
0x48: {  	s17 =	simm.s32 @!p1 $0x5  }
0x49: {  	[tilespmem:s7], [sflag:$0x4] =	stream.indirect.gather [hbm4b:s5+s12], $0x40, s31, s12, $0xb8;
	[tilespmem:$0x1AA40] =	vst v63  }
0x4a: {  	_ =	swait.ge @!p1 [sflag:s17], $0xA00  }
0x4b: {  	[sflag:s17] =	ssyncset.done @!p1 $0x0  }
0x4c: {  	s19 =	simm.s32 $0xB40;
	[sflag:s17] =	ssyncadd.s32 @!p1 $0xFFFFF600  }
0x4d: {  	v2 =	vld [tilespmem:s19+$0x4B0]  }
0x4e: {  	v1 =	vld [tilespmem:s19+$0x430]  }
0x4f: {  	v3 =	vld [tilespmem:s19+$0x3B0]  }
0x50: {  	v6 =	vld [tilespmem:s19+$0x30]  }
0x51: {  	v7 =	vld [tilespmem:s19+$0x230]  }
0x52: {  	v8 =	vld [tilespmem:s19+$0x70]  }
0x53: {  	v9 =	vld [tilespmem:s19+$0x1B0]  }
0x54: {  	v10 =	vld [tilespmem:s19+$0xB0]  }
0x55: {  	v12 =	vld [tilespmem:s19+$0x130];
	v11 =	vadd.f32 $0.0e+00, v6  }
0x56: {  	v13 =	vld [tilespmem:s19+$0xF0]  }
0x57: {  	v11 =	vadd.f32 v8, v11;
	_ =	sdelay $0x1  }
0x58: {  	vm0 =	vclass.f32 v2, $0x3DF;
	v11 =	vadd.f32 v10, v11  }
0x59: {  	v14 =	vld [tilespmem:s19+$0x170];
	vm2 =	vclass.f32 v3, $0x3DF;
	vm1 =	vclass.f32 v1, $0x3DF;
	vm5 =	vclass.f32 v7, $0x3DF  }
0x5a: {  	v4 =	vld [tilespmem:s19+$0x330];
	vm6 =	vclass.f32 v12, $0x3DF;
	vm7 =	vclass.f32 v9, $0x3DF;
	v11 =	vadd.f32 v13, v11  }
0x5b: {  	v5 =	vld [tilespmem:s19+$0x2B0];
	vm8 =	vclass.f32 v6, $0x3DF;
	vm9 =	vclass.f32 v8, $0x3DF;
	vm10 =	vclass.f32 v10, $0x3DF  }
0x5c: {  	v15 =	vld [tilespmem:s19+$0x4F0];
	v6 =	vsel vm8, $0x1, v51;
	v8 =	vsel vm9, $0x1, v51;
	v10 =	vadd.f32 v12, v11  }
0x5d: {  	vm15 =	vclass.f32 v13, $0x3DF;
	v6 =	vadd.s32 v6, v8;
	v8 =	vsel vm10, $0x1, v51;
	v11 =	vld [tilespmem:s19+$0x1F0]  }
0x5e: {  	v44 =	vld [tilespmem:s19+$0x270];
	v6 =	vadd.s32 v8, v6;
	v8 =	vsel vm15, $0x1, v51;
	v10 =	vadd.f32 v14, v10  }
0x5f: {  	v49 =	vld [tilespmem:s19+$0x480];
	vm11 =	vclass.f32 v14, $0x3DF;
	v6 =	vadd.s32 v8, v6;
	v8 =	vsel vm6, $0x1, v51  }
0x60: {  	v45 =	vld [tilespmem:s19+$0x2F0];
	v6 =	vadd.s32 v8, v6;
	v8 =	vsel vm11, $0x1, v51;
	v9 =	vadd.f32 v9, v10  }
0x61: {  	v50 =	vld [tilespmem:s19+$0x490];
	vm4 =	vclass.f32 v5, $0x3DF;
	v6 =	vadd.s32 v8, v6;
	v8 =	vsel vm7, $0x1, v51  }
0x62: {  	v6 =	vadd.s32 v8, v6;
	v10 =	vld [tilespmem:s19+$0x370];
	vm12 =	vclass.f32 v11, $0x3DF;
	v8 =	vadd.f32 v11, v9  }
0x63: {  	v46 =	vld [tilespmem:s19+$0x440];
	vm3 =	vclass.f32 v4, $0x3DF;
	vm13 =	vclass.f32 v44, $0x3DF;
	v9 =	vsel vm12, $0x1, v51  }
0x64: {  	v11 =	vld [tilespmem:s19+$0x3F0];
	v6 =	vadd.s32 v9, v6;
	v9 =	vsel vm5, $0x1, v51;
	v7 =	vadd.f32 v7, v8  }
0x65: {  	v20 =	vld [tilespmem:s19+$0x470];
	vm14 =	vclass.f32 v45, $0x3DF;
	v6 =	vadd.s32 v9, v6;
	v8 =	vsel vm13, $0x1, v51  }
0x66: {  	v19 =	vld [tilespmem:s19+$0x400];
	v6 =	vadd.s32 v8, v6;
	v8 =	vsel vm4, $0x1, v51;
	v7 =	vadd.f32 v44, v7  }
0x67: {  	v21 =	vld [tilespmem:s19+$0x410];
	vm15 =	vclass.f32 v10, $0x3DF;
	v6 =	vadd.s32 v8, v6;
	v8 =	vsel vm14, $0x1, v51  }
0x68: {  	v0 =	vld [tilespmem:s19+$0x3C0];
	v6 =	vadd.s32 v8, v6;
	v8 =	vsel vm3, $0x1, v51;
	v5 =	vadd.f32 v5, v7  }
0x69: {  	v25 =	vld [tilespmem:s19+$0x3D0];
	vm5 =	vclass.f32 v11, $0x3DF;
	v6 =	vadd.s32 v8, v6;
	v7 =	vsel vm15, $0x1, v51  }
0x6a: {  	v16 =	vld [tilespmem:s19+$0x380];
	v6 =	vadd.s32 v7, v6;
	v7 =	vsel vm2, $0x1, v51;
	v5 =	vadd.f32 v45, v5  }
0x6b: {  	v17 =	vld [tilespmem:s19+$0x390];
	vm6 =	vclass.f32 v20, $0x3DF;
	v6 =	vadd.s32 v7, v6;
	v7 =	vsel vm5, $0x1, v51  }
0x6c: {  	v13 =	vld [tilespmem:s19+$0x350];
	v6 =	vadd.s32 v7, v6;
	v7 =	vsel vm1, $0x1, v51;
	v4 =	vadd.f32 v4, v5  }
0x6d: {  	vm7 =	vclass.f32 v15, $0x3DF;
	v9 =	vld [tilespmem:s19+$0x340];
	v5 =	vadd.s32 v7, v6;
	v6 =	vsel vm6, $0x1, v51  }
0x6e: {  	v8 =	vld [tilespmem:s19+$0x300];
	v5 =	vadd.s32 v6, v5;
	v6 =	vsel vm0, $0x1, v51;
	v7 =	vadd.f32 v10, v4  }
0x6f: {  	v4 =	vadd.s32 v6, v5;
	v6 =	vsel vm7, $0x1, v51;
	v5 =	vld [tilespmem:s19+$0x1C0]  }
0x70: {  	v18 =	vadd.s32 v6, v4;
	v4 =	vld [tilespmem:s19+$0x1D0];
	v3 =	vadd.f32 v3, v7  }
0x71: {  	v6 =	vld [tilespmem:s19+$0x180];
	[tilespmem:$0x1FF50] =	vst v46  }
0x72: {  	v3 =	vadd.f32 v11, v3;
	v11 =	vld [tilespmem:s19+$0xC0];
	[tilespmem:$0x1FF60] =	vst v19  }
0x73: {  	v22 =	vld [tilespmem:s19+$0x80];
	[tilespmem:$0x1FF70] =	vst v21  }
0x74: {  	vm8 =	vclass.f32 v49, $0x3DF;
	vm9 =	vclass.f32 v46, $0x3DF;
	[tilespmem:$0x1FF80] =	vst v0  }
0x75: {  	vm10 =	vclass.f32 v19, $0x3DF;
	vm11 =	vclass.f32 v21, $0x3DF;
	v12 =	vsel vm8, $0x1, v51;
	v23 =	vld [tilespmem:s19+$0x90]  }
0x76: {  	v14 =	vsel vm9, $0x1, v51;
	vm12 =	vclass.f32 v0, $0x3DF;
	vm13 =	vclass.f32 v16, $0x3DF;
	v24 =	vld [tilespmem:s19+$0xA0];
	[tilespmem:$0x1FF90] =	vst v25  }
0x77: {  	vm4 =	vclass.f32 v13, $0x3DF;
	vm2 =	vclass.f32 v17, $0x3DF;
	vm1 =	vclass.f32 v25, $0x3DF;
	v25 =	vld [tilespmem:s19+$0x50]  }
0x78: {  	vm3 =	vclass.f32 v9, $0x3DF;
	vm0 =	vclass.f32 v50, $0x3DF;
	v7 =	vcvt.s32.f32 v18;
	v27 =	vld [tilespmem:s19+$0x0]  }
0x79: {  	vm5 =	vclass.f32 v8, $0x3DF;
	v10 =	vsel vm11, $0x1, v51;
	v1 =	vadd.f32 v1, v3;
	v47 =	vld [tilespmem:s19+$0x10]  }
0x7a: {  	(erf) = vrcp.f32 v7;
	v19 =	vsel vm10, $0x1, v51;
	v21 =	vsel vm12, $0x1, v51;
	v29 =	vld [tilespmem:s19+$0x20]  }
0x7b: {  	vm7 =	vclass.f32 v5, $0x3DF;
	vm6 =	vclass.f32 v4, $0x3DF;
	v31 =	vld [tilespmem:s19+$0xFFFFFB10];
	v3 =	vadd.f32 v20, v1  }
0x7c: {  	vm14 =	vclass.f32 v6, $0x3DF;
	v32 =	vld [tilespmem:s19+$0xFFFFFB00];
	v1 =	vsel vm13, $0x1, v51;
	vm15 =	vclass.f32 v11, $0x3DF  }
0x7d: {  	v20 =	vld [tilespmem:s19+$0x40];
	v3 =	vadd.f32 v2, v3;
	v2 =	vsel vm14, $0x1, v51;
	v7 =	vsel vm15, $0x1, v51  }
0x7e: {  	v38 =	vld [tilespmem:s19+$0xFFFFFB40];
	vm12 =	vclass.f32 v22, $0x3DF;
	vm13 =	vclass.f32 v23, $0x3DF;
	vm8 =	vclass.f32 v24, $0x3DF  }
0x7f: {  	v3 =	vadd.f32 v15, v3;
	v30 =	vsel vm13, $0x1, v51;
	vm15 =	vclass.f32 v25, $0x3DF  }
0x80: {  	v26 =	vld [tilespmem:s19+$0x60];
	v36 =	vadd.f32 $0.0e+00, v27;
	vm9 =	vclass.f32 v27, $0x3DF;
	v27 =	vadd.f32 $0.0e+00, v47  }
0x81: {  	v34 =	vld [tilespmem:s19+$0xFFFFFB20];
	v39 =	vadd.f32 $0.0e+00, v29;
	v48 =	vadd.f32 $0.0e+00, v31;
	vm13 =	vclass.f32 v31, $0x3DF  }
0x82: {  	vm11 =	vclass.f32 v32, $0x3DF;
	v32 =	vadd.f32 $0.0e+00, v32;
	vm14 =	vclass.f32 v20, $0x3DF  }
0x83: {  	v28 =	vpop (erf);
	v35 =	vsel vm15, $0x1, v51;
	v52 =	vsel vm11, $0x1, v51;
	vm15 =	vclass.f32 v38, $0x3DF  }
0x84: {  	v41 =	vsel vm9, $0x1, v51;
	v3 =	vmul.f32 v28, v3;
	v28 =	vsel vm12, $0x1, v51  }
0x85: {  	v31 =	vld [tilespmem:s19+$0xFFFFFB50];
	v33 =	vsel vm14, $0x1, v51;
	vm12 =	vclass.f32 v26, $0x3DF;
	v20 =	vadd.f32 v20, v36  }
0x86: {  	v25 =	vadd.f32 v25, v27;
	v26 =	vadd.f32 v26, v39;
	vm14 =	vclass.f32 v34, $0x3DF  }
0x87: {  	v27 =	vld [tilespmem:s19+$0xFFFFFB30];
	v32 =	vadd.f32 v38, v32;
	v53 =	vsel vm15, $0x1, v51;
	v37 =	vsel vm12, $0x1, v51  }
0x88: {  	v56 =	vld [tilespmem:s19+$0xFFFFFB80];
	v57 =	vsel vm14, $0x1, v51;
	v20 =	vadd.f32 v22, v20;
	v22 =	vadd.f32 $0.0e+00, v34  }
0x89: {  	v59 =	vld [tilespmem:s19+$0xFFFFFBA0];
	v63 =	vadd.s32 v41, v33;
	v23 =	vadd.f32 v23, v25;
	v24 =	vadd.f32 v24, v26  }
0x8a: {  	v33 =	vld [tilespmem:s19+$0x100];
	v28 =	vadd.s32 v28, v63;
	vm12 =	vclass.f32 v31, $0x3DF;
	v31 =	vadd.f32 v31, v48  }
0x8b: {  	v25 =	vld [tilespmem:s19+$0xFFFFFB60];
	v7 =	vadd.s32 v7, v28;
	v11 =	vadd.f32 v11, v20;
	v20 =	vsel vm13, $0x1, v51  }
0x8c: {  	v26 =	vld [tilespmem:s19+$0xFFFFFB70];
	v55 =	vsel vm12, $0x1, v51;
	vm12 =	vclass.f32 v47, $0x3DF;
	v54 =	vadd.f32 $0.0e+00, v27  }
0x8d: {  	v62 =	vld [tilespmem:s19+$0xFFFFFBB0];
	vm13 =	vclass.f32 v27, $0x3DF;
	v27 =	vadd.s32 v52, v53;
	v20 =	vadd.s32 v20, v55  }
0x8e: {  	v44 =	vsel vm12, $0x1, v51;
	vm12 =	vclass.f32 v59, $0x3DF;
	v53 =	vsel vm8, $0x1, v51  }
0x8f: {  	v46 =	vld [tilespmem:s19+$0xFFFFFBC0];
	v60 =	vsel vm13, $0x1, v51;
	vm13 =	vclass.f32 v29, $0x3DF;
	v29 =	vadd.f32 v56, v32  }
0x90: {  	v28 =	vld [tilespmem:s19+$0x1E0];
	v35 =	vadd.s32 v44, v35;
	v11 =	vadd.f32 v33, v11;
	v22 =	vadd.f32 v25, v22  }
0x91: {  	vm14 =	vclass.f32 v25, $0x3DF;
	v36 =	vadd.f32 v26, v54;
	vm15 =	vclass.f32 v26, $0x3DF  }
0x92: {  	v38 =	vld [tilespmem:s19+$0x190];
	v45 =	vsel vm13, $0x1, v51;
	vm13 =	vclass.f32 v62, $0x3DF;
	v54 =	vsel vm12, $0x1, v51  }
0x93: {  	v55 =	vld [tilespmem:s19+$0xFFFFFBF0];
	v30 =	vadd.s32 v30, v35;
	v58 =	vsel vm14, $0x1, v51;
	v40 =	vsel vm15, $0x1, v51  }
0x94: {  	v48 =	vld [tilespmem:s19+$0xFFFFFBD0];
	vm14 =	vclass.f32 v56, $0x3DF;
	v34 =	vadd.s32 v45, v37;
	v42 =	vsel vm13, $0x1, v51  }
0x95: {  	v25 =	vld [tilespmem:s19+$0xFFFFFB90];
	v29 =	vadd.f32 v46, v29;
	vm8 =	vclass.f32 v28, $0x3DF;
	v26 =	vadd.s32 v57, v58  }
0x96: {  	v56 =	vld [tilespmem:s19+$0x140];
	v61 =	vadd.s32 v60, v40;
	v47 =	vsel vm14, $0x1, v51;
	v22 =	vadd.f32 v59, v22  }
0x97: {  	v36 =	vadd.f32 v62, v36;
	v57 =	vld [tilespmem:s19+$0xD0];
	vm14 =	vclass.f32 v46, $0x3DF;
	v34 =	vadd.s32 v53, v34  }
0x98: {  	v60 =	vld [tilespmem:s19+$0xE0];
	v26 =	vadd.s32 v54, v26;
	v15 =	vadd.s32 v42, v61;
	vm13 =	vclass.f32 v55, $0x3DF  }
0x99: {  	v46 =	vld [tilespmem:s19+$0x160];
	v59 =	vsel vm14, $0x1, v51;
	v36 =	vadd.f32 v55, v36;
	v44 =	vsel vm13, $0x1, v51  }
0x9a: {  	v58 =	vld [tilespmem:s19+$0x110];
	v31 =	vadd.f32 v25, v31;
	vm15 =	vclass.f32 v25, $0x3DF;
	v25 =	vadd.s32 v47, v27  }
0x9b: {  	v61 =	vld [tilespmem:s19+$0x120];
	v15 =	vadd.s32 v44, v15;
	v44 =	vsel vm8, $0x1, v51;
	v52 =	vsel vm15, $0x1, v51  }
0x9c: {  	v27 =	vld [tilespmem:s19+$0xFFFFFBE0];
	vm15 =	vclass.f32 v48, $0x3DF;
	v25 =	vadd.s32 v59, v25;
	v11 =	vadd.f32 v56, v11  }
0x9d: {  	v63 =	vld [tilespmem:s19+$0x150];
	v20 =	vadd.s32 v52, v20;
	v31 =	vadd.f32 v48, v31;
	v23 =	vadd.f32 v57, v23  }
0x9e: {  	v47 =	vld [tilespmem:s19+$0x1A0];
	vm14 =	vclass.f32 v57, $0x3DF;
	v24 =	vadd.f32 v60, v24;
	vm9 =	vclass.f32 v46, $0x3DF  }
0x9f: {  	v48 =	vld [tilespmem:s19+$0xFFFFFC20];
	v45 =	vsel vm14, $0x1, v51;
	v6 =	vadd.f32 v6, v11;
	vm14 =	vclass.f32 v38, $0x3DF  }
0xa0: {  	v57 =	vld [tilespmem:s19+$0xFFFFFC50];
	v23 =	vadd.f32 v58, v23;
	v30 =	vadd.s32 v45, v30;
	v24 =	vadd.f32 v61, v24  }
0xa1: {  	v11 =	vld [tilespmem:s19+$0xFFFFFC10];
	v22 =	vadd.f32 v27, v22;
	vm12 =	vclass.f32 v27, $0x3DF;
	v27 =	vsel vm15, $0x1, v51  }
0xa2: {  	vm15 =	vclass.f32 v60, $0x3DF;
	v5 =	vadd.f32 v5, v6;
	v62 =	vsel vm12, $0x1, v51  }
0xa3: {  	v20 =	vadd.s32 v27, v20;
	v39 =	vsel vm15, $0x1, v51;
	v23 =	vadd.f32 v63, v23  }
0xa4: {  	v24 =	vadd.f32 v46, v24;
	vm15 =	vclass.f32 v47, $0x3DF;
	v26 =	vadd.s32 v62, v26  }
0xa5: {  	v22 =	vadd.f32 v48, v22;
	vm11 =	vclass.f32 v57, $0x3DF;
	v62 =	vsel vm9, $0x1, v51  }
0xa6: {  	v6 =	vld [tilespmem:s19+$0xFFFFFC90];
	v31 =	vadd.f32 v11, v31;
	vm13 =	vclass.f32 v11, $0x3DF;
	v23 =	vadd.f32 v38, v23  }
0xa7: {  	v27 =	vld [tilespmem:s19+$0xFFFFFC00];
	v24 =	vadd.f32 v47, v24;
	v38 =	vsel vm14, $0x1, v51;
	vm14 =	vclass.f32 v63, $0x3DF  }
0xa8: {  	v63 =	vsel vm6, $0x1, v51;
	v43 =	vsel vm11, $0x1, v51;
	v53 =	vsel vm13, $0x1, v51  }
0xa9: {  	v55 =	vld [tilespmem:s19+$0xFFFFFC40];
	vm13 =	vclass.f32 v48, $0x3DF;
	v40 =	vsel vm14, $0x1, v51;
	vm14 =	vclass.f32 v61, $0x3DF  }
0xaa: {  	v59 =	vld [tilespmem:s19+$0xFFFFFC70];
	v20 =	vadd.s32 v53, v20;
	v54 =	vsel vm13, $0x1, v51;
	vm13 =	vclass.f32 v58, $0x3DF  }
0xab: {  	v61 =	vld [tilespmem:s19+$0x210];
	v37 =	vsel vm14, $0x1, v51;
	v31 =	vadd.f32 v57, v31;
	v4 =	vadd.f32 v4, v23  }
0xac: {  	v48 =	vld [tilespmem:s19+$0xFFFFFC80];
	v24 =	vadd.f32 v28, v24;
	vm9 =	vclass.f32 v6, $0x3DF;
	v29 =	vadd.f32 v27, v29  }
0xad: {  	v58 =	vld [tilespmem:s19+$0xFFFFFC60];
	vm12 =	vclass.f32 v27, $0x3DF;
	v27 =	vadd.s32 v39, v34;
	v34 =	vsel vm15, $0x1, v51  }
0xae: {  	v23 =	vld [tilespmem:s19+$0xFFFFFCA0];
	v26 =	vadd.s32 v54, v26;
	v35 =	vsel vm13, $0x1, v51;
	v39 =	vsel vm7, $0x1, v51  }
0xaf: {  	v53 =	vld [tilespmem:s19+$0x220];
	v20 =	vadd.s32 v43, v20;
	vm13 =	vclass.f32 v59, $0x3DF;
	v52 =	vsel vm12, $0x1, v51  }
0xb0: {  	vm12 =	vclass.f32 v56, $0x3DF;
	v30 =	vadd.s32 v35, v30;
	v27 =	vadd.s32 v37, v27  }
0xb1: {  	v37 =	vld [tilespmem:s19+$0x200];
	v35 =	vsel vm13, $0x1, v51;
	v31 =	vadd.f32 v6, v31;
	v29 =	vadd.f32 v55, v29  }
0xb2: {  	v43 =	vld [tilespmem:s19+$0xFFFFFE60];
	v11 =	vadd.s32 v52, v25;
	v27 =	vadd.s32 v62, v27;
	v4 =	vadd.f32 v61, v4  }
0xb3: {  	v25 =	vld [tilespmem:s19+$0xFFFFFC30];
	vm7 =	vclass.f32 v61, $0x3DF;
	v22 =	vadd.f32 v58, v22;
	v28 =	vadd.f32 v48, v29  }
0xb4: {  	v52 =	vld [tilespmem:s19+$0xFFFFFCB0];
	v29 =	vadd.s32 v40, v30;
	vm10 =	vclass.f32 v23, $0x3DF;
	vm6 =	vclass.f32 v53, $0x3DF  }
0xb5: {  	v62 =	vld [tilespmem:s19+$0x250];
	v24 =	vadd.f32 v53, v24;
	v47 =	vsel vm7, $0x1, v51;
	v29 =	vadd.s32 v38, v29  }
0xb6: {  	vm14 =	vclass.f32 v37, $0x3DF;
	v22 =	vadd.f32 v23, v22;
	v23 =	vsel vm9, $0x1, v51  }
0xb7: {  	v32 =	vld [tilespmem:s19+$0x240];
	v5 =	vadd.f32 v37, v5;
	v29 =	vadd.s32 v63, v29;
	vm9 =	vclass.f32 v43, $0x3DF  }
0xb8: {  	v36 =	vadd.f32 v25, v36;
	vm15 =	vclass.f32 v25, $0x3DF;
	v25 =	vsel vm12, $0x1, v51  }
0xb9: {  	vm12 =	vclass.f32 v33, $0x3DF;
	vm11 =	vclass.f32 v52, $0x3DF;
	v20 =	vadd.s32 v23, v20  }
0xba: {  	v30 =	vld [tilespmem:s19+$0xFFFFFCD0];
	v57 =	vsel vm14, $0x1, v51;
	v29 =	vadd.s32 v47, v29;
	v4 =	vadd.f32 v62, v4  }
0xbb: {  	v56 =	vsel vm15, $0x1, v51;
	v33 =	vsel vm12, $0x1, v51;
	vm15 =	vclass.f32 v55, $0x3DF  }
0xbc: {  	vm12 =	vclass.f32 v58, $0x3DF;
	v23 =	vsel vm11, $0x1, v51;
	v5 =	vadd.f32 v32, v5  }
0xbd: {  	v15 =	vadd.s32 v56, v15;
	v7 =	vadd.s32 v33, v7;
	v60 =	vsel vm15, $0x1, v51  }
0xbe: {  	v55 =	vld [tilespmem:s19+$0xFFFFFCE0];
	v36 =	vadd.f32 v59, v36;
	v33 =	vsel vm12, $0x1, v51;
	vm15 =	vclass.f32 v48, $0x3DF  }
0xbf: {  	v58 =	vld [tilespmem:s19+$0xFFFFFD20];
	v56 =	vsel vm10, $0x1, v51;
	v31 =	vadd.f32 v30, v31;
	vm13 =	vclass.f32 v30, $0x3DF  }
0xc0: {  	v48 =	vld [tilespmem:s19+$0x260];
	v11 =	vadd.s32 v60, v11;
	v26 =	vadd.s32 v33, v26;
	v15 =	vadd.s32 v35, v15  }
0xc1: {  	v7 =	vadd.s32 v25, v7;
	v25 =	vld [tilespmem:s19+$0xFFFFFCC0];
	v54 =	vsel vm15, $0x1, v51;
	v30 =	vsel vm13, $0x1, v51  }
0xc2: {  	v6 =	vadd.s32 v54, v11;
	v36 =	vadd.f32 v52, v36;
	v26 =	vadd.s32 v56, v26  }
0xc3: {  	v11 =	vld [tilespmem:s19+$0xFFFFFCF0];
	v15 =	vadd.s32 v23, v15;
	v2 =	vadd.s32 v2, v7;
	v52 =	vsel vm6, $0x1, v51  }
0xc4: {  	v23 =	vld [tilespmem:s19+$0xFFFFFD00];
	v2 =	vadd.s32 v39, v2;
	v22 =	vadd.f32 v55, v22;
	vm14 =	vclass.f32 v55, $0x3DF  }
0xc5: {  	v7 =	vld [tilespmem:s19+$0xFFFFFD10];
	v2 =	vadd.s32 v57, v2;
	v59 =	vsel vm14, $0x1, v51;
	vm14 =	vclass.f32 v58, $0x3DF  }
0xc6: {  	v56 =	vld [tilespmem:s19+$0xFFFFFDB0];
	v24 =	vadd.f32 v48, v24;
	v28 =	vadd.f32 v25, v28;
	vm12 =	vclass.f32 v25, $0x3DF  }
0xc7: {  	v25 =	vadd.s32 v34, v27;
	v22 =	vadd.f32 v58, v22;
	v26 =	vadd.s32 v59, v26  }
0xc8: {  	v45 =	vsel vm14, $0x1, v51;
	vm14 =	vclass.f32 v32, $0x3DF;
	v36 =	vadd.f32 v11, v36  }
0xc9: {  	v27 =	vld [tilespmem:s19+$0xFFFFFD30];
	vm15 =	vclass.f32 v11, $0x3DF;
	v11 =	vsel vm12, $0x1, v51;
	vm12 =	vclass.f32 v23, $0x3DF  }
0xca: {  	v34 =	vld [tilespmem:s19+$0x280];
	vm13 =	vclass.f32 v7, $0x3DF;
	v25 =	vadd.s32 v44, v25;
	v26 =	vadd.s32 v45, v26  }
0xcb: {  	v59 =	vsel vm14, $0x1, v51;
	vm14 =	vclass.f32 v56, $0x3DF;
	v6 =	vadd.s32 v11, v6;
	v11 =	vld [tilespmem:s19+$0xFFFFFD40]  }
0xcc: {  	v28 =	vadd.f32 v23, v28;
	v23 =	vadd.f32 v7, v31;
	v7 =	vadd.s32 v30, v20;
	v20 =	vld [tilespmem:s19+$0xFFFFFD50]  }
0xcd: {  	v60 =	vsel vm15, $0x1, v51;
	v30 =	vld [tilespmem:s19+$0xFFFFFD60];
	v61 =	vsel vm12, $0x1, v51;
	v63 =	vsel vm13, $0x1, v51  }
0xce: {  	v25 =	vadd.s32 v52, v25;
	v2 =	vadd.s32 v59, v2;
	v15 =	vadd.s32 v60, v15  }
0xcf: {  	v32 =	vld [tilespmem:s19+$0xFFFFFDC0];
	v6 =	vadd.s32 v61, v6;
	v7 =	vadd.s32 v63, v7;
	vm15 =	vclass.f32 v27, $0x3DF  }
0xd0: {  	v31 =	vadd.f32 v27, v36;
	v5 =	vadd.f32 v34, v5;
	v46 =	vsel vm15, $0x1, v51  }
0xd1: {  	v33 =	vld [tilespmem:s19+$0xFFFFFD90];
	vm15 =	vclass.f32 v62, $0x3DF;
	vm12 =	vclass.f32 v11, $0x3DF;
	vm8 =	vclass.f32 v20, $0x3DF  }
0xd2: {  	v35 =	vld [tilespmem:s19+$0xFFFFFDD0];
	vm6 =	vclass.f32 v30, $0x3DF;
	v15 =	vadd.s32 v46, v15;
	v11 =	vadd.f32 v11, v28  }
0xd3: {  	v41 =	vld [tilespmem:s19+$0x2D0];
	v20 =	vadd.f32 v20, v23;
	v60 =	vsel vm15, $0x1, v51;
	v22 =	vadd.f32 v30, v22  }
0xd4: {  	v53 =	vld [tilespmem:s19+$0xFFFFFD80];
	vm15 =	vclass.f32 v34, $0x3DF;
	v46 =	vsel vm14, $0x1, v51;
	vm14 =	vclass.f32 v32, $0x3DF  }
0xd5: {  	v42 =	vld [tilespmem:s19+$0xFFFFFE50];
	v54 =	vsel vm12, $0x1, v51;
	vm12 =	vclass.f32 v48, $0x3DF;
	v55 =	vsel vm8, $0x1, v51  }
0xd6: {  	v27 =	vld [tilespmem:s19+$0xFFFFFD70];
	v57 =	vsel vm6, $0x1, v51;
	vm8 =	vclass.f32 v33, $0x3DF;
	v29 =	vadd.s32 v60, v29  }
0xd7: {  	v47 =	vsel vm15, $0x1, v51;
	vm15 =	vclass.f32 v35, $0x3DF;
	v6 =	vadd.s32 v54, v6  }
0xd8: {  	v7 =	vadd.s32 v55, v7;
	v26 =	vadd.s32 v57, v26;
	v62 =	vsel vm8, $0x1, v51  }
0xd9: {  	v39 =	vld [tilespmem:s19+$0x2C0];
	v2 =	vadd.s32 v47, v2;
	v11 =	vadd.f32 v53, v11;
	v20 =	vadd.f32 v33, v20  }
0xda: {  	v28 =	vld [tilespmem:s19+$0xFFFFFDA0];
	v54 =	vsel vm15, $0x1, v51;
	vm15 =	vclass.f32 v41, $0x3DF;
	v47 =	vsel vm4, $0x1, v51  }
0xdb: {  	v23 =	vld [tilespmem:s19+$0x290];
	vm8 =	vclass.f32 v42, $0x3DF;
	vm13 =	vclass.f32 v27, $0x3DF;
	v27 =	vadd.f32 v27, v31  }
0xdc: {  	v30 =	vld [tilespmem:s19+$0x2A0];
	v31 =	vsel vm12, $0x1, v51;
	v7 =	vadd.s32 v62, v7;
	v62 =	vsel vm5, $0x1, v51  }
0xdd: {  	v58 =	vsel vm13, $0x1, v51;
	vm13 =	vclass.f32 v53, $0x3DF;
	v25 =	vadd.s32 v31, v25  }
0xde: {  	v36 =	vld [tilespmem:s19+$0xFFFFFE20];
	v53 =	vsel vm14, $0x1, v51;
	vm14 =	vclass.f32 v39, $0x3DF;
	v7 =	vadd.s32 v54, v7  }
0xdf: {  	v32 =	vadd.f32 v32, v11;
	v20 =	vadd.f32 v35, v20;
	vm7 =	vclass.f32 v28, $0x3DF  }
0xe0: {  	v63 =	vld [tilespmem:s19+$0xFFFFFDF0];
	v15 =	vadd.s32 v58, v15;
	vm12 =	vclass.f32 v23, $0x3DF;
	v61 =	vsel vm13, $0x1, v51  }
0xe1: {  	vm13 =	vclass.f32 v30, $0x3DF;
	v22 =	vadd.f32 v28, v22;
	v27 =	vadd.f32 v56, v27  }
0xe2: {  	v57 =	vsel vm14, $0x1, v51;
	v23 =	vadd.f32 v23, v4;
	v24 =	vadd.f32 v30, v24  }
0xe3: {  	v33 =	vld [tilespmem:s19+$0xFFFFFE00];
	v4 =	vsel vm15, $0x1, v51;
	vm15 =	vclass.f32 v36, $0x3DF;
	v6 =	vadd.s32 v61, v6  }
0xe4: {  	v45 =	vsel vm7, $0x1, v51;
	v48 =	vsel vm12, $0x1, v51;
	v52 =	vsel vm13, $0x1, v51  }
0xe5: {  	v40 =	vld [tilespmem:s19+$0x2E0];
	v15 =	vadd.s32 v46, v15;
	vm13 =	vclass.f32 v63, $0x3DF;
	v2 =	vadd.s32 v57, v2  }
0xe6: {  	v60 =	vsel vm15, $0x1, v51;
	v46 =	vsel vm3, $0x1, v51;
	v26 =	vadd.s32 v45, v26  }
0xe7: {  	v31 =	vld [tilespmem:s19+$0xFFFFFDE0];
	v29 =	vadd.s32 v48, v29;
	v25 =	vadd.s32 v52, v25;
	v6 =	vadd.s32 v53, v6  }
0xe8: {  	v37 =	vld [tilespmem:s19+$0xFFFFFE30];
	v56 =	vsel vm13, $0x1, v51;
	vm13 =	vclass.f32 v33, $0x3DF;
	v44 =	vadd.s32 v62, v2  }
0xe9: {  	v34 =	vld [tilespmem:s19+$0x320];
	v27 =	vadd.f32 v63, v27;
	v52 =	vadd.f32 v39, v5;
	v5 =	vsel vm9, $0x1, v51  }
0xea: {  	v28 =	vld [tilespmem:s19+$0xFFFFFE10];
	v38 =	vadd.f32 v41, v23;
	v24 =	vadd.f32 v40, v24;
	v62 =	vsel vm2, $0x1, v51  }
0xeb: {  	v30 =	vld [tilespmem:s19+$0x310];
	v32 =	vadd.f32 v33, v32;
	v15 =	vadd.s32 v56, v15;
	v4 =	vadd.s32 v4, v29  }
0xec: {  	v29 =	vsel vm13, $0x1, v51;
	v57 =	vadd.s32 v46, v44;
	vm12 =	vclass.f32 v31, $0x3DF  }
0xed: {  	v6 =	vadd.s32 v29, v6;
	v31 =	vadd.f32 v31, v22;
	v22 =	vsel vm8, $0x1, v51  }
0xee: {  	v29 =	vld [tilespmem:s19+$0xFFFFFE40];
	v1 =	vadd.s32 v1, v57;
	v27 =	vadd.f32 v37, v27;
	v8 =	vadd.f32 v8, v52  }
0xef: {  	v24 =	vadd.f32 v34, v24;
	v55 =	vsel vm12, $0x1, v51;
	vm12 =	vclass.f32 v40, $0x3DF  }
0xf0: {  	vm14 =	vclass.f32 v28, $0x3DF;
	vm13 =	vclass.f32 v30, $0x3DF;
	v33 =	vadd.f32 v28, v20  }
0xf1: {  	v2 =	vld [tilespmem:s19+$0x360];
	v30 =	vadd.f32 v30, v38;
	v58 =	vsel vm12, $0x1, v51;
	v59 =	vsel vm14, $0x1, v51  }
0xf2: {  	v48 =	vld [tilespmem:s19+$0xFFFFFE70];
	v45 =	vsel vm13, $0x1, v51;
	vm14 =	vclass.f32 v34, $0x3DF;
	v25 =	vadd.s32 v58, v25  }
0xf3: {  	v39 =	vld [tilespmem:s19+$0xFFFFFEC0];
	v45 =	vadd.s32 v45, v4;
	v4 =	vsel vm14, $0x1, v51;
	vm15 =	vclass.f32 v29, $0x3DF  }
0xf4: {  	v1 =	vadd.s32 v21, v1;
	v25 =	vadd.s32 v4, v25;
	v4 =	vld [tilespmem:s19+$0xFFFFFE80];
	v11 =	vsel vm15, $0x1, v51  }
0xf5: {  	v26 =	vadd.s32 v55, v26;
	vm12 =	vclass.f32 v37, $0x3DF;
	v11 =	vadd.s32 v11, v6;
	v6 =	vld [tilespmem:s19+$0xFFFFFE90]  }
0xf6: {  	v31 =	vadd.f32 v36, v31;
	v9 =	vadd.f32 v9, v8;
	v7 =	vadd.s32 v59, v7  }
0xf7: {  	v0 =	vld [tilespmem:s19+$0x3E0];
	v26 =	vadd.s32 v60, v26;
	v61 =	vsel vm12, $0x1, v51;
	vm10 =	vclass.f32 v2, $0x3DF  }
0xf8: {  	v57 =	vld [tilespmem:s19+$0xFFFFFF00];
	vm11 =	vclass.f32 v48, $0x3DF;
	vm9 =	vclass.f32 v39, $0x3DF;
	v33 =	vadd.f32 v42, v33  }
0xf9: {  	v15 =	vadd.s32 v61, v15;
	v63 =	vadd.s32 v22, v7;
	v7 =	vld [tilespmem:s19+$0xFFFFFEA0];
	vm12 =	vclass.f32 v4, $0x3DF  }
0xfa: {  	v26 =	vadd.s32 v5, v26;
	v5 =	vld [tilespmem:s19+$0x3A0];
	v59 =	vsel vm12, $0x1, v51;
	vm13 =	vclass.f32 v6, $0x3DF  }
0xfb: {  	v22 =	vld [tilespmem:s19+$0xFFFFFEB0];
	v23 =	vsel vm10, $0x1, v51;
	v44 =	vadd.s32 v59, v11;
	v11 =	vsel vm13, $0x1, v51  }
0xfc: {  	v56 =	vsel vm11, $0x1, v51;
	v58 =	vadd.s32 v47, v45;
	v35 =	vadd.s32 v11, v63;
	v63 =	vld [tilespmem:s19+$0xFFFFFED0]  }
0xfd: {  	v61 =	vsel vm1, $0x1, v51;
	v54 =	vsel vm9, $0x1, v51;
	v15 =	vadd.s32 v56, v15  }
0xfe: {  	v47 =	vld [tilespmem:s19+$0xFFFFFF20];
	v25 =	vadd.s32 v23, v25;
	v41 =	vadd.s32 v62, v58;
	vm14 =	vclass.f32 v7, $0x3DF  }
0xff: {  	v58 =	vld [tilespmem:s19+$0xFFFFFF10];
	v21 =	vadd.s32 v61, v41;
	vm8 =	vclass.f32 v5, $0x3DF;
	v23 =	vsel vm14, $0x1, v51  }
0x100: {  	vm15 =	vclass.f32 v22, $0x3DF;
	v53 =	vsel vm8, $0x1, v51;
	v45 =	vadd.s32 v23, v26;
	v23 =	vld [tilespmem:s19+$0xFFFFFEE0]  }
0x101: {  	vm12 =	vclass.f32 v0, $0x3DF;
	vm14 =	vclass.f32 v57, $0x3DF;
	v26 =	vld [tilespmem:s19+$0xFFFFFEF0];
	vm10 =	vclass.f32 v63, $0x3DF  }
0x102: {  	v25 =	vadd.s32 v53, v25;
	v62 =	vsel vm12, $0x1, v51;
	v55 =	vsel vm10, $0x1, v51  }
0x103: {  	v41 =	vsel vm14, $0x1, v51;
	v20 =	vadd.s32 v54, v44;
	v28 =	vadd.s32 v55, v35;
	v55 =	vld [tilespmem:s19+$0xFFFFFF30]  }
0x104: {  	vm6 =	vclass.f32 v47, $0x3DF;
	v25 =	vadd.s32 v62, v25;
	v34 =	vadd.s32 v41, v20  }
0x105: {  	v11 =	vsel vm15, $0x1, v51;
	v44 =	vmovc v0;
	vm15 =	vclass.f32 v58, $0x3DF;
	v0 =	vld [tilespmem:s19+$0x450];
	vm11 =	vclass.f32 v23, $0x3DF  }
0x106: {  	v52 =	vld [tilespmem:s19+$0xFFFFFF50];
	v60 =	vadd.s32 v11, v15;
	vm13 =	vclass.f32 v26, $0x3DF;
	v56 =	vsel vm11, $0x1, v51  }
0x107: {  	v62 =	vld [tilespmem:s19+$0xFFFFFF40];
	v20 =	vsel vm15, $0x1, v51;
	v15 =	vsel vm13, $0x1, v51;
	v59 =	vadd.s32 v56, v45  }
0x108: {  	v45 =	vld [tilespmem:s19+$0x420];
	v46 =	vadd.s32 v20, v28;
	v20 =	vsel vm6, $0x1, v51;
	vm7 =	vclass.f32 v55, $0x3DF  }
0x109: {  	v37 =	vadd.s32 v15, v60;
	v35 =	vadd.s32 v20, v59;
	v20 =	vld [tilespmem:s19+$0xFFFFFF60];
	v28 =	vsel vm7, $0x1, v51  }
0x10a: {  	v30 =	vadd.f32 v13, v30;
	v40 =	vadd.f32 v43, v31;
	v37 =	vadd.s32 v28, v37;
	v28 =	vld [tilespmem:s19+$0xFFFFFF70];
	[tilespmem:$0x1FFA0] =	vst v0  }
0x10b: {  	v10 =	vadd.s32 v10, v21;
	v54 =	vadd.s32 v19, v1;
	vm9 =	vclass.f32 v0, $0x3DF;
	v0 =	vld [tilespmem:s19+$0x460]  }
0x10c: {  	v33 =	vadd.f32 v6, v33;
	v41 =	vadd.f32 v48, v27;
	v14 =	vadd.s32 v14, v54  }
0x10d: {  	vm11 =	vclass.f32 v52, $0x3DF;
	vm10 =	vclass.f32 v62, $0x3DF;
	v27 =	vsel vm9, $0x1, v51  }
0x10e: {  	v1 =	vsel vm10, $0x1, v51;
	v10 =	vadd.s32 v27, v10;
	vm8 =	vclass.f32 v45, $0x3DF;
	v19 =	vld [tilespmem:s19+$0xFFFFFF80]  }
0x10f: {  	v31 =	vadd.s32 v1, v34;
	v1 =	vsel vm11, $0x1, v51;
	v11 =	vsel vm8, $0x1, v51;
	v21 =	vld [tilespmem:s19+$0xFFFFFF90]  }
0x110: {  	v34 =	vadd.f32 v16, v9;
	v25 =	vadd.s32 v11, v25;
	v11 =	vadd.f32 v29, v32;
	v29 =	vld [tilespmem:s19+$0xFFFFFFA0];
	[tilespmem:$0x1FFB0] =	vst v0  }
0x111: {  	v9 =	vadd.f32 v17, v30;
	vm12 =	vclass.f32 v20, $0x3DF;
	vm14 =	vclass.f32 v0, $0x3DF;
	v0 =	vld [tilespmem:s19+$0x4A0]  }
0x112: {  	v56 =	vadd.s32 v1, v46;
	v36 =	vadd.f32 v4, v11;
	v1 =	vsel vm12, $0x1, v51  }
0x113: {  	vm12 =	veq.s32 v18, $0x0;
	v59 =	vadd.s32 v1, v35;
	vm13 =	vclass.f32 v28, $0x3DF  }
0x114: {  	v16 =	vsel vm12, $0x0, v3;
	v8 =	vsel vm13, $0x1, v51;
	vm15 =	vclass.f32 v19, $0x3DF;
	v27 =	vld [tilespmem:s19+$0xFFFFFFC0]  }
0x115: {  	v1 =	vld [tilespmem:s19+$0xFFFFFFB0];
	v8 =	vadd.s32 v8, v37;
	v37 =	vadd.f32 v2, v24;
	v2 =	vsel vm15, $0x1, v51  }
0x116: {  	vm4 =	vclass.f32 v21, $0x3DF;
	v60 =	vsel vm14, $0x1, v51;
	v61 =	vadd.s32 v2, v31;
	v2 =	vld [tilespmem:s19+$0xFFFFFFD0];
	[tilespmem:$0x1FFC0] =	vst v0  }
0x117: {  	vm5 =	vclass.f32 v29, $0x3DF;
	v24 =	vsel vm4, $0x1, v51;
	v25 =	vadd.s32 v60, v25;
	v53 =	vld [tilespmem:s19+$0xFFFFFFE0]  }
0x118: {  	v46 =	vadd.s32 v24, v56;
	v24 =	vsel vm5, $0x1, v51;
	v31 =	vsel vm0, $0x1, v51;
	v54 =	vld [tilespmem:s19+$0xFFFFFFF0]  }
0x119: {  	v48 =	vadd.s32 v24, v59;
	vm7 =	vclass.f32 v0, $0x3DF;
	vm8 =	vclass.f32 v27, $0x3DF;
	v0 =	vld [tilespmem:s19+$0x4C0]  }
0x11a: {  	v24 =	vadd.s32 v12, v14;
	v31 =	vadd.s32 v31, v10;
	v11 =	vld [tilespmem:s19+$0x4D0];
	v4 =	vsel vm8, $0x1, v51  }
0x11b: {  	v3 =	vadd.f32 v5, v37;
	vm6 =	vclass.f32 v1, $0x3DF;
	v4 =	vadd.s32 v4, v61;
	v61 =	vld [tilespmem:s19+$0x4E0]  }
0x11c: {  	v56 =	vsel vm6, $0x1, v51;
	v59 =	vsel vm7, $0x1, v51;
	vm9 =	vclass.f32 v2, $0x3DF  }
0x11d: {  	v60 =	vadd.s32 v56, v8;
	v32 =	vadd.s32 v59, v25;
	v6 =	vsel vm9, $0x1, v51  }
0x11e: {  	v8 =	vadd.f32 v7, v40;
	v7 =	vadd.f32 v22, v41;
	v6 =	vadd.s32 v6, v46  }
0x11f: {  	vm10 =	vclass.f32 v53, $0x3DF;
	vm11 =	vclass.f32 v54, $0x3DF;
	[tilespmem:$0x1FFD0] =	vst v0;
	vm13 =	vclass.f32 v0, $0x3DF  }
0x120: {  	[tilespmem:$0x1FFE0] =	vst v11;
	vm14 =	vclass.f32 v11, $0x3DF;
	v10 =	vsel vm10, $0x1, v51;
	vm15 =	vclass.f32 v61, $0x3DF  }
0x121: {  	s17 =	simm.s32 $0x19680;
	[tilespmem:$0x1FFF0] =	vst v61;
	v0 =	vsel vm13, $0x1, v51;
	v30 =	vadd.s32 v10, v48;
	v10 =	vsel vm11, $0x1, v51  }
0x122: {  	s18 =	simm.s32 $0x0;
	s19 =	simm.s32 $0x1540;
	v5 =	vsel vm14, $0x1, v51;
	[tilespmem:s17+$0x30] =	vst v16;
	v11 =	vsel vm15, $0x1, v51;
	v35 =	vadd.s32 v10, v60  }
.LBB2_3:
0x123: {  	_ =	sdelay $0x2  }
0x124: {  	v25 =	vadd.s32 v0, v24;
	v0 =	vld [tilespmem:$0x1FF80];
	_ =	sdelay $0x2  }
0x125: {  	v10 =	vld [tilespmem:s19+$0x4C0]  }
0x126: {  	v24 =	vadd.s32 v11, v32;
	v32 =	vld [tilespmem:s19+$0x4D0]  }
0x127: {  	v7 =	vadd.f32 v26, v7;
	v26 =	vadd.f32 v0, v34;
	v0 =	vld [tilespmem:$0x1FF90]  }
0x128: {  	v22 =	vadd.s32 v5, v31;
	v31 =	vld [tilespmem:s19+$0x4E0]  }
0x129: {  	v5 =	vadd.f32 v39, v36;
	v39 =	vld [tilespmem:s19+$0x480]  }
0x12a: {  	v40 =	vld [tilespmem:s19+$0x490]  }
0x12b: {  	v41 =	vld [tilespmem:s19+$0x4A0];
	vm0 =	vclass.f32 v10, $0x3DF  }
0x12c: {  	vm4 =	vclass.f32 v32, $0x3DF;
	v9 =	vadd.f32 v0, v9;
	v0 =	vsel vm0, $0x1, v51  }
0x12d: {  	vm5 =	vclass.f32 v31, $0x3DF;
	[tilespmem:$0x1FF30] =	vst v0;
	v0 =	vsel vm4, $0x1, v51  }
0x12e: {  	vm6 =	vclass.f32 v39, $0x3DF;
	[tilespmem:$0x1FEF0] =	vst v0;
	v0 =	vsel vm5, $0x1, v51  }
0x12f: {  	vm7 =	vclass.f32 v40, $0x3DF;
	[tilespmem:$0x1FF20] =	vst v0;
	v0 =	vsel vm6, $0x1, v51  }
0x130: {  	vm8 =	vclass.f32 v41, $0x3DF;
	[tilespmem:$0x1FEC0] =	vst v0;
	v0 =	vsel vm7, $0x1, v51  }
0x131: {  	v42 =	vld [tilespmem:s19+$0x440];
	[tilespmem:$0x1FED0] =	vst v0;
	v0 =	vsel vm8, $0x1, v51  }
0x132: {  	[tilespmem:$0x1FEE0] =	vst v0;
	v0 =	vld [tilespmem:$0x1FF60];
	_ =	sdelay $0x3  }
0x133: {  	vm9 =	vclass.f32 v42, $0x3DF  }
0x134: {  	v36 =	vld [tilespmem:s19+$0x450];
	v26 =	vadd.f32 v0, v26;
	v0 =	vsel vm9, $0x1, v51  }
0x135: {  	v17 =	vcvt.s32.f32 v4;
	[tilespmem:$0x1FE90] =	vst v0;
	v0 =	vld [tilespmem:$0x1FF70]  }
0x136: {  	v18 =	vcvt.s32.f32 v6  }
0x137: {  	v48 =	vcvt.s32.f32 v30;
	(erf) = vrcp.f32 v17  }
0x138: {  	v37 =	vcvt.s32.f32 v35;
	(erf) = vrcp.f32 v18  }
0x139: {  	v16 =	vld [tilespmem:s19+$0x3E0];
	(erf) = vrcp.f32 v48;
	vm10 =	vclass.f32 v36, $0x3DF  }
0x13a: {  	(erf) = vrcp.f32 v37;
	v37 =	vld [tilespmem:s19+$0x460];
	v9 =	vadd.f32 v0, v9;
	v0 =	vsel vm10, $0x1, v51  }
0x13b: {  	[tilespmem:$0x1FEA0] =	vst v0;
	v0 =	vld [tilespmem:s19+$0x3C0];
	_ =	sdelay $0x1  }
0x13c: {  	v59 =	vld [tilespmem:$0x1FFA0];
	v8 =	vadd.f32 v23, v8;
	v23 =	vcvt.s32.f32 v25  }
0x13d: {  	v33 =	vadd.f32 v63, v33;
	v63 =	vld [tilespmem:s19+$0x390];
	v43 =	vadd.f32 v57, v5  }
0x13e: {  	(erf) = vrcp.f32 v23;
	v23 =	vld [tilespmem:s19+$0x400]  }
0x13f: {  	v43 =	vadd.f32 v62, v43;
	v62 =	vld [tilespmem:$0x1FFB0];
	vm5 =	vclass.f32 v16, $0x3DF;
	[tilespmem:$0x1FF80] =	vst v0;
	vm15 =	vclass.f32 v0, $0x3DF;
	v0 =	vmovc v37  }
0x140: {  	v11 =	vadd.f32 v44, v3;
	v44 =	vld [tilespmem:s19+$0x420];
	[tilespmem:$0x1FFB0] =	vst v0;
	v0 =	vsel vm5, $0x1, v51  }
0x141: {  	v8 =	vadd.f32 v47, v8;
	[tilespmem:$0x1FE20] =	vst v0;
	v0 =	vld [tilespmem:$0x1FFC0]  }
0x142: {  	v14 =	vld [tilespmem:s19+$0x3A0];
	v7 =	vadd.f32 v55, v7;
	v15 =	vadd.f32 v45, v11  }
0x143: {  	v8 =	vadd.f32 v20, v8;
	vm12 =	vclass.f32 v23, $0x3DF  }
0x144: {  	v20 =	vadd.f32 v28, v7;
	v7 =	vsel vm12, $0x1, v51;
	v15 =	vadd.f32 v62, v15  }
0x145: {  	[tilespmem:$0x1FE30] =	vst v7;
	v7 =	vld [tilespmem:$0x1FF50]  }
0x146: {  	vm7 =	vclass.f32 v63, $0x3DF;
	v9 =	vadd.f32 v59, v9;
	v59 =	vadd.f32 v0, v15;
	v0 =	vmovc v44  }
0x147: {  	vm8 =	vclass.f32 v14, $0x3DF;
	[tilespmem:$0x1FD40] =	vst v0;
	v0 =	vsel vm7, $0x1, v51  }
0x148: {  	[tilespmem:$0x1FDB0] =	vst v0;
	v0 =	vsel vm8, $0x1, v51  }
0x149: {  	[tilespmem:$0x1FDC0] =	vst v0;
	v0 =	vld [tilespmem:$0x1FFD0]  }
0x14a: {  	v26 =	vadd.f32 v7, v26  }
0x14b: {  	vm11 =	vclass.f32 v37, $0x3DF  }
0x14c: {  	v1 =	vadd.f32 v1, v20;
	v11 =	vsel vm11, $0x1, v51;
	v20 =	vadd.f32 v49, v26  }
0x14d: {  	[tilespmem:$0x1FEB0] =	vst v11;
	v11 =	vld [tilespmem:s19+$0x3D0]  }
0x14e: {  	v26 =	vadd.f32 v50, v9;
	v9 =	vmov v23;
	v23 =	vadd.f32 v0, v20;
	v0 =	vld [tilespmem:$0x1FFE0];
	_ =	sdelay $0x3  }
0x14f: {  	[tilespmem:$0x1FF90] =	vst v11;
	vm4 =	vclass.f32 v11, $0x3DF;
	v11 =	vmov v39  }
0x150: {  	vm14 =	vclass.f32 v44, $0x3DF;
	[tilespmem:$0x1FCE0] =	vst v11;
	v11 =	vld [tilespmem:s19+$0x340];
	v26 =	vadd.f32 v0, v26;
	v0 =	vmov v32  }
0x151: {  	v60 =	vsel vm14, $0x1, v51;
	[tilespmem:$0x1FFE0] =	vst v0;
	v0 =	vld [tilespmem:$0x1FFF0]  }
0x152: {  	[tilespmem:$0x1FE50] =	vst v60;
	v60 =	vld [tilespmem:s19+$0x350]  }
0x153: {  	v62 =	vld [tilespmem:s19+$0x360]  }
0x154: {  	[tilespmem:$0x1FF10] =	vst v63;
	v19 =	vadd.f32 v19, v43;
	v63 =	vld [tilespmem:s19+$0x300];
	_ =	sdelay $0x1  }
0x155: {  	v19 =	vadd.f32 v27, v19;
	vm9 =	vclass.f32 v11, $0x3DF;
	v27 =	vadd.f32 v0, v59;
	v0 =	vmovc v31  }
0x156: {  	v61 =	vld [tilespmem:s19+$0x4F0];
	vm10 =	vclass.f32 v60, $0x3DF;
	[tilespmem:$0x1FFF0] =	vst v0;
	v0 =	vsel vm9, $0x1, v51  }
0x157: {  	v13 =	vld [tilespmem:s19+$0x380];
	v33 =	vadd.f32 v58, v33;
	vm11 =	vclass.f32 v62, $0x3DF;
	[tilespmem:$0x1FD70] =	vst v0;
	v0 =	vsel vm10, $0x1, v51  }
0x158: {  	v3 =	vld [tilespmem:s19+$0x4B0];
	vm12 =	vclass.f32 v63, $0x3DF;
	[tilespmem:$0x1FD80] =	vst v0;
	v0 =	vsel vm11, $0x1, v51  }
0x159: {  	v33 =	vadd.f32 v52, v33;
	v38 =	vcvt.s32.f32 v22;
	v5 =	vld [tilespmem:s19+$0x470];
	[tilespmem:$0x1FD90] =	vst v0;
	v0 =	vsel vm12, $0x1, v51  }
0x15a: {  	[tilespmem:$0x1FD10] =	vst v0;
	v0 =	vld [tilespmem:s19+$0x310]  }
0x15b: {  	v21 =	vadd.f32 v21, v33;
	v29 =	vadd.f32 v29, v8;
	(erf) = vrcp.f32 v38;
	v38 =	vld [tilespmem:s19+$0x410]  }
0x15c: {  	v34 =	vld [tilespmem:s19+$0x430];
	v45 =	vpop (erf)  }
0x15d: {  	v2 =	vadd.f32 v2, v21;
	v8 =	vmov v42;
	v21 =	vadd.f32 v53, v29;
	v29 =	vld [tilespmem:s19+$0x30];
	v46 =	vpop (erf)  }
0x15e: {  	vm1 =	veq.s32 v6, $0x0;
	v28 =	vpop (erf);
	[tilespmem:$0x1FF50] =	vst v8;
	v8 =	vld [tilespmem:s19+$0x3B0]  }
0x15f: {  	vm2 =	veq.s32 v30, $0x0;
	v56 =	vcvt.s32.f32 v24;
	v21 =	vmul.f32 v28, v21;
	[tilespmem:$0x1FCC0] =	vst v0;
	v0 =	vld [tilespmem:s19+$0x320]  }
0x160: {  	v1 =	vadd.f32 v54, v1;
	vm13 =	vclass.f32 v38, $0x3DF;
	v2 =	vmul.f32 v46, v2;
	v28 =	vld [tilespmem:s19+$0x230]  }
0x161: {  	[tilespmem:$0x1FF40] =	vst v14;
	v12 =	vsel vm13, $0x1, v51;
	vm13 =	veq.s32 v4, $0x0;
	v4 =	vld [tilespmem:s19+$0xB0];
	v21 =	vsel vm2, $0x0, v21  }
0x162: {  	(erf) = vrcp.f32 v56;
	v47 =	vpop (erf);
	v19 =	vmul.f32 v45, v19;
	v2 =	vsel vm1, $0x0, v2;
	[tilespmem:s17+$0xFFFFFFE0] =	vst v21;
	v21 =	vld [tilespmem:s19+$0x170]  }
0x163: {  	v1 =	vmul.f32 v47, v1;
	[tilespmem:s17+$0xFFFFFFD0] =	vst v2;
	v58 =	vsel vm4, $0x1, v51;
	vm4 =	veq.s32 v25, $0x0;
	v25 =	vld [tilespmem:s19+$0x130]  }
0x164: {  	vm3 =	veq.s32 v35, $0x0;
	v19 =	vsel vm13, $0x0, v19;
	[tilespmem:$0x1FCD0] =	vst v0;
	v0 =	vld [tilespmem:s19+$0x2C0]  }
0x165: {  	[tilespmem:s17+$0xFFFFFFC0] =	vst v19;
	v1 =	vsel vm3, $0x0, v1;
	v31 =	vld [tilespmem:s19+$0x70]  }
0x166: {  	[tilespmem:s17+$0xFFFFFFF0] =	vst v1;
	v14 =	vld [tilespmem:s19+$0x1B0]  }
0x167: {  	[tilespmem:$0x1FE60] =	vst v11;
	v11 =	vld [tilespmem:s19+$0xFFFFFB30]  }
0x168: {  	v10 =	vmov v10;
	v6 =	vadd.f32 $0.0e+00, v29;
	[tilespmem:$0x1FF60] =	vst v9;
	vm5 =	veq.s32 v22, $0x0;
	v22 =	vld [tilespmem:s19+$0xF0]  }
0x169: {  	vm0 =	vclass.f32 v3, $0x3DF;
	vm1 =	vclass.f32 v34, $0x3DF;
	v48 =	vpop (erf);
	vm6 =	vclass.f32 v13, $0x3DF;
	[tilespmem:$0x1FC90] =	vst v0;
	v0 =	vld [tilespmem:s19+$0x2D0]  }
0x16a: {  	v17 =	vmovc v41;
	vm2 =	vclass.f32 v8, $0x3DF;
	[tilespmem:$0x1FFD0] =	vst v10;
	v10 =	vld [tilespmem:s19+$0x330];
	v23 =	vmul.f32 v48, v23;
	v6 =	vadd.f32 v31, v6  }
0x16b: {  	v43 =	vpop (erf);
	vm14 =	vclass.f32 v14, $0x3DF;
	v56 =	vsel vm15, $0x1, v51;
	v9 =	vsel vm6, $0x1, v51;
	[tilespmem:$0x1FFC0] =	vst v17;
	v20 =	vld [tilespmem:s19+$0x2B0]  }
0x16c: {  	v33 =	vpop (erf);
	v7 =	vld [tilespmem:s19+$0x3F0];
	[tilespmem:$0x1FDA0] =	vst v9;
	v19 =	vsel vm4, $0x0, v23;
	v26 =	vmul.f32 v43, v26;
	v6 =	vadd.f32 v4, v6  }
0x16d: {  	vm6 =	veq.s32 v24, $0x0;
	v9 =	vld [tilespmem:s19+$0x370];
	vm15 =	vclass.f32 v22, $0x3DF;
	v27 =	vmul.f32 v33, v27;
	[tilespmem:s17+$0x0] =	vst v19  }
0x16e: {  	v17 =	vld [tilespmem:s19+$0xFFFFFB20];
	vm7 =	vclass.f32 v25, $0x3DF;
	v2 =	vsel vm5, $0x0, v26;
	v1 =	vadd.f32 v22, v6;
	[tilespmem:$0x1FCA0] =	vst v0  }
0x16f: {  	vm8 =	vclass.f32 v29, $0x3DF;
	vm3 =	vclass.f32 v10, $0x3DF;
	v23 =	vsel vm6, $0x0, v27;
	v0 =	vld [tilespmem:s19+$0x2E0];
	[tilespmem:s17+$0x10] =	vst v2  }
0x170: {  	vm4 =	vclass.f32 v20, $0x3DF;
	vm5 =	vclass.f32 v28, $0x3DF;
	v1 =	vadd.f32 v25, v1;
	v6 =	vld [tilespmem:s19+$0x1F0];
	[tilespmem:s17+$0x20] =	vst v23  }
0x171: {  	vm10 =	vclass.f32 v4, $0x3DF;
	vm12 =	vclass.f32 v21, $0x3DF;
	vm9 =	vclass.f32 v31, $0x3DF;
	v22 =	vld [tilespmem:s19+$0x2F0]  }
0x172: {  	vm6 =	vclass.f32 v9, $0x3DF;
	v4 =	vsel vm9, $0x1, v51;
	v1 =	vadd.f32 v21, v1;
	v19 =	vld [tilespmem:s19+$0x270]  }
0x173: {  	vm9 =	vclass.f32 v61, $0x3DF;
	v21 =	vsel vm4, $0x1, v51;
	v2 =	vsel vm8, $0x1, v51;
	v26 =	vld [tilespmem:s19+$0x1E0]  }
0x174: {  	[tilespmem:$0x1FDD0] =	vst v16;
	v16 =	vmovc v38;
	v1 =	vadd.f32 v14, v1;
	v2 =	vadd.s32 v2, v4;
	v4 =	vsel vm10, $0x1, v51;
	v38 =	vld [tilespmem:s19+$0x180]  }
0x175: {  	vm8 =	vclass.f32 v5, $0x3DF;
	v2 =	vadd.s32 v4, v2;
	v4 =	vsel vm15, $0x1, v51;
	v39 =	vld [tilespmem:s19+$0x190]  }
0x176: {  	[tilespmem:$0x1FF00] =	vst v13;
	v23 =	vsel vm3, $0x1, v51;
	v13 =	vld [tilespmem:s19+$0x10];
	v2 =	vadd.s32 v4, v2;
	v4 =	vsel vm7, $0x1, v51  }
0x177: {  	v46 =	vld [tilespmem:s19+$0xC0];
	vm7 =	vclass.f32 v7, $0x3DF;
	v2 =	vadd.s32 v4, v2;
	v4 =	vsel vm12, $0x1, v51  }
0x178: {  	[tilespmem:$0x1FE00] =	vst v56;
	v56 =	vld [tilespmem:s19+$0xD0];
	v2 =	vadd.s32 v4, v2;
	v4 =	vsel vm14, $0x1, v51;
	vm13 =	vclass.f32 v6, $0x3DF  }
0x179: {  	v14 =	vld [tilespmem:s19+$0x20];
	v2 =	vadd.s32 v4, v2;
	v1 =	vadd.f32 v6, v1;
	v4 =	vsel vm13, $0x1, v51  }
0x17a: {  	v18 =	vmovc v40;
	v57 =	vmovc v36;
	v40 =	vld [tilespmem:s19+$0x1A0];
	vm14 =	vclass.f32 v19, $0x3DF;
	vm15 =	vclass.f32 v22, $0x3DF;
	vm11 =	vclass.f32 v38, $0x3DF  }
0x17b: {  	[tilespmem:$0x1FFA0] =	vst v57;
	v57 =	vld [tilespmem:s19+$0xE0];
	vm12 =	vclass.f32 v39, $0x3DF;
	vm13 =	vclass.f32 v26, $0x3DF;
	vm3 =	vclass.f32 v13, $0x3DF  }
0x17c: {  	[tilespmem:$0x1FDE0] =	vst v63;
	v63 =	vld [tilespmem:s19+$0x60];
	v2 =	vadd.s32 v4, v2;
	v4 =	vsel vm5, $0x1, v51;
	v6 =	vadd.f32 v28, v1  }
0x17d: {  	v25 =	vld [tilespmem:s19+$0x140];
	v48 =	vsel vm12, $0x1, v51;
	vm12 =	vclass.f32 v46, $0x3DF;
	v55 =	vsel vm13, $0x1, v51  }
0x17e: {  	v42 =	vld [tilespmem:s19+$0x200];
	vm13 =	vclass.f32 v56, $0x3DF;
	v1 =	vadd.f32 $0.0e+00, v14;
	vm5 =	vclass.f32 v17, $0x3DF  }
0x17f: {  	[tilespmem:$0x1FE10] =	vst v58;
	v58 =	vld [tilespmem:s19+$0x80];
	v2 =	vadd.s32 v4, v2;
	v4 =	vsel vm14, $0x1, v51;
	vm14 =	vclass.f32 v40, $0x3DF  }
0x180: {  	[tilespmem:$0x1FE70] =	vst v60;
	v60 =	vld [tilespmem:s19+$0xA0];
	v4 =	vadd.s32 v4, v2;
	v6 =	vadd.f32 v19, v6;
	v52 =	vsel vm14, $0x1, v51  }
0x181: {  	[tilespmem:$0x1FCB0] =	vst v0;
	v0 =	vld [tilespmem:s19+$0x280];
	vm14 =	vclass.f32 v57, $0x3DF;
	v1 =	vadd.f32 v63, v1;
	v4 =	vadd.s32 v21, v4  }
0x182: {  	v37 =	vld [tilespmem:s19+$0x220];
	v21 =	vsel vm15, $0x1, v51;
	vm15 =	vclass.f32 v25, $0x3DF;
	v24 =	vsel vm14, $0x1, v51  }
0x183: {  	v49 =	vld [tilespmem:s19+$0x0];
	v4 =	vadd.s32 v21, v4;
	v6 =	vadd.f32 v20, v6;
	v20 =	vsel vm6, $0x1, v51  }
0x184: {  	v31 =	vld [tilespmem:s19+$0x150];
	v47 =	vsel vm15, $0x1, v51;
	vm15 =	vclass.f32 v42, $0x3DF;
	vm6 =	vclass.f32 v58, $0x3DF  }
0x185: {  	v43 =	vld [tilespmem:s19+$0x160];
	v1 =	vadd.f32 v60, v1;
	v4 =	vadd.s32 v23, v4;
	v19 =	vsel vm6, $0x1, v51  }
0x186: {  	[tilespmem:$0x1FC60] =	vst v0;
	v0 =	vld [tilespmem:s19+$0x290];
	v35 =	vsel vm15, $0x1, v51;
	vm6 =	vclass.f32 v11, $0x3DF;
	v4 =	vadd.s32 v20, v4  }
0x187: {  	v59 =	vld [tilespmem:s19+$0x90];
	v20 =	vsel vm2, $0x1, v51;
	v6 =	vadd.f32 v22, v6;
	v22 =	vsel vm13, $0x1, v51  }
0x188: {  	v21 =	vld [tilespmem:s19+$0x1C0];
	vm13 =	vclass.f32 v49, $0x3DF;
	vm2 =	vclass.f32 v14, $0x3DF;
	v1 =	vadd.f32 v57, v1  }
0x189: {  	v4 =	vadd.s32 v20, v4;
	v20 =	vsel vm7, $0x1, v51;
	vm7 =	vclass.f32 v31, $0x3DF  }
0x18a: {  	v23 =	vld [tilespmem:s19+$0x1D0];
	v4 =	vadd.s32 v20, v4;
	v20 =	vsel vm1, $0x1, v51;
	v6 =	vadd.f32 v10, v6  }
0x18b: {  	[tilespmem:$0x1FC70] =	vst v0;
	v0 =	vld [tilespmem:s19+$0x2A0];
	v10 =	vsel vm8, $0x1, v51;
	v30 =	vsel vm7, $0x1, v51;
	vm8 =	vclass.f32 v43, $0x3DF  }
0x18c: {  	v33 =	vld [tilespmem:s19+$0x100];
	vm7 =	vclass.f32 v59, $0x3DF;
	vm1 =	vclass.f32 v37, $0x3DF;
	v4 =	vadd.s32 v20, v4  }
0x18d: {  	vm10 =	vclass.f32 v21, $0x3DF;
	v36 =	vsel vm8, $0x1, v51;
	v20 =	vsel vm12, $0x1, v51  }
0x18e: {  	v4 =	vadd.s32 v10, v4;
	v10 =	vsel vm0, $0x1, v51;
	v6 =	vadd.f32 v9, v6  }
0x18f: {  	v45 =	vld [tilespmem:s19+$0x120];
	vm12 =	vclass.f32 v63, $0x3DF;
	v9 =	vsel vm9, $0x1, v51;
	v4 =	vadd.s32 v10, v4  }
0x190: {  	vm0 =	vclass.f32 v23, $0x3DF;
	[tilespmem:$0x1FC80] =	vst v0;
	v0 =	vld [tilespmem:s19+$0x250];
	v10 =	vadd.s32 v9, v4;
	v4 =	vadd.f32 v8, v6  }
0x191: {  	[tilespmem:$0x1FE40] =	vst v12;
	vm9 =	vclass.f32 v33, $0x3DF;
	v12 =	vsel vm12, $0x1, v51;
	v6 =	vcvt.s32.f32 v10  }
0x192: {  	v44 =	vld [tilespmem:s19+$0x110];
	v29 =	vsel vm9, $0x1, v51;
	vm9 =	vclass.f32 v60, $0x3DF;
	v7 =	vadd.f32 v7, v4  }
0x193: {  	vm8 =	veq.s32 v10, $0x0;
	v4 =	vsel vm2, $0x1, v51;
	(erf) = vrcp.f32 v6  }
0x194: {  	[tilespmem:$0x1FE80] =	vst v62;
	v62 =	vld [tilespmem:s19+$0x40];
	v10 =	vsel vm7, $0x1, v51;
	v4 =	vadd.s32 v4, v12;
	v7 =	vadd.f32 v34, v7  }
0x195: {  	v41 =	vld [tilespmem:s19+$0x210];
	v34 =	vadd.f32 $0.0e+00, v13;
	[tilespmem:$0x1FC50] =	vst v0;
	v0 =	vsel vm11, $0x1, v51;
	vm11 =	vclass.f32 v45, $0x3DF  }
0x196: {  	[tilespmem:$0x1FC20] =	vst v0;
	v0 =	vsel vm10, $0x1, v51;
	v8 =	vadd.f32 v5, v7;
	v5 =	vadd.f32 v45, v1  }
0x197: {  	v13 =	vld [tilespmem:s19+$0xFFFFFB40];
	vm10 =	vclass.f32 v44, $0x3DF;
	v27 =	vsel vm11, $0x1, v51;
	[tilespmem:$0x1FC30] =	vst v0;
	v0 =	vsel vm0, $0x1, v51  }
0x198: {  	v45 =	vsel vm6, $0x1, v51;
	[tilespmem:$0x1FC40] =	vst v0;
	v0 =	vadd.f32 $0.0e+00, v49;
	v49 =	vld [tilespmem:s19+$0xFFFFFB00];
	v5 =	vadd.f32 v43, v5  }
0x199: {  	v28 =	vsel vm10, $0x1, v51;
	vm10 =	vclass.f32 v62, $0x3DF;
	v9 =	vadd.f32 v3, v8  }
0x19a: {  	vm0 =	vclass.f32 v41, $0x3DF;
	v0 =	vadd.f32 v62, v0;
	v5 =	vadd.f32 v40, v5  }
0x19b: {  	[tilespmem:$0x1FF70] =	vst v16;
	v16 =	vsel vm10, $0x1, v51;
	v3 =	vsel vm3, $0x1, v51;
	v9 =	vadd.f32 v61, v9;
	v61 =	vld [tilespmem:s19+$0x50]  }
0x19c: {  	vm15 =	vclass.f32 v13, $0x3DF;
	v15 =	vpop (erf);
	v0 =	vadd.f32 v58, v0;
	v26 =	vadd.f32 v26, v5  }
0x19d: {  	v32 =	vmul.f32 v15, v9;
	v9 =	vsel vm13, $0x1, v51;
	vm14 =	vclass.f32 v49, $0x3DF  }
0x19e: {  	v53 =	vld [tilespmem:s19+$0x240];
	v63 =	vadd.f32 $0.0e+00, v49;
	v0 =	vadd.f32 v46, v0;
	v57 =	vsel vm14, $0x1, v51  }
0x19f: {  	v15 =	vld [tilespmem:s19+$0xFFFFFB10];
	v9 =	vadd.s32 v9, v16;
	v37 =	vadd.f32 v37, v26;
	v50 =	vsel vm8, $0x0, v32  }
0x1a0: {  	s17 =	sadd.s32 $0x80, s17;
	v49 =	vld [tilespmem:s19+$0xFFFFFB80];
	v32 =	vsel vm9, $0x1, v51;
	vm11 =	vclass.f32 v61, $0x3DF;
	v13 =	vadd.f32 v13, v63  }
0x1a1: {  	v54 =	vld [tilespmem:s19+$0x260];
	v19 =	vadd.s32 v19, v9;
	[tilespmem:s17+$0x30] =	vst v50;
	v50 =	vadd.f32 v61, v34;
	v61 =	vadd.f32 $0.0e+00, v17  }
0x1a2: {  	[tilespmem:$0x1FCF0] =	vst v18;
	v18 =	vsel vm11, $0x1, v51;
	v34 =	vadd.f32 $0.0e+00, v11;
	v6 =	vadd.f32 v33, v0  }
0x1a3: {  	v4 =	vadd.s32 v32, v4;
	v19 =	vadd.s32 v20, v19;
	v3 =	vadd.s32 v3, v18  }
0x1a4: {  	v63 =	vld [tilespmem:s19+$0xFFFFFC00];
	v4 =	vadd.s32 v24, v4;
	v19 =	vadd.s32 v29, v19;
	v14 =	vadd.f32 $0.0e+00, v15  }
0x1a5: {  	v17 =	vld [tilespmem:s19+$0xFFFFFB60];
	vm4 =	vclass.f32 v15, $0x3DF;
	v50 =	vadd.f32 v59, v50;
	v13 =	vadd.f32 v49, v13  }
0x1a6: {  	v11 =	vld [tilespmem:s19+$0xFFFFFB70];
	vm14 =	vclass.f32 v49, $0x3DF;
	v6 =	vadd.f32 v25, v6;
	v3 =	vadd.s32 v10, v3  }
0x1a7: {  	v43 =	vld [tilespmem:s19+$0xFFFFFC80];
	v4 =	vadd.s32 v27, v4;
	v19 =	vadd.s32 v47, v19;
	v33 =	vsel vm4, $0x1, v51  }
0x1a8: {  	v58 =	vld [tilespmem:s19+$0xFFFFFBD0];
	v16 =	vsel vm14, $0x1, v51;
	v3 =	vadd.s32 v22, v3;
	v4 =	vadd.s32 v36, v4  }
0x1a9: {  	v15 =	vld [tilespmem:s19+$0xFFFFFB50];
	v50 =	vadd.f32 v56, v50;
	vm14 =	vclass.f32 v63, $0x3DF;
	v6 =	vadd.f32 v38, v6  }
0x1aa: {  	v59 =	vld [tilespmem:s19+$0xFFFFFB90];
	v3 =	vadd.s32 v28, v3;
	v46 =	vadd.f32 v17, v61;
	vm13 =	vclass.f32 v17, $0x3DF  }
0x1ab: {  	v60 =	vld [tilespmem:s19+$0xFFFFFBE0];
	v56 =	vadd.f32 v11, v34;
	vm11 =	vclass.f32 v11, $0x3DF;
	v34 =	vsel vm15, $0x1, v51  }
0x1ac: {  	v8 =	vld [tilespmem:s19+$0xFFFFFC10];
	v20 =	vsel vm14, $0x1, v51;
	vm14 =	vclass.f32 v43, $0x3DF;
	v44 =	vadd.f32 v44, v50  }
0x1ad: {  	v62 =	vld [tilespmem:s19+$0xFFFFFC60];
	v50 =	vsel vm5, $0x1, v51;
	v2 =	vsel vm13, $0x1, v51;
	v1 =	vsel vm11, $0x1, v51  }
0x1ae: {  	v17 =	vld [tilespmem:s19+$0xFFFFFBB0];
	v25 =	vadd.s32 v57, v34;
	vm11 =	vclass.f32 v58, $0x3DF;
	v21 =	vadd.f32 v21, v6  }
0x1af: {  	v11 =	vld [tilespmem:s19+$0xFFFFFBC0];
	v14 =	vadd.f32 v15, v14;
	vm12 =	vclass.f32 v15, $0x3DF;
	vm15 =	vclass.f32 v59, $0x3DF  }
0x1b0: {  	v61 =	vld [tilespmem:s19+$0xFFFFFBF0];
	v2 =	vadd.s32 v50, v2;
	v1 =	vadd.s32 v45, v1;
	v16 =	vadd.s32 v16, v25  }
0x1b1: {  	v10 =	vsel vm11, $0x1, v51;
	v0 =	vsel vm12, $0x1, v51;
	v31 =	vadd.f32 v31, v44  }
0x1b2: {  	v49 =	vld [tilespmem:s19+$0xFFFFFC30];
	v12 =	vsel vm15, $0x1, v51;
	vm12 =	vclass.f32 v60, $0x3DF;
	vm15 =	vclass.f32 v8, $0x3DF  }
0x1b3: {  	v15 =	vld [tilespmem:s19+$0xFFFFFBA0];
	v14 =	vadd.f32 v59, v14;
	v0 =	vadd.s32 v33, v0;
	v25 =	vsel vm12, $0x1, v51  }
0x1b4: {  	vm12 =	vclass.f32 v62, $0x3DF;
	v56 =	vadd.f32 v17, v56;
	v13 =	vadd.f32 v11, v13  }
0x1b5: {  	v7 =	vld [tilespmem:s19+$0xFFFFFC20];
	vm9 =	vclass.f32 v17, $0x3DF;
	vm10 =	vclass.f32 v11, $0x3DF;
	vm13 =	vclass.f32 v61, $0x3DF  }
0x1b6: {  	v18 =	vld [tilespmem:s19+$0xFFFFFCA0];
	v0 =	vadd.s32 v12, v0;
	v28 =	vsel vm12, $0x1, v51;
	v14 =	vadd.f32 v58, v14  }
0x1b7: {  	v59 =	vld [tilespmem:s19+$0xFFFFFC40];
	v34 =	vsel vm9, $0x1, v51;
	v9 =	vsel vm10, $0x1, v51;
	vm9 =	vclass.f32 v49, $0x3DF  }
0x1b8: {  	v44 =	vld [tilespmem:s19+$0xFFFFFC70];
	v0 =	vadd.s32 v10, v0;
	v46 =	vadd.f32 v15, v46;
	vm8 =	vclass.f32 v15, $0x3DF  }
0x1b9: {  	v17 =	vld [tilespmem:s19+$0xFFFFFC50];
	v15 =	vadd.f32 v61, v56;
	v13 =	vadd.f32 v63, v13;
	v1 =	vadd.s32 v34, v1  }
0x1ba: {  	v63 =	vadd.f32 v39, v31;
	v34 =	vsel vm9, $0x1, v51;
	v14 =	vadd.f32 v8, v14  }
0x1bb: {  	v50 =	vld [tilespmem:s19+$0xFFFFFC90];
	v45 =	vsel vm8, $0x1, v51;
	vm8 =	vclass.f32 v7, $0x3DF;
	v46 =	vadd.f32 v60, v46  }
0x1bc: {  	v12 =	vld [tilespmem:s19+$0xFFFFFCE0];
	v15 =	vadd.f32 v49, v15;
	v13 =	vadd.f32 v59, v13;
	v2 =	vadd.s32 v45, v2  }
0x1bd: {  	v45 =	vsel vm13, $0x1, v51;
	v31 =	vsel vm8, $0x1, v51;
	vm10 =	vclass.f32 v59, $0x3DF  }
0x1be: {  	vm13 =	vclass.f32 v44, $0x3DF;
	vm8 =	vclass.f32 v18, $0x3DF;
	v14 =	vadd.f32 v17, v14  }
0x1bf: {  	v2 =	vadd.s32 v25, v2;
	v1 =	vadd.s32 v45, v1;
	v25 =	vsel vm15, $0x1, v51  }
0x1c0: {  	vm11 =	vclass.f32 v17, $0x3DF;
	v29 =	vsel vm10, $0x1, v51;
	vm15 =	vclass.f32 v50, $0x3DF  }
0x1c1: {  	v61 =	vld [tilespmem:s19+$0xFFFFFCF0];
	vm12 =	vclass.f32 v12, $0x3DF;
	v57 =	vadd.f32 v7, v46;
	v11 =	vadd.f32 v44, v15  }
0x1c2: {  	v58 =	vld [tilespmem:s19+$0xFFFFFD20];
	v7 =	vadd.s32 v9, v16;
	v8 =	vadd.f32 v43, v13;
	v2 =	vadd.s32 v31, v2  }
0x1c3: {  	v10 =	vld [tilespmem:s19+$0xFFFFFD70];
	v1 =	vadd.s32 v34, v1;
	v27 =	vsel vm11, $0x1, v51;
	v44 =	vsel vm13, $0x1, v51  }
0x1c4: {  	v56 =	vld [tilespmem:s19+$0xFFFFFD00];
	v49 =	vadd.f32 v50, v14;
	v17 =	vadd.s32 v20, v7;
	v20 =	vadd.s32 v25, v0  }
0x1c5: {  	v60 =	vld [tilespmem:s19+$0xFFFFFCD0];
	v2 =	vadd.s32 v28, v2;
	v1 =	vadd.s32 v44, v1;
	v28 =	vsel vm15, $0x1, v51  }
0x1c6: {  	vm13 =	vclass.f32 v61, $0x3DF;
	v33 =	vadd.f32 v62, v57;
	v17 =	vadd.s32 v29, v17  }
0x1c7: {  	v46 =	vld [tilespmem:s19+$0xFFFFFCB0];
	v20 =	vadd.s32 v27, v20;
	v27 =	vadd.f32 v23, v63;
	v23 =	vadd.s32 v30, v3  }
0x1c8: {  	v15 =	vld [tilespmem:s19+$0xFFFFFCC0];
	v3 =	vsel vm14, $0x1, v51;
	v29 =	vsel vm8, $0x1, v51;
	v50 =	vsel vm13, $0x1, v51  }
0x1c9: {  	v9 =	vld [tilespmem:s19+$0xFFFFFD50];
	vm14 =	vclass.f32 v56, $0x3DF;
	vm8 =	vclass.f32 v58, $0x3DF;
	vm13 =	vclass.f32 v10, $0x3DF  }
0x1ca: {  	v14 =	vld [tilespmem:s19+$0xFFFFFD30];
	v13 =	vadd.f32 v60, v49;
	vm11 =	vclass.f32 v60, $0x3DF;
	v39 =	vadd.s32 v3, v17  }
0x1cb: {  	v49 =	vadd.s32 v28, v20;
	v2 =	vadd.s32 v29, v2;
	v3 =	vld [tilespmem:s19+$0xFFFFFE80];
	v20 =	vadd.s32 v52, v4  }
0x1cc: {  	v29 =	vsel vm12, $0x1, v51;
	v52 =	vsel vm0, $0x1, v51;
	v16 =	vadd.f32 v18, v33  }
0x1cd: {  	v24 =	vld [tilespmem:s19+$0xFFFFFD90];
	v28 =	vsel vm11, $0x1, v51;
	v2 =	vadd.s32 v29, v2;
	v41 =	vadd.f32 v41, v27  }
0x1ce: {  	v57 =	vld [tilespmem:s19+$0xFFFFFD10];
	v11 =	vadd.f32 v46, v11;
	vm9 =	vclass.f32 v46, $0x3DF;
	v18 =	vadd.f32 v15, v8  }
0x1cf: {  	v32 =	vld [tilespmem:s19+$0xFFFFFD40];
	vm10 =	vclass.f32 v15, $0x3DF;
	vm11 =	vclass.f32 v9, $0x3DF;
	v16 =	vadd.f32 v12, v16  }
0x1d0: {  	v30 =	vsel vm9, $0x1, v51;
	vm9 =	vclass.f32 v14, $0x3DF;
	v12 =	vadd.s32 v28, v49;
	[tilespmem:$0x1FD20] =	vst v3;
	v3 =	vld [tilespmem:$0x1FC20]  }
0x1d1: {  	v22 =	vld [tilespmem:s19+$0xFFFFFD80];
	v28 =	vadd.s32 v55, v20;
	v20 =	vsel vm8, $0x1, v51;
	v55 =	vsel vm1, $0x1, v51  }
0x1d2: {  	v31 =	vld [tilespmem:s19+$0xFFFFFDB0];
	v46 =	vsel vm11, $0x1, v51;
	vm11 =	vclass.f32 v24, $0x3DF;
	v11 =	vadd.f32 v61, v11  }
0x1d3: {  	v33 =	vld [tilespmem:s19+$0xFFFFFD60];
	v1 =	vadd.s32 v30, v1;
	vm15 =	vclass.f32 v57, $0x3DF;
	v18 =	vadd.f32 v56, v18  }
0x1d4: {  	v25 =	vld [tilespmem:s19+$0xFFFFFDA0];
	v13 =	vadd.f32 v57, v13;
	v29 =	vsel vm9, $0x1, v51;
	vm9 =	vclass.f32 v54, $0x3DF  }
0x1d5: {  	v47 =	vadd.s32 v20, v2;
	v16 =	vadd.f32 v58, v16;
	v17 =	vadd.s32 v3, v19;
	v3 =	vld [tilespmem:s19+$0xFFFFFE90]  }
0x1d6: {  	v7 =	vld [tilespmem:s19+$0xFFFFFDE0];
	v1 =	vadd.s32 v50, v1;
	v27 =	vsel vm15, $0x1, v51;
	v50 =	vsel vm13, $0x1, v51  }
0x1d7: {  	v8 =	vld [tilespmem:s19+$0xFFFFFDF0];
	vm13 =	vclass.f32 v31, $0x3DF;
	v11 =	vadd.f32 v14, v11;
	v14 =	vadd.f32 v42, v21  }
0x1d8: {  	v57 =	vld [tilespmem:$0x1FC50];
	v21 =	vsel vm14, $0x1, v51;
	vm12 =	vclass.f32 v33, $0x3DF;
	vm14 =	vclass.f32 v53, $0x3DF  }
0x1d9: {  	v61 =	vld [tilespmem:$0x1FC80];
	v12 =	vadd.s32 v27, v12;
	v42 =	vadd.s32 v55, v28;
	v55 =	vsel vm9, $0x1, v51  }
0x1da: {  	v18 =	vadd.f32 v32, v18;
	v9 =	vadd.f32 v9, v13;
	v49 =	vsel vm12, $0x1, v51;
	[tilespmem:$0x1FD30] =	vst v3;
	v3 =	vld [tilespmem:s19+$0xFFFFFEA0]  }
0x1db: {  	v0 =	vld [tilespmem:s19+$0xFFFFFDD0];
	vm12 =	vclass.f32 v25, $0x3DF;
	v13 =	vadd.f32 v33, v16;
	v12 =	vadd.s32 v46, v12  }
0x1dc: {  	v43 =	vld [tilespmem:s19+$0xFFFFFE20];
	v42 =	vadd.s32 v55, v42;
	v10 =	vadd.f32 v10, v11;
	v11 =	vadd.f32 v53, v14  }
0x1dd: {  	v14 =	vadd.s32 v49, v47;
	v46 =	vsel vm12, $0x1, v51;
	v47 =	vsel vm13, $0x1, v51  }
0x1de: {  	v60 =	vld [tilespmem:$0x1FC70];
	vm12 =	vclass.f32 v7, $0x3DF;
	vm13 =	vclass.f32 v8, $0x3DF;
	v18 =	vadd.f32 v22, v18  }
0x1df: {  	v9 =	vadd.f32 v24, v9;
	vm15 =	vclass.f32 v57, $0x3DF;
	vm9 =	vclass.f32 v61, $0x3DF;
	[tilespmem:$0x1FD50] =	vst v3;
	v3 =	vld [tilespmem:s19+$0xFFFFFEC0]  }
0x1e0: {  	v40 =	vld [tilespmem:s19+$0xFFFFFE10];
	v16 =	vadd.f32 v57, v41;
	v41 =	vsel vm11, $0x1, v51;
	vm11 =	vclass.f32 v0, $0x3DF  }
0x1e1: {  	v59 =	vld [tilespmem:$0x1FC60];
	v14 =	vadd.s32 v46, v14;
	v46 =	vsel vm12, $0x1, v51;
	vm12 =	vclass.f32 v43, $0x3DF  }
0x1e2: {  	v13 =	vadd.f32 v25, v13;
	v19 =	vadd.s32 v48, v23;
	v23 =	vsel vm10, $0x1, v51  }
0x1e3: {  	v58 =	vld [tilespmem:$0x1FCB0];
	vm10 =	vclass.f32 v32, $0x3DF;
	v48 =	vadd.s32 v29, v1;
	v56 =	vsel vm15, $0x1, v51  }
0x1e4: {  	vm15 =	vclass.f32 v60, $0x3DF;
	v32 =	vadd.f32 v54, v37;
	v12 =	vadd.s32 v41, v12;
	[tilespmem:$0x1FD60] =	vst v3;
	v3 =	vld [tilespmem:$0x1FC30]  }
0x1e5: {  	v41 =	vsel vm11, $0x1, v51;
	vm11 =	vclass.f32 v40, $0x3DF;
	v10 =	vadd.f32 v31, v10  }
0x1e6: {  	v45 =	vld [tilespmem:s19+$0xFFFFFDC0];
	v11 =	vadd.f32 v59, v11;
	v14 =	vadd.s32 v46, v14;
	v0 =	vadd.f32 v0, v9  }
0x1e7: {  	v15 =	vadd.s32 v23, v39;
	v2 =	vsel vm10, $0x1, v51;
	vm10 =	vclass.f32 v22, $0x3DF  }
0x1e8: {  	v44 =	vld [tilespmem:s19+$0xFFFFFE30];
	v33 =	vadd.s32 v50, v48;
	v49 =	vsel vm15, $0x1, v51;
	v50 =	vsel vm9, $0x1, v51  }
0x1e9: {  	vm9 =	vclass.f32 v58, $0x3DF;
	v12 =	vadd.s32 v41, v12;
	v17 =	vadd.s32 v3, v17;
	v3 =	vld [tilespmem:$0x1FC40]  }
0x1ea: {  	v16 =	vadd.f32 v60, v16;
	v7 =	vadd.f32 v7, v13;
	v15 =	vadd.s32 v21, v15  }
0x1eb: {  	v57 =	vld [tilespmem:$0x1FCA0];
	v37 =	vsel vm10, $0x1, v51;
	vm10 =	vclass.f32 v45, $0x3DF;
	v33 =	vadd.s32 v47, v33  }
0x1ec: {  	v34 =	vld [tilespmem:s19+$0xFFFFFE00];
	v42 =	vadd.s32 v50, v42;
	v47 =	vsel vm13, $0x1, v51;
	v50 =	vsel vm9, $0x1, v51  }
0x1ed: {  	vm13 =	vclass.f32 v44, $0x3DF;
	v22 =	vadd.f32 v61, v32;
	v32 =	vsel vm11, $0x1, v51  }
0x1ee: {  	v5 =	vld [tilespmem:s19+$0xFFFFFE40];
	v15 =	vadd.s32 v2, v15;
	v24 =	vadd.s32 v47, v33;
	v19 =	vadd.s32 v3, v19  }
0x1ef: {  	v55 =	vld [tilespmem:$0x1FC90];
	v17 =	vadd.s32 v35, v17;
	v35 =	vadd.s32 v52, v19;
	v52 =	vsel vm14, $0x1, v51  }
0x1f0: {  	vm15 =	vclass.f32 v57, $0x3DF;
	v15 =	vadd.s32 v37, v15;
	v17 =	vadd.s32 v52, v17;
	v52 =	vld [tilespmem:$0x1FCC0]  }
0x1f1: {  	v38 =	vld [tilespmem:s19+$0xFFFFFF20];
	v37 =	vsel vm10, $0x1, v51;
	vm10 =	vclass.f32 v34, $0x3DF;
	v13 =	vadd.f32 v57, v16  }
0x1f2: {  	v6 =	vld [tilespmem:s19+$0xFFFFFE60];
	v15 =	vadd.s32 v37, v15;
	v31 =	vsel vm10, $0x1, v51;
	vm14 =	vclass.f32 v59, $0x3DF  }
0x1f3: {  	v16 =	vld [tilespmem:$0x1FD70];
	v15 =	vadd.s32 v31, v15;
	v35 =	vadd.s32 v56, v35;
	v48 =	vsel vm14, $0x1, v51  }
0x1f4: {  	vm14 =	vclass.f32 v55, $0x3DF;
	v56 =	vld [tilespmem:$0x1FCD0];
	v17 =	vadd.s32 v48, v17;
	v35 =	vadd.s32 v49, v35  }
0x1f5: {  	[tilespmem:$0x1FD00] =	vst v5;
	v31 =	vld [tilespmem:$0x1FD10];
	v48 =	vsel vm14, $0x1, v51;
	v49 =	vsel vm15, $0x1, v51;
	vm14 =	vclass.f32 v52, $0x3DF  }
0x1f6: {  	v47 =	vmovc v38;
	v17 =	vadd.s32 v48, v17;
	v25 =	vadd.s32 v49, v35;
	v48 =	vld [tilespmem:$0x1FD00];
	v38 =	vsel vm14, $0x1, v51  }
0x1f7: {  	v33 =	vadd.s32 v50, v42;
	v59 =	vsel vm13, $0x1, v51;
	v25 =	vadd.s32 v38, v25;
	v38 =	vld [tilespmem:$0x1FD20]  }
0x1f8: {  	v12 =	vadd.s32 v32, v12;
	vm10 =	vclass.f32 v6, $0x3DF;
	v24 =	vadd.s32 v59, v24  }
0x1f9: {  	v63 =	vld [tilespmem:s19+$0xFFFFFED0];
	v59 =	vsel vm10, $0x1, v51;
	v35 =	vsel vm12, $0x1, v51;
	vm15 =	vclass.f32 v56, $0x3DF  }
0x1fa: {  	v30 =	vld [tilespmem:s19+$0xFFFFFE70];
	v14 =	vadd.s32 v35, v14;
	v17 =	vadd.s32 v31, v17;
	v46 =	vsel vm15, $0x1, v51  }
0x1fb: {  	v36 =	vld [tilespmem:s19+$0xFFFFFE50];
	v16 =	vadd.s32 v16, v17;
	vm8 =	vclass.f32 v48, $0x3DF;
	v31 =	vadd.s32 v46, v33  }
0x1fc: {  	v41 =	vld [tilespmem:$0x1FD30];
	v46 =	vadd.s32 v59, v14;
	v32 =	vsel vm8, $0x1, v51;
	vm12 =	vclass.f32 v38, $0x3DF  }
0x1fd: {  	v17 =	vld [tilespmem:$0x1FD80];
	v14 =	vadd.f32 v58, v22;
	v9 =	vadd.s32 v32, v15;
	v22 =	vsel vm12, $0x1, v51  }
0x1fe: {  	v9 =	vadd.s32 v22, v9;
	v22 =	vld [tilespmem:$0x1FDA0]  }
0x1ff: {  	v26 =	vld [tilespmem:s19+$0xFFFFFEF0];
	vm7 =	vclass.f32 v63, $0x3DF;
	vm11 =	vclass.f32 v30, $0x3DF  }
0x200: {  	v39 =	vld [tilespmem:s19+$0xFFFFFF10];
	vm9 =	vclass.f32 v36, $0x3DF;
	v8 =	vadd.f32 v8, v10;
	v61 =	vsel vm11, $0x1, v51  }
0x201: {  	v42 =	vld [tilespmem:$0x1FD50];
	vm13 =	vclass.f32 v41, $0x3DF;
	v33 =	vsel vm9, $0x1, v51;
	v59 =	vadd.s32 v61, v24  }
0x202: {  	v24 =	vsel vm13, $0x1, v51;
	v10 =	vadd.s32 v33, v12;
	v17 =	vadd.s32 v17, v25;
	v25 =	vld [tilespmem:$0x1FD90]  }
0x203: {  	v10 =	vadd.s32 v24, v10;
	v24 =	vsel vm7, $0x1, v51;
	v16 =	vadd.s32 v22, v16;
	v22 =	vld [tilespmem:$0x1FDB0]  }
0x204: {  	v10 =	vadd.s32 v24, v10;
	v24 =	vld [tilespmem:$0x1FE10]  }
0x205: {  	v58 =	vmov v39;
	v39 =	vld [tilespmem:$0x1FD60]  }
0x206: {  	v5 =	vld [tilespmem:s19+$0xFFFFFEB0];
	vm14 =	vclass.f32 v42, $0x3DF  }
0x207: {  	v62 =	vld [tilespmem:s19+$0xFFFFFF40];
	v25 =	vadd.s32 v25, v31;
	v31 =	vsel vm14, $0x1, v51  }
0x208: {  	v12 =	vadd.s32 v31, v46;
	v31 =	vld [tilespmem:$0x1FDC0];
	v17 =	vadd.s32 v22, v17  }
0x209: {  	v17 =	vadd.s32 v24, v17;
	v24 =	vld [tilespmem:$0x1FE20]  }
0x20a: {  	v4 =	vld [tilespmem:s19+$0xFFFFFF00];
	vm6 =	vclass.f32 v39, $0x3DF  }
0x20b: {  	v20 =	vld [tilespmem:s19+$0xFFFFFF60];
	v22 =	vsel vm6, $0x1, v51  }
0x20c: {  	v9 =	vadd.s32 v22, v9;
	v22 =	vld [tilespmem:$0x1FDE0]  }
0x20d: {  	v1 =	vld [tilespmem:s19+$0xFFFFFF50];
	vm11 =	vclass.f32 v58, $0x3DF;
	v25 =	vadd.s32 v31, v25  }
0x20e: {  	v28 =	vld [tilespmem:s19+$0xFFFFFF70];
	v24 =	vadd.s32 v24, v25;
	v25 =	vsel vm11, $0x1, v51  }
0x20f: {  	v18 =	vadd.f32 v45, v18;
	v11 =	vadd.f32 v55, v11;
	v10 =	vadd.s32 v25, v10;
	v25 =	vld [tilespmem:$0x1FE40]  }
0x210: {  	v23 =	vld [tilespmem:s19+$0xFFFFFEE0]  }
0x211: {  	v18 =	vadd.f32 v34, v18;
	v11 =	vadd.f32 v22, v11;
	v22 =	vld [tilespmem:$0x1FE00]  }
0x212: {  	v0 =	vadd.f32 v40, v0;
	v7 =	vadd.f32 v43, v7;
	[tilespmem:$0x1FDF0] =	vst v1;
	v3 =	vld [tilespmem:s19+$0xFFFFFF30]  }
0x213: {  	v8 =	vadd.f32 v44, v8;
	vm10 =	vclass.f32 v4, $0x3DF;
	v13 =	vadd.f32 v52, v13;
	v52 =	vld [tilespmem:$0x1FDF0]  }
0x214: {  	v60 =	vmovc v30;
	v30 =	vmovc v5;
	vm15 =	vclass.f32 v5, $0x3DF;
	v5 =	vadd.f32 v6, v7;
	v17 =	vadd.s32 v25, v17;
	v25 =	vld [tilespmem:$0x1FE50]  }
0x215: {  	v19 =	vld [tilespmem:s19+$0xFFFFFF80];
	v6 =	vadd.f32 v60, v8;
	v61 =	vsel vm15, $0x1, v51;
	vm9 =	vclass.f32 v26, $0x3DF  }
0x216: {  	v18 =	vadd.f32 v48, v18;
	v48 =	vld [tilespmem:$0x1FE80];
	v16 =	vadd.s32 v22, v16;
	v22 =	vsel vm10, $0x1, v51  }
0x217: {  	vm13 =	vclass.f32 v3, $0x3DF;
	vm8 =	vclass.f32 v23, $0x3DF;
	v9 =	vadd.s32 v22, v9;
	v22 =	vld [tilespmem:$0x1FE30]  }
0x218: {  	v37 =	vsel vm9, $0x1, v51;
	v14 =	vadd.f32 v56, v14;
	v56 =	vld [tilespmem:$0x1FE90];
	vm15 =	vclass.f32 v52, $0x3DF  }
0x219: {  	v15 =	vadd.s32 v61, v59;
	v59 =	vld [tilespmem:$0x1FEA0];
	v24 =	vadd.s32 v25, v24;
	v25 =	vsel vm15, $0x1, v51  }
0x21a: {  	v40 =	vsel vm13, $0x1, v51;
	vm7 =	vclass.f32 v28, $0x3DF;
	v8 =	vadd.s32 v25, v10;
	v10 =	vld [tilespmem:$0x1FE70]  }
0x21b: {  	v27 =	vld [tilespmem:s19+$0xFFFFFFC0];
	v15 =	vadd.s32 v37, v15;
	v43 =	vsel vm7, $0x1, v51;
	vm14 =	vclass.f32 v62, $0x3DF  }
0x21c: {  	v29 =	vld [tilespmem:s19+$0xFFFFFFA0];
	v15 =	vadd.s32 v40, v15;
	v16 =	vadd.s32 v22, v16;
	v22 =	vsel vm14, $0x1, v51  }
0x21d: {  	v31 =	vsel vm8, $0x1, v51;
	vm8 =	vclass.f32 v19, $0x3DF;
	v7 =	vadd.s32 v22, v9;
	v9 =	vld [tilespmem:$0x1FE60]  }
0x21e: {  	v55 =	vmovc v3;
	v3 =	vld [tilespmem:$0x1FF00];
	v46 =	vadd.s32 v43, v15;
	v15 =	vadd.s32 v59, v17;
	v17 =	vsel vm8, $0x1, v51  }
0x21f: {  	v10 =	vadd.f32 v10, v13;
	v13 =	vadd.f32 v48, v14;
	v14 =	vadd.s32 v56, v16;
	v16 =	vld [tilespmem:$0x1FEB0]  }
0x220: {  	vm12 =	vclass.f32 v47, $0x3DF;
	v17 =	vadd.s32 v17, v7;
	v7 =	vld [tilespmem:$0x1FEC0]  }
0x221: {  	v53 =	vld [tilespmem:s19+$0xFFFFFFE0];
	v12 =	vadd.s32 v31, v12;
	v31 =	vsel vm12, $0x1, v51;
	vm6 =	vclass.f32 v20, $0x3DF  }
0x222: {  	v21 =	vld [tilespmem:s19+$0xFFFFFF90];
	v12 =	vadd.s32 v31, v12;
	v31 =	vsel vm6, $0x1, v51;
	v9 =	vadd.f32 v9, v11  }
0x223: {  	v2 =	vld [tilespmem:s19+$0xFFFFFFD0];
	vm10 =	vclass.f32 v29, $0x3DF;
	v11 =	vadd.s32 v31, v12  }
0x224: {  	v34 =	vadd.f32 v3, v9;
	v3 =	vld [tilespmem:$0x1FF10];
	v16 =	vadd.s32 v16, v24;
	v24 =	vsel vm10, $0x1, v51  }
0x225: {  	v11 =	vadd.s32 v24, v11;
	v24 =	vadd.s32 v7, v14;
	v7 =	vld [tilespmem:$0x1FED0]  }
0x226: {  	v1 =	vld [tilespmem:s19+$0xFFFFFFB0]  }
0x227: {  	v54 =	vld [tilespmem:s19+$0xFFFFFFF0];
	v0 =	vadd.f32 v36, v0  }
0x228: {  	v45 =	vld [tilespmem:$0x1FD40];
	vm9 =	vclass.f32 v21, $0x3DF;
	vm13 =	vclass.f32 v2, $0x3DF  }
0x229: {  	v33 =	vadd.f32 v41, v0;
	v61 =	vsel vm13, $0x1, v51;
	v9 =	vadd.f32 v3, v10;
	v3 =	vld [tilespmem:$0x1FF40]  }
0x22a: {  	s18 =	sadd.s32 $0x2, s18;
	v36 =	vadd.f32 v38, v18;
	vm12 =	vclass.f32 v27, $0x3DF;
	v31 =	vadd.s32 v7, v15;
	v7 =	vld [tilespmem:$0x1FEE0]  }
0x22b: {  	p1 =	slt.u32 s18, $0x26;
	v50 =	vld [tilespmem:$0x1FCF0];
	v60 =	vsel vm12, $0x1, v51;
	vm11 =	vclass.f32 v1, $0x3DF;
	vm14 =	vclass.f32 v53, $0x3DF  }
.Ltmp0:
0x22c: {  	v44 =	vld [tilespmem:$0x1FDD0];
	vm15 =	vclass.f32 v54, $0x3DF;
	v22 =	vsel vm9, $0x1, v51;
	v25 =	vsel vm11, $0x1, v51;
	(pc) =	sbr.rel @p1 .LBB2_3-.Ltmp0, $4  }
0x22d: {  	v49 =	vld [tilespmem:$0x1FCE0];
	v0 =	vsel vm15, $0x1, v51;
	v22 =	vadd.s32 v22, v8;
	v12 =	vadd.s32 v25, v46  }
0x22e: {  	v57 =	vmovc v4;
	v8 =	vadd.f32 v42, v5;
	v5 =	vld [tilespmem:$0x1FEF0];
	v4 =	vadd.s32 v60, v17;
	v35 =	vadd.s32 v0, v12  }
0x22f: {  	v0 =	vld [tilespmem:$0x1FF30];
	v3 =	vadd.f32 v3, v13;
	v32 =	vadd.s32 v7, v16;
	v16 =	vsel vm14, $0x1, v51  }
0x230: {  	s19 =	sadd.s32 $0xA00, s19;
	v7 =	vadd.f32 v30, v6;
	v6 =	vadd.s32 v61, v22;
	v30 =	vadd.s32 v16, v11;
	v11 =	vld [tilespmem:$0x1FF20]  }
0x231: {  	v12 =	vcvt.s32.f32 v4;
	v13 =	vcvt.s32.f32 v6  }
0x232: {  	v14 =	vadd.f32 v63, v33;
	v15 =	vcvt.s32.f32 v30;
	v8 =	vadd.f32 v23, v8  }
0x233: {  	v16 =	vcvt.s32.f32 v35;
	v3 =	vadd.f32 v44, v3;
	vm0 =	veq.s32 v4, $0x0  }
0x234: {  	v17 =	vld [tilespmem:$0x1FF80];
	vm1 =	veq.s32 v6, $0x0;
	v7 =	vadd.f32 v26, v7;
	v5 =	vadd.s32 v5, v31  }
0x235: {  	v18 =	vld [tilespmem:$0x1FF90];
	v14 =	vadd.f32 v58, v14;
	v8 =	vadd.f32 v47, v8;
	(erf) = vrcp.f32 v12  }
0x236: {  	v3 =	vadd.f32 v45, v3;
	v0 =	vadd.s32 v0, v24;
	v22 =	vcvt.s32.f32 v5  }
0x237: {  	v61 =	vld [tilespmem:$0x1FFB0];
	v7 =	vadd.f32 v55, v7;
	v10 =	vadd.s32 v11, v32;
	v11 =	vadd.f32 v39, v36  }
0x238: {  	(erf) = vrcp.f32 v13;
	v58 =	vadd.f32 v52, v14;
	v8 =	vadd.f32 v20, v8  }
0x239: {  	v24 =	vld [tilespmem:$0x1FF60];
	(erf) = vrcp.f32 v15;
	v17 =	vadd.f32 v17, v34;
	v11 =	vadd.f32 v57, v11  }
0x23a: {  	v9 =	vadd.f32 v18, v9;
	v18 =	vcvt.s32.f32 v0;
	(erf) = vrcp.f32 v16;
	v57 =	vld [tilespmem:$0x1FF70]  }
0x23b: {  	v59 =	vld [tilespmem:$0x1FF50];
	v23 =	vcvt.s32.f32 v10;
	v7 =	vadd.f32 v28, v7;
	v11 =	vadd.f32 v62, v11  }
0x23c: {  	v60 =	vld [tilespmem:$0x1FFA0];
	v3 =	vadd.f32 v61, v3;
	v12 =	vadd.f32 v21, v58;
	(erf) = vrcp.f32 v18  }
0x23d: {  	v8 =	vadd.f32 v29, v8;
	(erf) = vrcp.f32 v22;
	v11 =	vadd.f32 v19, v11  }
0x23e: {  	v1 =	vadd.f32 v1, v7;
	v17 =	vadd.f32 v24, v17;
	v62 =	vld [tilespmem:$0x1FFC0];
	(erf) = vrcp.f32 v23  }
0x23f: {  	v33 =	vld [tilespmem:$0x1FFD0];
	vm10 =	veq.s32 v30, $0x0;
	v9 =	vadd.f32 v57, v9;
	v11 =	vadd.f32 v27, v11  }
0x240: {  	vm11 =	veq.s32 v35, $0x0;
	v34 =	vld [tilespmem:$0x1FFE0];
	v2 =	vadd.f32 v2, v12;
	v13 =	vadd.f32 v59, v17;
	v63 =	vpop (erf)  }
0x241: {  	v37 =	vld [tilespmem:$0x1FFF0];
	v8 =	vadd.f32 v53, v8;
	v32 =	vpop (erf);
	v9 =	vadd.f32 v60, v9;
	v11 =	vmul.f32 v63, v11  }
0x242: {  	v1 =	vadd.f32 v54, v1;
	v7 =	vadd.f32 v49, v13;
	v36 =	vpop (erf);
	v2 =	vmul.f32 v32, v2  }
0x243: {  	vm12 =	veq.s32 v0, $0x0;
	v3 =	vadd.f32 v62, v3;
	v4 =	vpop (erf);
	v9 =	vadd.f32 v50, v9  }
0x244: {  	v7 =	vadd.f32 v33, v7;
	v1 =	vmul.f32 v4, v1;
	v2 =	vsel vm1, $0x0, v2  }
0x245: {  	v8 =	vmul.f32 v36, v8;
	v6 =	vsel vm0, $0x0, v11;
	[tilespmem:s17+$0xFFFFFFD0] =	vst v2;
	v9 =	vadd.f32 v34, v9;
	v11 =	vpop (erf)  }
0x246: {  	v3 =	vadd.f32 v37, v3;
	[tilespmem:s17+$0xFFFFFFC0] =	vst v6;
	v0 =	vsel vm11, $0x0, v1;
	v4 =	vpop (erf);
	v6 =	vmul.f32 v11, v7  }
0x247: {  	[tilespmem:s17+$0xFFFFFFF0] =	vst v0;
	v7 =	vsel vm10, $0x0, v8;
	v2 =	vpop (erf);
	v4 =	vmul.f32 v4, v9  }
0x248: {  	vm13 =	veq.s32 v5, $0x0;
	[tilespmem:s17+$0xFFFFFFE0] =	vst v7;
	v1 =	vmul.f32 v2, v3;
	v2 =	vsel vm12, $0x0, v6  }
0x249: {  	s18 =	smul.u32 $0x140, s15;
	vm14 =	veq.s32 v10, $0x0;
	v0 =	vsel vm13, $0x0, v4;
	[tilespmem:s17+$0x0] =	vst v2  }
0x24a: {  	v1 =	vsel vm14, $0x0, v1;
	[tilespmem:s17+$0x10] =	vst v0  }
0x24b: {  	s18 =	sadd.s32 s2, s18;
	[tilespmem:s17+$0x20] =	vst v1  }
0x24c: {  	[hbm4b:s18+s3] =	stream.linear.scatter [tilespmem:s8], [sflag:$0x5], $0xA00, $0x38;
	[tilespmem:$0x1AA40] =	vst v63  }
0x24d: {  	_ =	swait.ge [sflag:s9], $0xC800  }
0x24e: {  	s16 =	sadd.s32 @!p0 $0x12C, s16;
	[sflag:s9] =	ssyncset.done $0x0  }
0x24f: {  	s17 =	simm.s32 @!p0 $0x0;
	s18 =	simm.s32 @!p0 $0x320;
	[sflag:s9] =	ssyncadd.s32 $0xFFFF3800  }
0x250: {  	[tilespmem:s18], [sflag:$0x2] =	stream.linear.gather @!p0 [hbm4b:s16+s17], $0x320, $0x38;
	[tilespmem:$0x1AA40] =	vst v63  }
0x251: {  	s16 =	simm.s32 @!p0 $0x1  }
0x252: {  	_ =	swait.ge @!p0 [sflag:s16], $0x320  }
0x253: {  	[sflag:s16] =	ssyncset.done @!p0 $0x0  }
0x254: {  	s18 =	simm.s32 @!p0 $0x640;
	[sflag:s16] =	ssyncadd.s32 @!p0 $0xFFFFFCE0;
	s16 =	simm.s32 @!p0 $0x50  }
0x255: {  	[tilespmem:s18], [sflag:$0x3] =	stream.indirect.gather @!p0 [hbm4b:s5+s16], $0x40, s17, s16, $0xb8;
	[tilespmem:$0x1AA40] =	vst v63  }
0x256: {  	s17 =	simm.s32 @!p0 $0x1A40  }
0x257: {  	[tilespmem:s17], [sflag:$0x3] =	stream.indirect.gather @!p0 [hbm4b:s5+s16], $0x40, s16, s16, $0xb8;
	[tilespmem:$0x1AA40] =	vst v63  }
0x258: {  	s18 =	simm.s32 @!p0 $0x2E40;
	s17 =	simm.s32 @!p0 $0xA0  }
0x259: {  	[tilespmem:s18], [sflag:$0x3] =	stream.indirect.gather @!p0 [hbm4b:s5+s16], $0x40, s17, s16, $0xb8;
	[tilespmem:$0x1AA40] =	vst v63  }
0x25a: {  	s17 =	simm.s32 @!p0 $0xF0;
	s18 =	simm.s32 @!p0 $0x4240  }
0x25b: {  	[tilespmem:s18], [sflag:$0x3] =	stream.indirect.gather @!p0 [hbm4b:s5+s16], $0x40, s17, s16, $0xb8;
	[tilespmem:$0x1AA40] =	vst v63  }
0x25c: {  	s17 =	simm.s32 @!p0 $0x140;
	s18 =	simm.s32 @!p0 $0x5640  }
0x25d: {  	[tilespmem:s18], [sflag:$0x3] =	stream.indirect.gather @!p0 [hbm4b:s5+s16], $0x40, s17, s16, $0xb8;
	[tilespmem:$0x1AA40] =	vst v63  }
0x25e: {  	s17 =	simm.s32 @!p0 $0x190;
	s18 =	simm.s32 @!p0 $0x6A40  }
0x25f: {  	[tilespmem:s18], [sflag:$0x3] =	stream.indirect.gather @!p0 [hbm4b:s5+s16], $0x40, s17, s16, $0xb8;
	[tilespmem:$0x1AA40] =	vst v63  }
0x260: {  	s17 =	simm.s32 @!p0 $0x1E0;
	s18 =	simm.s32 @!p0 $0x7E40  }
0x261: {  	[tilespmem:s18], [sflag:$0x3] =	stream.indirect.gather @!p0 [hbm4b:s5+s16], $0x40, s17, s16, $0xb8;
	[tilespmem:$0x1AA40] =	vst v63  }
0x262: {  	s17 =	simm.s32 @!p0 $0x230;
	s18 =	simm.s32 @!p0 $0x9240  }
0x263: {  	[tilespmem:s18], [sflag:$0x3] =	stream.indirect.gather @!p0 [hbm4b:s5+s16], $0x40, s17, s16, $0xb8;
	[tilespmem:$0x1AA40] =	vst v63  }
0x264: {  	s17 =	simm.s32 @!p0 $0x280;
	s18 =	simm.s32 @!p0 $0xA640  }
0x265: {  	[tilespmem:s18], [sflag:$0x3] =	stream.indirect.gather @!p0 [hbm4b:s5+s16], $0x40, s17, s16, $0xb8;
	[tilespmem:$0x1AA40] =	vst v63  }
0x266: {  	p1 =	seq.s32 @!p0 s14, $0x0;
	s17 =	simm.s32 @!p0 $0x2D0;
	s18 =	simm.s32 @!p0 $0xBA40  }
0x267: {  	[tilespmem:s18], [sflag:$0x3] =	stream.indirect.gather @!p0 [hbm4b:s5+s16], $0x40, s17, s16, $0xb8;
	[tilespmem:$0x1AA40] =	vst v63  }
0x268: {  	p0 =	por p0, !p1  }
0x269: {  	_ =	swait.ge @p0 [sflag:s13], $0xA00  }
0x26a: {  	[sflag:s13] =	ssyncset.done @p0 $0x0  }
0x26b: {  	s19 =	simm.s32 $0xD340;
	[sflag:s13] =	ssyncadd.s32 @p0 $0xFFFFF600  }
0x26c: {  	v2 =	vld [tilespmem:s19+$0x4B0]  }
0x26d: {  	v0 =	vld [tilespmem:s19+$0x430]  }
0x26e: {  	v1 =	vld [tilespmem:s19+$0x3B0]  }
0x26f: {  	v3 =	vld [tilespmem:s19+$0x330]  }
0x270: {  	v4 =	vld [tilespmem:s19+$0x2B0]  }
0x271: {  	v5 =	vld [tilespmem:s19+$0x30]  }
0x272: {  	v6 =	vld [tilespmem:s19+$0x230]  }
0x273: {  	v7 =	vld [tilespmem:s19+$0x70]  }
0x274: {  	v8 =	vld [tilespmem:s19+$0x1B0]  }
0x275: {  	v9 =	vld [tilespmem:s19+$0xB0]  }
0x276: {  	v11 =	vld [tilespmem:s19+$0x130];
	v10 =	vadd.f32 $0.0e+00, v5  }
0x277: {  	v38 =	vld [tilespmem:s19+$0xF0]  }
0x278: {  	v10 =	vadd.f32 v7, v10  }
0x279: {  	vm0 =	vclass.f32 v2, $0x3DF  }
0x27a: {  	vm2 =	vclass.f32 v1, $0x3DF;
	vm1 =	vclass.f32 v0, $0x3DF;
	v10 =	vadd.f32 v9, v10  }
0x27b: {  	v39 =	vld [tilespmem:s19+$0x170];
	vm5 =	vclass.f32 v6, $0x3DF;
	vm4 =	vclass.f32 v4, $0x3DF;
	vm3 =	vclass.f32 v3, $0x3DF  }
0x27c: {  	vm6 =	vclass.f32 v11, $0x3DF;
	vm7 =	vclass.f32 v8, $0x3DF;
	v10 =	vadd.f32 v38, v10  }
0x27d: {  	v40 =	vld [tilespmem:s19+$0x270];
	vm8 =	vclass.f32 v5, $0x3DF;
	vm9 =	vclass.f32 v7, $0x3DF;
	vm10 =	vclass.f32 v9, $0x3DF  }
0x27e: {  	v5 =	vsel vm8, $0x1, v51;
	v7 =	vsel vm9, $0x1, v51;
	v9 =	vadd.f32 v11, v10;
	v10 =	vld [tilespmem:s19+$0x1F0]  }
0x27f: {  	v22 =	vld [tilespmem:s19+$0x480];
	vm15 =	vclass.f32 v38, $0x3DF;
	v5 =	vadd.s32 v5, v7;
	v7 =	vsel vm10, $0x1, v51  }
0x280: {  	v41 =	vld [tilespmem:s19+$0x2F0];
	v5 =	vadd.s32 v7, v5;
	v7 =	vsel vm15, $0x1, v51;
	v9 =	vadd.f32 v39, v9  }
0x281: {  	v50 =	vld [tilespmem:s19+$0x490];
	vm11 =	vclass.f32 v39, $0x3DF;
	v5 =	vadd.s32 v7, v5;
	v7 =	vsel vm6, $0x1, v51  }
0x282: {  	v42 =	vld [tilespmem:s19+$0x370];
	v5 =	vadd.s32 v7, v5;
	v7 =	vsel vm11, $0x1, v51;
	v8 =	vadd.f32 v8, v9  }
0x283: {  	v20 =	vld [tilespmem:s19+$0x440];
	v5 =	vadd.s32 v7, v5;
	v7 =	vsel vm7, $0x1, v51;
	vm12 =	vclass.f32 v10, $0x3DF  }
0x284: {  	v43 =	vld [tilespmem:s19+$0x470];
	v5 =	vadd.s32 v7, v5;
	v7 =	vadd.f32 v10, v8;
	v8 =	vsel vm12, $0x1, v51  }
0x285: {  	v21 =	vld [tilespmem:s19+$0x400];
	vm13 =	vclass.f32 v40, $0x3DF;
	v5 =	vadd.s32 v8, v5;
	v8 =	vsel vm5, $0x1, v51  }
0x286: {  	v10 =	vld [tilespmem:s19+$0x3F0];
	v6 =	vadd.f32 v6, v7;
	v5 =	vadd.s32 v8, v5;
	v7 =	vsel vm13, $0x1, v51  }
0x287: {  	v23 =	vld [tilespmem:s19+$0x410];
	vm14 =	vclass.f32 v41, $0x3DF;
	v5 =	vadd.s32 v7, v5;
	v7 =	vsel vm4, $0x1, v51  }
0x288: {  	v19 =	vld [tilespmem:s19+$0x3C0];
	v6 =	vadd.f32 v40, v6;
	v5 =	vadd.s32 v7, v5;
	v7 =	vsel vm14, $0x1, v51  }
0x289: {  	v16 =	vld [tilespmem:s19+$0x380];
	vm15 =	vclass.f32 v42, $0x3DF;
	v5 =	vadd.s32 v7, v5;
	v7 =	vsel vm3, $0x1, v51  }
0x28a: {  	v11 =	vld [tilespmem:s19+$0x4F0];
	v4 =	vadd.f32 v4, v6;
	v5 =	vadd.s32 v7, v5;
	v6 =	vsel vm15, $0x1, v51  }
0x28b: {  	v17 =	vld [tilespmem:s19+$0x390];
	vm5 =	vclass.f32 v10, $0x3DF;
	v5 =	vadd.s32 v6, v5;
	v6 =	vsel vm2, $0x1, v51  }
0x28c: {  	v13 =	vld [tilespmem:s19+$0x350];
	v4 =	vadd.f32 v41, v4;
	v5 =	vadd.s32 v6, v5;
	v6 =	vsel vm5, $0x1, v51  }
0x28d: {  	vm6 =	vclass.f32 v43, $0x3DF;
	v9 =	vld [tilespmem:s19+$0x340];
	v5 =	vadd.s32 v6, v5;
	v6 =	vsel vm1, $0x1, v51  }
0x28e: {  	v8 =	vld [tilespmem:s19+$0x300];
	v3 =	vadd.f32 v3, v4;
	v4 =	vadd.s32 v6, v5;
	v5 =	vsel vm6, $0x1, v51  }
0x28f: {  	vm7 =	vclass.f32 v11, $0x3DF;
	v7 =	vld [tilespmem:s19+$0x3D0];
	v4 =	vadd.s32 v5, v4;
	v5 =	vsel vm0, $0x1, v51  }
0x290: {  	v6 =	vsel vm7, $0x1, v51;
	v4 =	vadd.s32 v5, v4;
	v5 =	vld [tilespmem:s19+$0x1C0];
	[tilespmem:$0x1FB80] =	vst v22  }
0x291: {  	v18 =	vadd.s32 v6, v4;
	v4 =	vld [tilespmem:s19+$0x1D0]  }
0x292: {  	v6 =	vld [tilespmem:s19+$0x180];
	[tilespmem:$0x1FB90] =	vst v20  }
0x293: {  	vm8 =	vclass.f32 v22, $0x3DF;
	vm9 =	vclass.f32 v20, $0x3DF;
	v20 =	vld [tilespmem:s19+$0xC0];
	[tilespmem:$0x1FBA0] =	vst v21  }
0x294: {  	v12 =	vsel vm8, $0x1, v51;
	v14 =	vsel vm9, $0x1, v51;
	v3 =	vadd.f32 v42, v3;
	v22 =	vld [tilespmem:s19+$0x80];
	[tilespmem:$0x1FBB0] =	vst v23  }
0x295: {  	vm10 =	vclass.f32 v21, $0x3DF;
	vm11 =	vclass.f32 v23, $0x3DF;
	vm12 =	vclass.f32 v19, $0x3DF;
	[tilespmem:$0x1FBC0] =	vst v19  }
0x296: {  	vm13 =	vclass.f32 v16, $0x3DF;
	vm4 =	vclass.f32 v13, $0x3DF;
	v1 =	vadd.f32 v1, v3;
	v23 =	vld [tilespmem:s19+$0x90]  }
0x297: {  	vm3 =	vclass.f32 v9, $0x3DF;
	vm2 =	vclass.f32 v17, $0x3DF;
	v3 =	vcvt.s32.f32 v18;
	v24 =	vld [tilespmem:s19+$0xA0];
	[tilespmem:$0x1FBD0] =	vst v7  }
0x298: {  	vm5 =	vclass.f32 v8, $0x3DF;
	vm0 =	vclass.f32 v50, $0x3DF;
	v1 =	vadd.f32 v10, v1;
	v44 =	vld [tilespmem:s19+$0x40]  }
0x299: {  	vm1 =	vclass.f32 v7, $0x3DF;
	v21 =	vsel vm12, $0x1, v51;
	(erf) = vrcp.f32 v3;
	v25 =	vld [tilespmem:s19+$0x50]  }
0x29a: {  	v19 =	vsel vm10, $0x1, v51;
	v10 =	vsel vm11, $0x1, v51;
	v27 =	vld [tilespmem:s19+$0x0];
	v0 =	vadd.f32 v0, v1  }
0x29b: {  	vm7 =	vclass.f32 v5, $0x3DF;
	v28 =	vld [tilespmem:s19+$0x20];
	v1 =	vsel vm13, $0x1, v51;
	vm6 =	vclass.f32 v4, $0x3DF  }
0x29c: {  	v30 =	vld [tilespmem:s19+$0xFFFFFB10];
	vm14 =	vclass.f32 v6, $0x3DF;
	vm15 =	vclass.f32 v20, $0x3DF;
	v0 =	vadd.f32 v43, v0  }
0x29d: {  	v31 =	vld [tilespmem:s19+$0xFFFFFB00];
	v7 =	vsel vm15, $0x1, v51;
	vm12 =	vclass.f32 v22, $0x3DF;
	vm13 =	vclass.f32 v23, $0x3DF  }
0x29e: {  	vm8 =	vclass.f32 v24, $0x3DF;
	v0 =	vadd.f32 v2, v0;
	v2 =	vsel vm14, $0x1, v51  }
0x29f: {  	v26 =	vld [tilespmem:s19+$0x60];
	v29 =	vsel vm13, $0x1, v51;
	vm14 =	vclass.f32 v44, $0x3DF;
	vm15 =	vclass.f32 v25, $0x3DF  }
0x2a0: {  	v46 =	vld [tilespmem:s19+$0xFFFFFB20];
	v48 =	vadd.f32 $0.0e+00, v27;
	vm9 =	vclass.f32 v27, $0x3DF;
	v38 =	vadd.f32 $0.0e+00, v28  }
0x2a1: {  	v52 =	vadd.f32 $0.0e+00, v30;
	vm13 =	vclass.f32 v30, $0x3DF;
	v30 =	vld [tilespmem:s19+$0xFFFFFB50];
	v0 =	vadd.f32 v11, v0  }
0x2a2: {  	vm11 =	vclass.f32 v31, $0x3DF;
	v31 =	vadd.f32 $0.0e+00, v31;
	v11 =	vld [tilespmem:s19+$0x10];
	v15 =	vadd.f32 v44, v48;
	v3 =	vpop (erf)  }
0x2a3: {  	v37 =	vld [tilespmem:s19+$0xFFFFFB40];
	v45 =	vsel vm14, $0x1, v51;
	v3 =	vmul.f32 v3, v0;
	v0 =	vsel vm12, $0x1, v51  }
0x2a4: {  	vm12 =	vclass.f32 v26, $0x3DF;
	v26 =	vadd.f32 v26, v38;
	v15 =	vadd.f32 v22, v15  }
0x2a5: {  	v60 =	vld [tilespmem:s19+$0xFFFFFBA0];
	v47 =	vsel vm15, $0x1, v51;
	v53 =	vsel vm11, $0x1, v51;
	v49 =	vsel vm12, $0x1, v51  }
0x2a6: {  	v32 =	vld [tilespmem:s19+$0x100];
	vm12 =	vclass.f32 v30, $0x3DF;
	v24 =	vadd.f32 v24, v26;
	v15 =	vadd.f32 v20, v15  }
0x2a7: {  	v26 =	vld [tilespmem:s19+$0xFFFFFB70];
	v20 =	vsel vm13, $0x1, v51;
	v56 =	vsel vm12, $0x1, v51;
	v27 =	vadd.f32 $0.0e+00, v11  }
0x2a8: {  	vm14 =	vclass.f32 v46, $0x3DF;
	vm15 =	vclass.f32 v37, $0x3DF;
	v20 =	vadd.s32 v20, v56;
	v56 =	vld [tilespmem:s19+$0x140]  }
0x2a9: {  	v40 =	vsel vm9, $0x1, v51;
	v31 =	vadd.f32 v37, v31;
	v25 =	vadd.f32 v25, v27;
	v27 =	vld [tilespmem:s19+$0xFFFFFB30]  }
0x2aa: {  	v54 =	vsel vm15, $0x1, v51;
	v58 =	vsel vm14, $0x1, v51;
	vm12 =	vclass.f32 v11, $0x3DF  }
0x2ab: {  	v22 =	vadd.f32 $0.0e+00, v46;
	v30 =	vadd.f32 v30, v52;
	v44 =	vsel vm12, $0x1, v51  }
0x2ac: {  	v57 =	vld [tilespmem:s19+$0xFFFFFB80];
	vm12 =	vclass.f32 v60, $0x3DF;
	v15 =	vadd.f32 v32, v15;
	v34 =	vadd.s32 v44, v47  }
0x2ad: {  	v29 =	vadd.s32 v29, v34;
	v23 =	vadd.f32 v23, v25;
	v25 =	vld [tilespmem:s19+$0xFFFFFB60];
	vm15 =	vclass.f32 v26, $0x3DF  }
0x2ae: {  	v63 =	vld [tilespmem:s19+$0xFFFFFBB0];
	v62 =	vsel vm15, $0x1, v51;
	v15 =	vadd.f32 v56, v15;
	v55 =	vadd.f32 $0.0e+00, v27  }
0x2af: {  	vm13 =	vclass.f32 v27, $0x3DF;
	v27 =	vadd.s32 v53, v54;
	v53 =	vsel vm8, $0x1, v51  }
0x2b0: {  	v54 =	vsel vm12, $0x1, v51;
	v6 =	vadd.f32 v6, v15;
	v61 =	vsel vm13, $0x1, v51  }
0x2b1: {  	v46 =	vld [tilespmem:s19+$0xFFFFFBC0];
	vm13 =	vclass.f32 v28, $0x3DF;
	v28 =	vadd.f32 v57, v31;
	v31 =	vadd.s32 v40, v45  }
0x2b2: {  	v48 =	vld [tilespmem:s19+$0xFFFFFBD0];
	v22 =	vadd.f32 v25, v22;
	vm14 =	vclass.f32 v25, $0x3DF;
	v35 =	vadd.f32 v26, v55  }
0x2b3: {  	v52 =	vld [tilespmem:s19+$0x190];
	v11 =	vadd.s32 v61, v62;
	v45 =	vsel vm13, $0x1, v51;
	vm13 =	vclass.f32 v63, $0x3DF  }
0x2b4: {  	v25 =	vld [tilespmem:s19+$0xFFFFFB90];
	v0 =	vadd.s32 v0, v31;
	v5 =	vadd.f32 v5, v6;
	v59 =	vsel vm14, $0x1, v51  }
0x2b5: {  	v55 =	vld [tilespmem:s19+$0xFFFFFBF0];
	vm14 =	vclass.f32 v57, $0x3DF;
	v33 =	vadd.s32 v45, v49;
	v41 =	vsel vm13, $0x1, v51  }
0x2b6: {  	v31 =	vld [tilespmem:s19+$0xD0];
	v28 =	vadd.f32 v46, v28;
	v0 =	vadd.s32 v7, v0;
	v26 =	vadd.s32 v58, v59  }
0x2b7: {  	v44 =	vld [tilespmem:s19+$0xFFFFFC10];
	v47 =	vsel vm14, $0x1, v51;
	v22 =	vadd.f32 v60, v22;
	v35 =	vadd.f32 v63, v35  }
0x2b8: {  	v62 =	vld [tilespmem:s19+$0x150];
	v11 =	vadd.s32 v41, v11;
	vm14 =	vclass.f32 v46, $0x3DF;
	v33 =	vadd.s32 v53, v33  }
0x2b9: {  	v7 =	vld [tilespmem:s19+$0x1E0];
	v26 =	vadd.s32 v54, v26;
	v58 =	vsel vm14, $0x1, v51;
	v30 =	vadd.f32 v25, v30  }
0x2ba: {  	v59 =	vld [tilespmem:s19+$0xE0];
	vm15 =	vclass.f32 v25, $0x3DF;
	v25 =	vadd.s32 v47, v27;
	v35 =	vadd.f32 v55, v35  }
0x2bb: {  	v57 =	vld [tilespmem:s19+$0x110];
	vm13 =	vclass.f32 v55, $0x3DF;
	v23 =	vadd.f32 v31, v23;
	vm14 =	vclass.f32 v31, $0x3DF  }
0x2bc: {  	v46 =	vld [tilespmem:s19+$0xFFFFFC20];
	v49 =	vsel vm15, $0x1, v51;
	vm15 =	vclass.f32 v48, $0x3DF;
	v25 =	vadd.s32 v58, v25  }
0x2bd: {  	v60 =	vld [tilespmem:s19+$0x120];
	v31 =	vsel vm13, $0x1, v51;
	v63 =	vsel vm14, $0x1, v51;
	vm13 =	vclass.f32 v44, $0x3DF  }
0x2be: {  	vm14 =	vclass.f32 v52, $0x3DF;
	vm8 =	vclass.f32 v7, $0x3DF;
	v20 =	vadd.s32 v49, v20  }
0x2bf: {  	v27 =	vld [tilespmem:s19+$0xFFFFFBE0];
	v30 =	vadd.f32 v48, v30;
	v11 =	vadd.s32 v31, v11;
	v24 =	vadd.f32 v59, v24  }
0x2c0: {  	v23 =	vadd.f32 v57, v23;
	v29 =	vadd.s32 v63, v29;
	v49 =	vsel vm13, $0x1, v51  }
0x2c1: {  	v37 =	vsel vm14, $0x1, v51;
	vm13 =	vclass.f32 v46, $0x3DF;
	vm14 =	vclass.f32 v62, $0x3DF  }
0x2c2: {  	v45 =	vld [tilespmem:s19+$0x1A0];
	v43 =	vsel vm8, $0x1, v51;
	v39 =	vsel vm14, $0x1, v51;
	v24 =	vadd.f32 v60, v24  }
0x2c3: {  	v31 =	vld [tilespmem:s19+$0x160];
	vm14 =	vclass.f32 v60, $0x3DF;
	v23 =	vadd.f32 v62, v23;
	v30 =	vadd.f32 v44, v30  }
0x2c4: {  	v36 =	vsel vm14, $0x1, v51;
	v22 =	vadd.f32 v27, v22;
	vm12 =	vclass.f32 v27, $0x3DF  }
0x2c5: {  	v6 =	vld [tilespmem:s19+$0xFFFFFC90];
	v27 =	vsel vm15, $0x1, v51;
	vm15 =	vclass.f32 v59, $0x3DF;
	v61 =	vsel vm12, $0x1, v51  }
0x2c6: {  	v55 =	vld [tilespmem:s19+$0xFFFFFC60];
	v20 =	vadd.s32 v27, v20;
	v38 =	vsel vm15, $0x1, v51;
	v23 =	vadd.f32 v52, v23  }
0x2c7: {  	v44 =	vld [tilespmem:s19+$0x220];
	vm15 =	vclass.f32 v45, $0x3DF;
	v52 =	vsel vm13, $0x1, v51;
	vm13 =	vclass.f32 v57, $0x3DF  }
0x2c8: {  	v59 =	vld [tilespmem:s19+$0x200];
	v57 =	vsel vm7, $0x1, v51;
	v26 =	vadd.s32 v61, v26;
	v24 =	vadd.f32 v31, v24  }
0x2c9: {  	v27 =	vld [tilespmem:s19+$0xFFFFFC00];
	v20 =	vadd.s32 v49, v20;
	v22 =	vadd.f32 v46, v22;
	vm9 =	vclass.f32 v31, $0x3DF  }
0x2ca: {  	v34 =	vsel vm13, $0x1, v51;
	v61 =	vsel vm6, $0x1, v51;
	v26 =	vadd.s32 v52, v26  }
0x2cb: {  	v31 =	vld [tilespmem:s19+$0xFFFFFC50];
	v29 =	vadd.s32 v34, v29;
	v60 =	vsel vm9, $0x1, v51;
	v4 =	vadd.f32 v4, v23  }
0x2cc: {  	v46 =	vld [tilespmem:s19+$0xFFFFFCE0];
	vm9 =	vclass.f32 v6, $0x3DF;
	v24 =	vadd.f32 v45, v24;
	v22 =	vadd.f32 v55, v22  }
0x2cd: {  	v53 =	vld [tilespmem:s19+$0xFFFFFC40];
	vm6 =	vclass.f32 v44, $0x3DF;
	vm14 =	vclass.f32 v59, $0x3DF;
	v5 =	vadd.f32 v59, v5  }
0x2ce: {  	v23 =	vld [tilespmem:s19+$0xFFFFFCA0];
	v28 =	vadd.f32 v27, v28;
	vm12 =	vclass.f32 v27, $0x3DF;
	v27 =	vadd.s32 v38, v33  }
0x2cf: {  	v63 =	vld [tilespmem:s19+$0xFFFFFCB0];
	v33 =	vsel vm15, $0x1, v51;
	v7 =	vadd.f32 v7, v24;
	v49 =	vsel vm14, $0x1, v51  }
0x2d0: {  	v52 =	vld [tilespmem:s19+$0xFFFFFD20];
	v47 =	vsel vm12, $0x1, v51;
	vm12 =	vclass.f32 v56, $0x3DF;
	v27 =	vadd.s32 v36, v27  }
0x2d1: {  	v56 =	vld [tilespmem:s19+$0xFFFFFC70];
	v30 =	vadd.f32 v31, v30;
	vm11 =	vclass.f32 v31, $0x3DF;
	vm14 =	vclass.f32 v46, $0x3DF  }
0x2d2: {  	v31 =	vld [tilespmem:s19+$0x210];
	v48 =	vadd.s32 v47, v25;
	v28 =	vadd.f32 v53, v28;
	v42 =	vsel vm11, $0x1, v51  }
0x2d3: {  	v25 =	vld [tilespmem:s19+$0xFFFFFC30];
	v27 =	vadd.s32 v60, v27;
	v22 =	vadd.f32 v23, v22;
	vm10 =	vclass.f32 v23, $0x3DF  }
0x2d4: {  	v23 =	vsel vm9, $0x1, v51;
	vm11 =	vclass.f32 v63, $0x3DF;
	v7 =	vadd.f32 v44, v7  }
0x2d5: {  	v20 =	vadd.s32 v42, v20;
	v30 =	vadd.f32 v6, v30;
	v22 =	vadd.f32 v46, v22  }
0x2d6: {  	v20 =	vadd.s32 v23, v20;
	v23 =	vsel vm11, $0x1, v51;
	vm13 =	vclass.f32 v56, $0x3DF  }
0x2d7: {  	v62 =	vld [tilespmem:s19+$0xFFFFFC80];
	vm7 =	vclass.f32 v31, $0x3DF;
	v22 =	vadd.f32 v52, v22;
	v4 =	vadd.f32 v31, v4  }
0x2d8: {  	v24 =	vld [tilespmem:s19+$0xFFFFFCC0];
	v35 =	vadd.f32 v25, v35;
	vm15 =	vclass.f32 v25, $0x3DF;
	v25 =	vsel vm12, $0x1, v51  }
0x2d9: {  	vm12 =	vclass.f32 v32, $0x3DF;
	v34 =	vsel vm13, $0x1, v51;
	v54 =	vsel vm15, $0x1, v51  }
0x2da: {  	v32 =	vsel vm12, $0x1, v51;
	vm15 =	vclass.f32 v53, $0x3DF;
	vm12 =	vclass.f32 v55, $0x3DF  }
0x2db: {  	v47 =	vld [tilespmem:s19+$0xFFFFFCF0];
	v11 =	vadd.s32 v54, v11;
	v0 =	vadd.s32 v32, v0;
	v58 =	vsel vm15, $0x1, v51  }
0x2dc: {  	v35 =	vadd.f32 v56, v35;
	v32 =	vsel vm12, $0x1, v51;
	vm15 =	vclass.f32 v62, $0x3DF  }
0x2dd: {  	vm12 =	vclass.f32 v24, $0x3DF;
	v54 =	vsel vm14, $0x1, v51;
	vm14 =	vclass.f32 v52, $0x3DF  }
0x2de: {  	v15 =	vadd.s32 v58, v48;
	v26 =	vadd.s32 v32, v26;
	v11 =	vadd.s32 v34, v11  }
0x2df: {  	v31 =	vld [tilespmem:s19+$0x240];
	v0 =	vadd.s32 v25, v0;
	v25 =	vadd.f32 v62, v28;
	v28 =	vadd.s32 v39, v29  }
0x2e0: {  	v45 =	vsel vm15, $0x1, v51;
	v48 =	vsel vm10, $0x1, v51;
	vm15 =	vclass.f32 v47, $0x3DF  }
0x2e1: {  	v53 =	vsel vm12, $0x1, v51;
	v60 =	vsel vm14, $0x1, v51;
	v62 =	vsel vm7, $0x1, v51  }
0x2e2: {  	v6 =	vadd.s32 v45, v15;
	v35 =	vadd.f32 v63, v35;
	v26 =	vadd.s32 v48, v26  }
0x2e3: {  	v29 =	vld [tilespmem:s19+$0xFFFFFCD0];
	v11 =	vadd.s32 v23, v11;
	v0 =	vadd.s32 v2, v0;
	v28 =	vadd.s32 v37, v28  }
0x2e4: {  	v58 =	vld [tilespmem:s19+$0x250];
	v55 =	vsel vm15, $0x1, v51;
	vm14 =	vclass.f32 v31, $0x3DF;
	v5 =	vadd.f32 v31, v5  }
0x2e5: {  	v23 =	vld [tilespmem:s19+$0xFFFFFD00];
	v25 =	vadd.f32 v24, v25;
	v24 =	vadd.s32 v33, v27;
	v6 =	vadd.s32 v53, v6  }
0x2e6: {  	v2 =	vld [tilespmem:s19+$0xFFFFFD10];
	v26 =	vadd.s32 v54, v26;
	v11 =	vadd.s32 v55, v11;
	v0 =	vadd.s32 v57, v0  }
0x2e7: {  	v63 =	vld [tilespmem:s19+$0x260];
	v28 =	vadd.s32 v61, v28;
	v53 =	vsel vm14, $0x1, v51;
	v35 =	vadd.f32 v47, v35  }
0x2e8: {  	v27 =	vld [tilespmem:s19+$0xFFFFFD30];
	v24 =	vadd.s32 v43, v24;
	v47 =	vsel vm6, $0x1, v51;
	v26 =	vadd.s32 v60, v26  }
0x2e9: {  	v56 =	vld [tilespmem:s19+$0xFFFFFD40];
	v0 =	vadd.s32 v49, v0;
	v28 =	vadd.s32 v62, v28;
	v24 =	vadd.s32 v47, v24  }
0x2ea: {  	v33 =	vld [tilespmem:s19+$0x280];
	v0 =	vadd.s32 v53, v0;
	v30 =	vadd.f32 v29, v30;
	vm13 =	vclass.f32 v29, $0x3DF  }
0x2eb: {  	v4 =	vadd.f32 v58, v4;
	v29 =	vsel vm13, $0x1, v51;
	v25 =	vadd.f32 v23, v25  }
0x2ec: {  	v34 =	vld [tilespmem:s19+$0xFFFFFDD0];
	vm12 =	vclass.f32 v23, $0x3DF;
	vm13 =	vclass.f32 v2, $0x3DF;
	v7 =	vadd.f32 v63, v7  }
0x2ed: {  	v48 =	vld [tilespmem:s19+$0xFFFFFD80];
	v23 =	vadd.f32 v2, v30;
	v2 =	vadd.s32 v29, v20;
	v30 =	vadd.f32 v27, v35  }
0x2ee: {  	v47 =	vld [tilespmem:s19+$0xFFFFFDB0];
	vm15 =	vclass.f32 v27, $0x3DF;
	v57 =	vsel vm12, $0x1, v51;
	v59 =	vsel vm13, $0x1, v51  }
0x2ef: {  	v31 =	vld [tilespmem:s19+$0xFFFFFDC0];
	vm12 =	vclass.f32 v56, $0x3DF;
	v5 =	vadd.f32 v33, v5;
	v61 =	vsel vm15, $0x1, v51  }
0x2f0: {  	v20 =	vld [tilespmem:s19+$0xFFFFFD50];
	v6 =	vadd.s32 v57, v6;
	v2 =	vadd.s32 v59, v2;
	vm15 =	vclass.f32 v58, $0x3DF  }
0x2f1: {  	v29 =	vld [tilespmem:s19+$0xFFFFFD60];
	v45 =	vsel vm12, $0x1, v51;
	v15 =	vadd.f32 v56, v25;
	vm12 =	vclass.f32 v63, $0x3DF  }
0x2f2: {  	v27 =	vld [tilespmem:s19+$0xFFFFFD70];
	v11 =	vadd.s32 v61, v11;
	v6 =	vadd.s32 v45, v6;
	v54 =	vsel vm15, $0x1, v51  }
0x2f3: {  	vm14 =	vclass.f32 v47, $0x3DF;
	vm15 =	vclass.f32 v33, $0x3DF;
	v28 =	vadd.s32 v54, v28  }
0x2f4: {  	v32 =	vld [tilespmem:s19+$0xFFFFFD90];
	v58 =	vsel vm14, $0x1, v51;
	v59 =	vsel vm15, $0x1, v51;
	vm14 =	vclass.f32 v31, $0x3DF  }
0x2f5: {  	v25 =	vld [tilespmem:s19+$0xFFFFFDA0];
	vm15 =	vclass.f32 v34, $0x3DF;
	v15 =	vadd.f32 v48, v15;
	v0 =	vadd.s32 v59, v0  }
0x2f6: {  	v38 =	vld [tilespmem:s19+$0x2C0];
	vm8 =	vclass.f32 v20, $0x3DF;
	vm6 =	vclass.f32 v29, $0x3DF;
	v20 =	vadd.f32 v20, v23  }
0x2f7: {  	vm13 =	vclass.f32 v27, $0x3DF;
	v22 =	vadd.f32 v29, v22;
	v27 =	vadd.f32 v27, v30  }
0x2f8: {  	v30 =	vsel vm12, $0x1, v51;
	v15 =	vadd.f32 v31, v15;
	v46 =	vsel vm8, $0x1, v51  }
0x2f9: {  	v62 =	vld [tilespmem:s19+$0x2D0];
	v49 =	vsel vm6, $0x1, v51;
	v52 =	vsel vm13, $0x1, v51;
	vm13 =	vclass.f32 v48, $0x3DF  }
0x2fa: {  	v43 =	vld [tilespmem:s19+$0xFFFFFE50];
	vm8 =	vclass.f32 v32, $0x3DF;
	vm7 =	vclass.f32 v25, $0x3DF;
	v24 =	vadd.s32 v30, v24  }
0x2fb: {  	v45 =	vld [tilespmem:s19+$0xFFFFFE60];
	v48 =	vsel vm14, $0x1, v51;
	vm14 =	vclass.f32 v38, $0x3DF;
	v2 =	vadd.s32 v46, v2  }
0x2fc: {  	v26 =	vadd.s32 v49, v26;
	v11 =	vadd.s32 v52, v11;
	v55 =	vsel vm13, $0x1, v51  }
0x2fd: {  	v37 =	vld [tilespmem:s19+$0xFFFFFDF0];
	v56 =	vsel vm8, $0x1, v51;
	v57 =	vsel vm7, $0x1, v51;
	v20 =	vadd.f32 v32, v20  }
0x2fe: {  	v23 =	vld [tilespmem:s19+$0x290];
	v49 =	vsel vm15, $0x1, v51;
	v22 =	vadd.f32 v25, v22;
	v27 =	vadd.f32 v47, v27  }
0x2ff: {  	v29 =	vld [tilespmem:s19+$0x2A0];
	vm15 =	vclass.f32 v62, $0x3DF;
	v54 =	vsel vm14, $0x1, v51;
	v46 =	vsel vm4, $0x1, v51  }
0x300: {  	v35 =	vld [tilespmem:s19+$0xFFFFFE20];
	vm8 =	vclass.f32 v43, $0x3DF;
	vm9 =	vclass.f32 v45, $0x3DF;
	v6 =	vadd.s32 v55, v6  }
0x301: {  	v30 =	vld [tilespmem:s19+$0xFFFFFDE0];
	v2 =	vadd.s32 v56, v2;
	v26 =	vadd.s32 v57, v26;
	v11 =	vadd.s32 v58, v11  }
0x302: {  	v0 =	vadd.s32 v54, v0;
	v57 =	vsel vm3, $0x1, v51;
	v6 =	vadd.s32 v48, v6  }
0x303: {  	v36 =	vld [tilespmem:s19+$0xFFFFFE30];
	v2 =	vadd.s32 v49, v2;
	v20 =	vadd.f32 v34, v20;
	v27 =	vadd.f32 v37, v27  }
0x304: {  	v63 =	vld [tilespmem:s19+$0x2E0];
	vm12 =	vclass.f32 v23, $0x3DF;
	vm13 =	vclass.f32 v29, $0x3DF;
	v23 =	vadd.f32 v23, v4  }
0x305: {  	v32 =	vld [tilespmem:s19+$0xFFFFFE00];
	v29 =	vadd.f32 v29, v7;
	v4 =	vsel vm15, $0x1, v51;
	vm15 =	vclass.f32 v35, $0x3DF  }
0x306: {  	v25 =	vld [tilespmem:s19+$0xFFFFFE10];
	v60 =	vsel vm12, $0x1, v51;
	v61 =	vsel vm13, $0x1, v51;
	vm12 =	vclass.f32 v30, $0x3DF  }
0x307: {  	vm13 =	vclass.f32 v37, $0x3DF;
	v30 =	vadd.f32 v30, v22;
	v22 =	vsel vm8, $0x1, v51  }
0x308: {  	v37 =	vadd.f32 v38, v5;
	v5 =	vsel vm9, $0x1, v51;
	v27 =	vadd.f32 v36, v27  }
0x309: {  	v42 =	vld [tilespmem:s19+$0x310];
	v28 =	vadd.s32 v60, v28;
	v24 =	vadd.s32 v61, v24;
	v52 =	vsel vm12, $0x1, v51  }
0x30a: {  	v33 =	vld [tilespmem:s19+$0x320];
	vm12 =	vclass.f32 v63, $0x3DF;
	v53 =	vsel vm13, $0x1, v51;
	vm13 =	vclass.f32 v32, $0x3DF  }
0x30b: {  	vm14 =	vclass.f32 v25, $0x3DF;
	v29 =	vadd.f32 v63, v29;
	v32 =	vadd.f32 v32, v15  }
0x30c: {  	v25 =	vadd.f32 v25, v20;
	v26 =	vadd.s32 v52, v26;
	v7 =	vsel vm12, $0x1, v51  }
0x30d: {  	v49 =	vld [tilespmem:s19+$0xFFFFFE70];
	v11 =	vadd.s32 v53, v11;
	v4 =	vadd.s32 v4, v28;
	v28 =	vsel vm13, $0x1, v51  }
0x30e: {  	v55 =	vsel vm14, $0x1, v51;
	vm12 =	vclass.f32 v36, $0x3DF;
	vm13 =	vclass.f32 v42, $0x3DF  }
0x30f: {  	vm14 =	vclass.f32 v33, $0x3DF;
	v52 =	vadd.f32 v62, v23;
	v30 =	vadd.f32 v35, v30  }
0x310: {  	v8 =	vadd.f32 v8, v37;
	v7 =	vadd.s32 v7, v24;
	v6 =	vadd.s32 v28, v6  }
0x311: {  	v28 =	vsel vm15, $0x1, v51;
	v41 =	vadd.s32 v55, v2;
	v2 =	vsel vm12, $0x1, v51  }
0x312: {  	v60 =	vld [tilespmem:s19+$0xFFFFFEC0];
	v56 =	vsel vm13, $0x1, v51;
	vm11 =	vclass.f32 v49, $0x3DF;
	v33 =	vadd.f32 v33, v29  }
0x313: {  	v24 =	vld [tilespmem:s19+$0xFFFFFE40];
	v25 =	vadd.f32 v43, v25;
	v26 =	vadd.s32 v28, v26;
	v28 =	vsel vm5, $0x1, v51  }
0x314: {  	v47 =	vld [tilespmem:s19+$0x450];
	v11 =	vadd.s32 v2, v11;
	v59 =	vadd.s32 v22, v41;
	v38 =	vsel vm11, $0x1, v51  }
0x315: {  	v2 =	vld [tilespmem:s19+$0x360];
	v9 =	vadd.f32 v9, v8;
	v0 =	vadd.s32 v28, v0;
	v28 =	vadd.s32 v56, v4  }
0x316: {  	v22 =	vld [tilespmem:s19+$0xFFFFFEB0];
	v4 =	vsel vm14, $0x1, v51;
	v26 =	vadd.s32 v5, v26;
	v11 =	vadd.s32 v38, v11  }
0x317: {  	v5 =	vld [tilespmem:s19+$0x3A0];
	v58 =	vadd.s32 v4, v7;
	v0 =	vadd.s32 v57, v0;
	v28 =	vadd.s32 v46, v28  }
0x318: {  	v4 =	vld [tilespmem:s19+$0xFFFFFE80];
	vm9 =	vclass.f32 v60, $0x3DF;
	v0 =	vadd.s32 v1, v0;
	vm15 =	vclass.f32 v24, $0x3DF  }
0x319: {  	v39 =	vld [tilespmem:s19+$0xFFFFFED0];
	v1 =	vsel vm1, $0x1, v51;
	v55 =	vsel vm9, $0x1, v51;
	v7 =	vsel vm15, $0x1, v51  }
0x31a: {  	vm9 =	vclass.f32 v47, $0x3DF;
	v0 =	vadd.s32 v21, v0;
	v31 =	vadd.s32 v7, v6;
	v6 =	vld [tilespmem:s19+$0xFFFFFE90]  }
0x31b: {  	vm10 =	vclass.f32 v2, $0x3DF;
	vm15 =	vclass.f32 v22, $0x3DF;
	v0 =	vadd.s32 v19, v0;
	v7 =	vld [tilespmem:s19+$0xFFFFFEA0]  }
0x31c: {  	v44 =	vld [tilespmem:s19+$0x420];
	v37 =	vadd.f32 v2, v33;
	v23 =	vsel vm10, $0x1, v51;
	vm8 =	vclass.f32 v5, $0x3DF  }
0x31d: {  	vm12 =	vclass.f32 v4, $0x3DF;
	v48 =	vadd.s32 v23, v58;
	v54 =	vsel vm8, $0x1, v51;
	v58 =	vld [tilespmem:s19+$0xFFFFFF00]  }
0x31e: {  	v46 =	vsel vm12, $0x1, v51;
	v40 =	vadd.s32 v54, v48;
	v48 =	vadd.f32 v42, v52;
	v52 =	vld [tilespmem:s19+$0xFFFFFF40]  }
0x31f: {  	vm10 =	vclass.f32 v39, $0x3DF;
	v31 =	vadd.s32 v46, v31;
	v46 =	vld [tilespmem:s19+$0x3E0];
	vm13 =	vclass.f32 v6, $0x3DF  }
0x320: {  	v20 =	vadd.s32 v55, v31;
	v55 =	vld [tilespmem:s19+$0xFFFFFF20];
	vm14 =	vclass.f32 v7, $0x3DF;
	v23 =	vsel vm13, $0x1, v51  }
0x321: {  	v53 =	vsel vm14, $0x1, v51;
	v34 =	vadd.s32 v23, v59;
	v23 =	vsel vm15, $0x1, v51;
	v59 =	vld [tilespmem:s19+$0xFFFFFF10]  }
0x322: {  	v38 =	vadd.s32 v53, v26;
	v26 =	vsel vm2, $0x1, v51;
	v41 =	vadd.s32 v23, v11;
	v23 =	vld [tilespmem:s19+$0xFFFFFEE0]  }
0x323: {  	v57 =	vsel vm10, $0x1, v51;
	vm14 =	vclass.f32 v58, $0x3DF;
	v28 =	vadd.s32 v26, v28;
	v26 =	vld [tilespmem:s19+$0xFFFFFEF0]  }
0x324: {  	vm8 =	vclass.f32 v44, $0x3DF;
	v21 =	vsel vm14, $0x1, v51;
	v31 =	vadd.s32 v57, v34;
	v57 =	vld [tilespmem:s19+$0xFFFFFF30]  }
0x325: {  	vm10 =	vclass.f32 v52, $0x3DF;
	vm12 =	vclass.f32 v46, $0x3DF;
	v53 =	vadd.s32 v21, v20  }
0x326: {  	v63 =	vsel vm12, $0x1, v51;
	v1 =	vadd.s32 v1, v28;
	vm6 =	vclass.f32 v55, $0x3DF  }
0x327: {  	v29 =	vadd.s32 v63, v40;
	v10 =	vadd.s32 v10, v1;
	v1 =	vsel vm10, $0x1, v51  }
0x328: {  	v19 =	vld [tilespmem:s19+$0xFFFFFF80];
	vm15 =	vclass.f32 v59, $0x3DF;
	vm11 =	vclass.f32 v23, $0x3DF;
	vm13 =	vclass.f32 v26, $0x3DF  }
0x329: {  	v11 =	vld [tilespmem:s19+$0x460];
	vm7 =	vclass.f32 v57, $0x3DF;
	v20 =	vsel vm15, $0x1, v51;
	v61 =	vsel vm11, $0x1, v51  }
0x32a: {  	v28 =	vld [tilespmem:s19+$0xFFFFFF70];
	v15 =	vsel vm13, $0x1, v51;
	v31 =	vadd.s32 v20, v31;
	v20 =	vsel vm6, $0x1, v51  }
0x32b: {  	v56 =	vld [tilespmem:s19+$0xFFFFFF50];
	v21 =	vsel vm7, $0x1, v51;
	v62 =	vadd.s32 v61, v38;
	v36 =	vadd.s32 v15, v41  }
0x32c: {  	v34 =	vadd.s32 v20, v62;
	v36 =	vadd.s32 v21, v36;
	v20 =	vld [tilespmem:s19+$0xFFFFFF60];
	v21 =	vsel vm8, $0x1, v51  }
0x32d: {  	v40 =	vadd.f32 v49, v27;
	v27 =	vsel vm9, $0x1, v51;
	v54 =	vadd.s32 v21, v29;
	v21 =	vld [tilespmem:s19+$0xFFFFFF90]  }
0x32e: {  	v10 =	vadd.s32 v27, v10;
	vm14 =	vclass.f32 v11, $0x3DF;
	vm15 =	vclass.f32 v19, $0x3DF;
	v29 =	vld [tilespmem:s19+$0xFFFFFFA0];
	[tilespmem:$0x1FBE0] =	vst v11  }
0x32f: {  	vm13 =	vclass.f32 v28, $0x3DF;
	v63 =	vsel vm14, $0x1, v51;
	v2 =	vsel vm15, $0x1, v51;
	v49 =	vld [tilespmem:s19+$0x4A0]  }
0x330: {  	v38 =	vadd.f32 v24, v32;
	v24 =	vadd.s32 v1, v53;
	v8 =	vsel vm13, $0x1, v51;
	v27 =	vld [tilespmem:s19+$0xFFFFFFC0]  }
0x331: {  	v8 =	vadd.s32 v8, v36;
	v36 =	vadd.s32 v63, v54;
	v63 =	vadd.s32 v2, v24;
	v2 =	vld [tilespmem:s19+$0xFFFFFFD0]  }
0x332: {  	v30 =	vadd.f32 v45, v30;
	v0 =	vadd.s32 v14, v0;
	vm11 =	vclass.f32 v56, $0x3DF;
	v53 =	vld [tilespmem:s19+$0xFFFFFFE0]  }
0x333: {  	v35 =	vadd.f32 v13, v48;
	v1 =	vsel vm11, $0x1, v51;
	v54 =	vld [tilespmem:s19+$0xFFFFFFF0];
	vm12 =	vclass.f32 v20, $0x3DF  }
0x334: {  	v33 =	vadd.f32 v6, v25;
	v31 =	vadd.s32 v1, v31;
	v11 =	vld [tilespmem:s19+$0x4C0];
	v1 =	vsel vm12, $0x1, v51  }
0x335: {  	vm4 =	vclass.f32 v21, $0x3DF;
	vm5 =	vclass.f32 v29, $0x3DF;
	vm12 =	veq.s32 v18, $0x0  }
0x336: {  	v61 =	vadd.s32 v1, v34;
	v62 =	vsel vm4, $0x1, v51;
	v24 =	vsel vm5, $0x1, v51  }
0x337: {  	vm7 =	vclass.f32 v49, $0x3DF;
	vm8 =	vclass.f32 v27, $0x3DF;
	vm9 =	vclass.f32 v2, $0x3DF  }
0x338: {  	v1 =	vld [tilespmem:s19+$0xFFFFFFB0];
	v34 =	vadd.f32 v16, v9;
	vm10 =	vclass.f32 v53, $0x3DF;
	v9 =	vadd.f32 v17, v35  }
0x339: {  	vm11 =	vclass.f32 v54, $0x3DF;
	vm13 =	vclass.f32 v11, $0x3DF;
	v15 =	vadd.s32 v62, v31  }
0x33a: {  	v41 =	vadd.s32 v24, v61;
	v31 =	vsel vm0, $0x1, v51;
	v48 =	vsel vm7, $0x1, v51;
	v62 =	vld [tilespmem:s19+$0x4D0]  }
0x33b: {  	v24 =	vadd.s32 v12, v0;
	v0 =	vsel vm8, $0x1, v51;
	v31 =	vadd.s32 v31, v10  }
0x33c: {  	v32 =	vadd.s32 v48, v36;
	v36 =	vadd.f32 v4, v38;
	v4 =	vadd.s32 v0, v63;
	v63 =	vld [tilespmem:s19+$0x4E0]  }
0x33d: {  	v0 =	vsel vm9, $0x1, v51;
	v10 =	vsel vm12, $0x0, v3;
	vm6 =	vclass.f32 v1, $0x3DF  }
0x33e: {  	v3 =	vadd.f32 v5, v37;
	v6 =	vadd.s32 v0, v15;
	v45 =	vsel vm6, $0x1, v51  }
0x33f: {  	[tilespmem:$0x1FBF0] =	vst v11;
	v0 =	vsel vm10, $0x1, v51;
	vm14 =	vclass.f32 v62, $0x3DF;
	v61 =	vadd.s32 v45, v8  }
0x340: {  	[tilespmem:$0x1FC00] =	vst v62;
	v8 =	vadd.f32 v7, v30;
	v7 =	vadd.f32 v22, v40;
	v30 =	vadd.s32 v0, v41  }
0x341: {  	s16 =	simm.s32 $0x1A080;
	v0 =	vsel vm11, $0x1, v51;
	[tilespmem:$0x1FC10] =	vst v63;
	vm15 =	vclass.f32 v63, $0x3DF;
	v5 =	vsel vm14, $0x1, v51  }
0x342: {  	s17 =	simm.s32 $0x0;
	s18 =	simm.s32 $0xDD40;
	v35 =	vadd.s32 v0, v61;
	[tilespmem:s16+$0x30] =	vst v10;
	v0 =	vsel vm13, $0x1, v51;
	v11 =	vsel vm15, $0x1, v51  }
.LBB2_5:
0x343: {  	_ =	sdelay $0x3  }
0x344: {  	v25 =	vadd.s32 v0, v24;
	v24 =	vadd.s32 v11, v32;
	v11 =	vld [tilespmem:$0x1FBC0];
	_ =	sdelay $0x2  }
0x345: {  	v22 =	vadd.s32 v5, v31;
	v5 =	vcvt.s32.f32 v4  }
0x346: {  	v18 =	vcvt.s32.f32 v6;
	v48 =	vcvt.s32.f32 v30  }
0x347: {  	v7 =	vadd.f32 v26, v7;
	(erf) = vrcp.f32 v5;
	v26 =	vadd.f32 v11, v34;
	v11 =	vld [tilespmem:$0x1FBD0]  }
0x348: {  	v37 =	vcvt.s32.f32 v35;
	v8 =	vadd.f32 v23, v8;
	(erf) = vrcp.f32 v18  }
0x349: {  	v40 =	vld [tilespmem:s18+$0x490];
	v33 =	vadd.f32 v39, v33;
	v23 =	vcvt.s32.f32 v25;
	(erf) = vrcp.f32 v48  }
0x34a: {  	v42 =	vld [tilespmem:s18+$0x440];
	(erf) = vrcp.f32 v37  }
0x34b: {  	v33 =	vadd.f32 v59, v33;
	(erf) = vrcp.f32 v23;
	v23 =	vld [tilespmem:s18+$0x400]  }
0x34c: {  	v59 =	vld [tilespmem:s18+$0x3D0];
	v9 =	vadd.f32 v11, v9;
	v11 =	vadd.f32 v46, v3  }
0x34d: {  	v32 =	vld [tilespmem:s18+$0x4D0]  }
0x34e: {  	v15 =	vadd.f32 v44, v11;
	v11 =	vld [tilespmem:s18+$0x3C0]  }
0x34f: {  	v41 =	vld [tilespmem:s18+$0x4A0];
	v8 =	vadd.f32 v55, v8;
	v7 =	vadd.f32 v57, v7  }
0x350: {  	v14 =	vld [tilespmem:s18+$0x380];
	vm12 =	vclass.f32 v23, $0x3DF  }
0x351: {  	v8 =	vadd.f32 v20, v8;
	v20 =	vadd.f32 v28, v7;
	v46 =	vld [tilespmem:$0x1FBA0];
	v7 =	vsel vm12, $0x1, v51  }
0x352: {  	v31 =	vld [tilespmem:s18+$0x4E0];
	v38 =	vcvt.s32.f32 v22;
	vm4 =	vclass.f32 v32, $0x3DF;
	[tilespmem:$0x1FA60] =	vst v7  }
0x353: {  	v5 =	vsel vm4, $0x1, v51;
	vm4 =	vclass.f32 v59, $0x3DF;
	v7 =	vld [tilespmem:$0x1FB90];
	[tilespmem:$0x1FBC0] =	vst v11;
	vm15 =	vclass.f32 v11, $0x3DF;
	v11 =	vmovc v42  }
0x354: {  	v39 =	vld [tilespmem:s18+$0x480];
	v63 =	vcvt.s32.f32 v24;
	[tilespmem:$0x1FB90] =	vst v11;
	v11 =	vsel vm4, $0x1, v51  }
0x355: {  	(erf) = vrcp.f32 v38;
	[tilespmem:$0x1FA40] =	vst v11;
	v11 =	vld [tilespmem:$0x1FB80]  }
0x356: {  	(erf) = vrcp.f32 v63;
	v63 =	vld [tilespmem:s18+$0x390];
	v26 =	vadd.f32 v46, v26  }
0x357: {  	v16 =	vld [tilespmem:s18+$0x3A0];
	vm7 =	vclass.f32 v40, $0x3DF  }
0x358: {  	vm8 =	vclass.f32 v41, $0x3DF;
	vm5 =	vclass.f32 v31, $0x3DF;
	v26 =	vadd.f32 v7, v26  }
0x359: {  	vm6 =	vclass.f32 v39, $0x3DF;
	v1 =	vadd.f32 v1, v20;
	[tilespmem:$0x1FB20] =	vst v5;
	v5 =	vsel vm5, $0x1, v51  }
0x35a: {  	v10 =	vld [tilespmem:s18+$0x4C0];
	[tilespmem:$0x1FB50] =	vst v5;
	v5 =	vsel vm6, $0x1, v51;
	vm6 =	vclass.f32 v14, $0x3DF;
	v20 =	vadd.f32 v11, v26;
	v11 =	vmovc v23  }
0x35b: {  	v61 =	vld [tilespmem:s18+$0x4F0];
	v12 =	vsel vm7, $0x1, v51;
	vm7 =	vclass.f32 v63, $0x3DF;
	[tilespmem:$0x1FBA0] =	vst v11;
	v11 =	vsel vm6, $0x1, v51  }
0x35c: {  	v43 =	vld [tilespmem:s18+$0x420];
	v45 =	vsel vm8, $0x1, v51;
	vm8 =	vclass.f32 v16, $0x3DF;
	[tilespmem:$0x1F9C0] =	vst v11;
	v11 =	vsel vm7, $0x1, v51  }
0x35d: {  	v55 =	vld [tilespmem:$0x1FBB0];
	[tilespmem:$0x1F9D0] =	vst v11;
	v11 =	vsel vm8, $0x1, v51  }
0x35e: {  	[tilespmem:$0x1F9E0] =	vst v11;
	v11 =	vld [tilespmem:$0x1FBF0]  }
0x35f: {  	v17 =	vld [tilespmem:s18+$0x3E0]  }
0x360: {  	v62 =	vld [tilespmem:$0x1FBE0]  }
0x361: {  	v0 =	vadd.f32 v60, v36;
	v36 =	vld [tilespmem:s18+$0x450]  }
0x362: {  	v33 =	vadd.f32 v56, v33;
	v56 =	vld [tilespmem:s18+$0x340];
	v9 =	vadd.f32 v55, v9  }
0x363: {  	vm14 =	vclass.f32 v43, $0x3DF;
	v23 =	vadd.f32 v11, v20;
	v11 =	vld [tilespmem:$0x1FC00]  }
0x364: {  	[tilespmem:$0x1F900] =	vst v17;
	v60 =	vsel vm14, $0x1, v51;
	v37 =	vld [tilespmem:s18+$0x460];
	v9 =	vadd.f32 v47, v9  }
0x365: {  	vm9 =	vclass.f32 v42, $0x3DF;
	v29 =	vadd.f32 v29, v8;
	[tilespmem:$0x1FA80] =	vst v60;
	v21 =	vadd.f32 v21, v33;
	v60 =	vld [tilespmem:s18+$0x350]  }
0x366: {  	v0 =	vadd.f32 v58, v0;
	[tilespmem:$0x1FB10] =	vst v45;
	v48 =	vsel vm9, $0x1, v51;
	v34 =	vld [tilespmem:s18+$0x430];
	v26 =	vadd.f32 v50, v9  }
0x367: {  	[tilespmem:$0x1FAC0] =	vst v48;
	v8 =	vmov v36;
	v2 =	vadd.f32 v2, v21;
	v21 =	vadd.f32 v53, v29;
	v29 =	vld [tilespmem:s18+$0x30]  }
0x368: {  	v0 =	vadd.f32 v52, v0;
	vm10 =	vclass.f32 v36, $0x3DF;
	[tilespmem:$0x1F910] =	vst v8;
	v38 =	vld [tilespmem:s18+$0x410];
	v26 =	vadd.f32 v11, v26;
	v11 =	vmovc v10  }
0x369: {  	vm0 =	vclass.f32 v10, $0x3DF;
	v57 =	vsel vm10, $0x1, v51;
	vm11 =	vclass.f32 v37, $0x3DF;
	[tilespmem:$0x1FBF0] =	vst v11;
	v11 =	vld [tilespmem:$0x1FC10]  }
0x36a: {  	v0 =	vadd.f32 v19, v0;
	v8 =	vld [tilespmem:s18+$0x3B0];
	[tilespmem:$0x1FAD0] =	vst v57;
	v58 =	vsel vm11, $0x1, v51;
	v15 =	vadd.f32 v62, v15  }
0x36b: {  	v1 =	vadd.f32 v54, v1;
	vm9 =	vclass.f32 v56, $0x3DF;
	vm5 =	vclass.f32 v17, $0x3DF;
	[tilespmem:$0x1FAE0] =	vst v58;
	v62 =	vld [tilespmem:s18+$0x360]  }
0x36c: {  	v57 =	vsel vm5, $0x1, v51;
	v0 =	vadd.f32 v27, v0;
	[tilespmem:$0x1FB40] =	vst v63;
	v63 =	vld [tilespmem:s18+$0x300];
	v58 =	vadd.f32 v49, v15  }
0x36d: {  	vm10 =	vclass.f32 v60, $0x3DF;
	vm5 =	veq.s32 v22, $0x0;
	v22 =	vld [tilespmem:s18+$0xF0];
	[tilespmem:$0x1FAF0] =	vst v5;
	v3 =	vsel vm0, $0x1, v51  }
0x36e: {  	v5 =	vld [tilespmem:s18+$0x470];
	[tilespmem:$0x1FB60] =	vst v3;
	v44 =	vpop (erf);
	vm13 =	vclass.f32 v38, $0x3DF;
	v27 =	vadd.f32 v11, v58;
	v11 =	vmov v31  }
0x36f: {  	v3 =	vld [tilespmem:s18+$0x4B0];
	v45 =	vpop (erf);
	v13 =	vsel vm13, $0x1, v51;
	v0 =	vmul.f32 v44, v0;
	[tilespmem:$0x1FC10] =	vst v11;
	v11 =	vsel vm9, $0x1, v51  }
0x370: {  	vm13 =	veq.s32 v4, $0x0;
	v4 =	vld [tilespmem:s18+$0xB0];
	v28 =	vpop (erf);
	vm11 =	vclass.f32 v62, $0x3DF;
	[tilespmem:$0x1F990] =	vst v11;
	v11 =	vsel vm10, $0x1, v51  }
0x371: {  	v46 =	vpop (erf);
	v21 =	vmul.f32 v28, v21;
	v28 =	vld [tilespmem:s18+$0x230];
	vm12 =	vclass.f32 v63, $0x3DF;
	[tilespmem:$0x1F9A0] =	vst v11;
	v11 =	vsel vm11, $0x1, v51  }
0x372: {  	v1 =	vmul.f32 v46, v1;
	v7 =	vld [tilespmem:s18+$0x3F0];
	[tilespmem:$0x1F9B0] =	vst v11;
	v11 =	vsel vm12, $0x1, v51  }
0x373: {  	vm3 =	veq.s32 v35, $0x0;
	v2 =	vmul.f32 v45, v2;
	v0 =	vsel vm13, $0x0, v0;
	[tilespmem:$0x1F960] =	vst v11;
	v11 =	vld [tilespmem:s18+$0x310]  }
0x374: {  	vm1 =	veq.s32 v6, $0x0;
	[tilespmem:s16+$0xFFFFFFC0] =	vst v0;
	v0 =	vsel vm3, $0x0, v1;
	v31 =	vld [tilespmem:s18+$0x70]  }
0x375: {  	vm2 =	veq.s32 v30, $0x0;
	v2 =	vsel vm1, $0x0, v2;
	[tilespmem:s16+$0xFFFFFFF0] =	vst v0;
	v0 =	vld [tilespmem:s18+$0x2D0]  }
0x376: {  	v21 =	vsel vm2, $0x0, v21;
	[tilespmem:s16+$0xFFFFFFD0] =	vst v2;
	vm4 =	veq.s32 v25, $0x0;
	v25 =	vld [tilespmem:s18+$0x130]  }
0x377: {  	v6 =	vadd.f32 $0.0e+00, v29;
	[tilespmem:s16+$0xFFFFFFE0] =	vst v21;
	v21 =	vld [tilespmem:s18+$0x170]  }
0x378: {  	v17 =	vmov v38;
	[tilespmem:$0x1F8E0] =	vst v11;
	v11 =	vld [tilespmem:s18+$0x320]  }
0x379: {  	[tilespmem:$0x1FBB0] =	vst v17;
	v47 =	vpop (erf);
	v17 =	vld [tilespmem:s18+$0xFFFFFB20];
	v6 =	vadd.f32 v31, v6  }
0x37a: {  	vm0 =	vclass.f32 v3, $0x3DF;
	vm1 =	vclass.f32 v34, $0x3DF;
	v19 =	vpop (erf);
	[tilespmem:$0x1F8C0] =	vst v0;
	v20 =	vld [tilespmem:s18+$0x2B0];
	v10 =	vmov v32  }
0x37b: {  	vm2 =	vclass.f32 v8, $0x3DF;
	v9 =	vmovc v43;
	v23 =	vmul.f32 v47, v23;
	[tilespmem:$0x1FC00] =	vst v10;
	v10 =	vld [tilespmem:s18+$0x330];
	v6 =	vadd.f32 v4, v6  }
0x37c: {  	v33 =	vpop (erf);
	v48 =	vsel vm15, $0x1, v51;
	vm15 =	vclass.f32 v22, $0x3DF;
	[tilespmem:$0x1F9F0] =	vst v9;
	v9 =	vld [tilespmem:s18+$0x370];
	v19 =	vmul.f32 v19, v26  }
0x37d: {  	v1 =	vsel vm4, $0x0, v23;
	v26 =	vmul.f32 v33, v27;
	v27 =	vld [tilespmem:s18+$0x1B0];
	v6 =	vadd.f32 v22, v6;
	[tilespmem:$0x1F8F0] =	vst v11  }
0x37e: {  	vm6 =	veq.s32 v24, $0x0;
	vm7 =	vclass.f32 v25, $0x3DF;
	v2 =	vsel vm5, $0x0, v19;
	v11 =	vld [tilespmem:s18+$0x2C0];
	[tilespmem:s16+$0x0] =	vst v1  }
0x37f: {  	vm10 =	vclass.f32 v4, $0x3DF;
	v19 =	vsel vm6, $0x0, v26;
	v4 =	vadd.f32 v25, v6;
	v0 =	vld [tilespmem:s18+$0x2E0];
	[tilespmem:s16+$0x10] =	vst v2  }
0x380: {  	vm8 =	vclass.f32 v29, $0x3DF;
	vm4 =	vclass.f32 v20, $0x3DF;
	vm3 =	vclass.f32 v10, $0x3DF;
	v6 =	vld [tilespmem:s18+$0x1F0];
	[tilespmem:s16+$0x20] =	vst v19  }
0x381: {  	vm5 =	vclass.f32 v28, $0x3DF;
	v23 =	vsel vm3, $0x1, v51;
	v4 =	vadd.f32 v21, v4;
	v22 =	vld [tilespmem:s18+$0x2F0]  }
0x382: {  	vm12 =	vclass.f32 v21, $0x3DF;
	vm9 =	vclass.f32 v31, $0x3DF;
	vm14 =	vclass.f32 v27, $0x3DF;
	v19 =	vld [tilespmem:s18+$0x270]  }
0x383: {  	v1 =	vsel vm8, $0x1, v51;
	v4 =	vadd.f32 v27, v4;
	v2 =	vsel vm9, $0x1, v51;
	v27 =	vld [tilespmem:s18+$0x1C0]  }
0x384: {  	vm6 =	vclass.f32 v9, $0x3DF;
	v1 =	vadd.s32 v1, v2;
	v2 =	vsel vm10, $0x1, v51;
	v26 =	vld [tilespmem:s18+$0x1E0]  }
0x385: {  	v21 =	vsel vm4, $0x1, v51;
	v1 =	vadd.s32 v2, v1;
	v2 =	vsel vm15, $0x1, v51;
	v38 =	vld [tilespmem:s18+$0x180]  }
0x386: {  	v52 =	vmovc v39;
	vm8 =	vclass.f32 v5, $0x3DF;
	v39 =	vld [tilespmem:s18+$0x190];
	v1 =	vadd.s32 v2, v1;
	v2 =	vsel vm7, $0x1, v51  }
0x387: {  	[tilespmem:$0x1FA70] =	vst v13;
	vm9 =	vclass.f32 v61, $0x3DF;
	v13 =	vld [tilespmem:s18+$0x10];
	v1 =	vadd.s32 v2, v1;
	v2 =	vsel vm12, $0x1, v51  }
0x388: {  	v45 =	vld [tilespmem:s18+$0x120];
	vm7 =	vclass.f32 v7, $0x3DF;
	v1 =	vadd.s32 v2, v1;
	v2 =	vsel vm14, $0x1, v51  }
0x389: {  	v46 =	vld [tilespmem:s18+$0xC0];
	vm13 =	vclass.f32 v6, $0x3DF;
	v1 =	vadd.s32 v2, v1;
	v2 =	vadd.f32 v6, v4  }
0x38a: {  	[tilespmem:$0x1FB30] =	vst v14;
	v42 =	vld [tilespmem:s18+$0x200];
	v4 =	vsel vm13, $0x1, v51;
	vm14 =	vclass.f32 v19, $0x3DF;
	vm15 =	vclass.f32 v22, $0x3DF  }
0x38b: {  	[tilespmem:$0x1FBD0] =	vst v59;
	v59 =	vmovc v40;
	v40 =	vld [tilespmem:s18+$0x1A0];
	vm10 =	vclass.f32 v27, $0x3DF;
	vm11 =	vclass.f32 v38, $0x3DF;
	vm12 =	vclass.f32 v39, $0x3DF  }
0x38c: {  	[tilespmem:$0x1FA50] =	vst v57;
	v55 =	vmovc v37;
	v57 =	vld [tilespmem:s18+$0xE0];
	vm13 =	vclass.f32 v26, $0x3DF;
	vm3 =	vclass.f32 v13, $0x3DF;
	v1 =	vadd.s32 v4, v1  }
0x38d: {  	[tilespmem:$0x1FBE0] =	vst v55;
	v14 =	vld [tilespmem:s18+$0x20];
	v4 =	vsel vm5, $0x1, v51;
	v6 =	vadd.f32 v28, v2;
	v55 =	vsel vm11, $0x1, v51  }
0x38e: {  	[tilespmem:$0x1FB80] =	vst v52;
	v25 =	vld [tilespmem:s18+$0x140];
	v52 =	vsel vm12, $0x1, v51;
	vm11 =	vclass.f32 v45, $0x3DF;
	vm12 =	vclass.f32 v46, $0x3DF  }
0x38f: {  	v31 =	vld [tilespmem:s18+$0x150];
	vm5 =	vclass.f32 v17, $0x3DF;
	v2 =	vadd.s32 v4, v1;
	v4 =	vsel vm14, $0x1, v51  }
0x390: {  	v58 =	vld [tilespmem:s18+$0x80];
	vm14 =	vclass.f32 v40, $0x3DF;
	v28 =	vsel vm11, $0x1, v51;
	v1 =	vadd.f32 $0.0e+00, v13  }
0x391: {  	[tilespmem:$0x1FA00] =	vst v63;
	v63 =	vld [tilespmem:s18+$0x60];
	v4 =	vadd.s32 v4, v2;
	v6 =	vadd.f32 v19, v6;
	v50 =	vsel vm14, $0x1, v51  }
0x392: {  	[tilespmem:$0x1F8D0] =	vst v0;
	v0 =	vld [tilespmem:s18+$0x280];
	vm14 =	vclass.f32 v57, $0x3DF;
	v2 =	vadd.f32 $0.0e+00, v14;
	v4 =	vadd.s32 v21, v4  }
0x393: {  	v43 =	vld [tilespmem:s18+$0x160];
	v21 =	vsel vm15, $0x1, v51;
	vm15 =	vclass.f32 v25, $0x3DF;
	v24 =	vsel vm14, $0x1, v51  }
0x394: {  	v13 =	vld [tilespmem:s18+$0xFFFFFB40];
	v4 =	vadd.s32 v21, v4;
	v6 =	vadd.f32 v20, v6;
	v20 =	vsel vm6, $0x1, v51  }
0x395: {  	[tilespmem:$0x1FAA0] =	vst v60;
	v60 =	vld [tilespmem:s18+$0xA0];
	v49 =	vsel vm15, $0x1, v51;
	v21 =	vsel vm12, $0x1, v51;
	vm15 =	vclass.f32 v42, $0x3DF  }
0x396: {  	[tilespmem:$0x1F930] =	vst v59;
	v59 =	vld [tilespmem:s18+$0x90];
	vm6 =	vclass.f32 v58, $0x3DF;
	vm12 =	vclass.f32 v63, $0x3DF;
	v4 =	vadd.s32 v23, v4  }
0x397: {  	[tilespmem:$0x1F880] =	vst v0;
	v0 =	vld [tilespmem:s18+$0x290];
	v2 =	vadd.f32 v63, v2;
	v35 =	vsel vm15, $0x1, v51;
	v4 =	vadd.s32 v20, v4  }
0x398: {  	v37 =	vld [tilespmem:s18+$0x220];
	v20 =	vsel vm2, $0x1, v51;
	v6 =	vadd.f32 v22, v6;
	vm2 =	vclass.f32 v14, $0x3DF  }
0x399: {  	vm15 =	vclass.f32 v13, $0x3DF;
	v4 =	vadd.s32 v20, v4;
	v20 =	vsel vm7, $0x1, v51  }
0x39a: {  	v33 =	vld [tilespmem:s18+$0x100];
	v2 =	vadd.f32 v60, v2;
	vm7 =	vclass.f32 v31, $0x3DF;
	v4 =	vadd.s32 v20, v4  }
0x39b: {  	[tilespmem:$0x1F8B0] =	vst v11;
	v11 =	vld [tilespmem:s18+$0xFFFFFB30];
	v20 =	vsel vm1, $0x1, v51;
	v6 =	vadd.f32 v10, v6;
	v10 =	vsel vm8, $0x1, v51  }
0x39c: {  	[tilespmem:$0x1F890] =	vst v0;
	v0 =	vld [tilespmem:s18+$0x2A0];
	v47 =	vsel vm7, $0x1, v51;
	vm8 =	vclass.f32 v43, $0x3DF;
	vm7 =	vclass.f32 v59, $0x3DF  }
0x39d: {  	v23 =	vld [tilespmem:s18+$0x1D0];
	vm1 =	vclass.f32 v37, $0x3DF;
	v2 =	vadd.f32 v57, v2;
	v4 =	vadd.s32 v20, v4  }
0x39e: {  	v36 =	vsel vm8, $0x1, v51;
	v20 =	vsel vm6, $0x1, v51;
	v19 =	vsel vm7, $0x1, v51  }
0x39f: {  	v44 =	vld [tilespmem:s18+$0x110];
	v4 =	vadd.s32 v10, v4;
	v10 =	vsel vm0, $0x1, v51;
	v6 =	vadd.f32 v9, v6  }
0x3a0: {  	[tilespmem:$0x1FB00] =	vst v12;
	v12 =	vld [tilespmem:s18+$0x0];
	vm6 =	vclass.f32 v11, $0x3DF;
	v9 =	vsel vm9, $0x1, v51;
	v4 =	vadd.s32 v10, v4  }
0x3a1: {  	vm9 =	vclass.f32 v33, $0x3DF;
	[tilespmem:$0x1F8A0] =	vst v0;
	v0 =	vld [tilespmem:s18+$0x250];
	v10 =	vadd.s32 v9, v4;
	v4 =	vadd.f32 v8, v6  }
0x3a2: {  	v18 =	vmovc v41;
	v41 =	vld [tilespmem:s18+$0x210];
	vm0 =	vclass.f32 v23, $0x3DF;
	v30 =	vsel vm9, $0x1, v51;
	v6 =	vcvt.s32.f32 v10  }
0x3a3: {  	[tilespmem:$0x1FAB0] =	vst v62;
	v62 =	vld [tilespmem:s18+$0x40];
	vm9 =	vclass.f32 v60, $0x3DF;
	vm8 =	veq.s32 v10, $0x0;
	v7 =	vadd.f32 v7, v4  }
0x3a4: {  	v4 =	vsel vm3, $0x1, v51;
	(erf) = vrcp.f32 v6;
	v6 =	vadd.f32 v45, v2  }
0x3a5: {  	[tilespmem:$0x1FA90] =	vst v56;
	v56 =	vld [tilespmem:s18+$0xD0];
	v45 =	vsel vm6, $0x1, v51;
	v7 =	vadd.f32 v34, v7;
	v34 =	vadd.f32 $0.0e+00, v12  }
0x3a6: {  	[tilespmem:$0x1F870] =	vst v0;
	v0 =	vsel vm10, $0x1, v51;
	vm10 =	vclass.f32 v44, $0x3DF;
	v6 =	vadd.f32 v43, v6  }
0x3a7: {  	[tilespmem:$0x1F840] =	vst v0;
	v8 =	vadd.f32 v5, v7;
	v0 =	vsel vm0, $0x1, v51;
	v29 =	vsel vm10, $0x1, v51  }
0x3a8: {  	vm10 =	vclass.f32 v62, $0x3DF;
	vm0 =	vclass.f32 v41, $0x3DF;
	v34 =	vadd.f32 v62, v34  }
0x3a9: {  	v62 =	vadd.f32 $0.0e+00, v11;
	v5 =	vsel vm2, $0x1, v51;
	[tilespmem:$0x1F850] =	vst v0;
	v0 =	vsel vm13, $0x1, v51  }
0x3aa: {  	vm13 =	vclass.f32 v56, $0x3DF;
	v9 =	vadd.f32 v3, v8;
	[tilespmem:$0x1F860] =	vst v0;
	v0 =	vld [tilespmem:s18+$0xFFFFFB00];
	v14 =	vadd.f32 v58, v34  }
0x3ab: {  	[tilespmem:$0x1FB70] =	vst v16;
	v16 =	vsel vm10, $0x1, v51;
	v22 =	vsel vm13, $0x1, v51;
	vm13 =	vclass.f32 v12, $0x3DF  }
0x3ac: {  	v12 =	vsel vm12, $0x1, v51;
	v9 =	vadd.f32 v61, v9;
	v61 =	vld [tilespmem:s18+$0x50];
	v14 =	vadd.f32 v46, v14  }
0x3ad: {  	v6 =	vadd.f32 v40, v6;
	v10 =	vsel vm13, $0x1, v51;
	v5 =	vadd.s32 v5, v12;
	v15 =	vpop (erf)  }
0x3ae: {  	v11 =	vld [tilespmem:s18+$0xFFFFFB70];
	v10 =	vadd.s32 v10, v16;
	v14 =	vadd.f32 v33, v14;
	v32 =	vmul.f32 v15, v9  }
0x3af: {  	v58 =	vld [tilespmem:s18+$0xFFFFFBD0];
	v10 =	vadd.s32 v20, v10;
	v34 =	vadd.f32 $0.0e+00, v0;
	vm14 =	vclass.f32 v0, $0x3DF  }
0x3b0: {  	[tilespmem:$0x1FA30] =	vst v48;
	v15 =	vld [tilespmem:s18+$0xFFFFFB10];
	v57 =	vsel vm14, $0x1, v51;
	v14 =	vadd.f32 v25, v14;
	v48 =	vsel vm8, $0x0, v32  }
0x3b1: {  	v0 =	vld [tilespmem:s18+$0xFFFFFB80];
	v32 =	vsel vm9, $0x1, v51;
	vm11 =	vclass.f32 v61, $0x3DF;
	v1 =	vadd.f32 v61, v1  }
0x3b2: {  	[tilespmem:$0x1F920] =	vst v18;
	v61 =	vadd.f32 $0.0e+00, v17;
	v13 =	vadd.f32 v13, v34;
	v18 =	vsel vm11, $0x1, v51  }
0x3b3: {  	v53 =	vld [tilespmem:s18+$0x240];
	vm11 =	vclass.f32 v11, $0x3DF;
	v5 =	vadd.s32 v32, v5;
	v1 =	vadd.f32 v59, v1  }
0x3b4: {  	s16 =	sadd.s32 $0x80, s16;
	v54 =	vld [tilespmem:s18+$0x260];
	v2 =	vsel vm11, $0x1, v51;
	v4 =	vadd.s32 v4, v18;
	vm11 =	vclass.f32 v58, $0x3DF  }
0x3b5: {  	v17 =	vld [tilespmem:s18+$0xFFFFFB60];
	[tilespmem:s16+$0x30] =	vst v48;
	v5 =	vadd.s32 v24, v5;
	v48 =	vadd.f32 $0.0e+00, v15;
	vm4 =	vclass.f32 v15, $0x3DF  }
0x3b6: {  	v60 =	vld [tilespmem:s18+$0xFFFFFBE0];
	v13 =	vadd.f32 v0, v13;
	vm14 =	vclass.f32 v0, $0x3DF;
	v2 =	vadd.s32 v45, v2  }
0x3b7: {  	v59 =	vld [tilespmem:s18+$0xFFFFFB90];
	v4 =	vadd.s32 v19, v4;
	v20 =	vsel vm11, $0x1, v51;
	v5 =	vadd.s32 v28, v5  }
0x3b8: {  	v15 =	vld [tilespmem:s18+$0xFFFFFB50];
	v1 =	vadd.f32 v56, v1;
	v56 =	vadd.f32 v11, v62;
	v33 =	vsel vm4, $0x1, v51  }
0x3b9: {  	v9 =	vld [tilespmem:s18+$0xFFFFFC10];
	v62 =	vsel vm15, $0x1, v51;
	v16 =	vsel vm14, $0x1, v51;
	v4 =	vadd.s32 v22, v4  }
0x3ba: {  	v11 =	vld [tilespmem:s18+$0xFFFFFBC0];
	vm13 =	vclass.f32 v17, $0x3DF;
	v25 =	vadd.s32 v57, v62;
	v4 =	vadd.s32 v29, v4  }
0x3bb: {  	v43 =	vld [tilespmem:s18+$0xFFFFFC80];
	v7 =	vadd.f32 v44, v1;
	v44 =	vsel vm5, $0x1, v51;
	v3 =	vsel vm13, $0x1, v51  }
0x3bc: {  	v62 =	vld [tilespmem:s18+$0xFFFFFC60];
	v16 =	vadd.s32 v16, v25;
	v4 =	vadd.s32 v47, v4;
	vm15 =	vclass.f32 v59, $0x3DF  }
0x3bd: {  	v8 =	vld [tilespmem:s18+$0xFFFFFC20];
	v3 =	vadd.s32 v44, v3;
	v63 =	vadd.f32 v15, v48;
	vm12 =	vclass.f32 v15, $0x3DF  }
0x3be: {  	v15 =	vld [tilespmem:s18+$0xFFFFFBA0];
	v48 =	vadd.f32 v17, v61;
	v7 =	vadd.f32 v31, v7;
	v12 =	vsel vm15, $0x1, v51  }
0x3bf: {  	v17 =	vld [tilespmem:s18+$0xFFFFFBB0];
	vm15 =	vclass.f32 v9, $0x3DF;
	v1 =	vsel vm12, $0x1, v51;
	v13 =	vadd.f32 v11, v13  }
0x3c0: {  	v61 =	vld [tilespmem:s18+$0xFFFFFBF0];
	vm10 =	vclass.f32 v11, $0x3DF;
	vm12 =	vclass.f32 v60, $0x3DF;
	v46 =	vadd.f32 v59, v63  }
0x3c1: {  	v31 =	vld [tilespmem:s18+$0xFFFFFC70];
	v1 =	vadd.s32 v33, v1;
	v25 =	vsel vm12, $0x1, v51;
	vm12 =	vclass.f32 v62, $0x3DF  }
0x3c2: {  	v63 =	vld [tilespmem:s18+$0xFFFFFC00];
	v19 =	vsel vm10, $0x1, v51;
	v1 =	vadd.s32 v12, v1;
	v29 =	vsel vm12, $0x1, v51  }
0x3c3: {  	v59 =	vld [tilespmem:s18+$0xFFFFFC40];
	v46 =	vadd.f32 v58, v46;
	v1 =	vadd.s32 v20, v1;
	v48 =	vadd.f32 v15, v48  }
0x3c4: {  	v12 =	vld [tilespmem:s18+$0xFFFFFCE0];
	v56 =	vadd.f32 v17, v56;
	vm8 =	vclass.f32 v15, $0x3DF;
	vm9 =	vclass.f32 v17, $0x3DF  }
0x3c5: {  	v17 =	vld [tilespmem:s18+$0xFFFFFC50];
	vm13 =	vclass.f32 v61, $0x3DF;
	v46 =	vadd.f32 v9, v46;
	v33 =	vsel vm8, $0x1, v51  }
0x3c6: {  	v44 =	vld [tilespmem:s18+$0xFFFFFC90];
	vm8 =	vclass.f32 v8, $0x3DF;
	v0 =	vadd.f32 v60, v48;
	v34 =	vadd.f32 v61, v56  }
0x3c7: {  	v48 =	vld [tilespmem:s18+$0xFFFFFC30];
	v13 =	vadd.f32 v63, v13;
	v3 =	vadd.s32 v33, v3;
	v33 =	vsel vm13, $0x1, v51  }
0x3c8: {  	v60 =	vld [tilespmem:s18+$0xFFFFFCD0];
	vm14 =	vclass.f32 v63, $0x3DF;
	vm10 =	vclass.f32 v59, $0x3DF;
	vm13 =	vclass.f32 v31, $0x3DF  }
0x3c9: {  	v61 =	vld [tilespmem:s18+$0xFFFFFCF0];
	v63 =	vsel vm13, $0x1, v51;
	v0 =	vadd.f32 v8, v0;
	v13 =	vadd.f32 v59, v13  }
0x3ca: {  	v45 =	vld [tilespmem:s18+$0xFFFFFCA0];
	vm12 =	vclass.f32 v12, $0x3DF;
	v8 =	vadd.s32 v19, v16;
	v18 =	vadd.f32 v17, v46  }
0x3cb: {  	vm11 =	vclass.f32 v17, $0x3DF;
	v0 =	vadd.f32 v62, v0;
	v13 =	vadd.f32 v43, v13  }
0x3cc: {  	v62 =	vsel vm10, $0x1, v51;
	v28 =	vsel vm11, $0x1, v51;
	v15 =	vadd.f32 v48, v34  }
0x3cd: {  	v34 =	vsel vm9, $0x1, v51;
	vm9 =	vclass.f32 v48, $0x3DF;
	v16 =	vadd.f32 v44, v18  }
0x3ce: {  	vm11 =	vclass.f32 v60, $0x3DF;
	vm13 =	vclass.f32 v61, $0x3DF;
	v2 =	vadd.s32 v34, v2  }
0x3cf: {  	v19 =	vadd.f32 v45, v0;
	v0 =	vadd.s32 v25, v3;
	v3 =	vadd.f32 v38, v14  }
0x3d0: {  	v46 =	vld [tilespmem:s18+$0xFFFFFCB0];
	v14 =	vadd.f32 v39, v7;
	v7 =	vadd.s32 v21, v10;
	v21 =	vsel vm15, $0x1, v51  }
0x3d1: {  	v34 =	vsel vm8, $0x1, v51;
	v48 =	vsel vm9, $0x1, v51;
	vm15 =	vclass.f32 v44, $0x3DF  }
0x3d2: {  	vm8 =	vclass.f32 v45, $0x3DF;
	v59 =	vsel vm13, $0x1, v51;
	v11 =	vadd.f32 v31, v15  }
0x3d3: {  	v57 =	vld [tilespmem:s18+$0xFFFFFD10];
	v2 =	vadd.s32 v33, v2;
	v1 =	vadd.s32 v21, v1;
	v21 =	vadd.s32 v34, v0  }
0x3d4: {  	v58 =	vld [tilespmem:s18+$0xFFFFFD20];
	v30 =	vadd.s32 v30, v7;
	v16 =	vadd.f32 v60, v16;
	v60 =	vsel vm0, $0x1, v51  }
0x3d5: {  	v2 =	vadd.s32 v48, v2;
	vm9 =	vclass.f32 v46, $0x3DF;
	v19 =	vadd.f32 v12, v19  }
0x3d6: {  	v1 =	vadd.s32 v28, v1;
	v27 =	vadd.f32 v27, v3;
	v14 =	vadd.f32 v23, v14  }
0x3d7: {  	v3 =	vadd.s32 v29, v21;
	v21 =	vadd.f32 v26, v6;
	v23 =	vadd.s32 v49, v30  }
0x3d8: {  	v9 =	vld [tilespmem:s18+$0xFFFFFD50];
	v26 =	vadd.s32 v36, v5;
	v28 =	vsel vm15, $0x1, v51;
	v29 =	vsel vm8, $0x1, v51  }
0x3d9: {  	v56 =	vld [tilespmem:s18+$0xFFFFFD00];
	vm15 =	vclass.f32 v57, $0x3DF;
	vm8 =	vclass.f32 v58, $0x3DF;
	v20 =	vadd.f32 v46, v11  }
0x3da: {  	v18 =	vld [tilespmem:s18+$0xFFFFFD30];
	v11 =	vsel vm14, $0x1, v51;
	vm14 =	vclass.f32 v43, $0x3DF;
	v2 =	vadd.s32 v63, v2  }
0x3db: {  	v30 =	vsel vm9, $0x1, v51;
	v1 =	vadd.s32 v28, v1;
	v49 =	vadd.s32 v29, v3  }
0x3dc: {  	v24 =	vld [tilespmem:s18+$0xFFFFFD90];
	v28 =	vadd.s32 v52, v4;
	v29 =	vadd.s32 v50, v26;
	v26 =	vsel vm11, $0x1, v51  }
0x3dd: {  	v10 =	vld [tilespmem:s18+$0xFFFFFD70];
	v16 =	vadd.f32 v57, v16;
	vm11 =	vclass.f32 v9, $0x3DF;
	v17 =	vadd.s32 v11, v8  }
0x3de: {  	v15 =	vld [tilespmem:s18+$0xFFFFFCC0];
	v6 =	vsel vm14, $0x1, v51;
	v2 =	vadd.s32 v30, v2;
	vm14 =	vclass.f32 v56, $0x3DF  }
0x3df: {  	v3 =	vld [tilespmem:s18+$0xFFFFFE80];
	vm9 =	vclass.f32 v18, $0x3DF;
	v47 =	vadd.f32 v58, v19;
	v42 =	vadd.f32 v42, v27  }
0x3e0: {  	v33 =	vld [tilespmem:s18+$0xFFFFFD60];
	v1 =	vadd.s32 v26, v1;
	v14 =	vadd.f32 v41, v14;
	v37 =	vadd.f32 v37, v21  }
0x3e1: {  	v31 =	vld [tilespmem:s18+$0xFFFFFDB0];
	v21 =	vsel vm15, $0x1, v51;
	v45 =	vsel vm11, $0x1, v51;
	vm11 =	vclass.f32 v24, $0x3DF  }
0x3e2: {  	v17 =	vadd.s32 v62, v17;
	v20 =	vadd.f32 v61, v20;
	v2 =	vadd.s32 v59, v2  }
0x3e3: {  	v32 =	vld [tilespmem:s18+$0xFFFFFD40];
	v61 =	vsel vm1, $0x1, v51;
	vm13 =	vclass.f32 v10, $0x3DF;
	v46 =	vadd.s32 v21, v1  }
0x3e4: {  	v9 =	vadd.f32 v9, v16;
	v13 =	vadd.f32 v15, v13;
	vm10 =	vclass.f32 v15, $0x3DF;
	[tilespmem:$0x1F970] =	vst v3;
	v3 =	vld [tilespmem:s18+$0xFFFFFE90]  }
0x3e5: {  	v25 =	vld [tilespmem:s18+$0xFFFFFDA0];
	v48 =	vadd.s32 v6, v17;
	v17 =	vadd.s32 v55, v23;
	v55 =	vsel vm12, $0x1, v51  }
0x3e6: {  	v57 =	vld [tilespmem:$0x1F870];
	vm12 =	vclass.f32 v33, $0x3DF;
	v50 =	vsel vm13, $0x1, v51;
	vm13 =	vclass.f32 v31, $0x3DF  }
0x3e7: {  	v11 =	vld [tilespmem:s18+$0xFFFFFDD0];
	v16 =	vadd.f32 v33, v47;
	v33 =	vadd.f32 v54, v37;
	v23 =	vsel vm10, $0x1, v51  }
0x3e8: {  	v8 =	vld [tilespmem:s18+$0xFFFFFDF0];
	v18 =	vadd.f32 v18, v20;
	v12 =	vadd.s32 v55, v49;
	v20 =	vsel vm14, $0x1, v51  }
0x3e9: {  	vm10 =	vclass.f32 v32, $0x3DF;
	vm14 =	vclass.f32 v53, $0x3DF;
	v49 =	vsel vm12, $0x1, v51;
	[tilespmem:$0x1F980] =	vst v3;
	v3 =	vld [tilespmem:$0x1F840]  }
0x3ea: {  	v59 =	vld [tilespmem:$0x1F880];
	vm12 =	vclass.f32 v25, $0x3DF;
	v47 =	vsel vm13, $0x1, v51;
	v9 =	vadd.f32 v24, v9  }
0x3eb: {  	v40 =	vld [tilespmem:s18+$0xFFFFFE10];
	v13 =	vadd.f32 v56, v13;
	v15 =	vadd.s32 v23, v48;
	vm15 =	vclass.f32 v57, $0x3DF  }
0x3ec: {  	v7 =	vld [tilespmem:s18+$0xFFFFFDE0];
	v52 =	vsel vm14, $0x1, v51;
	v14 =	vadd.f32 v57, v14;
	v16 =	vadd.f32 v25, v16  }
0x3ed: {  	v22 =	vld [tilespmem:s18+$0xFFFFFD80];
	v15 =	vadd.s32 v20, v15;
	v56 =	vsel vm15, $0x1, v51;
	v10 =	vadd.f32 v10, v18  }
0x3ee: {  	v18 =	vadd.f32 v53, v42;
	vm13 =	vclass.f32 v8, $0x3DF;
	v17 =	vadd.s32 v3, v17;
	v3 =	vld [tilespmem:$0x1F850]  }
0x3ef: {  	v9 =	vadd.f32 v11, v9;
	vm14 =	vclass.f32 v59, $0x3DF;
	v13 =	vadd.f32 v32, v13  }
0x3f0: {  	v32 =	vadd.s32 v45, v46;
	v45 =	vsel vm11, $0x1, v51;
	v46 =	vsel vm12, $0x1, v51  }
0x3f1: {  	v36 =	vld [tilespmem:s18+$0xFFFFFE40];
	vm11 =	vclass.f32 v11, $0x3DF;
	vm12 =	vclass.f32 v7, $0x3DF;
	v32 =	vadd.s32 v45, v32  }
0x3f2: {  	v43 =	vld [tilespmem:s18+$0xFFFFFE20];
	v45 =	vsel vm11, $0x1, v51;
	vm11 =	vclass.f32 v40, $0x3DF;
	v10 =	vadd.f32 v31, v10  }
0x3f3: {  	v18 =	vadd.f32 v59, v18;
	v13 =	vadd.f32 v22, v13;
	v19 =	vadd.s32 v3, v28;
	v3 =	vld [tilespmem:$0x1F860]  }
0x3f4: {  	v8 =	vadd.f32 v8, v10;
	v17 =	vadd.s32 v35, v17;
	v28 =	vsel vm8, $0x1, v51  }
0x3f5: {  	v17 =	vadd.s32 v52, v17;
	v12 =	vadd.s32 v28, v12;
	v35 =	vadd.s32 v60, v19  }
0x3f6: {  	vm8 =	vclass.f32 v36, $0x3DF;
	v60 =	vld [tilespmem:$0x1F890];
	v12 =	vadd.s32 v49, v12;
	v35 =	vadd.s32 v56, v35  }
0x3f7: {  	v12 =	vadd.s32 v46, v12;
	v46 =	vsel vm12, $0x1, v51;
	vm12 =	vclass.f32 v43, $0x3DF  }
0x3f8: {  	v0 =	vld [tilespmem:s18+$0xFFFFFDC0];
	v12 =	vadd.s32 v46, v12;
	v27 =	vadd.s32 v3, v29;
	v29 =	vsel vm9, $0x1, v51  }
0x3f9: {  	v57 =	vld [tilespmem:$0x1F8C0];
	vm9 =	vclass.f32 v54, $0x3DF;
	v48 =	vadd.s32 v29, v2;
	v41 =	vadd.s32 v61, v27  }
0x3fa: {  	v34 =	vld [tilespmem:s18+$0xFFFFFE00];
	v2 =	vsel vm10, $0x1, v51;
	vm10 =	vclass.f32 v22, $0x3DF;
	v55 =	vsel vm9, $0x1, v51  }
0x3fb: {  	v5 =	vld [tilespmem:s18+$0xFFFFFE50];
	vm15 =	vclass.f32 v60, $0x3DF;
	v22 =	vadd.s32 v45, v32;
	v15 =	vadd.s32 v2, v15  }
0x3fc: {  	v56 =	vld [tilespmem:$0x1F8F0];
	v37 =	vadd.s32 v50, v48;
	v42 =	vsel vm10, $0x1, v51;
	v41 =	vadd.s32 v55, v41  }
0x3fd: {  	v48 =	vsel vm14, $0x1, v51;
	vm10 =	vclass.f32 v0, $0x3DF;
	v49 =	vsel vm15, $0x1, v51;
	v55 =	vld [tilespmem:$0x1F8B0]  }
0x3fe: {  	v52 =	vld [tilespmem:$0x1F8E0];
	vm15 =	vclass.f32 v57, $0x3DF;
	v0 =	vadd.f32 v0, v13;
	v15 =	vadd.s32 v42, v15  }
0x3ff: {  	v62 =	vld [tilespmem:s18+$0xFFFFFF10];
	v37 =	vadd.s32 v47, v37;
	v17 =	vadd.s32 v48, v17;
	v35 =	vadd.s32 v49, v35  }
0x400: {  	v42 =	vsel vm10, $0x1, v51;
	v47 =	vsel vm13, $0x1, v51;
	vm10 =	vclass.f32 v34, $0x3DF  }
0x401: {  	v61 =	vld [tilespmem:$0x1F8A0];
	v49 =	vsel vm15, $0x1, v51;
	vm15 =	vclass.f32 v56, $0x3DF;
	v15 =	vadd.s32 v42, v15  }
0x402: {  	v58 =	vld [tilespmem:$0x1F8D0];
	v25 =	vadd.s32 v47, v37;
	v31 =	vadd.s32 v49, v35;
	vm14 =	vclass.f32 v55, $0x3DF  }
0x403: {  	v44 =	vld [tilespmem:s18+$0xFFFFFE30];
	[tilespmem:$0x1F940] =	vst v5;
	v32 =	vsel vm10, $0x1, v51;
	v48 =	vsel vm14, $0x1, v51;
	vm14 =	vclass.f32 v52, $0x3DF  }
0x404: {  	v59 =	vmovc v62;
	v62 =	vld [tilespmem:$0x1F940];
	v37 =	vsel vm12, $0x1, v51;
	v45 =	vsel vm15, $0x1, v51;
	v42 =	vsel vm14, $0x1, v51  }
0x405: {  	v15 =	vadd.s32 v32, v15;
	v12 =	vadd.s32 v37, v12;
	v31 =	vadd.s32 v42, v31;
	v42 =	vld [tilespmem:$0x1F970]  }
0x406: {  	v39 =	vld [tilespmem:s18+$0xFFFFFED0];
	vm9 =	vclass.f32 v61, $0x3DF;
	v24 =	vadd.f32 v61, v33;
	v33 =	vsel vm11, $0x1, v51  }
0x407: {  	v38 =	vld [tilespmem:s18+$0xFFFFFF30];
	v50 =	vsel vm9, $0x1, v51;
	vm9 =	vclass.f32 v58, $0x3DF;
	v22 =	vadd.s32 v33, v22  }
0x408: {  	v63 =	vld [tilespmem:s18+$0xFFFFFEC0];
	v33 =	vsel vm8, $0x1, v51;
	v41 =	vadd.s32 v50, v41;
	v50 =	vsel vm9, $0x1, v51  }
0x409: {  	v4 =	vld [tilespmem:s18+$0xFFFFFF00];
	v13 =	vadd.f32 v55, v18;
	vm9 =	vclass.f32 v62, $0x3DF;
	v35 =	vadd.s32 v50, v41  }
0x40a: {  	v37 =	vld [tilespmem:$0x1F960];
	v32 =	vadd.s32 v45, v35;
	v35 =	vsel vm9, $0x1, v51;
	vm12 =	vclass.f32 v42, $0x3DF  }
0x40b: {  	v18 =	vld [tilespmem:$0x1F990];
	v11 =	vadd.s32 v33, v15;
	v10 =	vadd.s32 v35, v22;
	v22 =	vsel vm12, $0x1, v51  }
0x40c: {  	v11 =	vadd.s32 v22, v11;
	v22 =	vld [tilespmem:$0x1F9C0]  }
0x40d: {  	v5 =	vld [tilespmem:s18+$0xFFFFFE60]  }
0x40e: {  	v30 =	vld [tilespmem:s18+$0xFFFFFEA0];
	v17 =	vadd.s32 v48, v17  }
0x40f: {  	v26 =	vld [tilespmem:s18+$0xFFFFFEF0];
	v17 =	vadd.s32 v37, v17  }
0x410: {  	v17 =	vadd.s32 v18, v17;
	v18 =	vld [tilespmem:$0x1F9A0]  }
0x411: {  	v17 =	vadd.s32 v22, v17;
	v22 =	vld [tilespmem:$0x1F9D0]  }
0x412: {  	[tilespmem:$0x1F950] =	vst v5;
	v5 =	vld [tilespmem:s18+$0xFFFFFEB0]  }
0x413: {  	v7 =	vadd.f32 v7, v16;
	v45 =	vld [tilespmem:$0x1F980]  }
0x414: {  	vm7 =	vclass.f32 v39, $0x3DF;
	v6 =	vld [tilespmem:s18+$0xFFFFFE70];
	v9 =	vadd.f32 v40, v9;
	v14 =	vadd.f32 v60, v14;
	v60 =	vmovc v63  }
0x415: {  	v7 =	vadd.f32 v43, v7;
	v63 =	vld [tilespmem:$0x1F950];
	vm6 =	vclass.f32 v60, $0x3DF;
	v18 =	vadd.s32 v18, v31  }
0x416: {  	v20 =	vld [tilespmem:s18+$0xFFFFFF40];
	v8 =	vadd.f32 v44, v8;
	v18 =	vadd.s32 v22, v18;
	v22 =	vsel vm6, $0x1, v51  }
0x417: {  	vm13 =	vclass.f32 v44, $0x3DF;
	v14 =	vadd.f32 v57, v14;
	v11 =	vadd.s32 v22, v11;
	v22 =	vld [tilespmem:$0x1FA00]  }
0x418: {  	v1 =	vld [tilespmem:s18+$0xFFFFFF50];
	vm15 =	vclass.f32 v5, $0x3DF;
	v41 =	vsel vm13, $0x1, v51;
	vm13 =	vclass.f32 v45, $0x3DF  }
0x419: {  	v23 =	vld [tilespmem:s18+$0xFFFFFEE0];
	v14 =	vadd.f32 v52, v14;
	v15 =	vadd.f32 v58, v24;
	v24 =	vsel vm13, $0x1, v51  }
0x41a: {  	v28 =	vld [tilespmem:s18+$0xFFFFFF70];
	vm10 =	vclass.f32 v63, $0x3DF;
	v10 =	vadd.s32 v24, v10;
	v24 =	vsel vm7, $0x1, v51  }
0x41b: {  	[tilespmem:$0x1FA10] =	vst v20;
	vm11 =	vclass.f32 v6, $0x3DF;
	v61 =	vmovc v30;
	vm14 =	vclass.f32 v30, $0x3DF;
	v10 =	vadd.s32 v24, v10;
	v24 =	vld [tilespmem:$0x1FA40]  }
0x41c: {  	v30 =	vmovc v5;
	v5 =	vadd.f32 v62, v9;
	v25 =	vadd.s32 v41, v25;
	v13 =	vadd.f32 v22, v13;
	v22 =	vld [tilespmem:$0x1FA30]  }
0x41d: {  	v52 =	vld [tilespmem:$0x1FA10];
	v37 =	vsel vm10, $0x1, v51;
	v41 =	vsel vm11, $0x1, v51;
	vm9 =	vclass.f32 v26, $0x3DF  }
0x41e: {  	v12 =	vadd.s32 v37, v12;
	v16 =	vadd.s32 v41, v25;
	v25 =	vld [tilespmem:$0x1F9B0];
	v31 =	vsel vm14, $0x1, v51  }
0x41f: {  	vm10 =	vclass.f32 v4, $0x3DF;
	vm11 =	vclass.f32 v59, $0x3DF;
	v12 =	vadd.s32 v31, v12;
	v31 =	vld [tilespmem:$0x1F9E0]  }
0x420: {  	v41 =	vsel vm15, $0x1, v51;
	v37 =	vsel vm9, $0x1, v51;
	v18 =	vadd.s32 v24, v18;
	v24 =	vld [tilespmem:$0x1FA50]  }
0x421: {  	v19 =	vld [tilespmem:s18+$0xFFFFFF80];
	v48 =	vmovc v6;
	v6 =	vadd.f32 v63, v7;
	v17 =	vadd.s32 v22, v17;
	v22 =	vsel vm10, $0x1, v51  }
0x422: {  	v16 =	vadd.s32 v41, v16;
	v7 =	vadd.f32 v48, v8;
	v11 =	vadd.s32 v22, v11;
	v22 =	vld [tilespmem:$0x1FA60]  }
0x423: {  	v3 =	vld [tilespmem:s18+$0xFFFFFF20];
	v16 =	vadd.s32 v37, v16;
	v25 =	vadd.s32 v25, v32;
	vm13 =	vclass.f32 v38, $0x3DF  }
0x424: {  	v62 =	vld [tilespmem:$0x1FAC0];
	v40 =	vsel vm13, $0x1, v51;
	vm14 =	vclass.f32 v52, $0x3DF;
	v25 =	vadd.s32 v31, v25  }
0x425: {  	v48 =	vld [tilespmem:$0x1FAB0];
	vm7 =	vclass.f32 v28, $0x3DF;
	v24 =	vadd.s32 v24, v25;
	v25 =	vsel vm11, $0x1, v51  }
0x426: {  	v16 =	vadd.s32 v40, v16;
	v41 =	vsel vm7, $0x1, v51;
	v10 =	vadd.s32 v25, v10;
	v25 =	vld [tilespmem:$0x1FA70]  }
0x427: {  	v43 =	vadd.s32 v41, v16;
	v16 =	vld [tilespmem:$0x1FAD0];
	v17 =	vadd.s32 v22, v17;
	v22 =	vsel vm14, $0x1, v51  }
0x428: {  	v8 =	vadd.s32 v22, v11;
	v11 =	vld [tilespmem:$0x1FAA0]  }
0x429: {  	v20 =	vld [tilespmem:s18+$0xFFFFFF60]  }
0x42a: {  	[tilespmem:$0x1FA20] =	vst v1;
	v29 =	vld [tilespmem:s18+$0xFFFFFFA0];
	vm8 =	vclass.f32 v23, $0x3DF;
	v15 =	vadd.f32 v56, v15;
	vm12 =	vclass.f32 v3, $0x3DF  }
0x42b: {  	v56 =	vld [tilespmem:$0x1FA20];
	v31 =	vsel vm8, $0x1, v51;
	vm8 =	vclass.f32 v19, $0x3DF;
	v18 =	vadd.s32 v25, v18  }
0x42c: {  	v12 =	vadd.s32 v31, v12;
	v25 =	vld [tilespmem:$0x1FA80];
	v16 =	vadd.s32 v16, v18;
	v18 =	vsel vm8, $0x1, v51  }
0x42d: {  	v11 =	vadd.f32 v11, v14;
	v14 =	vadd.f32 v48, v15;
	v15 =	vadd.s32 v62, v17;
	v17 =	vld [tilespmem:$0x1FAE0]  }
0x42e: {  	v31 =	vsel vm12, $0x1, v51;
	vm6 =	vclass.f32 v20, $0x3DF;
	v18 =	vadd.s32 v18, v8;
	v8 =	vld [tilespmem:$0x1FAF0]  }
0x42f: {  	v12 =	vadd.s32 v31, v12;
	v31 =	vsel vm6, $0x1, v51  }
0x430: {  	v21 =	vld [tilespmem:s18+$0xFFFFFF90];
	vm15 =	vclass.f32 v56, $0x3DF;
	v12 =	vadd.s32 v31, v12  }
0x431: {  	v53 =	vld [tilespmem:s18+$0xFFFFFFE0];
	vm10 =	vclass.f32 v29, $0x3DF;
	v24 =	vadd.s32 v25, v24;
	v25 =	vsel vm15, $0x1, v51  }
0x432: {  	v9 =	vadd.s32 v25, v10;
	v10 =	vld [tilespmem:$0x1FA90];
	v17 =	vadd.s32 v17, v24;
	v24 =	vsel vm10, $0x1, v51  }
0x433: {  	v12 =	vadd.s32 v24, v12;
	v24 =	vadd.s32 v8, v15;
	v8 =	vld [tilespmem:$0x1FB00]  }
0x434: {  	v55 =	vmov v3;
	v3 =	vld [tilespmem:$0x1FB30]  }
0x435: {  	v1 =	vld [tilespmem:s18+$0xFFFFFFB0]  }
0x436: {  	v46 =	vld [tilespmem:$0x1F900]  }
0x437: {  	v2 =	vld [tilespmem:s18+$0xFFFFFFD0];
	v10 =	vadd.f32 v10, v13  }
0x438: {  	v31 =	vadd.s32 v8, v16;
	v8 =	vld [tilespmem:$0x1FB10]  }
0x439: {  	v0 =	vadd.f32 v34, v0;
	v34 =	vadd.f32 v3, v10;
	v3 =	vld [tilespmem:$0x1FB40]  }
0x43a: {  	v54 =	vld [tilespmem:s18+$0xFFFFFFF0]  }
0x43b: {  	v27 =	vld [tilespmem:s18+$0xFFFFFFC0];
	v0 =	vadd.f32 v36, v0;
	vm9 =	vclass.f32 v21, $0x3DF  }
0x43c: {  	v44 =	vld [tilespmem:$0x1F9F0];
	v7 =	vadd.f32 v30, v7;
	vm13 =	vclass.f32 v2, $0x3DF;
	v22 =	vsel vm9, $0x1, v51  }
0x43d: {  	s17 =	sadd.s32 $0x2, s17;
	v47 =	vld [tilespmem:$0x1F910];
	v9 =	vadd.s32 v22, v9;
	v16 =	vsel vm13, $0x1, v51;
	v32 =	vadd.s32 v8, v17  }
0x43e: {  	p0 =	slt.u32 s17, $0x26;
	v8 =	vadd.f32 v61, v6;
	v6 =	vadd.s32 v16, v9;
	v9 =	vadd.f32 v3, v11;
	v3 =	vld [tilespmem:$0x1FB70]  }
.Ltmp1:
0x43f: {  	v49 =	vld [tilespmem:$0x1F920];
	v36 =	vadd.f32 v42, v0;
	v33 =	vadd.f32 v45, v5;
	vm11 =	vclass.f32 v1, $0x3DF;
	(pc) =	sbr.rel @p0 .LBB2_5-.Ltmp1, $4  }
0x440: {  	v50 =	vld [tilespmem:$0x1F930];
	vm12 =	vclass.f32 v27, $0x3DF;
	vm15 =	vclass.f32 v54, $0x3DF;
	v25 =	vsel vm11, $0x1, v51  }
0x441: {  	v5 =	vld [tilespmem:$0x1FB20];
	vm14 =	vclass.f32 v53, $0x3DF;
	v0 =	vsel vm15, $0x1, v51;
	v13 =	vadd.s32 v25, v43  }
0x442: {  	v57 =	vmovc v38;
	v63 =	vsel vm12, $0x1, v51;
	v35 =	vadd.s32 v0, v13;
	v0 =	vld [tilespmem:$0x1FB60];
	v17 =	vsel vm14, $0x1, v51  }
0x443: {  	s18 =	sadd.s32 $0xA00, s18;
	v58 =	vmovc v4;
	v4 =	vadd.s32 v63, v18;
	v11 =	vld [tilespmem:$0x1FB50];
	v30 =	vadd.s32 v17, v12;
	v3 =	vadd.f32 v3, v14  }
0x444: {  	v37 =	vadd.f32 v60, v36  }
0x445: {  	v12 =	vcvt.s32.f32 v4;
	v13 =	vcvt.s32.f32 v6;
	v14 =	vadd.f32 v39, v33  }
0x446: {  	v15 =	vcvt.s32.f32 v30;
	v8 =	vadd.f32 v23, v8;
	v7 =	vadd.f32 v26, v7  }
0x447: {  	v16 =	vcvt.s32.f32 v35;
	v17 =	vld [tilespmem:$0x1FBC0];
	vm0 =	veq.s32 v4, $0x0;
	v3 =	vadd.f32 v46, v3  }
0x448: {  	v18 =	vld [tilespmem:$0x1FBD0];
	v5 =	vadd.s32 v5, v31;
	v14 =	vadd.f32 v59, v14;
	v8 =	vadd.f32 v55, v8  }
0x449: {  	v7 =	vadd.f32 v57, v7;
	(erf) = vrcp.f32 v12;
	v0 =	vadd.s32 v0, v24  }
0x44a: {  	v40 =	vld [tilespmem:$0x1FBA0];
	v22 =	vcvt.s32.f32 v5;
	v3 =	vadd.f32 v44, v3;
	(erf) = vrcp.f32 v13  }
0x44b: {  	v41 =	vld [tilespmem:$0x1FBB0];
	v10 =	vadd.s32 v11, v32;
	v11 =	vadd.f32 v58, v37;
	v42 =	vadd.f32 v56, v14  }
0x44c: {  	v44 =	vld [tilespmem:$0x1FBE0];
	v38 =	vcvt.s32.f32 v0;
	v8 =	vadd.f32 v20, v8;
	v7 =	vadd.f32 v28, v7  }
0x44d: {  	v43 =	vld [tilespmem:$0x1FB90];
	(erf) = vrcp.f32 v15;
	v17 =	vadd.f32 v17, v34;
	v9 =	vadd.f32 v18, v9  }
0x44e: {  	v39 =	vcvt.s32.f32 v10;
	(erf) = vrcp.f32 v16;
	v11 =	vadd.f32 v52, v11  }
0x44f: {  	(erf) = vrcp.f32 v38;
	v12 =	vadd.f32 v21, v42;
	v8 =	vadd.f32 v29, v8  }
0x450: {  	v45 =	vld [tilespmem:$0x1FB80];
	v1 =	vadd.f32 v1, v7;
	v17 =	vadd.f32 v40, v17;
	(erf) = vrcp.f32 v22  }
0x451: {  	v11 =	vadd.f32 v19, v11;
	v3 =	vadd.f32 v44, v3;
	(erf) = vrcp.f32 v39  }
0x452: {  	v48 =	vld [tilespmem:$0x1FBF0];
	vm1 =	veq.s32 v6, $0x0;
	v9 =	vadd.f32 v41, v9;
	v13 =	vadd.f32 v43, v17  }
0x453: {  	vm11 =	veq.s32 v30, $0x0;
	v3 =	vadd.f32 v49, v3;
	v11 =	vadd.f32 v27, v11;
	v49 =	vld [tilespmem:$0x1FC00]  }
0x454: {  	vm12 =	veq.s32 v35, $0x0;
	v52 =	vld [tilespmem:$0x1FC10];
	v2 =	vadd.f32 v2, v12;
	v9 =	vadd.f32 v47, v9;
	v46 =	vpop (erf)  }
0x455: {  	v8 =	vadd.f32 v53, v8;
	v7 =	vadd.f32 v45, v13;
	v47 =	vpop (erf);
	v11 =	vmul.f32 v46, v11  }
0x456: {  	v1 =	vadd.f32 v54, v1;
	v9 =	vadd.f32 v50, v9;
	v50 =	vpop (erf);
	v2 =	vmul.f32 v47, v2  }
0x457: {  	v7 =	vadd.f32 v48, v7;
	v53 =	vpop (erf);
	v8 =	vmul.f32 v50, v8;
	v54 =	vsel vm0, $0x0, v11  }
0x458: {  	v9 =	vadd.f32 v49, v9;
	v55 =	vpop (erf);
	v1 =	vmul.f32 v53, v1;
	v2 =	vsel vm1, $0x0, v2;
	[tilespmem:s16+$0xFFFFFFC0] =	vst v54  }
0x459: {  	s14 =	sadd.s32 $0x1, s14;
	v3 =	vadd.f32 v52, v3;
	v56 =	vpop (erf);
	v57 =	vmul.f32 v55, v7;
	v58 =	vsel vm11, $0x0, v8;
	[tilespmem:s16+$0xFFFFFFD0] =	vst v2  }
0x45a: {  	s15 =	smul.u32 $0xA00, s15;
	p0 =	sne.s32 s14, $0x14;
	vm13 =	veq.s32 v0, $0x0;
	v59 =	vpop (erf);
	v4 =	vmul.f32 v56, v9;
	v60 =	vsel vm12, $0x0, v1;
	[tilespmem:s16+$0xFFFFFFE0] =	vst v58  }
.Ltmp2:
0x45b: {  	vm14 =	veq.s32 v5, $0x0;
	v61 =	vmul.f32 v59, v3;
	v62 =	vsel vm13, $0x0, v57;
	[tilespmem:s16+$0xFFFFFFF0] =	vst v60;
	(pc) =	sbr.rel @p0 .LBB2_2-.Ltmp2, $4  }
0x45c: {  	s15 =	sshrl.u32 s15, $0x3;
	vm15 =	veq.s32 v10, $0x0;
	v63 =	vsel vm14, $0x0, v4;
	[tilespmem:s16+$0x0] =	vst v62  }
0x45d: {  	s15 =	sadd.s32 s2, s15;
	v1 =	vsel vm15, $0x0, v61;
	[tilespmem:s16+$0x10] =	vst v63  }
0x45e: {  	s15 =	sadd.s32 $0x140, s15;
	[tilespmem:s16+$0x20] =	vst v1  }
0x45f: {  	[hbm4b:s15+s3] =	stream.linear.scatter [tilespmem:s11], [sflag:$0x6], $0xA00, $0x38;
	[tilespmem:$0x1AA40] =	vst v63  }
0x460: {  	s14 =	simm.s32 $0x5  }
0x461: {  	_ =	swait.ge [sflag:s14], $0xA00  }
0x462: {  	[sflag:s14] =	ssyncset.done $0x0  }
0x463: {  	[sflag:s14] =	ssyncadd.s32 $0xFFFFF600  }
0x464: {  	_ =	swait.ge [sflag:s13], $0xA00  }
0x465: {  	s15 =	rddreg [dreg:$0x6]  }
0x466: {  	s19 =	rddreg [dreg:$0x5];
	s15 =	sadd.s32 $0x1, s15  }
0x467: {  	p0 =	sne.s32 s15, s19  }
.Ltmp3:
0x468: {  	_ = 	snop;
	(pc) =	sbr.rel @p0 .LBB2_1-.Ltmp3, $3  }
0x469: {  	_ =	sdelay $0x1  }
0x46a: {  	[sflag:s13] =	ssyncset.done $0x0  }
0x46b: {  	[sflag:s13] =	ssyncadd.s32 $0xFFFFF600  }
0x46c: {  	_ =	sfence.sel $0x180000  }
0x46d: {  	[bflag:$0x0] =	sbarrier.arrive $0xFFFF  }
0x46e: {  	_ =	strace $0x90000047  }
0x46f: {  	s0 =	stileid.u32;
	[bflag:$0x2] =	sbarrier.arrive $0xFFFF  }
0x470: {  	p0 =	sne.s32 s0, $0x0;
	s0 =	rddreg [dreg:$0x2]  }
0x471: {  	s0 =	sadd.s32 @!p0 $0x100000, s0  }
0x472: {  	[sflag:s0] =	ssyncadd.tile.s32 @!p0 $0x1;
	_ =	shalt  }
.Lfunc_end2:
_tile_overlayer_lowered:
.L_overlay_start_2:
0x473: {  	(tag) =	ssettag $0x2  }
0x474: {  	s0 =	rddreg [dreg:$0x0];
	s2 =	stileid.u32  }
0x475: {  	s1 =	rddreg [dreg:$0x1];
	p0 =	sne.s32 s2, $0x0  }
0x476: {  	s3 =	rddreg [dreg:$0x2];
	[bflag:$0x3] =	sbarrier.arrive $0xFFFF;
	s2 =	simm.s32 @!p0 $0x1C07  }
0x477: {  	[timem:s3], [sflag:s2] =	dma.local @!p0 [hbm:s0], s1  }
0x478: {  	s0 =	simm.s32 @!p0 $0x7  }
0x479: {  	_ =	swait.ge @!p0 [sflag:s0], s1  }
0x47a: {  	s1 =	ssub.s32 @!p0 $0x0, s1;
	[sflag:s0] =	ssyncset.done @!p0 $0x0  }
0x47b: {  	[sflag:s0] =	ssyncadd.s32 @!p0 s1  }
0x47c: {  	[bflag:$0x3] =	sbarrier.arrive $0xFFFF  }
0x47d: {  	_ =	shalt  }

</sc_bundles>
